<compile_context>
chip_gen: v7x
topology: tpu7x:2x2x1
jax: 0.10.2.dev20260603
libtpu: 0.0.44.dev20260713+nightly
codegen_flags: <defaults>
</compile_context>

<pallas_src>
import functools

import jax
import jax.numpy as jnp
from jax import lax
from jax.experimental import pallas as pl
from jax.experimental.pallas import tpu as pltpu
from jax.experimental.pallas import tpu_sc as plsc

D = 128
NC, NS = 2, 16
NW = NC * NS
B = 16384 * 64
CHUNK = 128
ROWS = B // CHUNK
ROWS_W = ROWS // NW
NBUF = 4
N_IT = ROWS_W // NBUF
N_IT2 = N_IT // 2

_mesh = plsc.VectorSubcoreMesh(
    core_axis_name="c", subcore_axis_name="s", num_cores=NC, num_subcores=NS
)


@functools.partial(
    pl.kernel,
    out_type=jax.ShapeDtypeStruct((B, D), jnp.float32),
    mesh=_mesh,
    scratch_types=[
        pltpu.VMEM((2, NBUF, CHUNK), jnp.int32),
        pltpu.VMEM((NBUF, CHUNK, D), jnp.float32),
        [pltpu.SemaphoreType.DMA] * NBUF,
        [pltpu.SemaphoreType.DMA] * NBUF,
        [pltpu.SemaphoreType.DMA] * 2,
    ],
)
def _gather_kernel(x_hbm, table_hbm, out_hbm, idx_v, rows_v, gsems, osems, isems):
    wid = lax.axis_index("s") * NC + lax.axis_index("c")
    row0 = wid * ROWS_W
    rep_off = (wid % REP) * VOCAB
    last_blk = ROWS_W - NBUF

    def prefetch(it, p):
        blk = jnp.minimum(it * NBUF, last_blk)
        pltpu.async_copy(x_hbm.at[pl.ds(row0 + blk, NBUF)], idx_v.at[p], isems[p])

    def iteration(it, p, *, skip_osem_wait=False):
        g_row = row0 + it * NBUF
        pltpu.make_async_copy(
            x_hbm.at[pl.ds(g_row, NBUF)], idx_v.at[p], isems[p]
        ).wait()
        for b in range(NBUF):
            for kk in range(CHUNK // 16):
                sl = idx_v.at[p].at[b][pl.ds(kk * 16, 16)]
                idx_v.at[p].at[b][pl.ds(kk * 16, 16)] = sl + rep_off
        gdescs = []
        for b in range(NBUF):
            out_slc = out_hbm.at[pl.ds((g_row + b) * CHUNK, CHUNK)]
            if not skip_osem_wait:
                pltpu.make_async_copy(rows_v.at[b], out_slc, osems[b]).wait()
            gdescs.append(
                pltpu.async_copy(
                    table_hbm.at[idx_v.at[p].at[b]], rows_v.at[b], gsems[b]
                )
            )
        for b in range(NBUF):
            gdescs[b].wait()
            pltpu.async_copy(
                rows_v.at[b],
                out_hbm.at[pl.ds((g_row + b) * CHUNK, CHUNK)],
                osems[b],
            )
        prefetch(it + 2, p)

    prefetch(0, 0)
    prefetch(1, 1)
    iteration(0, 0, skip_osem_wait=True)
    iteration(1, 1)

    def body(j, carry):
        iteration(2 * j, 0)
        iteration(2 * j + 1, 1)
        return carry

    lax.fori_loop(1, N_IT2, body, 0)

    last = row0 + (N_IT - 1) * NBUF
    for b in range(NBUF):
        pltpu.make_async_copy(
            rows_v.at[b],
            out_hbm.at[pl.ds((last + b) * CHUNK, CHUNK)],
            osems[b],
        ).wait()
    for p in range(2):
        pltpu.make_async_copy(
            x_hbm.at[pl.ds(row0 + last_blk, NBUF)], idx_v.at[p], isems[p]
        ).wait()


REP = 32
VOCAB = 1000


def kernel(x, table):
    table_rep = jnp.tile(table, (REP, 1))
    out = _gather_kernel(x.reshape(ROWS, CHUNK), table_rep)
    return out.reshape(x.shape[0], x.shape[1], D)

# --- scband reference (transcript-rebuilt; emitter-appended) ---
"""Pipeline reference for scband-piece-embedder-64905545777425 (READ-ONLY COPY).

The authoritative reference and input builder live on the scoring server;
editing this copy changes nothing except your own understanding.
"""

import jax, jax.numpy as jnp
import numpy as np

VOCAB_SIZE = 1000
EMBED_DIM = 128

def setup_inputs(seed: int = 0) -> dict:
    key = jax.random.key(seed)
    k1, k2 = jax.random.split(key)
    x = jax.random.randint(k1, (16384, 64), 0, VOCAB_SIZE, dtype=jnp.int64) if jax.config.jax_enable_x64 else jax.random.randint(k1, (16384, 64), 0, VOCAB_SIZE, dtype=jnp.int32)
    # nn.Embedding default init: N(0, 1)
    table = jax.random.normal(k2, (VOCAB_SIZE, EMBED_DIM), dtype=jnp.float32)
    return {"x": x, "table": table}

def reference(x, table):
    # Embedding lookup: gather rows of the table by piece id
    return jnp.take(table, x, axis=0)

if __name__ == "__main__":
    import jax
    _d = setup_inputs()
    print(jax.jit(kernel)(*tuple(_d.values())))

</pallas_src>

<mosaic_0001>
#map = affine_map<(d0, d1) -> (0, 0)>
module attributes {stable_mosaic.version = 14 : i64} {
  func.func @_gather_kernel(%arg0: i32, %arg1: i32, %arg2: memref<8192x128xi32, #tpu.memory_space<hbm>>, %arg3: memref<32000x128xf32, #tpu.memory_space<hbm>>, %arg4: memref<1048576x128xf32, #tpu.memory_space<hbm>>, %arg5: memref<2x4x128xi32, #tpu.memory_space<vmem>>, %arg6: memref<4x128x128xf32, #tpu.memory_space<vmem>>, %arg7: memref<!tpu.dma_semaphore, #tpu.memory_space<semaphore_mem>>, %arg8: memref<!tpu.dma_semaphore, #tpu.memory_space<semaphore_mem>>, %arg9: memref<!tpu.dma_semaphore, #tpu.memory_space<semaphore_mem>>, %arg10: memref<!tpu.dma_semaphore, #tpu.memory_space<semaphore_mem>>, %arg11: memref<!tpu.dma_semaphore, #tpu.memory_space<semaphore_mem>>, %arg12: memref<!tpu.dma_semaphore, #tpu.memory_space<semaphore_mem>>, %arg13: memref<!tpu.dma_semaphore, #tpu.memory_space<semaphore_mem>>, %arg14: memref<!tpu.dma_semaphore, #tpu.memory_space<semaphore_mem>>, %arg15: memref<!tpu.dma_semaphore, #tpu.memory_space<semaphore_mem>>, %arg16: memref<!tpu.dma_semaphore, #tpu.memory_space<semaphore_mem>>) attributes {dimension_semantics = [#tpu.dimension_semantics<core_parallel>, #tpu.dimension_semantics<subcore_parallel>], iteration_bounds = array<i64: 2, 16>, scalar_prefetch = 0 : i64, scratch_operands = 12 : i64, tpu.core_type = #tpu.core_type<sc_vector_subcore>, window_params = [{transform_indices = #map}, {transform_indices = #map}, {transform_indices = #map}]} {
    %mul3A = arith.constant 2 : i32
    %mul3A_0 = arith.muli %arg1, %mul3A : i32
    %add3A = arith.addi %mul3A_0, %arg0 : i32
    %mul3A_1 = arith.constant 256 : i32
    %mul3A_2 = arith.muli %add3A, %mul3A_1 : i32
    %jit3A = arith.constant 32 : i32
    %eq3A = arith.constant 0 : i32
    %eq3A_3 = arith.cmpi eq, %jit3A, %eq3A : i32
    %jit3A_4 = arith.constant 1 : i32
    %select_n3A = arith.select %eq3A_3, %jit3A_4, %jit3A : i32
    %rem3A = arith.remsi %add3A, %select_n3A : i32
    %ne3A = arith.constant 0 : i32
    %ne3A_5 = arith.cmpi ne, %rem3A, %ne3A : i32
    %lt3A = arith.constant 0 : i32
    %lt3A_6 = arith.cmpi slt, %rem3A, %lt3A : i32
    %lt3A_7 = arith.constant 0 : i32
    %lt3A_8 = arith.cmpi slt, %select_n3A, %lt3A_7 : i32
    %ne3A_9 = arith.xori %lt3A_6, %lt3A_8 : i1
    %and3A = arith.andi %ne3A_9, %ne3A_5 : i1
    %add3A_10 = arith.addi %rem3A, %select_n3A : i32
    %select_n3A_11 = arith.select %and3A, %add3A_10, %rem3A : i32
    %mul3A_12 = arith.constant 1000 : i32
    %mul3A_13 = arith.muli %select_n3A_11, %mul3A_12 : i32
    %min3A = arith.constant 0 : i32
    %min3A_14 = arith.constant 252 : i32
    %min3A_15 = arith.minsi %min3A, %min3A_14 : i32
    %add3A_16 = arith.addi %mul3A_2, %min3A_15 : i32
    %dma_start3A = arith.constant 0 : i32
    %dma_start3A_17 = arith.constant 0 : i32
    %dma_start3A_18 = arith.constant 0 : i32
    %dma_start3A_19 = tpu.memref_slice %arg5[%dma_start3A, %dma_start3A_17, %dma_start3A_18] : memref<2x4x128xi32, #tpu.memory_space<vmem>> -> memref<1x4x128xi32, #tpu.memory_space<vmem>>
    %dma_start3A_20 = tpu.memref_squeeze %dma_start3A_19 : memref<1x4x128xi32, #tpu.memory_space<vmem>> -> memref<4x128xi32, #tpu.memory_space<vmem>>
    %dma_start3A_21 = arith.constant 0 : i32
    %dma_start3A_22 = tpu.memref_slice %arg2[%add3A_16, %dma_start3A_21] : memref<8192x128xi32, #tpu.memory_space<hbm>> -> memref<4x128xi32, #tpu.memory_space<hbm>>
    %dma_start3A_23 = arith.constant 0 : i32
    %dma_start3A_24 = arith.constant 0 : i32
    %dma_start3A_25 = tpu.memref_slice %arg5[%dma_start3A, %dma_start3A_23, %dma_start3A_24] : memref<2x4x128xi32, #tpu.memory_space<vmem>> -> memref<1x4x128xi32, #tpu.memory_space<vmem>>
    %dma_start3A_26 = tpu.memref_squeeze %dma_start3A_25 : memref<1x4x128xi32, #tpu.memory_space<vmem>> -> memref<4x128xi32, #tpu.memory_space<vmem>>
    %dma_start3A_27 = arith.constant 0 : i32
    %dma_start3A_28 = tpu.memref_slice %arg2[%add3A_16, %dma_start3A_27] : memref<8192x128xi32, #tpu.memory_space<hbm>> -> memref<4x128xi32, #tpu.memory_space<hbm>>
    tpu.enqueue_dma source(%dma_start3A_28 : memref<4x128xi32, #tpu.memory_space<hbm>>) target(%dma_start3A_26 : memref<4x128xi32, #tpu.memory_space<vmem>>) target_semaphore(%arg15 : memref<!tpu.dma_semaphore, #tpu.memory_space<semaphore_mem>>)
    %min3A_29 = arith.constant 4 : i32
    %min3A_30 = arith.constant 252 : i32
    %min3A_31 = arith.minsi %min3A_29, %min3A_30 : i32
    %add3A_32 = arith.addi %mul3A_2, %min3A_31 : i32
    %dma_start3A_33 = arith.constant 1 : i32
    %dma_start3A_34 = arith.constant 0 : i32
    %dma_start3A_35 = arith.constant 0 : i32
    %dma_start3A_36 = tpu.memref_slice %arg5[%dma_start3A_33, %dma_start3A_34, %dma_start3A_35] : memref<2x4x128xi32, #tpu.memory_space<vmem>> -> memref<1x4x128xi32, #tpu.memory_space<vmem>>
    %dma_start3A_37 = tpu.memref_squeeze %dma_start3A_36 : memref<1x4x128xi32, #tpu.memory_space<vmem>> -> memref<4x128xi32, #tpu.memory_space<vmem>>
    %dma_start3A_38 = arith.constant 0 : i32
    %dma_start3A_39 = tpu.memref_slice %arg2[%add3A_32, %dma_start3A_38] : memref<8192x128xi32, #tpu.memory_space<hbm>> -> memref<4x128xi32, #tpu.memory_space<hbm>>
    %dma_start3A_40 = arith.constant 0 : i32
    %dma_start3A_41 = arith.constant 0 : i32
    %dma_start3A_42 = tpu.memref_slice %arg5[%dma_start3A_33, %dma_start3A_40, %dma_start3A_41] : memref<2x4x128xi32, #tpu.memory_space<vmem>> -> memref<1x4x128xi32, #tpu.memory_space<vmem>>
    %dma_start3A_43 = tpu.memref_squeeze %dma_start3A_42 : memref<1x4x128xi32, #tpu.memory_space<vmem>> -> memref<4x128xi32, #tpu.memory_space<vmem>>
    %dma_start3A_44 = arith.constant 0 : i32
    %dma_start3A_45 = tpu.memref_slice %arg2[%add3A_32, %dma_start3A_44] : memref<8192x128xi32, #tpu.memory_space<hbm>> -> memref<4x128xi32, #tpu.memory_space<hbm>>
    tpu.enqueue_dma source(%dma_start3A_45 : memref<4x128xi32, #tpu.memory_space<hbm>>) target(%dma_start3A_43 : memref<4x128xi32, #tpu.memory_space<vmem>>) target_semaphore(%arg16 : memref<!tpu.dma_semaphore, #tpu.memory_space<semaphore_mem>>)
    %add3A_46 = arith.constant 0 : i32
    %add3A_47 = arith.addi %mul3A_2, %add3A_46 : i32
    %dma_wait3A = arith.constant 0 : i32
    %dma_wait3A_48 = arith.constant 0 : i32
    %dma_wait3A_49 = arith.constant 0 : i32
    %dma_wait3A_50 = tpu.memref_slice %arg5[%dma_wait3A, %dma_wait3A_48, %dma_wait3A_49] : memref<2x4x128xi32, #tpu.memory_space<vmem>> -> memref<1x4x128xi32, #tpu.memory_space<vmem>>
    %dma_wait3A_51 = tpu.memref_squeeze %dma_wait3A_50 : memref<1x4x128xi32, #tpu.memory_space<vmem>> -> memref<4x128xi32, #tpu.memory_space<vmem>>
    %dma_wait3A_52 = arith.constant 0 : i32
    %dma_wait3A_53 = tpu.memref_slice %arg2[%add3A_47, %dma_wait3A_52] : memref<8192x128xi32, #tpu.memory_space<hbm>> -> memref<4x128xi32, #tpu.memory_space<hbm>>
    %dma_wait3A_54 = arith.constant 0 : i32
    %dma_wait3A_55 = arith.constant 0 : i32
    %dma_wait3A_56 = tpu.memref_slice %arg5[%dma_wait3A, %dma_wait3A_54, %dma_wait3A_55] : memref<2x4x128xi32, #tpu.memory_space<vmem>> -> memref<1x4x128xi32, #tpu.memory_space<vmem>>
    %dma_wait3A_57 = tpu.memref_squeeze %dma_wait3A_56 : memref<1x4x128xi32, #tpu.memory_space<vmem>> -> memref<4x128xi32, #tpu.memory_space<vmem>>
    %dma_wait3A_58 = arith.constant 0 : i32
    %dma_wait3A_59 = tpu.memref_slice %arg2[%add3A_47, %dma_wait3A_58] : memref<8192x128xi32, #tpu.memory_space<hbm>> -> memref<4x128xi32, #tpu.memory_space<hbm>>
    tpu.wait_dma2 semaphore(%arg15 : memref<!tpu.dma_semaphore, #tpu.memory_space<semaphore_mem>>) src(%dma_wait3A_59 : memref<4x128xi32, #tpu.memory_space<hbm>>) dst(%dma_wait3A_57 : memref<4x128xi32, #tpu.memory_space<vmem>>)
    %get3A = arith.constant 0 : i32
    %get3A_60 = arith.constant 0 : i32
    %get3A_61 = arith.constant 0 : i32
    %get3A_62 = arith.constant 0 : i32
    %get3A_63 = tpu.memref_slice %arg5[%get3A, %get3A_61, %get3A_62] : memref<2x4x128xi32, #tpu.memory_space<vmem>> -> memref<1x4x128xi32, #tpu.memory_space<vmem>>
    %get3A_64 = tpu.memref_squeeze %get3A_63 : memref<1x4x128xi32, #tpu.memory_space<vmem>> -> memref<4x128xi32, #tpu.memory_space<vmem>>
    %get3A_65 = arith.constant 0 : i32
    %get3A_66 = tpu.memref_slice %get3A_64[%get3A_60, %get3A_65] : memref<4x128xi32, #tpu.memory_space<vmem>> -> memref<1x128xi32, #tpu.memory_space<vmem>>
    %get3A_67 = tpu.memref_squeeze %get3A_66 : memref<1x128xi32, #tpu.memory_space<vmem>> -> memref<128xi32, #tpu.memory_space<vmem>>
    %get3A_68 = arith.constant 0 : index
    %get3A_69 = tpu.vector_load %get3A_67[%get3A_68] {strides = array<i32>} : memref<128xi32, #tpu.memory_space<vmem>>, vector<16xi32>,
    %get3A_70 = vector.shape_cast %get3A_69 : vector<16xi32> to vector<16xi32>
    %add3A_71 = vector.broadcast %mul3A_13 : i32 to vector<16xi32>
    %add3A_72 = arith.addi %get3A_70, %add3A_71 : vector<16xi32>
    %swap3A = arith.constant 0 : i32
    %swap3A_73 = arith.constant 0 : i32
    %swap3A_74 = arith.constant 0 : i32
    %swap3A_75 = arith.constant 0 : i32
    %swap3A_76 = tpu.memref_slice %arg5[%swap3A, %swap3A_74, %swap3A_75] : memref<2x4x128xi32, #tpu.memory_space<vmem>> -> memref<1x4x128xi32, #tpu.memory_space<vmem>>
    %swap3A_77 = tpu.memref_squeeze %swap3A_76 : memref<1x4x128xi32, #tpu.memory_space<vmem>> -> memref<4x128xi32, #tpu.memory_space<vmem>>
    %swap3A_78 = arith.constant 0 : i32
    %swap3A_79 = tpu.memref_slice %swap3A_77[%swap3A_73, %swap3A_78] : memref<4x128xi32, #tpu.memory_space<vmem>> -> memref<1x128xi32, #tpu.memory_space<vmem>>
    %swap3A_80 = tpu.memref_squeeze %swap3A_79 : memref<1x128xi32, #tpu.memory_space<vmem>> -> memref<128xi32, #tpu.memory_space<vmem>>
    %swap3A_81 = arith.constant 0 : index
    %swap3A_82 = tpu.vector_load %swap3A_80[%swap3A_81] {strides = array<i32>} : memref<128xi32, #tpu.memory_space<vmem>>, vector<16xi32>,
    %swap3A_83 = vector.shape_cast %swap3A_82 : vector<16xi32> to vector<16xi32>
    %swap3A_84 = vector.shape_cast %add3A_72 : vector<16xi32> to vector<16xi32>
    tpu.vector_store %swap3A_80[%swap3A_81], %swap3A_84 {strides = array<i32>} : memref<128xi32, #tpu.memory_space<vmem>>, vector<16xi32>,
    %get3A_85 = arith.constant 0 : i32
    %get3A_86 = arith.constant 0 : i32
    %get3A_87 = arith.constant 0 : i32
    %get3A_88 = arith.constant 0 : i32
    %get3A_89 = tpu.memref_slice %arg5[%get3A_85, %get3A_87, %get3A_88] : memref<2x4x128xi32, #tpu.memory_space<vmem>> -> memref<1x4x128xi32, #tpu.memory_space<vmem>>
    %get3A_90 = tpu.memref_squeeze %get3A_89 : memref<1x4x128xi32, #tpu.memory_space<vmem>> -> memref<4x128xi32, #tpu.memory_space<vmem>>
    %get3A_91 = arith.constant 0 : i32
    %get3A_92 = tpu.memref_slice %get3A_90[%get3A_86, %get3A_91] : memref<4x128xi32, #tpu.memory_space<vmem>> -> memref<1x128xi32, #tpu.memory_space<vmem>>
    %get3A_93 = tpu.memref_squeeze %get3A_92 : memref<1x128xi32, #tpu.memory_space<vmem>> -> memref<128xi32, #tpu.memory_space<vmem>>
    %get3A_94 = arith.constant 16 : index
    %get3A_95 = tpu.vector_load %get3A_93[%get3A_94] {strides = array<i32>} : memref<128xi32, #tpu.memory_space<vmem>>, vector<16xi32>,
    %get3A_96 = vector.shape_cast %get3A_95 : vector<16xi32> to vector<16xi32>
    %add3A_97 = vector.broadcast %mul3A_13 : i32 to vector<16xi32>
    %add3A_98 = arith.addi %get3A_96, %add3A_97 : vector<16xi32>
    %swap3A_99 = arith.constant 0 : i32
    %swap3A_100 = arith.constant 0 : i32
    %swap3A_101 = arith.constant 0 : i32
    %swap3A_102 = arith.constant 0 : i32
    %swap3A_103 = tpu.memref_slice %arg5[%swap3A_99, %swap3A_101, %swap3A_102] : memref<2x4x128xi32, #tpu.memory_space<vmem>> -> memref<1x4x128xi32, #tpu.memory_space<vmem>>
    %swap3A_104 = tpu.memref_squeeze %swap3A_103 : memref<1x4x128xi32, #tpu.memory_space<vmem>> -> memref<4x128xi32, #tpu.memory_space<vmem>>
    %swap3A_105 = arith.constant 0 : i32
    %swap3A_106 = tpu.memref_slice %swap3A_104[%swap3A_100, %swap3A_105] : memref<4x128xi32, #tpu.memory_space<vmem>> -> memref<1x128xi32, #tpu.memory_space<vmem>>
    %swap3A_107 = tpu.memref_squeeze %swap3A_106 : memref<1x128xi32, #tpu.memory_space<vmem>> -> memref<128xi32, #tpu.memory_space<vmem>>
    %swap3A_108 = arith.constant 16 : index
    %swap3A_109 = tpu.vector_load %swap3A_107[%swap3A_108] {strides = array<i32>} : memref<128xi32, #tpu.memory_space<vmem>>, vector<16xi32>,
    %swap3A_110 = vector.shape_cast %swap3A_109 : vector<16xi32> to vector<16xi32>
    %swap3A_111 = vector.shape_cast %add3A_98 : vector<16xi32> to vector<16xi32>
    tpu.vector_store %swap3A_107[%swap3A_108], %swap3A_111 {strides = array<i32>} : memref<128xi32, #tpu.memory_space<vmem>>, vector<16xi32>,
    %get3A_112 = arith.constant 0 : i32
    %get3A_113 = arith.constant 0 : i32
    %get3A_114 = arith.constant 0 : i32
    %get3A_115 = arith.constant 0 : i32
    %get3A_116 = tpu.memref_slice %arg5[%get3A_112, %get3A_114, %get3A_115] : memref<2x4x128xi32, #tpu.memory_space<vmem>> -> memref<1x4x128xi32, #tpu.memory_space<vmem>>
    %get3A_117 = tpu.memref_squeeze %get3A_116 : memref<1x4x128xi32, #tpu.memory_space<vmem>> -> memref<4x128xi32, #tpu.memory_space<vmem>>
    %get3A_118 = arith.constant 0 : i32
    %get3A_119 = tpu.memref_slice %get3A_117[%get3A_113, %get3A_118] : memref<4x128xi32, #tpu.memory_space<vmem>> -> memref<1x128xi32, #tpu.memory_space<vmem>>
    %get3A_120 = tpu.memref_squeeze %get3A_119 : memref<1x128xi32, #tpu.memory_space<vmem>> -> memref<128xi32, #tpu.memory_space<vmem>>
    %get3A_121 = arith.constant 32 : index
    %get3A_122 = tpu.vector_load %get3A_120[%get3A_121] {strides = array<i32>} : memref<128xi32, #tpu.memory_space<vmem>>, vector<16xi32>,
    %get3A_123 = vector.shape_cast %get3A_122 : vector<16xi32> to vector<16xi32>
    %add3A_124 = vector.broadcast %mul3A_13 : i32 to vector<16xi32>
    %add3A_125 = arith.addi %get3A_123, %add3A_124 : vector<16xi32>
    %swap3A_126 = arith.constant 0 : i32
    %swap3A_127 = arith.constant 0 : i32
    %swap3A_128 = arith.constant 0 : i32
    %swap3A_129 = arith.constant 0 : i32
    %swap3A_130 = tpu.memref_slice %arg5[%swap3A_126, %swap3A_128, %swap3A_129] : memref<2x4x128xi32, #tpu.memory_space<vmem>> -> memref<1x4x128xi32, #tpu.memory_space<vmem>>
    %swap3A_131 = tpu.memref_squeeze %swap3A_130 : memref<1x4x128xi32, #tpu.memory_space<vmem>> -> memref<4x128xi32, #tpu.memory_space<vmem>>
    %swap3A_132 = arith.constant 0 : i32
    %swap3A_133 = tpu.memref_slice %swap3A_131[%swap3A_127, %swap3A_132] : memref<4x128xi32, #tpu.memory_space<vmem>> -> memref<1x128xi32, #tpu.memory_space<vmem>>
    %swap3A_134 = tpu.memref_squeeze %swap3A_133 : memref<1x128xi32, #tpu.memory_space<vmem>> -> memref<128xi32, #tpu.memory_space<vmem>>
    %swap3A_135 = arith.constant 32 : index
    %swap3A_136 = tpu.vector_load %swap3A_134[%swap3A_135] {strides = array<i32>} : memref<128xi32, #tpu.memory_space<vmem>>, vector<16xi32>,
    %swap3A_137 = vector.shape_cast %swap3A_136 : vector<16xi32> to vector<16xi32>
    %swap3A_138 = vector.shape_cast %add3A_125 : vector<16xi32> to vector<16xi32>
    tpu.vector_store %swap3A_134[%swap3A_135], %swap3A_138 {strides = array<i32>} : memref<128xi32, #tpu.memory_space<vmem>>, vector<16xi32>,
    %get3A_139 = arith.constant 0 : i32
    %get3A_140 = arith.constant 0 : i32
    %get3A_141 = arith.constant 0 : i32
    %get3A_142 = arith.constant 0 : i32
    %get3A_143 = tpu.memref_slice %arg5[%get3A_139, %get3A_141, %get3A_142] : memref<2x4x128xi32, #tpu.memory_space<vmem>> -> memref<1x4x128xi32, #tpu.memory_space<vmem>>
    %get3A_144 = tpu.memref_squeeze %get3A_143 : memref<1x4x128xi32, #tpu.memory_space<vmem>> -> memref<4x128xi32, #tpu.memory_space<vmem>>
    %get3A_145 = arith.constant 0 : i32
    %get3A_146 = tpu.memref_slice %get3A_144[%get3A_140, %get3A_145] : memref<4x128xi32, #tpu.memory_space<vmem>> -> memref<1x128xi32, #tpu.memory_space<vmem>>
    %get3A_147 = tpu.memref_squeeze %get3A_146 : memref<1x128xi32, #tpu.memory_space<vmem>> -> memref<128xi32, #tpu.memory_space<vmem>>
    %get3A_148 = arith.constant 48 : index
    %get3A_149 = tpu.vector_load %get3A_147[%get3A_148] {strides = array<i32>} : memref<128xi32, #tpu.memory_space<vmem>>, vector<16xi32>,
    %get3A_150 = vector.shape_cast %get3A_149 : vector<16xi32> to vector<16xi32>
    %add3A_151 = vector.broadcast %mul3A_13 : i32 to vector<16xi32>
    %add3A_152 = arith.addi %get3A_150, %add3A_151 : vector<16xi32>
    %swap3A_153 = arith.constant 0 : i32
    %swap3A_154 = arith.constant 0 : i32
    %swap3A_155 = arith.constant 0 : i32
    %swap3A_156 = arith.constant 0 : i32
    %swap3A_157 = tpu.memref_slice %arg5[%swap3A_153, %swap3A_155, %swap3A_156] : memref<2x4x128xi32, #tpu.memory_space<vmem>> -> memref<1x4x128xi32, #tpu.memory_space<vmem>>
    %swap3A_158 = tpu.memref_squeeze %swap3A_157 : memref<1x4x128xi32, #tpu.memory_space<vmem>> -> memref<4x128xi32, #tpu.memory_space<vmem>>
    %swap3A_159 = arith.constant 0 : i32
    %swap3A_160 = tpu.memref_slice %swap3A_158[%swap3A_154, %swap3A_159] : memref<4x128xi32, #tpu.memory_space<vmem>> -> memref<1x128xi32, #tpu.memory_space<vmem>>
    %swap3A_161 = tpu.memref_squeeze %swap3A_160 : memref<1x128xi32, #tpu.memory_space<vmem>> -> memref<128xi32, #tpu.memory_space<vmem>>
    %swap3A_162 = arith.constant 48 : index
    %swap3A_163 = tpu.vector_load %swap3A_161[%swap3A_162] {strides = array<i32>} : memref<128xi32, #tpu.memory_space<vmem>>, vector<16xi32>,
    %swap3A_164 = vector.shape_cast %swap3A_163 : vector<16xi32> to vector<16xi32>
    %swap3A_165 = vector.shape_cast %add3A_152 : vector<16xi32> to vector<16xi32>
    tpu.vector_store %swap3A_161[%swap3A_162], %swap3A_165 {strides = array<i32>} : memref<128xi32, #tpu.memory_space<vmem>>, vector<16xi32>,
    %get3A_166 = arith.constant 0 : i32
    %get3A_167 = arith.constant 0 : i32
    %get3A_168 = arith.constant 0 : i32
    %get3A_169 = arith.constant 0 : i32
    %get3A_170 = tpu.memref_slice %arg5[%get3A_166, %get3A_168, %get3A_169] : memref<2x4x128xi32, #tpu.memory_space<vmem>> -> memref<1x4x128xi32, #tpu.memory_space<vmem>>
    %get3A_171 = tpu.memref_squeeze %get3A_170 : memref<1x4x128xi32, #tpu.memory_space<vmem>> -> memref<4x128xi32, #tpu.memory_space<vmem>>
    %get3A_172 = arith.constant 0 : i32
    %get3A_173 = tpu.memref_slice %get3A_171[%get3A_167, %get3A_172] : memref<4x128xi32, #tpu.memory_space<vmem>> -> memref<1x128xi32, #tpu.memory_space<vmem>>
    %get3A_174 = tpu.memref_squeeze %get3A_173 : memref<1x128xi32, #tpu.memory_space<vmem>> -> memref<128xi32, #tpu.memory_space<vmem>>
    %get3A_175 = arith.constant 64 : index
    %get3A_176 = tpu.vector_load %get3A_174[%get3A_175] {strides = array<i32>} : memref<128xi32, #tpu.memory_space<vmem>>, vector<16xi32>,
    %get3A_177 = vector.shape_cast %get3A_176 : vector<16xi32> to vector<16xi32>
    %add3A_178 = vector.broadcast %mul3A_13 : i32 to vector<16xi32>
    %add3A_179 = arith.addi %get3A_177, %add3A_178 : vector<16xi32>
    %swap3A_180 = arith.constant 0 : i32
    %swap3A_181 = arith.constant 0 : i32
    %swap3A_182 = arith.constant 0 : i32
    %swap3A_183 = arith.constant 0 : i32
    %swap3A_184 = tpu.memref_slice %arg5[%swap3A_180, %swap3A_182, %swap3A_183] : memref<2x4x128xi32, #tpu.memory_space<vmem>> -> memref<1x4x128xi32, #tpu.memory_space<vmem>>
    %swap3A_185 = tpu.memref_squeeze %swap3A_184 : memref<1x4x128xi32, #tpu.memory_space<vmem>> -> memref<4x128xi32, #tpu.memory_space<vmem>>
    %swap3A_186 = arith.constant 0 : i32
    %swap3A_187 = tpu.memref_slice %swap3A_185[%swap3A_181, %swap3A_186] : memref<4x128xi32, #tpu.memory_space<vmem>> -> memref<1x128xi32, #tpu.memory_space<vmem>>
    %swap3A_188 = tpu.memref_squeeze %swap3A_187 : memref<1x128xi32, #tpu.memory_space<vmem>> -> memref<128xi32, #tpu.memory_space<vmem>>
    %swap3A_189 = arith.constant 64 : index
    %swap3A_190 = tpu.vector_load %swap3A_188[%swap3A_189] {strides = array<i32>} : memref<128xi32, #tpu.memory_space<vmem>>, vector<16xi32>,
    %swap3A_191 = vector.shape_cast %swap3A_190 : vector<16xi32> to vector<16xi32>
    %swap3A_192 = vector.shape_cast %add3A_179 : vector<16xi32> to vector<16xi32>
    tpu.vector_store %swap3A_188[%swap3A_189], %swap3A_192 {strides = array<i32>} : memref<128xi32, #tpu.memory_space<vmem>>, vector<16xi32>,
    %get3A_193 = arith.constant 0 : i32
    %get3A_194 = arith.constant 0 : i32
    %get3A_195 = arith.constant 0 : i32
    %get3A_196 = arith.constant 0 : i32
    %get3A_197 = tpu.memref_slice %arg5[%get3A_193, %get3A_195, %get3A_196] : memref<2x4x128xi32, #tpu.memory_space<vmem>> -> memref<1x4x128xi32, #tpu.memory_space<vmem>>
    %get3A_198 = tpu.memref_squeeze %get3A_197 : memref<1x4x128xi32, #tpu.memory_space<vmem>> -> memref<4x128xi32, #tpu.memory_space<vmem>>
    %get3A_199 = arith.constant 0 : i32
    %get3A_200 = tpu.memref_slice %get3A_198[%get3A_194, %get3A_199] : memref<4x128xi32, #tpu.memory_space<vmem>> -> memref<1x128xi32, #tpu.memory_space<vmem>>
    %get3A_201 = tpu.memref_squeeze %get3A_200 : memref<1x128xi32, #tpu.memory_space<vmem>> -> memref<128xi32, #tpu.memory_space<vmem>>
    %get3A_202 = arith.constant 80 : index
    %get3A_203 = tpu.vector_load %get3A_201[%get3A_202] {strides = array<i32>} : memref<128xi32, #tpu.memory_space<vmem>>, vector<16xi32>,
    %get3A_204 = vector.shape_cast %get3A_203 : vector<16xi32> to vector<16xi32>
    %add3A_205 = vector.broadcast %mul3A_13 : i32 to vector<16xi32>
    %add3A_206 = arith.addi %get3A_204, %add3A_205 : vector<16xi32>
    %swap3A_207 = arith.constant 0 : i32
    %swap3A_208 = arith.constant 0 : i32
    %swap3A_209 = arith.constant 0 : i32
    %swap3A_210 = arith.constant 0 : i32
    %swap3A_211 = tpu.memref_slice %arg5[%swap3A_207, %swap3A_209, %swap3A_210] : memref<2x4x128xi32, #tpu.memory_space<vmem>> -> memref<1x4x128xi32, #tpu.memory_space<vmem>>
    %swap3A_212 = tpu.memref_squeeze %swap3A_211 : memref<1x4x128xi32, #tpu.memory_space<vmem>> -> memref<4x128xi32, #tpu.memory_space<vmem>>
    %swap3A_213 = arith.constant 0 : i32
    %swap3A_214 = tpu.memref_slice %swap3A_212[%swap3A_208, %swap3A_213] : memref<4x128xi32, #tpu.memory_space<vmem>> -> memref<1x128xi32, #tpu.memory_space<vmem>>
    %swap3A_215 = tpu.memref_squeeze %swap3A_214 : memref<1x128xi32, #tpu.memory_space<vmem>> -> memref<128xi32, #tpu.memory_space<vmem>>
    %swap3A_216 = arith.constant 80 : index
    %swap3A_217 = tpu.vector_load %swap3A_215[%swap3A_216] {strides = array<i32>} : memref<128xi32, #tpu.memory_space<vmem>>, vector<16xi32>,
    %swap3A_218 = vector.shape_cast %swap3A_217 : vector<16xi32> to vector<16xi32>
    %swap3A_219 = vector.shape_cast %add3A_206 : vector<16xi32> to vector<16xi32>
    tpu.vector_store %swap3A_215[%swap3A_216], %swap3A_219 {strides = array<i32>} : memref<128xi32, #tpu.memory_space<vmem>>, vector<16xi32>,
    %get3A_220 = arith.constant 0 : i32
    %get3A_221 = arith.constant 0 : i32
    %get3A_222 = arith.constant 0 : i32
    %get3A_223 = arith.constant 0 : i32
    %get3A_224 = tpu.memref_slice %arg5[%get3A_220, %get3A_222, %get3A_223] : memref<2x4x128xi32, #tpu.memory_space<vmem>> -> memref<1x4x128xi32, #tpu.memory_space<vmem>>
    %get3A_225 = tpu.memref_squeeze %get3A_224 : memref<1x4x128xi32, #tpu.memory_space<vmem>> -> memref<4x128xi32, #tpu.memory_space<vmem>>
    %get3A_226 = arith.constant 0 : i32
    %get3A_227 = tpu.memref_slice %get3A_225[%get3A_221, %get3A_226] : memref<4x128xi32, #tpu.memory_space<vmem>> -> memref<1x128xi32, #tpu.memory_space<vmem>>
    %get3A_228 = tpu.memref_squeeze %get3A_227 : memref<1x128xi32, #tpu.memory_space<vmem>> -> memref<128xi32, #tpu.memory_space<vmem>>
    %get3A_229 = arith.constant 96 : index
    %get3A_230 = tpu.vector_load %get3A_228[%get3A_229] {strides = array<i32>} : memref<128xi32, #tpu.memory_space<vmem>>, vector<16xi32>,
    %get3A_231 = vector.shape_cast %get3A_230 : vector<16xi32> to vector<16xi32>
    %add3A_232 = vector.broadcast %mul3A_13 : i32 to vector<16xi32>
    %add3A_233 = arith.addi %get3A_231, %add3A_232 : vector<16xi32>
    %swap3A_234 = arith.constant 0 : i32
    %swap3A_235 = arith.constant 0 : i32
    %swap3A_236 = arith.constant 0 : i32
    %swap3A_237 = arith.constant 0 : i32
    %swap3A_238 = tpu.memref_slice %arg5[%swap3A_234, %swap3A_236, %swap3A_237] : memref<2x4x128xi32, #tpu.memory_space<vmem>> -> memref<1x4x128xi32, #tpu.memory_space<vmem>>
    %swap3A_239 = tpu.memref_squeeze %swap3A_238 : memref<1x4x128xi32, #tpu.memory_space<vmem>> -> memref<4x128xi32, #tpu.memory_space<vmem>>
    %swap3A_240 = arith.constant 0 : i32
    %swap3A_241 = tpu.memref_slice %swap3A_239[%swap3A_235, %swap3A_240] : memref<4x128xi32, #tpu.memory_space<vmem>> -> memref<1x128xi32, #tpu.memory_space<vmem>>
    %swap3A_242 = tpu.memref_squeeze %swap3A_241 : memref<1x128xi32, #tpu.memory_space<vmem>> -> memref<128xi32, #tpu.memory_space<vmem>>
    %swap3A_243 = arith.constant 96 : index
    %swap3A_244 = tpu.vector_load %swap3A_242[%swap3A_243] {strides = array<i32>} : memref<128xi32, #tpu.memory_space<vmem>>, vector<16xi32>,
    %swap3A_245 = vector.shape_cast %swap3A_244 : vector<16xi32> to vector<16xi32>
    %swap3A_246 = vector.shape_cast %add3A_233 : vector<16xi32> to vector<16xi32>
    tpu.vector_store %swap3A_242[%swap3A_243], %swap3A_246 {strides = array<i32>} : memref<128xi32, #tpu.memory_space<vmem>>, vector<16xi32>,
    %get3A_247 = arith.constant 0 : i32
    %get3A_248 = arith.constant 0 : i32
    %get3A_249 = arith.constant 0 : i32
    %get3A_250 = arith.constant 0 : i32
    %get3A_251 = tpu.memref_slice %arg5[%get3A_247, %get3A_249, %get3A_250] : memref<2x4x128xi32, #tpu.memory_space<vmem>> -> memref<1x4x128xi32, #tpu.memory_space<vmem>>
    %get3A_252 = tpu.memref_squeeze %get3A_251 : memref<1x4x128xi32, #tpu.memory_space<vmem>> -> memref<4x128xi32, #tpu.memory_space<vmem>>
    %get3A_253 = arith.constant 0 : i32
    %get3A_254 = tpu.memref_slice %get3A_252[%get3A_248, %get3A_253] : memref<4x128xi32, #tpu.memory_space<vmem>> -> memref<1x128xi32, #tpu.memory_space<vmem>>
    %get3A_255 = tpu.memref_squeeze %get3A_254 : memref<1x128xi32, #tpu.memory_space<vmem>> -> memref<128xi32, #tpu.memory_space<vmem>>
    %get3A_256 = arith.constant 112 : index
    %get3A_257 = tpu.vector_load %get3A_255[%get3A_256] {strides = array<i32>} : memref<128xi32, #tpu.memory_space<vmem>>, vector<16xi32>,
    %get3A_258 = vector.shape_cast %get3A_257 : vector<16xi32> to vector<16xi32>
    %add3A_259 = vector.broadcast %mul3A_13 : i32 to vector<16xi32>
    %add3A_260 = arith.addi %get3A_258, %add3A_259 : vector<16xi32>
    %swap3A_261 = arith.constant 0 : i32
    %swap3A_262 = arith.constant 0 : i32
    %swap3A_263 = arith.constant 0 : i32
    %swap3A_264 = arith.constant 0 : i32
    %swap3A_265 = tpu.memref_slice %arg5[%swap3A_261, %swap3A_263, %swap3A_264] : memref<2x4x128xi32, #tpu.memory_space<vmem>> -> memref<1x4x128xi32, #tpu.memory_space<vmem>>
    %swap3A_266 = tpu.memref_squeeze %swap3A_265 : memref<1x4x128xi32, #tpu.memory_space<vmem>> -> memref<4x128xi32, #tpu.memory_space<vmem>>
    %swap3A_267 = arith.constant 0 : i32
    %swap3A_268 = tpu.memref_slice %swap3A_266[%swap3A_262, %swap3A_267] : memref<4x128xi32, #tpu.memory_space<vmem>> -> memref<1x128xi32, #tpu.memory_space<vmem>>
    %swap3A_269 = tpu.memref_squeeze %swap3A_268 : memref<1x128xi32, #tpu.memory_space<vmem>> -> memref<128xi32, #tpu.memory_space<vmem>>
    %swap3A_270 = arith.constant 112 : index
    %swap3A_271 = tpu.vector_load %swap3A_269[%swap3A_270] {strides = array<i32>} : memref<128xi32, #tpu.memory_space<vmem>>, vector<16xi32>,
    %swap3A_272 = vector.shape_cast %swap3A_271 : vector<16xi32> to vector<16xi32>
    %swap3A_273 = vector.shape_cast %add3A_260 : vector<16xi32> to vector<16xi32>
    tpu.vector_store %swap3A_269[%swap3A_270], %swap3A_273 {strides = array<i32>} : memref<128xi32, #tpu.memory_space<vmem>>, vector<16xi32>,
    %get3A_274 = arith.constant 0 : i32
    %get3A_275 = arith.constant 1 : i32
    %get3A_276 = arith.constant 0 : i32
    %get3A_277 = arith.constant 0 : i32
    %get3A_278 = tpu.memref_slice %arg5[%get3A_274, %get3A_276, %get3A_277] : memref<2x4x128xi32, #tpu.memory_space<vmem>> -> memref<1x4x128xi32, #tpu.memory_space<vmem>>
    %get3A_279 = tpu.memref_squeeze %get3A_278 : memref<1x4x128xi32, #tpu.memory_space<vmem>> -> memref<4x128xi32, #tpu.memory_space<vmem>>
    %get3A_280 = arith.constant 0 : i32
    %get3A_281 = tpu.memref_slice %get3A_279[%get3A_275, %get3A_280] : memref<4x128xi32, #tpu.memory_space<vmem>> -> memref<1x128xi32, #tpu.memory_space<vmem>>
    %get3A_282 = tpu.memref_squeeze %get3A_281 : memref<1x128xi32, #tpu.memory_space<vmem>> -> memref<128xi32, #tpu.memory_space<vmem>>
    %get3A_283 = arith.constant 0 : index
    %get3A_284 = tpu.vector_load %get3A_282[%get3A_283] {strides = array<i32>} : memref<128xi32, #tpu.memory_space<vmem>>, vector<16xi32>,
    %get3A_285 = vector.shape_cast %get3A_284 : vector<16xi32> to vector<16xi32>
    %add3A_286 = vector.broadcast %mul3A_13 : i32 to vector<16xi32>
    %add3A_287 = arith.addi %get3A_285, %add3A_286 : vector<16xi32>
    %swap3A_288 = arith.constant 0 : i32
    %swap3A_289 = arith.constant 1 : i32
    %swap3A_290 = arith.constant 0 : i32
    %swap3A_291 = arith.constant 0 : i32
    %swap3A_292 = tpu.memref_slice %arg5[%swap3A_288, %swap3A_290, %swap3A_291] : memref<2x4x128xi32, #tpu.memory_space<vmem>> -> memref<1x4x128xi32, #tpu.memory_space<vmem>>
    %swap3A_293 = tpu.memref_squeeze %swap3A_292 : memref<1x4x128xi32, #tpu.memory_space<vmem>> -> memref<4x128xi32, #tpu.memory_space<vmem>>
    %swap3A_294 = arith.constant 0 : i32
    %swap3A_295 = tpu.memref_slice %swap3A_293[%swap3A_289, %swap3A_294] : memref<4x128xi32, #tpu.memory_space<vmem>> -> memref<1x128xi32, #tpu.memory_space<vmem>>
    %swap3A_296 = tpu.memref_squeeze %swap3A_295 : memref<1x128xi32, #tpu.memory_space<vmem>> -> memref<128xi32, #tpu.memory_space<vmem>>
    %swap3A_297 = arith.constant 0 : index
    %swap3A_298 = tpu.vector_load %swap3A_296[%swap3A_297] {strides = array<i32>} : memref<128xi32, #tpu.memory_space<vmem>>, vector<16xi32>,
    %swap3A_299 = vector.shape_cast %swap3A_298 : vector<16xi32> to vector<16xi32>
    %swap3A_300 = vector.shape_cast %add3A_287 : vector<16xi32> to vector<16xi32>
    tpu.vector_store %swap3A_296[%swap3A_297], %swap3A_300 {strides = array<i32>} : memref<128xi32, #tpu.memory_space<vmem>>, vector<16xi32>,
    %get3A_301 = arith.constant 0 : i32
    %get3A_302 = arith.constant 1 : i32
    %get3A_303 = arith.constant 0 : i32
    %get3A_304 = arith.constant 0 : i32
    %get3A_305 = tpu.memref_slice %arg5[%get3A_301, %get3A_303, %get3A_304] : memref<2x4x128xi32, #tpu.memory_space<vmem>> -> memref<1x4x128xi32, #tpu.memory_space<vmem>>
    %get3A_306 = tpu.memref_squeeze %get3A_305 : memref<1x4x128xi32, #tpu.memory_space<vmem>> -> memref<4x128xi32, #tpu.memory_space<vmem>>
    %get3A_307 = arith.constant 0 : i32
    %get3A_308 = tpu.memref_slice %get3A_306[%get3A_302, %get3A_307] : memref<4x128xi32, #tpu.memory_space<vmem>> -> memref<1x128xi32, #tpu.memory_space<vmem>>
    %get3A_309 = tpu.memref_squeeze %get3A_308 : memref<1x128xi32, #tpu.memory_space<vmem>> -> memref<128xi32, #tpu.memory_space<vmem>>
    %get3A_310 = arith.constant 16 : index
    %get3A_311 = tpu.vector_load %get3A_309[%get3A_310] {strides = array<i32>} : memref<128xi32, #tpu.memory_space<vmem>>, vector<16xi32>,
    %get3A_312 = vector.shape_cast %get3A_311 : vector<16xi32> to vector<16xi32>
    %add3A_313 = vector.broadcast %mul3A_13 : i32 to vector<16xi32>
    %add3A_314 = arith.addi %get3A_312, %add3A_313 : vector<16xi32>
    %swap3A_315 = arith.constant 0 : i32
    %swap3A_316 = arith.constant 1 : i32
    %swap3A_317 = arith.constant 0 : i32
    %swap3A_318 = arith.constant 0 : i32
    %swap3A_319 = tpu.memref_slice %arg5[%swap3A_315, %swap3A_317, %swap3A_318] : memref<2x4x128xi32, #tpu.memory_space<vmem>> -> memref<1x4x128xi32, #tpu.memory_space<vmem>>
    %swap3A_320 = tpu.memref_squeeze %swap3A_319 : memref<1x4x128xi32, #tpu.memory_space<vmem>> -> memref<4x128xi32, #tpu.memory_space<vmem>>
    %swap3A_321 = arith.constant 0 : i32
    %swap3A_322 = tpu.memref_slice %swap3A_320[%swap3A_316, %swap3A_321] : memref<4x128xi32, #tpu.memory_space<vmem>> -> memref<1x128xi32, #tpu.memory_space<vmem>>
    %swap3A_323 = tpu.memref_squeeze %swap3A_322 : memref<1x128xi32, #tpu.memory_space<vmem>> -> memref<128xi32, #tpu.memory_space<vmem>>
    %swap3A_324 = arith.constant 16 : index
    %swap3A_325 = tpu.vector_load %swap3A_323[%swap3A_324] {strides = array<i32>} : memref<128xi32, #tpu.memory_space<vmem>>, vector<16xi32>,
    %swap3A_326 = vector.shape_cast %swap3A_325 : vector<16xi32> to vector<16xi32>
    %swap3A_327 = vector.shape_cast %add3A_314 : vector<16xi32> to vector<16xi32>
    tpu.vector_store %swap3A_323[%swap3A_324], %swap3A_327 {strides = array<i32>} : memref<128xi32, #tpu.memory_space<vmem>>, vector<16xi32>,
    %get3A_328 = arith.constant 0 : i32
    %get3A_329 = arith.constant 1 : i32
    %get3A_330 = arith.constant 0 : i32
    %get3A_331 = arith.constant 0 : i32
    %get3A_332 = tpu.memref_slice %arg5[%get3A_328, %get3A_330, %get3A_331] : memref<2x4x128xi32, #tpu.memory_space<vmem>> -> memref<1x4x128xi32, #tpu.memory_space<vmem>>
    %get3A_333 = tpu.memref_squeeze %get3A_332 : memref<1x4x128xi32, #tpu.memory_space<vmem>> -> memref<4x128xi32, #tpu.memory_space<vmem>>
    %get3A_334 = arith.constant 0 : i32
    %get3A_335 = tpu.memref_slice %get3A_333[%get3A_329, %get3A_334] : memref<4x128xi32, #tpu.memory_space<vmem>> -> memref<1x128xi32, #tpu.memory_space<vmem>>
    %get3A_336 = tpu.memref_squeeze %get3A_335 : memref<1x128xi32, #tpu.memory_space<vmem>> -> memref<128xi32, #tpu.memory_space<vmem>>
    %get3A_337 = arith.constant 32 : index
    %get3A_338 = tpu.vector_load %get3A_336[%get3A_337] {strides = array<i32>} : memref<128xi32, #tpu.memory_space<vmem>>, vector<16xi32>,
    %get3A_339 = vector.shape_cast %get3A_338 : vector<16xi32> to vector<16xi32>
    %add3A_340 = vector.broadcast %mul3A_13 : i32 to vector<16xi32>
    %add3A_341 = arith.addi %get3A_339, %add3A_340 : vector<16xi32>
    %swap3A_342 = arith.constant 0 : i32
    %swap3A_343 = arith.constant 1 : i32
    %swap3A_344 = arith.constant 0 : i32
    %swap3A_345 = arith.constant 0 : i32
    %swap3A_346 = tpu.memref_slice %arg5[%swap3A_342, %swap3A_344, %swap3A_345] : memref<2x4x128xi32, #tpu.memory_space<vmem>> -> memref<1x4x128xi32, #tpu.memory_space<vmem>>
    %swap3A_347 = tpu.memref_squeeze %swap3A_346 : memref<1x4x128xi32, #tpu.memory_space<vmem>> -> memref<4x128xi32, #tpu.memory_space<vmem>>
    %swap3A_348 = arith.constant 0 : i32
    %swap3A_349 = tpu.memref_slice %swap3A_347[%swap3A_343, %swap3A_348] : memref<4x128xi32, #tpu.memory_space<vmem>> -> memref<1x128xi32, #tpu.memory_space<vmem>>
    %swap3A_350 = tpu.memref_squeeze %swap3A_349 : memref<1x128xi32, #tpu.memory_space<vmem>> -> memref<128xi32, #tpu.memory_space<vmem>>
    %swap3A_351 = arith.constant 32 : index
    %swap3A_352 = tpu.vector_load %swap3A_350[%swap3A_351] {strides = array<i32>} : memref<128xi32, #tpu.memory_space<vmem>>, vector<16xi32>,
    %swap3A_353 = vector.shape_cast %swap3A_352 : vector<16xi32> to vector<16xi32>
    %swap3A_354 = vector.shape_cast %add3A_341 : vector<16xi32> to vector<16xi32>
    tpu.vector_store %swap3A_350[%swap3A_351], %swap3A_354 {strides = array<i32>} : memref<128xi32, #tpu.memory_space<vmem>>, vector<16xi32>,
    %get3A_355 = arith.constant 0 : i32
    %get3A_356 = arith.constant 1 : i32
    %get3A_357 = arith.constant 0 : i32
    %get3A_358 = arith.constant 0 : i32
    %get3A_359 = tpu.memref_slice %arg5[%get3A_355, %get3A_357, %get3A_358] : memref<2x4x128xi32, #tpu.memory_space<vmem>> -> memref<1x4x128xi32, #tpu.memory_space<vmem>>
    %get3A_360 = tpu.memref_squeeze %get3A_359 : memref<1x4x128xi32, #tpu.memory_space<vmem>> -> memref<4x128xi32, #tpu.memory_space<vmem>>
    %get3A_361 = arith.constant 0 : i32
    %get3A_362 = tpu.memref_slice %get3A_360[%get3A_356, %get3A_361] : memref<4x128xi32, #tpu.memory_space<vmem>> -> memref<1x128xi32, #tpu.memory_space<vmem>>
    %get3A_363 = tpu.memref_squeeze %get3A_362 : memref<1x128xi32, #tpu.memory_space<vmem>> -> memref<128xi32, #tpu.memory_space<vmem>>
    %get3A_364 = arith.constant 48 : index
    %get3A_365 = tpu.vector_load %get3A_363[%get3A_364] {strides = array<i32>} : memref<128xi32, #tpu.memory_space<vmem>>, vector<16xi32>,
    %get3A_366 = vector.shape_cast %get3A_365 : vector<16xi32> to vector<16xi32>
    %add3A_367 = vector.broadcast %mul3A_13 : i32 to vector<16xi32>
    %add3A_368 = arith.addi %get3A_366, %add3A_367 : vector<16xi32>
    %swap3A_369 = arith.constant 0 : i32
    %swap3A_370 = arith.constant 1 : i32
    %swap3A_371 = arith.constant 0 : i32
    %swap3A_372 = arith.constant 0 : i32
    %swap3A_373 = tpu.memref_slice %arg5[%swap3A_369, %swap3A_371, %swap3A_372] : memref<2x4x128xi32, #tpu.memory_space<vmem>> -> memref<1x4x128xi32, #tpu.memory_space<vmem>>
    %swap3A_374 = tpu.memref_squeeze %swap3A_373 : memref<1x4x128xi32, #tpu.memory_space<vmem>> -> memref<4x128xi32, #tpu.memory_space<vmem>>
    %swap3A_375 = arith.constant 0 : i32
    %swap3A_376 = tpu.memref_slice %swap3A_374[%swap3A_370, %swap3A_375] : memref<4x128xi32, #tpu.memory_space<vmem>> -> memref<1x128xi32, #tpu.memory_space<vmem>>
    %swap3A_377 = tpu.memref_squeeze %swap3A_376 : memref<1x128xi32, #tpu.memory_space<vmem>> -> memref<128xi32, #tpu.memory_space<vmem>>
    %swap3A_378 = arith.constant 48 : index
    %swap3A_379 = tpu.vector_load %swap3A_377[%swap3A_378] {strides = array<i32>} : memref<128xi32, #tpu.memory_space<vmem>>, vector<16xi32>,
    %swap3A_380 = vector.shape_cast %swap3A_379 : vector<16xi32> to vector<16xi32>
    %swap3A_381 = vector.shape_cast %add3A_368 : vector<16xi32> to vector<16xi32>
    tpu.vector_store %swap3A_377[%swap3A_378], %swap3A_381 {strides = array<i32>} : memref<128xi32, #tpu.memory_space<vmem>>, vector<16xi32>,
    %get3A_382 = arith.constant 0 : i32
    %get3A_383 = arith.constant 1 : i32
    %get3A_384 = arith.constant 0 : i32
    %get3A_385 = arith.constant 0 : i32
    %get3A_386 = tpu.memref_slice %arg5[%get3A_382, %get3A_384, %get3A_385] : memref<2x4x128xi32, #tpu.memory_space<vmem>> -> memref<1x4x128xi32, #tpu.memory_space<vmem>>
    %get3A_387 = tpu.memref_squeeze %get3A_386 : memref<1x4x128xi32, #tpu.memory_space<vmem>> -> memref<4x128xi32, #tpu.memory_space<vmem>>
    %get3A_388 = arith.constant 0 : i32
    %get3A_389 = tpu.memref_slice %get3A_387[%get3A_383, %get3A_388] : memref<4x128xi32, #tpu.memory_space<vmem>> -> memref<1x128xi32, #tpu.memory_space<vmem>>
    %get3A_390 = tpu.memref_squeeze %get3A_389 : memref<1x128xi32, #tpu.memory_space<vmem>> -> memref<128xi32, #tpu.memory_space<vmem>>
    %get3A_391 = arith.constant 64 : index
    %get3A_392 = tpu.vector_load %get3A_390[%get3A_391] {strides = array<i32>} : memref<128xi32, #tpu.memory_space<vmem>>, vector<16xi32>,
    %get3A_393 = vector.shape_cast %get3A_392 : vector<16xi32> to vector<16xi32>
    %add3A_394 = vector.broadcast %mul3A_13 : i32 to vector<16xi32>
    %add3A_395 = arith.addi %get3A_393, %add3A_394 : vector<16xi32>
    %swap3A_396 = arith.constant 0 : i32
    %swap3A_397 = arith.constant 1 : i32
    %swap3A_398 = arith.constant 0 : i32
    %swap3A_399 = arith.constant 0 : i32
    %swap3A_400 = tpu.memref_slice %arg5[%swap3A_396, %swap3A_398, %swap3A_399] : memref<2x4x128xi32, #tpu.memory_space<vmem>> -> memref<1x4x128xi32, #tpu.memory_space<vmem>>
    %swap3A_401 = tpu.memref_squeeze %swap3A_400 : memref<1x4x128xi32, #tpu.memory_space<vmem>> -> memref<4x128xi32, #tpu.memory_space<vmem>>
    %swap3A_402 = arith.constant 0 : i32
    %swap3A_403 = tpu.memref_slice %swap3A_401[%swap3A_397, %swap3A_402] : memref<4x128xi32, #tpu.memory_space<vmem>> -> memref<1x128xi32, #tpu.memory_space<vmem>>
    %swap3A_404 = tpu.memref_squeeze %swap3A_403 : memref<1x128xi32, #tpu.memory_space<vmem>> -> memref<128xi32, #tpu.memory_space<vmem>>
    %swap3A_405 = arith.constant 64 : index
    %swap3A_406 = tpu.vector_load %swap3A_404[%swap3A_405] {strides = array<i32>} : memref<128xi32, #tpu.memory_space<vmem>>, vector<16xi32>,
    %swap3A_407 = vector.shape_cast %swap3A_406 : vector<16xi32> to vector<16xi32>
    %swap3A_408 = vector.shape_cast %add3A_395 : vector<16xi32> to vector<16xi32>
    tpu.vector_store %swap3A_404[%swap3A_405], %swap3A_408 {strides = array<i32>} : memref<128xi32, #tpu.memory_space<vmem>>, vector<16xi32>,
    %get3A_409 = arith.constant 0 : i32
    %get3A_410 = arith.constant 1 : i32
    %get3A_411 = arith.constant 0 : i32
    %get3A_412 = arith.constant 0 : i32
    %get3A_413 = tpu.memref_slice %arg5[%get3A_409, %get3A_411, %get3A_412] : memref<2x4x128xi32, #tpu.memory_space<vmem>> -> memref<1x4x128xi32, #tpu.memory_space<vmem>>
    %get3A_414 = tpu.memref_squeeze %get3A_413 : memref<1x4x128xi32, #tpu.memory_space<vmem>> -> memref<4x128xi32, #tpu.memory_space<vmem>>
    %get3A_415 = arith.constant 0 : i32
    %get3A_416 = tpu.memref_slice %get3A_414[%get3A_410, %get3A_415] : memref<4x128xi32, #tpu.memory_space<vmem>> -> memref<1x128xi32, #tpu.memory_space<vmem>>
    %get3A_417 = tpu.memref_squeeze %get3A_416 : memref<1x128xi32, #tpu.memory_space<vmem>> -> memref<128xi32, #tpu.memory_space<vmem>>
    %get3A_418 = arith.constant 80 : index
    %get3A_419 = tpu.vector_load %get3A_417[%get3A_418] {strides = array<i32>} : memref<128xi32, #tpu.memory_space<vmem>>, vector<16xi32>,
    %get3A_420 = vector.shape_cast %get3A_419 : vector<16xi32> to vector<16xi32>
    %add3A_421 = vector.broadcast %mul3A_13 : i32 to vector<16xi32>
    %add3A_422 = arith.addi %get3A_420, %add3A_421 : vector<16xi32>
    %swap3A_423 = arith.constant 0 : i32
    %swap3A_424 = arith.constant 1 : i32
    %swap3A_425 = arith.constant 0 : i32
    %swap3A_426 = arith.constant 0 : i32
    %swap3A_427 = tpu.memref_slice %arg5[%swap3A_423, %swap3A_425, %swap3A_426] : memref<2x4x128xi32, #tpu.memory_space<vmem>> -> memref<1x4x128xi32, #tpu.memory_space<vmem>>
    %swap3A_428 = tpu.memref_squeeze %swap3A_427 : memref<1x4x128xi32, #tpu.memory_space<vmem>> -> memref<4x128xi32, #tpu.memory_space<vmem>>
    %swap3A_429 = arith.constant 0 : i32
    %swap3A_430 = tpu.memref_slice %swap3A_428[%swap3A_424, %swap3A_429] : memref<4x128xi32, #tpu.memory_space<vmem>> -> memref<1x128xi32, #tpu.memory_space<vmem>>
    %swap3A_431 = tpu.memref_squeeze %swap3A_430 : memref<1x128xi32, #tpu.memory_space<vmem>> -> memref<128xi32, #tpu.memory_space<vmem>>
    %swap3A_432 = arith.constant 80 : index
    %swap3A_433 = tpu.vector_load %swap3A_431[%swap3A_432] {strides = array<i32>} : memref<128xi32, #tpu.memory_space<vmem>>, vector<16xi32>,
    %swap3A_434 = vector.shape_cast %swap3A_433 : vector<16xi32> to vector<16xi32>
    %swap3A_435 = vector.shape_cast %add3A_422 : vector<16xi32> to vector<16xi32>
    tpu.vector_store %swap3A_431[%swap3A_432], %swap3A_435 {strides = array<i32>} : memref<128xi32, #tpu.memory_space<vmem>>, vector<16xi32>,
    %get3A_436 = arith.constant 0 : i32
    %get3A_437 = arith.constant 1 : i32
    %get3A_438 = arith.constant 0 : i32
    %get3A_439 = arith.constant 0 : i32
    %get3A_440 = tpu.memref_slice %arg5[%get3A_436, %get3A_438, %get3A_439] : memref<2x4x128xi32, #tpu.memory_space<vmem>> -> memref<1x4x128xi32, #tpu.memory_space<vmem>>
    %get3A_441 = tpu.memref_squeeze %get3A_440 : memref<1x4x128xi32, #tpu.memory_space<vmem>> -> memref<4x128xi32, #tpu.memory_space<vmem>>
    %get3A_442 = arith.constant 0 : i32
    %get3A_443 = tpu.memref_slice %get3A_441[%get3A_437, %get3A_442] : memref<4x128xi32, #tpu.memory_space<vmem>> -> memref<1x128xi32, #tpu.memory_space<vmem>>
    %get3A_444 = tpu.memref_squeeze %get3A_443 : memref<1x128xi32, #tpu.memory_space<vmem>> -> memref<128xi32, #tpu.memory_space<vmem>>
    %get3A_445 = arith.constant 96 : index
    %get3A_446 = tpu.vector_load %get3A_444[%get3A_445] {strides = array<i32>} : memref<128xi32, #tpu.memory_space<vmem>>, vector<16xi32>,
    %get3A_447 = vector.shape_cast %get3A_446 : vector<16xi32> to vector<16xi32>
    %add3A_448 = vector.broadcast %mul3A_13 : i32 to vector<16xi32>
    %add3A_449 = arith.addi %get3A_447, %add3A_448 : vector<16xi32>
    %swap3A_450 = arith.constant 0 : i32
    %swap3A_451 = arith.constant 1 : i32
    %swap3A_452 = arith.constant 0 : i32
    %swap3A_453 = arith.constant 0 : i32
    %swap3A_454 = tpu.memref_slice %arg5[%swap3A_450, %swap3A_452, %swap3A_453] : memref<2x4x128xi32, #tpu.memory_space<vmem>> -> memref<1x4x128xi32, #tpu.memory_space<vmem>>
    %swap3A_455 = tpu.memref_squeeze %swap3A_454 : memref<1x4x128xi32, #tpu.memory_space<vmem>> -> memref<4x128xi32, #tpu.memory_space<vmem>>
    %swap3A_456 = arith.constant 0 : i32
    %swap3A_457 = tpu.memref_slice %swap3A_455[%swap3A_451, %swap3A_456] : memref<4x128xi32, #tpu.memory_space<vmem>> -> memref<1x128xi32, #tpu.memory_space<vmem>>
    %swap3A_458 = tpu.memref_squeeze %swap3A_457 : memref<1x128xi32, #tpu.memory_space<vmem>> -> memref<128xi32, #tpu.memory_space<vmem>>
    %swap3A_459 = arith.constant 96 : index
    %swap3A_460 = tpu.vector_load %swap3A_458[%swap3A_459] {strides = array<i32>} : memref<128xi32, #tpu.memory_space<vmem>>, vector<16xi32>,
    %swap3A_461 = vector.shape_cast %swap3A_460 : vector<16xi32> to vector<16xi32>
    %swap3A_462 = vector.shape_cast %add3A_449 : vector<16xi32> to vector<16xi32>
    tpu.vector_store %swap3A_458[%swap3A_459], %swap3A_462 {strides = array<i32>} : memref<128xi32, #tpu.memory_space<vmem>>, vector<16xi32>,
    %get3A_463 = arith.constant 0 : i32
    %get3A_464 = arith.constant 1 : i32
    %get3A_465 = arith.constant 0 : i32
    %get3A_466 = arith.constant 0 : i32
    %get3A_467 = tpu.memref_slice %arg5[%get3A_463, %get3A_465, %get3A_466] : memref<2x4x128xi32, #tpu.memory_space<vmem>> -> memref<1x4x128xi32, #tpu.memory_space<vmem>>
    %get3A_468 = tpu.memref_squeeze %get3A_467 : memref<1x4x128xi32, #tpu.memory_space<vmem>> -> memref<4x128xi32, #tpu.memory_space<vmem>>
    %get3A_469 = arith.constant 0 : i32
    %get3A_470 = tpu.memref_slice %get3A_468[%get3A_464, %get3A_469] : memref<4x128xi32, #tpu.memory_space<vmem>> -> memref<1x128xi32, #tpu.memory_space<vmem>>
    %get3A_471 = tpu.memref_squeeze %get3A_470 : memref<1x128xi32, #tpu.memory_space<vmem>> -> memref<128xi32, #tpu.memory_space<vmem>>
    %get3A_472 = arith.constant 112 : index
    %get3A_473 = tpu.vector_load %get3A_471[%get3A_472] {strides = array<i32>} : memref<128xi32, #tpu.memory_space<vmem>>, vector<16xi32>,
    %get3A_474 = vector.shape_cast %get3A_473 : vector<16xi32> to vector<16xi32>
    %add3A_475 = vector.broadcast %mul3A_13 : i32 to vector<16xi32>
    %add3A_476 = arith.addi %get3A_474, %add3A_475 : vector<16xi32>
    %swap3A_477 = arith.constant 0 : i32
    %swap3A_478 = arith.constant 1 : i32
    %swap3A_479 = arith.constant 0 : i32
    %swap3A_480 = arith.constant 0 : i32
    %swap3A_481 = tpu.memref_slice %arg5[%swap3A_477, %swap3A_479, %swap3A_480] : memref<2x4x128xi32, #tpu.memory_space<vmem>> -> memref<1x4x128xi32, #tpu.memory_space<vmem>>
    %swap3A_482 = tpu.memref_squeeze %swap3A_481 : memref<1x4x128xi32, #tpu.memory_space<vmem>> -> memref<4x128xi32, #tpu.memory_space<vmem>>
    %swap3A_483 = arith.constant 0 : i32
    %swap3A_484 = tpu.memref_slice %swap3A_482[%swap3A_478, %swap3A_483] : memref<4x128xi32, #tpu.memory_space<vmem>> -> memref<1x128xi32, #tpu.memory_space<vmem>>
    %swap3A_485 = tpu.memref_squeeze %swap3A_484 : memref<1x128xi32, #tpu.memory_space<vmem>> -> memref<128xi32, #tpu.memory_space<vmem>>
    %swap3A_486 = arith.constant 112 : index
    %swap3A_487 = tpu.vector_load %swap3A_485[%swap3A_486] {strides = array<i32>} : memref<128xi32, #tpu.memory_space<vmem>>, vector<16xi32>,
    %swap3A_488 = vector.shape_cast %swap3A_487 : vector<16xi32> to vector<16xi32>
    %swap3A_489 = vector.shape_cast %add3A_476 : vector<16xi32> to vector<16xi32>
    tpu.vector_store %swap3A_485[%swap3A_486], %swap3A_489 {strides = array<i32>} : memref<128xi32, #tpu.memory_space<vmem>>, vector<16xi32>,
    %get3A_490 = arith.constant 0 : i32
    %get3A_491 = arith.constant 2 : i32
    %get3A_492 = arith.constant 0 : i32
    %get3A_493 = arith.constant 0 : i32
    %get3A_494 = tpu.memref_slice %arg5[%get3A_490, %get3A_492, %get3A_493] : memref<2x4x128xi32, #tpu.memory_space<vmem>> -> memref<1x4x128xi32, #tpu.memory_space<vmem>>
    %get3A_495 = tpu.memref_squeeze %get3A_494 : memref<1x4x128xi32, #tpu.memory_space<vmem>> -> memref<4x128xi32, #tpu.memory_space<vmem>>
    %get3A_496 = arith.constant 0 : i32
    %get3A_497 = tpu.memref_slice %get3A_495[%get3A_491, %get3A_496] : memref<4x128xi32, #tpu.memory_space<vmem>> -> memref<1x128xi32, #tpu.memory_space<vmem>>
    %get3A_498 = tpu.memref_squeeze %get3A_497 : memref<1x128xi32, #tpu.memory_space<vmem>> -> memref<128xi32, #tpu.memory_space<vmem>>
    %get3A_499 = arith.constant 0 : index
    %get3A_500 = tpu.vector_load %get3A_498[%get3A_499] {strides = array<i32>} : memref<128xi32, #tpu.memory_space<vmem>>, vector<16xi32>,
    %get3A_501 = vector.shape_cast %get3A_500 : vector<16xi32> to vector<16xi32>
    %add3A_502 = vector.broadcast %mul3A_13 : i32 to vector<16xi32>
    %add3A_503 = arith.addi %get3A_501, %add3A_502 : vector<16xi32>
    %swap3A_504 = arith.constant 0 : i32
    %swap3A_505 = arith.constant 2 : i32
    %swap3A_506 = arith.constant 0 : i32
    %swap3A_507 = arith.constant 0 : i32
    %swap3A_508 = tpu.memref_slice %arg5[%swap3A_504, %swap3A_506, %swap3A_507] : memref<2x4x128xi32, #tpu.memory_space<vmem>> -> memref<1x4x128xi32, #tpu.memory_space<vmem>>
    %swap3A_509 = tpu.memref_squeeze %swap3A_508 : memref<1x4x128xi32, #tpu.memory_space<vmem>> -> memref<4x128xi32, #tpu.memory_space<vmem>>
    %swap3A_510 = arith.constant 0 : i32
    %swap3A_511 = tpu.memref_slice %swap3A_509[%swap3A_505, %swap3A_510] : memref<4x128xi32, #tpu.memory_space<vmem>> -> memref<1x128xi32, #tpu.memory_space<vmem>>
    %swap3A_512 = tpu.memref_squeeze %swap3A_511 : memref<1x128xi32, #tpu.memory_space<vmem>> -> memref<128xi32, #tpu.memory_space<vmem>>
    %swap3A_513 = arith.constant 0 : index
    %swap3A_514 = tpu.vector_load %swap3A_512[%swap3A_513] {strides = array<i32>} : memref<128xi32, #tpu.memory_space<vmem>>, vector<16xi32>,
    %swap3A_515 = vector.shape_cast %swap3A_514 : vector<16xi32> to vector<16xi32>
    %swap3A_516 = vector.shape_cast %add3A_503 : vector<16xi32> to vector<16xi32>
    tpu.vector_store %swap3A_512[%swap3A_513], %swap3A_516 {strides = array<i32>} : memref<128xi32, #tpu.memory_space<vmem>>, vector<16xi32>,
    %get3A_517 = arith.constant 0 : i32
    %get3A_518 = arith.constant 2 : i32
    %get3A_519 = arith.constant 0 : i32
    %get3A_520 = arith.constant 0 : i32
    %get3A_521 = tpu.memref_slice %arg5[%get3A_517, %get3A_519, %get3A_520] : memref<2x4x128xi32, #tpu.memory_space<vmem>> -> memref<1x4x128xi32, #tpu.memory_space<vmem>>
    %get3A_522 = tpu.memref_squeeze %get3A_521 : memref<1x4x128xi32, #tpu.memory_space<vmem>> -> memref<4x128xi32, #tpu.memory_space<vmem>>
    %get3A_523 = arith.constant 0 : i32
    %get3A_524 = tpu.memref_slice %get3A_522[%get3A_518, %get3A_523] : memref<4x128xi32, #tpu.memory_space<vmem>> -> memref<1x128xi32, #tpu.memory_space<vmem>>
    %get3A_525 = tpu.memref_squeeze %get3A_524 : memref<1x128xi32, #tpu.memory_space<vmem>> -> memref<128xi32, #tpu.memory_space<vmem>>
    %get3A_526 = arith.constant 16 : index
    %get3A_527 = tpu.vector_load %get3A_525[%get3A_526] {strides = array<i32>} : memref<128xi32, #tpu.memory_space<vmem>>, vector<16xi32>,
    %get3A_528 = vector.shape_cast %get3A_527 : vector<16xi32> to vector<16xi32>
    %add3A_529 = vector.broadcast %mul3A_13 : i32 to vector<16xi32>
    %add3A_530 = arith.addi %get3A_528, %add3A_529 : vector<16xi32>
    %swap3A_531 = arith.constant 0 : i32
    %swap3A_532 = arith.constant 2 : i32
    %swap3A_533 = arith.constant 0 : i32
    %swap3A_534 = arith.constant 0 : i32
    %swap3A_535 = tpu.memref_slice %arg5[%swap3A_531, %swap3A_533, %swap3A_534] : memref<2x4x128xi32, #tpu.memory_space<vmem>> -> memref<1x4x128xi32, #tpu.memory_space<vmem>>
    %swap3A_536 = tpu.memref_squeeze %swap3A_535 : memref<1x4x128xi32, #tpu.memory_space<vmem>> -> memref<4x128xi32, #tpu.memory_space<vmem>>
    %swap3A_537 = arith.constant 0 : i32
    %swap3A_538 = tpu.memref_slice %swap3A_536[%swap3A_532, %swap3A_537] : memref<4x128xi32, #tpu.memory_space<vmem>> -> memref<1x128xi32, #tpu.memory_space<vmem>>
    %swap3A_539 = tpu.memref_squeeze %swap3A_538 : memref<1x128xi32, #tpu.memory_space<vmem>> -> memref<128xi32, #tpu.memory_space<vmem>>
    %swap3A_540 = arith.constant 16 : index
    %swap3A_541 = tpu.vector_load %swap3A_539[%swap3A_540] {strides = array<i32>} : memref<128xi32, #tpu.memory_space<vmem>>, vector<16xi32>,
    %swap3A_542 = vector.shape_cast %swap3A_541 : vector<16xi32> to vector<16xi32>
    %swap3A_543 = vector.shape_cast %add3A_530 : vector<16xi32> to vector<16xi32>
    tpu.vector_store %swap3A_539[%swap3A_540], %swap3A_543 {strides = array<i32>} : memref<128xi32, #tpu.memory_space<vmem>>, vector<16xi32>,
    %get3A_544 = arith.constant 0 : i32
    %get3A_545 = arith.constant 2 : i32
    %get3A_546 = arith.constant 0 : i32
    %get3A_547 = arith.constant 0 : i32
    %get3A_548 = tpu.memref_slice %arg5[%get3A_544, %get3A_546, %get3A_547] : memref<2x4x128xi32, #tpu.memory_space<vmem>> -> memref<1x4x128xi32, #tpu.memory_space<vmem>>
    %get3A_549 = tpu.memref_squeeze %get3A_548 : memref<1x4x128xi32, #tpu.memory_space<vmem>> -> memref<4x128xi32, #tpu.memory_space<vmem>>
    %get3A_550 = arith.constant 0 : i32
    %get3A_551 = tpu.memref_slice %get3A_549[%get3A_545, %get3A_550] : memref<4x128xi32, #tpu.memory_space<vmem>> -> memref<1x128xi32, #tpu.memory_space<vmem>>
    %get3A_552 = tpu.memref_squeeze %get3A_551 : memref<1x128xi32, #tpu.memory_space<vmem>> -> memref<128xi32, #tpu.memory_space<vmem>>
    %get3A_553 = arith.constant 32 : index
    %get3A_554 = tpu.vector_load %get3A_552[%get3A_553] {strides = array<i32>} : memref<128xi32, #tpu.memory_space<vmem>>, vector<16xi32>,
    %get3A_555 = vector.shape_cast %get3A_554 : vector<16xi32> to vector<16xi32>
    %add3A_556 = vector.broadcast %mul3A_13 : i32 to vector<16xi32>
    %add3A_557 = arith.addi %get3A_555, %add3A_556 : vector<16xi32>
    %swap3A_558 = arith.constant 0 : i32
    %swap3A_559 = arith.constant 2 : i32
    %swap3A_560 = arith.constant 0 : i32
    %swap3A_561 = arith.constant 0 : i32
    %swap3A_562 = tpu.memref_slice %arg5[%swap3A_558, %swap3A_560, %swap3A_561] : memref<2x4x128xi32, #tpu.memory_space<vmem>> -> memref<1x4x128xi32, #tpu.memory_space<vmem>>
    %swap3A_563 = tpu.memref_squeeze %swap3A_562 : memref<1x4x128xi32, #tpu.memory_space<vmem>> -> memref<4x128xi32, #tpu.memory_space<vmem>>
    %swap3A_564 = arith.constant 0 : i32
    %swap3A_565 = tpu.memref_slice %swap3A_563[%swap3A_559, %swap3A_564] : memref<4x128xi32, #tpu.memory_space<vmem>> -> memref<1x128xi32, #tpu.memory_space<vmem>>
    %swap3A_566 = tpu.memref_squeeze %swap3A_565 : memref<1x128xi32, #tpu.memory_space<vmem>> -> memref<128xi32, #tpu.memory_space<vmem>>
    %swap3A_567 = arith.constant 32 : index
    %swap3A_568 = tpu.vector_load %swap3A_566[%swap3A_567] {strides = array<i32>} : memref<128xi32, #tpu.memory_space<vmem>>, vector<16xi32>,
    %swap3A_569 = vector.shape_cast %swap3A_568 : vector<16xi32> to vector<16xi32>
    %swap3A_570 = vector.shape_cast %add3A_557 : vector<16xi32> to vector<16xi32>
    tpu.vector_store %swap3A_566[%swap3A_567], %swap3A_570 {strides = array<i32>} : memref<128xi32, #tpu.memory_space<vmem>>, vector<16xi32>,
    %get3A_571 = arith.constant 0 : i32
    %get3A_572 = arith.constant 2 : i32
    %get3A_573 = arith.constant 0 : i32
    %get3A_574 = arith.constant 0 : i32
    %get3A_575 = tpu.memref_slice %arg5[%get3A_571, %get3A_573, %get3A_574] : memref<2x4x128xi32, #tpu.memory_space<vmem>> -> memref<1x4x128xi32, #tpu.memory_space<vmem>>
    %get3A_576 = tpu.memref_squeeze %get3A_575 : memref<1x4x128xi32, #tpu.memory_space<vmem>> -> memref<4x128xi32, #tpu.memory_space<vmem>>
    %get3A_577 = arith.constant 0 : i32
    %get3A_578 = tpu.memref_slice %get3A_576[%get3A_572, %get3A_577] : memref<4x128xi32, #tpu.memory_space<vmem>> -> memref<1x128xi32, #tpu.memory_space<vmem>>
    %get3A_579 = tpu.memref_squeeze %get3A_578 : memref<1x128xi32, #tpu.memory_space<vmem>> -> memref<128xi32, #tpu.memory_space<vmem>>
    %get3A_580 = arith.constant 48 : index
    %get3A_581 = tpu.vector_load %get3A_579[%get3A_580] {strides = array<i32>} : memref<128xi32, #tpu.memory_space<vmem>>, vector<16xi32>,
    %get3A_582 = vector.shape_cast %get3A_581 : vector<16xi32> to vector<16xi32>
    %add3A_583 = vector.broadcast %mul3A_13 : i32 to vector<16xi32>
    %add3A_584 = arith.addi %get3A_582, %add3A_583 : vector<16xi32>
    %swap3A_585 = arith.constant 0 : i32
    %swap3A_586 = arith.constant 2 : i32
    %swap3A_587 = arith.constant 0 : i32
    %swap3A_588 = arith.constant 0 : i32
    %swap3A_589 = tpu.memref_slice %arg5[%swap3A_585, %swap3A_587, %swap3A_588] : memref<2x4x128xi32, #tpu.memory_space<vmem>> -> memref<1x4x128xi32, #tpu.memory_space<vmem>>
    %swap3A_590 = tpu.memref_squeeze %swap3A_589 : memref<1x4x128xi32, #tpu.memory_space<vmem>> -> memref<4x128xi32, #tpu.memory_space<vmem>>
    %swap3A_591 = arith.constant 0 : i32
    %swap3A_592 = tpu.memref_slice %swap3A_590[%swap3A_586, %swap3A_591] : memref<4x128xi32, #tpu.memory_space<vmem>> -> memref<1x128xi32, #tpu.memory_space<vmem>>
    %swap3A_593 = tpu.memref_squeeze %swap3A_592 : memref<1x128xi32, #tpu.memory_space<vmem>> -> memref<128xi32, #tpu.memory_space<vmem>>
    %swap3A_594 = arith.constant 48 : index
    %swap3A_595 = tpu.vector_load %swap3A_593[%swap3A_594] {strides = array<i32>} : memref<128xi32, #tpu.memory_space<vmem>>, vector<16xi32>,
    %swap3A_596 = vector.shape_cast %swap3A_595 : vector<16xi32> to vector<16xi32>
    %swap3A_597 = vector.shape_cast %add3A_584 : vector<16xi32> to vector<16xi32>
    tpu.vector_store %swap3A_593[%swap3A_594], %swap3A_597 {strides = array<i32>} : memref<128xi32, #tpu.memory_space<vmem>>, vector<16xi32>,
    %get3A_598 = arith.constant 0 : i32
    %get3A_599 = arith.constant 2 : i32
    %get3A_600 = arith.constant 0 : i32
    %get3A_601 = arith.constant 0 : i32
    %get3A_602 = tpu.memref_slice %arg5[%get3A_598, %get3A_600, %get3A_601] : memref<2x4x128xi32, #tpu.memory_space<vmem>> -> memref<1x4x128xi32, #tpu.memory_space<vmem>>
    %get3A_603 = tpu.memref_squeeze %get3A_602 : memref<1x4x128xi32, #tpu.memory_space<vmem>> -> memref<4x128xi32, #tpu.memory_space<vmem>>
    %get3A_604 = arith.constant 0 : i32
    %get3A_605 = tpu.memref_slice %get3A_603[%get3A_599, %get3A_604] : memref<4x128xi32, #tpu.memory_space<vmem>> -> memref<1x128xi32, #tpu.memory_space<vmem>>
    %get3A_606 = tpu.memref_squeeze %get3A_605 : memref<1x128xi32, #tpu.memory_space<vmem>> -> memref<128xi32, #tpu.memory_space<vmem>>
    %get3A_607 = arith.constant 64 : index
    %get3A_608 = tpu.vector_load %get3A_606[%get3A_607] {strides = array<i32>} : memref<128xi32, #tpu.memory_space<vmem>>, vector<16xi32>,
    %get3A_609 = vector.shape_cast %get3A_608 : vector<16xi32> to vector<16xi32>
    %add3A_610 = vector.broadcast %mul3A_13 : i32 to vector<16xi32>
    %add3A_611 = arith.addi %get3A_609, %add3A_610 : vector<16xi32>
    %swap3A_612 = arith.constant 0 : i32
    %swap3A_613 = arith.constant 2 : i32
    %swap3A_614 = arith.constant 0 : i32
    %swap3A_615 = arith.constant 0 : i32
    %swap3A_616 = tpu.memref_slice %arg5[%swap3A_612, %swap3A_614, %swap3A_615] : memref<2x4x128xi32, #tpu.memory_space<vmem>> -> memref<1x4x128xi32, #tpu.memory_space<vmem>>
    %swap3A_617 = tpu.memref_squeeze %swap3A_616 : memref<1x4x128xi32, #tpu.memory_space<vmem>> -> memref<4x128xi32, #tpu.memory_space<vmem>>
    %swap3A_618 = arith.constant 0 : i32
    %swap3A_619 = tpu.memref_slice %swap3A_617[%swap3A_613, %swap3A_618] : memref<4x128xi32, #tpu.memory_space<vmem>> -> memref<1x128xi32, #tpu.memory_space<vmem>>
    %swap3A_620 = tpu.memref_squeeze %swap3A_619 : memref<1x128xi32, #tpu.memory_space<vmem>> -> memref<128xi32, #tpu.memory_space<vmem>>
    %swap3A_621 = arith.constant 64 : index
    %swap3A_622 = tpu.vector_load %swap3A_620[%swap3A_621] {strides = array<i32>} : memref<128xi32, #tpu.memory_space<vmem>>, vector<16xi32>,
    %swap3A_623 = vector.shape_cast %swap3A_622 : vector<16xi32> to vector<16xi32>
    %swap3A_624 = vector.shape_cast %add3A_611 : vector<16xi32> to vector<16xi32>
    tpu.vector_store %swap3A_620[%swap3A_621], %swap3A_624 {strides = array<i32>} : memref<128xi32, #tpu.memory_space<vmem>>, vector<16xi32>,
    %get3A_625 = arith.constant 0 : i32
    %get3A_626 = arith.constant 2 : i32
    %get3A_627 = arith.constant 0 : i32
    %get3A_628 = arith.constant 0 : i32
    %get3A_629 = tpu.memref_slice %arg5[%get3A_625, %get3A_627, %get3A_628] : memref<2x4x128xi32, #tpu.memory_space<vmem>> -> memref<1x4x128xi32, #tpu.memory_space<vmem>>
    %get3A_630 = tpu.memref_squeeze %get3A_629 : memref<1x4x128xi32, #tpu.memory_space<vmem>> -> memref<4x128xi32, #tpu.memory_space<vmem>>
    %get3A_631 = arith.constant 0 : i32
    %get3A_632 = tpu.memref_slice %get3A_630[%get3A_626, %get3A_631] : memref<4x128xi32, #tpu.memory_space<vmem>> -> memref<1x128xi32, #tpu.memory_space<vmem>>
    %get3A_633 = tpu.memref_squeeze %get3A_632 : memref<1x128xi32, #tpu.memory_space<vmem>> -> memref<128xi32, #tpu.memory_space<vmem>>
    %get3A_634 = arith.constant 80 : index
    %get3A_635 = tpu.vector_load %get3A_633[%get3A_634] {strides = array<i32>} : memref<128xi32, #tpu.memory_space<vmem>>, vector<16xi32>,
    %get3A_636 = vector.shape_cast %get3A_635 : vector<16xi32> to vector<16xi32>
    %add3A_637 = vector.broadcast %mul3A_13 : i32 to vector<16xi32>
    %add3A_638 = arith.addi %get3A_636, %add3A_637 : vector<16xi32>
    %swap3A_639 = arith.constant 0 : i32
    %swap3A_640 = arith.constant 2 : i32
    %swap3A_641 = arith.constant 0 : i32
    %swap3A_642 = arith.constant 0 : i32
    %swap3A_643 = tpu.memref_slice %arg5[%swap3A_639, %swap3A_641, %swap3A_642] : memref<2x4x128xi32, #tpu.memory_space<vmem>> -> memref<1x4x128xi32, #tpu.memory_space<vmem>>
    %swap3A_644 = tpu.memref_squeeze %swap3A_643 : memref<1x4x128xi32, #tpu.memory_space<vmem>> -> memref<4x128xi32, #tpu.memory_space<vmem>>
    %swap3A_645 = arith.constant 0 : i32
    %swap3A_646 = tpu.memref_slice %swap3A_644[%swap3A_640, %swap3A_645] : memref<4x128xi32, #tpu.memory_space<vmem>> -> memref<1x128xi32, #tpu.memory_space<vmem>>
    %swap3A_647 = tpu.memref_squeeze %swap3A_646 : memref<1x128xi32, #tpu.memory_space<vmem>> -> memref<128xi32, #tpu.memory_space<vmem>>
    %swap3A_648 = arith.constant 80 : index
    %swap3A_649 = tpu.vector_load %swap3A_647[%swap3A_648] {strides = array<i32>} : memref<128xi32, #tpu.memory_space<vmem>>, vector<16xi32>,
    %swap3A_650 = vector.shape_cast %swap3A_649 : vector<16xi32> to vector<16xi32>
    %swap3A_651 = vector.shape_cast %add3A_638 : vector<16xi32> to vector<16xi32>
    tpu.vector_store %swap3A_647[%swap3A_648], %swap3A_651 {strides = array<i32>} : memref<128xi32, #tpu.memory_space<vmem>>, vector<16xi32>,
    %get3A_652 = arith.constant 0 : i32
    %get3A_653 = arith.constant 2 : i32
    %get3A_654 = arith.constant 0 : i32
    %get3A_655 = arith.constant 0 : i32
    %get3A_656 = tpu.memref_slice %arg5[%get3A_652, %get3A_654, %get3A_655] : memref<2x4x128xi32, #tpu.memory_space<vmem>> -> memref<1x4x128xi32, #tpu.memory_space<vmem>>
    %get3A_657 = tpu.memref_squeeze %get3A_656 : memref<1x4x128xi32, #tpu.memory_space<vmem>> -> memref<4x128xi32, #tpu.memory_space<vmem>>
    %get3A_658 = arith.constant 0 : i32
    %get3A_659 = tpu.memref_slice %get3A_657[%get3A_653, %get3A_658] : memref<4x128xi32, #tpu.memory_space<vmem>> -> memref<1x128xi32, #tpu.memory_space<vmem>>
    %get3A_660 = tpu.memref_squeeze %get3A_659 : memref<1x128xi32, #tpu.memory_space<vmem>> -> memref<128xi32, #tpu.memory_space<vmem>>
    %get3A_661 = arith.constant 96 : index
    %get3A_662 = tpu.vector_load %get3A_660[%get3A_661] {strides = array<i32>} : memref<128xi32, #tpu.memory_space<vmem>>, vector<16xi32>,
    %get3A_663 = vector.shape_cast %get3A_662 : vector<16xi32> to vector<16xi32>
    %add3A_664 = vector.broadcast %mul3A_13 : i32 to vector<16xi32>
    %add3A_665 = arith.addi %get3A_663, %add3A_664 : vector<16xi32>
    %swap3A_666 = arith.constant 0 : i32
    %swap3A_667 = arith.constant 2 : i32
    %swap3A_668 = arith.constant 0 : i32
    %swap3A_669 = arith.constant 0 : i32
    %swap3A_670 = tpu.memref_slice %arg5[%swap3A_666, %swap3A_668, %swap3A_669] : memref<2x4x128xi32, #tpu.memory_space<vmem>> -> memref<1x4x128xi32, #tpu.memory_space<vmem>>
    %swap3A_671 = tpu.memref_squeeze %swap3A_670 : memref<1x4x128xi32, #tpu.memory_space<vmem>> -> memref<4x128xi32, #tpu.memory_space<vmem>>
    %swap3A_672 = arith.constant 0 : i32
    %swap3A_673 = tpu.memref_slice %swap3A_671[%swap3A_667, %swap3A_672] : memref<4x128xi32, #tpu.memory_space<vmem>> -> memref<1x128xi32, #tpu.memory_space<vmem>>
    %swap3A_674 = tpu.memref_squeeze %swap3A_673 : memref<1x128xi32, #tpu.memory_space<vmem>> -> memref<128xi32, #tpu.memory_space<vmem>>
    %swap3A_675 = arith.constant 96 : index
    %swap3A_676 = tpu.vector_load %swap3A_674[%swap3A_675] {strides = array<i32>} : memref<128xi32, #tpu.memory_space<vmem>>, vector<16xi32>,
    %swap3A_677 = vector.shape_cast %swap3A_676 : vector<16xi32> to vector<16xi32>
    %swap3A_678 = vector.shape_cast %add3A_665 : vector<16xi32> to vector<16xi32>
    tpu.vector_store %swap3A_674[%swap3A_675], %swap3A_678 {strides = array<i32>} : memref<128xi32, #tpu.memory_space<vmem>>, vector<16xi32>,
    %get3A_679 = arith.constant 0 : i32
    %get3A_680 = arith.constant 2 : i32
    %get3A_681 = arith.constant 0 : i32
    %get3A_682 = arith.constant 0 : i32
    %get3A_683 = tpu.memref_slice %arg5[%get3A_679, %get3A_681, %get3A_682] : memref<2x4x128xi32, #tpu.memory_space<vmem>> -> memref<1x4x128xi32, #tpu.memory_space<vmem>>
    %get3A_684 = tpu.memref_squeeze %get3A_683 : memref<1x4x128xi32, #tpu.memory_space<vmem>> -> memref<4x128xi32, #tpu.memory_space<vmem>>
    %get3A_685 = arith.constant 0 : i32
    %get3A_686 = tpu.memref_slice %get3A_684[%get3A_680, %get3A_685] : memref<4x128xi32, #tpu.memory_space<vmem>> -> memref<1x128xi32, #tpu.memory_space<vmem>>
    %get3A_687 = tpu.memref_squeeze %get3A_686 : memref<1x128xi32, #tpu.memory_space<vmem>> -> memref<128xi32, #tpu.memory_space<vmem>>
    %get3A_688 = arith.constant 112 : index
    %get3A_689 = tpu.vector_load %get3A_687[%get3A_688] {strides = array<i32>} : memref<128xi32, #tpu.memory_space<vmem>>, vector<16xi32>,
    %get3A_690 = vector.shape_cast %get3A_689 : vector<16xi32> to vector<16xi32>
    %add3A_691 = vector.broadcast %mul3A_13 : i32 to vector<16xi32>
    %add3A_692 = arith.addi %get3A_690, %add3A_691 : vector<16xi32>
    %swap3A_693 = arith.constant 0 : i32
    %swap3A_694 = arith.constant 2 : i32
    %swap3A_695 = arith.constant 0 : i32
    %swap3A_696 = arith.constant 0 : i32
    %swap3A_697 = tpu.memref_slice %arg5[%swap3A_693, %swap3A_695, %swap3A_696] : memref<2x4x128xi32, #tpu.memory_space<vmem>> -> memref<1x4x128xi32, #tpu.memory_space<vmem>>
    %swap3A_698 = tpu.memref_squeeze %swap3A_697 : memref<1x4x128xi32, #tpu.memory_space<vmem>> -> memref<4x128xi32, #tpu.memory_space<vmem>>
    %swap3A_699 = arith.constant 0 : i32
    %swap3A_700 = tpu.memref_slice %swap3A_698[%swap3A_694, %swap3A_699] : memref<4x128xi32, #tpu.memory_space<vmem>> -> memref<1x128xi32, #tpu.memory_space<vmem>>
    %swap3A_701 = tpu.memref_squeeze %swap3A_700 : memref<1x128xi32, #tpu.memory_space<vmem>> -> memref<128xi32, #tpu.memory_space<vmem>>
    %swap3A_702 = arith.constant 112 : index
    %swap3A_703 = tpu.vector_load %swap3A_701[%swap3A_702] {strides = array<i32>} : memref<128xi32, #tpu.memory_space<vmem>>, vector<16xi32>,
    %swap3A_704 = vector.shape_cast %swap3A_703 : vector<16xi32> to vector<16xi32>
    %swap3A_705 = vector.shape_cast %add3A_692 : vector<16xi32> to vector<16xi32>
    tpu.vector_store %swap3A_701[%swap3A_702], %swap3A_705 {strides = array<i32>} : memref<128xi32, #tpu.memory_space<vmem>>, vector<16xi32>,
    %get3A_706 = arith.constant 0 : i32
    %get3A_707 = arith.constant 3 : i32
    %get3A_708 = arith.constant 0 : i32
    %get3A_709 = arith.constant 0 : i32
    %get3A_710 = tpu.memref_slice %arg5[%get3A_706, %get3A_708, %get3A_709] : memref<2x4x128xi32, #tpu.memory_space<vmem>> -> memref<1x4x128xi32, #tpu.memory_space<vmem>>
    %get3A_711 = tpu.memref_squeeze %get3A_710 : memref<1x4x128xi32, #tpu.memory_space<vmem>> -> memref<4x128xi32, #tpu.memory_space<vmem>>
    %get3A_712 = arith.constant 0 : i32
    %get3A_713 = tpu.memref_slice %get3A_711[%get3A_707, %get3A_712] : memref<4x128xi32, #tpu.memory_space<vmem>> -> memref<1x128xi32, #tpu.memory_space<vmem>>
    %get3A_714 = tpu.memref_squeeze %get3A_713 : memref<1x128xi32, #tpu.memory_space<vmem>> -> memref<128xi32, #tpu.memory_space<vmem>>
    %get3A_715 = arith.constant 0 : index
    %get3A_716 = tpu.vector_load %get3A_714[%get3A_715] {strides = array<i32>} : memref<128xi32, #tpu.memory_space<vmem>>, vector<16xi32>,
    %get3A_717 = vector.shape_cast %get3A_716 : vector<16xi32> to vector<16xi32>
    %add3A_718 = vector.broadcast %mul3A_13 : i32 to vector<16xi32>
    %add3A_719 = arith.addi %get3A_717, %add3A_718 : vector<16xi32>
    %swap3A_720 = arith.constant 0 : i32
    %swap3A_721 = arith.constant 3 : i32
    %swap3A_722 = arith.constant 0 : i32
    %swap3A_723 = arith.constant 0 : i32
    %swap3A_724 = tpu.memref_slice %arg5[%swap3A_720, %swap3A_722, %swap3A_723] : memref<2x4x128xi32, #tpu.memory_space<vmem>> -> memref<1x4x128xi32, #tpu.memory_space<vmem>>
    %swap3A_725 = tpu.memref_squeeze %swap3A_724 : memref<1x4x128xi32, #tpu.memory_space<vmem>> -> memref<4x128xi32, #tpu.memory_space<vmem>>
    %swap3A_726 = arith.constant 0 : i32
    %swap3A_727 = tpu.memref_slice %swap3A_725[%swap3A_721, %swap3A_726] : memref<4x128xi32, #tpu.memory_space<vmem>> -> memref<1x128xi32, #tpu.memory_space<vmem>>
    %swap3A_728 = tpu.memref_squeeze %swap3A_727 : memref<1x128xi32, #tpu.memory_space<vmem>> -> memref<128xi32, #tpu.memory_space<vmem>>
    %swap3A_729 = arith.constant 0 : index
    %swap3A_730 = tpu.vector_load %swap3A_728[%swap3A_729] {strides = array<i32>} : memref<128xi32, #tpu.memory_space<vmem>>, vector<16xi32>,
    %swap3A_731 = vector.shape_cast %swap3A_730 : vector<16xi32> to vector<16xi32>
    %swap3A_732 = vector.shape_cast %add3A_719 : vector<16xi32> to vector<16xi32>
    tpu.vector_store %swap3A_728[%swap3A_729], %swap3A_732 {strides = array<i32>} : memref<128xi32, #tpu.memory_space<vmem>>, vector<16xi32>,
    %get3A_733 = arith.constant 0 : i32
    %get3A_734 = arith.constant 3 : i32
    %get3A_735 = arith.constant 0 : i32
    %get3A_736 = arith.constant 0 : i32
    %get3A_737 = tpu.memref_slice %arg5[%get3A_733, %get3A_735, %get3A_736] : memref<2x4x128xi32, #tpu.memory_space<vmem>> -> memref<1x4x128xi32, #tpu.memory_space<vmem>>
    %get3A_738 = tpu.memref_squeeze %get3A_737 : memref<1x4x128xi32, #tpu.memory_space<vmem>> -> memref<4x128xi32, #tpu.memory_space<vmem>>
    %get3A_739 = arith.constant 0 : i32
    %get3A_740 = tpu.memref_slice %get3A_738[%get3A_734, %get3A_739] : memref<4x128xi32, #tpu.memory_space<vmem>> -> memref<1x128xi32, #tpu.memory_space<vmem>>
    %get3A_741 = tpu.memref_squeeze %get3A_740 : memref<1x128xi32, #tpu.memory_space<vmem>> -> memref<128xi32, #tpu.memory_space<vmem>>
    %get3A_742 = arith.constant 16 : index
    %get3A_743 = tpu.vector_load %get3A_741[%get3A_742] {strides = array<i32>} : memref<128xi32, #tpu.memory_space<vmem>>, vector<16xi32>,
    %get3A_744 = vector.shape_cast %get3A_743 : vector<16xi32> to vector<16xi32>
    %add3A_745 = vector.broadcast %mul3A_13 : i32 to vector<16xi32>
    %add3A_746 = arith.addi %get3A_744, %add3A_745 : vector<16xi32>
    %swap3A_747 = arith.constant 0 : i32
    %swap3A_748 = arith.constant 3 : i32
    %swap3A_749 = arith.constant 0 : i32
    %swap3A_750 = arith.constant 0 : i32
    %swap3A_751 = tpu.memref_slice %arg5[%swap3A_747, %swap3A_749, %swap3A_750] : memref<2x4x128xi32, #tpu.memory_space<vmem>> -> memref<1x4x128xi32, #tpu.memory_space<vmem>>
    %swap3A_752 = tpu.memref_squeeze %swap3A_751 : memref<1x4x128xi32, #tpu.memory_space<vmem>> -> memref<4x128xi32, #tpu.memory_space<vmem>>
    %swap3A_753 = arith.constant 0 : i32
    %swap3A_754 = tpu.memref_slice %swap3A_752[%swap3A_748, %swap3A_753] : memref<4x128xi32, #tpu.memory_space<vmem>> -> memref<1x128xi32, #tpu.memory_space<vmem>>
    %swap3A_755 = tpu.memref_squeeze %swap3A_754 : memref<1x128xi32, #tpu.memory_space<vmem>> -> memref<128xi32, #tpu.memory_space<vmem>>
    %swap3A_756 = arith.constant 16 : index
    %swap3A_757 = tpu.vector_load %swap3A_755[%swap3A_756] {strides = array<i32>} : memref<128xi32, #tpu.memory_space<vmem>>, vector<16xi32>,
    %swap3A_758 = vector.shape_cast %swap3A_757 : vector<16xi32> to vector<16xi32>
    %swap3A_759 = vector.shape_cast %add3A_746 : vector<16xi32> to vector<16xi32>
    tpu.vector_store %swap3A_755[%swap3A_756], %swap3A_759 {strides = array<i32>} : memref<128xi32, #tpu.memory_space<vmem>>, vector<16xi32>,
    %get3A_760 = arith.constant 0 : i32
    %get3A_761 = arith.constant 3 : i32
    %get3A_762 = arith.constant 0 : i32
    %get3A_763 = arith.constant 0 : i32
    %get3A_764 = tpu.memref_slice %arg5[%get3A_760, %get3A_762, %get3A_763] : memref<2x4x128xi32, #tpu.memory_space<vmem>> -> memref<1x4x128xi32, #tpu.memory_space<vmem>>
    %get3A_765 = tpu.memref_squeeze %get3A_764 : memref<1x4x128xi32, #tpu.memory_space<vmem>> -> memref<4x128xi32, #tpu.memory_space<vmem>>
    %get3A_766 = arith.constant 0 : i32
    %get3A_767 = tpu.memref_slice %get3A_765[%get3A_761, %get3A_766] : memref<4x128xi32, #tpu.memory_space<vmem>> -> memref<1x128xi32, #tpu.memory_space<vmem>>
    %get3A_768 = tpu.memref_squeeze %get3A_767 : memref<1x128xi32, #tpu.memory_space<vmem>> -> memref<128xi32, #tpu.memory_space<vmem>>
    %get3A_769 = arith.constant 32 : index
    %get3A_770 = tpu.vector_load %get3A_768[%get3A_769] {strides = array<i32>} : memref<128xi32, #tpu.memory_space<vmem>>, vector<16xi32>,
    %get3A_771 = vector.shape_cast %get3A_770 : vector<16xi32> to vector<16xi32>
    %add3A_772 = vector.broadcast %mul3A_13 : i32 to vector<16xi32>
    %add3A_773 = arith.addi %get3A_771, %add3A_772 : vector<16xi32>
    %swap3A_774 = arith.constant 0 : i32
    %swap3A_775 = arith.constant 3 : i32
    %swap3A_776 = arith.constant 0 : i32
    %swap3A_777 = arith.constant 0 : i32
    %swap3A_778 = tpu.memref_slice %arg5[%swap3A_774, %swap3A_776, %swap3A_777] : memref<2x4x128xi32, #tpu.memory_space<vmem>> -> memref<1x4x128xi32, #tpu.memory_space<vmem>>
    %swap3A_779 = tpu.memref_squeeze %swap3A_778 : memref<1x4x128xi32, #tpu.memory_space<vmem>> -> memref<4x128xi32, #tpu.memory_space<vmem>>
    %swap3A_780 = arith.constant 0 : i32
    %swap3A_781 = tpu.memref_slice %swap3A_779[%swap3A_775, %swap3A_780] : memref<4x128xi32, #tpu.memory_space<vmem>> -> memref<1x128xi32, #tpu.memory_space<vmem>>
    %swap3A_782 = tpu.memref_squeeze %swap3A_781 : memref<1x128xi32, #tpu.memory_space<vmem>> -> memref<128xi32, #tpu.memory_space<vmem>>
    %swap3A_783 = arith.constant 32 : index
    %swap3A_784 = tpu.vector_load %swap3A_782[%swap3A_783] {strides = array<i32>} : memref<128xi32, #tpu.memory_space<vmem>>, vector<16xi32>,
    %swap3A_785 = vector.shape_cast %swap3A_784 : vector<16xi32> to vector<16xi32>
    %swap3A_786 = vector.shape_cast %add3A_773 : vector<16xi32> to vector<16xi32>
    tpu.vector_store %swap3A_782[%swap3A_783], %swap3A_786 {strides = array<i32>} : memref<128xi32, #tpu.memory_space<vmem>>, vector<16xi32>,
    %get3A_787 = arith.constant 0 : i32
    %get3A_788 = arith.constant 3 : i32
    %get3A_789 = arith.constant 0 : i32
    %get3A_790 = arith.constant 0 : i32
    %get3A_791 = tpu.memref_slice %arg5[%get3A_787, %get3A_789, %get3A_790] : memref<2x4x128xi32, #tpu.memory_space<vmem>> -> memref<1x4x128xi32, #tpu.memory_space<vmem>>
    %get3A_792 = tpu.memref_squeeze %get3A_791 : memref<1x4x128xi32, #tpu.memory_space<vmem>> -> memref<4x128xi32, #tpu.memory_space<vmem>>
    %get3A_793 = arith.constant 0 : i32
    %get3A_794 = tpu.memref_slice %get3A_792[%get3A_788, %get3A_793] : memref<4x128xi32, #tpu.memory_space<vmem>> -> memref<1x128xi32, #tpu.memory_space<vmem>>
    %get3A_795 = tpu.memref_squeeze %get3A_794 : memref<1x128xi32, #tpu.memory_space<vmem>> -> memref<128xi32, #tpu.memory_space<vmem>>
    %get3A_796 = arith.constant 48 : index
    %get3A_797 = tpu.vector_load %get3A_795[%get3A_796] {strides = array<i32>} : memref<128xi32, #tpu.memory_space<vmem>>, vector<16xi32>,
    %get3A_798 = vector.shape_cast %get3A_797 : vector<16xi32> to vector<16xi32>
    %add3A_799 = vector.broadcast %mul3A_13 : i32 to vector<16xi32>
    %add3A_800 = arith.addi %get3A_798, %add3A_799 : vector<16xi32>
    %swap3A_801 = arith.constant 0 : i32
    %swap3A_802 = arith.constant 3 : i32
    %swap3A_803 = arith.constant 0 : i32
    %swap3A_804 = arith.constant 0 : i32
    %swap3A_805 = tpu.memref_slice %arg5[%swap3A_801, %swap3A_803, %swap3A_804] : memref<2x4x128xi32, #tpu.memory_space<vmem>> -> memref<1x4x128xi32, #tpu.memory_space<vmem>>
    %swap3A_806 = tpu.memref_squeeze %swap3A_805 : memref<1x4x128xi32, #tpu.memory_space<vmem>> -> memref<4x128xi32, #tpu.memory_space<vmem>>
    %swap3A_807 = arith.constant 0 : i32
    %swap3A_808 = tpu.memref_slice %swap3A_806[%swap3A_802, %swap3A_807] : memref<4x128xi32, #tpu.memory_space<vmem>> -> memref<1x128xi32, #tpu.memory_space<vmem>>
    %swap3A_809 = tpu.memref_squeeze %swap3A_808 : memref<1x128xi32, #tpu.memory_space<vmem>> -> memref<128xi32, #tpu.memory_space<vmem>>
    %swap3A_810 = arith.constant 48 : index
    %swap3A_811 = tpu.vector_load %swap3A_809[%swap3A_810] {strides = array<i32>} : memref<128xi32, #tpu.memory_space<vmem>>, vector<16xi32>,
    %swap3A_812 = vector.shape_cast %swap3A_811 : vector<16xi32> to vector<16xi32>
    %swap3A_813 = vector.shape_cast %add3A_800 : vector<16xi32> to vector<16xi32>
    tpu.vector_store %swap3A_809[%swap3A_810], %swap3A_813 {strides = array<i32>} : memref<128xi32, #tpu.memory_space<vmem>>, vector<16xi32>,
    %get3A_814 = arith.constant 0 : i32
    %get3A_815 = arith.constant 3 : i32
    %get3A_816 = arith.constant 0 : i32
    %get3A_817 = arith.constant 0 : i32
    %get3A_818 = tpu.memref_slice %arg5[%get3A_814, %get3A_816, %get3A_817] : memref<2x4x128xi32, #tpu.memory_space<vmem>> -> memref<1x4x128xi32, #tpu.memory_space<vmem>>
    %get3A_819 = tpu.memref_squeeze %get3A_818 : memref<1x4x128xi32, #tpu.memory_space<vmem>> -> memref<4x128xi32, #tpu.memory_space<vmem>>
    %get3A_820 = arith.constant 0 : i32
    %get3A_821 = tpu.memref_slice %get3A_819[%get3A_815, %get3A_820] : memref<4x128xi32, #tpu.memory_space<vmem>> -> memref<1x128xi32, #tpu.memory_space<vmem>>
    %get3A_822 = tpu.memref_squeeze %get3A_821 : memref<1x128xi32, #tpu.memory_space<vmem>> -> memref<128xi32, #tpu.memory_space<vmem>>
    %get3A_823 = arith.constant 64 : index
    %get3A_824 = tpu.vector_load %get3A_822[%get3A_823] {strides = array<i32>} : memref<128xi32, #tpu.memory_space<vmem>>, vector<16xi32>,
    %get3A_825 = vector.shape_cast %get3A_824 : vector<16xi32> to vector<16xi32>
    %add3A_826 = vector.broadcast %mul3A_13 : i32 to vector<16xi32>
    %add3A_827 = arith.addi %get3A_825, %add3A_826 : vector<16xi32>
    %swap3A_828 = arith.constant 0 : i32
    %swap3A_829 = arith.constant 3 : i32
    %swap3A_830 = arith.constant 0 : i32
    %swap3A_831 = arith.constant 0 : i32
    %swap3A_832 = tpu.memref_slice %arg5[%swap3A_828, %swap3A_830, %swap3A_831] : memref<2x4x128xi32, #tpu.memory_space<vmem>> -> memref<1x4x128xi32, #tpu.memory_space<vmem>>
    %swap3A_833 = tpu.memref_squeeze %swap3A_832 : memref<1x4x128xi32, #tpu.memory_space<vmem>> -> memref<4x128xi32, #tpu.memory_space<vmem>>
    %swap3A_834 = arith.constant 0 : i32
    %swap3A_835 = tpu.memref_slice %swap3A_833[%swap3A_829, %swap3A_834] : memref<4x128xi32, #tpu.memory_space<vmem>> -> memref<1x128xi32, #tpu.memory_space<vmem>>
    %swap3A_836 = tpu.memref_squeeze %swap3A_835 : memref<1x128xi32, #tpu.memory_space<vmem>> -> memref<128xi32, #tpu.memory_space<vmem>>
    %swap3A_837 = arith.constant 64 : index
    %swap3A_838 = tpu.vector_load %swap3A_836[%swap3A_837] {strides = array<i32>} : memref<128xi32, #tpu.memory_space<vmem>>, vector<16xi32>,
    %swap3A_839 = vector.shape_cast %swap3A_838 : vector<16xi32> to vector<16xi32>
    %swap3A_840 = vector.shape_cast %add3A_827 : vector<16xi32> to vector<16xi32>
    tpu.vector_store %swap3A_836[%swap3A_837], %swap3A_840 {strides = array<i32>} : memref<128xi32, #tpu.memory_space<vmem>>, vector<16xi32>,
    %get3A_841 = arith.constant 0 : i32
    %get3A_842 = arith.constant 3 : i32
    %get3A_843 = arith.constant 0 : i32
    %get3A_844 = arith.constant 0 : i32
    %get3A_845 = tpu.memref_slice %arg5[%get3A_841, %get3A_843, %get3A_844] : memref<2x4x128xi32, #tpu.memory_space<vmem>> -> memref<1x4x128xi32, #tpu.memory_space<vmem>>
    %get3A_846 = tpu.memref_squeeze %get3A_845 : memref<1x4x128xi32, #tpu.memory_space<vmem>> -> memref<4x128xi32, #tpu.memory_space<vmem>>
    %get3A_847 = arith.constant 0 : i32
    %get3A_848 = tpu.memref_slice %get3A_846[%get3A_842, %get3A_847] : memref<4x128xi32, #tpu.memory_space<vmem>> -> memref<1x128xi32, #tpu.memory_space<vmem>>
    %get3A_849 = tpu.memref_squeeze %get3A_848 : memref<1x128xi32, #tpu.memory_space<vmem>> -> memref<128xi32, #tpu.memory_space<vmem>>
    %get3A_850 = arith.constant 80 : index
    %get3A_851 = tpu.vector_load %get3A_849[%get3A_850] {strides = array<i32>} : memref<128xi32, #tpu.memory_space<vmem>>, vector<16xi32>,
    %get3A_852 = vector.shape_cast %get3A_851 : vector<16xi32> to vector<16xi32>
    %add3A_853 = vector.broadcast %mul3A_13 : i32 to vector<16xi32>
    %add3A_854 = arith.addi %get3A_852, %add3A_853 : vector<16xi32>
    %swap3A_855 = arith.constant 0 : i32
    %swap3A_856 = arith.constant 3 : i32
    %swap3A_857 = arith.constant 0 : i32
    %swap3A_858 = arith.constant 0 : i32
    %swap3A_859 = tpu.memref_slice %arg5[%swap3A_855, %swap3A_857, %swap3A_858] : memref<2x4x128xi32, #tpu.memory_space<vmem>> -> memref<1x4x128xi32, #tpu.memory_space<vmem>>
    %swap3A_860 = tpu.memref_squeeze %swap3A_859 : memref<1x4x128xi32, #tpu.memory_space<vmem>> -> memref<4x128xi32, #tpu.memory_space<vmem>>
    %swap3A_861 = arith.constant 0 : i32
    %swap3A_862 = tpu.memref_slice %swap3A_860[%swap3A_856, %swap3A_861] : memref<4x128xi32, #tpu.memory_space<vmem>> -> memref<1x128xi32, #tpu.memory_space<vmem>>
    %swap3A_863 = tpu.memref_squeeze %swap3A_862 : memref<1x128xi32, #tpu.memory_space<vmem>> -> memref<128xi32, #tpu.memory_space<vmem>>
    %swap3A_864 = arith.constant 80 : index
    %swap3A_865 = tpu.vector_load %swap3A_863[%swap3A_864] {strides = array<i32>} : memref<128xi32, #tpu.memory_space<vmem>>, vector<16xi32>,
    %swap3A_866 = vector.shape_cast %swap3A_865 : vector<16xi32> to vector<16xi32>
    %swap3A_867 = vector.shape_cast %add3A_854 : vector<16xi32> to vector<16xi32>
    tpu.vector_store %swap3A_863[%swap3A_864], %swap3A_867 {strides = array<i32>} : memref<128xi32, #tpu.memory_space<vmem>>, vector<16xi32>,
    %get3A_868 = arith.constant 0 : i32
    %get3A_869 = arith.constant 3 : i32
    %get3A_870 = arith.constant 0 : i32
    %get3A_871 = arith.constant 0 : i32
    %get3A_872 = tpu.memref_slice %arg5[%get3A_868, %get3A_870, %get3A_871] : memref<2x4x128xi32, #tpu.memory_space<vmem>> -> memref<1x4x128xi32, #tpu.memory_space<vmem>>
    %get3A_873 = tpu.memref_squeeze %get3A_872 : memref<1x4x128xi32, #tpu.memory_space<vmem>> -> memref<4x128xi32, #tpu.memory_space<vmem>>
    %get3A_874 = arith.constant 0 : i32
    %get3A_875 = tpu.memref_slice %get3A_873[%get3A_869, %get3A_874] : memref<4x128xi32, #tpu.memory_space<vmem>> -> memref<1x128xi32, #tpu.memory_space<vmem>>
    %get3A_876 = tpu.memref_squeeze %get3A_875 : memref<1x128xi32, #tpu.memory_space<vmem>> -> memref<128xi32, #tpu.memory_space<vmem>>
    %get3A_877 = arith.constant 96 : index
    %get3A_878 = tpu.vector_load %get3A_876[%get3A_877] {strides = array<i32>} : memref<128xi32, #tpu.memory_space<vmem>>, vector<16xi32>,
    %get3A_879 = vector.shape_cast %get3A_878 : vector<16xi32> to vector<16xi32>
    %add3A_880 = vector.broadcast %mul3A_13 : i32 to vector<16xi32>
    %add3A_881 = arith.addi %get3A_879, %add3A_880 : vector<16xi32>
    %swap3A_882 = arith.constant 0 : i32
    %swap3A_883 = arith.constant 3 : i32
    %swap3A_884 = arith.constant 0 : i32
    %swap3A_885 = arith.constant 0 : i32
    %swap3A_886 = tpu.memref_slice %arg5[%swap3A_882, %swap3A_884, %swap3A_885] : memref<2x4x128xi32, #tpu.memory_space<vmem>> -> memref<1x4x128xi32, #tpu.memory_space<vmem>>
    %swap3A_887 = tpu.memref_squeeze %swap3A_886 : memref<1x4x128xi32, #tpu.memory_space<vmem>> -> memref<4x128xi32, #tpu.memory_space<vmem>>
    %swap3A_888 = arith.constant 0 : i32
    %swap3A_889 = tpu.memref_slice %swap3A_887[%swap3A_883, %swap3A_888] : memref<4x128xi32, #tpu.memory_space<vmem>> -> memref<1x128xi32, #tpu.memory_space<vmem>>
    %swap3A_890 = tpu.memref_squeeze %swap3A_889 : memref<1x128xi32, #tpu.memory_space<vmem>> -> memref<128xi32, #tpu.memory_space<vmem>>
    %swap3A_891 = arith.constant 96 : index
    %swap3A_892 = tpu.vector_load %swap3A_890[%swap3A_891] {strides = array<i32>} : memref<128xi32, #tpu.memory_space<vmem>>, vector<16xi32>,
    %swap3A_893 = vector.shape_cast %swap3A_892 : vector<16xi32> to vector<16xi32>
    %swap3A_894 = vector.shape_cast %add3A_881 : vector<16xi32> to vector<16xi32>
    tpu.vector_store %swap3A_890[%swap3A_891], %swap3A_894 {strides = array<i32>} : memref<128xi32, #tpu.memory_space<vmem>>, vector<16xi32>,
    %get3A_895 = arith.constant 0 : i32
    %get3A_896 = arith.constant 3 : i32
    %get3A_897 = arith.constant 0 : i32
    %get3A_898 = arith.constant 0 : i32
    %get3A_899 = tpu.memref_slice %arg5[%get3A_895, %get3A_897, %get3A_898] : memref<2x4x128xi32, #tpu.memory_space<vmem>> -> memref<1x4x128xi32, #tpu.memory_space<vmem>>
    %get3A_900 = tpu.memref_squeeze %get3A_899 : memref<1x4x128xi32, #tpu.memory_space<vmem>> -> memref<4x128xi32, #tpu.memory_space<vmem>>
    %get3A_901 = arith.constant 0 : i32
    %get3A_902 = tpu.memref_slice %get3A_900[%get3A_896, %get3A_901] : memref<4x128xi32, #tpu.memory_space<vmem>> -> memref<1x128xi32, #tpu.memory_space<vmem>>
    %get3A_903 = tpu.memref_squeeze %get3A_902 : memref<1x128xi32, #tpu.memory_space<vmem>> -> memref<128xi32, #tpu.memory_space<vmem>>
    %get3A_904 = arith.constant 112 : index
    %get3A_905 = tpu.vector_load %get3A_903[%get3A_904] {strides = array<i32>} : memref<128xi32, #tpu.memory_space<vmem>>, vector<16xi32>,
    %get3A_906 = vector.shape_cast %get3A_905 : vector<16xi32> to vector<16xi32>
    %add3A_907 = vector.broadcast %mul3A_13 : i32 to vector<16xi32>
    %add3A_908 = arith.addi %get3A_906, %add3A_907 : vector<16xi32>
    %swap3A_909 = arith.constant 0 : i32
    %swap3A_910 = arith.constant 3 : i32
    %swap3A_911 = arith.constant 0 : i32
    %swap3A_912 = arith.constant 0 : i32
    %swap3A_913 = tpu.memref_slice %arg5[%swap3A_909, %swap3A_911, %swap3A_912] : memref<2x4x128xi32, #tpu.memory_space<vmem>> -> memref<1x4x128xi32, #tpu.memory_space<vmem>>
    %swap3A_914 = tpu.memref_squeeze %swap3A_913 : memref<1x4x128xi32, #tpu.memory_space<vmem>> -> memref<4x128xi32, #tpu.memory_space<vmem>>
    %swap3A_915 = arith.constant 0 : i32
    %swap3A_916 = tpu.memref_slice %swap3A_914[%swap3A_910, %swap3A_915] : memref<4x128xi32, #tpu.memory_space<vmem>> -> memref<1x128xi32, #tpu.memory_space<vmem>>
    %swap3A_917 = tpu.memref_squeeze %swap3A_916 : memref<1x128xi32, #tpu.memory_space<vmem>> -> memref<128xi32, #tpu.memory_space<vmem>>
    %swap3A_918 = arith.constant 112 : index
    %swap3A_919 = tpu.vector_load %swap3A_917[%swap3A_918] {strides = array<i32>} : memref<128xi32, #tpu.memory_space<vmem>>, vector<16xi32>,
    %swap3A_920 = vector.shape_cast %swap3A_919 : vector<16xi32> to vector<16xi32>
    %swap3A_921 = vector.shape_cast %add3A_908 : vector<16xi32> to vector<16xi32>
    tpu.vector_store %swap3A_917[%swap3A_918], %swap3A_921 {strides = array<i32>} : memref<128xi32, #tpu.memory_space<vmem>>, vector<16xi32>,
    %add3A_922 = arith.constant 0 : i32
    %add3A_923 = arith.addi %add3A_47, %add3A_922 : i32
    %mul3A_924 = arith.constant 128 : i32
    %mul3A_925 = arith.muli %add3A_923, %mul3A_924 : i32
    %dma_start3A_926 = arith.constant 0 : i32
    %dma_start3A_927 = arith.constant 0 : i32
    %dma_start3A_928 = arith.constant 0 : i32
    %dma_start3A_929 = arith.constant 0 : i32
    %dma_start3A_930 = arith.constant 0 : i32
    %dma_start3A_931 = tpu.memref_slice %arg6[%dma_start3A_928, %dma_start3A_929, %dma_start3A_930] : memref<4x128x128xf32, #tpu.memory_space<vmem>> -> memref<1x128x128xf32, #tpu.memory_space<vmem>>
    %dma_start3A_932 = tpu.memref_squeeze %dma_start3A_931 : memref<1x128x128xf32, #tpu.memory_space<vmem>> -> memref<128x128xf32, #tpu.memory_space<vmem>>
    %dma_start3A_933 = arith.constant 0 : i32
    %dma_start3A_934 = arith.constant 0 : i32
    %dma_start3A_935 = tpu.memref_slice %arg5[%dma_start3A_926, %dma_start3A_933, %dma_start3A_934] : memref<2x4x128xi32, #tpu.memory_space<vmem>> -> memref<1x4x128xi32, #tpu.memory_space<vmem>>
    %dma_start3A_936 = tpu.memref_squeeze %dma_start3A_935 : memref<1x4x128xi32, #tpu.memory_space<vmem>> -> memref<4x128xi32, #tpu.memory_space<vmem>>
    %dma_start3A_937 = arith.constant 0 : i32
    %dma_start3A_938 = tpu.memref_slice %dma_start3A_936[%dma_start3A_927, %dma_start3A_937] : memref<4x128xi32, #tpu.memory_space<vmem>> -> memref<1x128xi32, #tpu.memory_space<vmem>>
    %dma_start3A_939 = tpu.memref_squeeze %dma_start3A_938 : memref<1x128xi32, #tpu.memory_space<vmem>> -> memref<128xi32, #tpu.memory_space<vmem>>
    %dma_start3A_940 = arith.constant 0 : i32
    %dma_start3A_941 = arith.constant 0 : i32
    %dma_start3A_942 = tpu.memref_slice %arg3[%dma_start3A_940, %dma_start3A_941] : memref<32000x128xf32, #tpu.memory_space<hbm>> -> memref<32000x128xf32, #tpu.memory_space<hbm>>
    tpu.enqueue_indirect_dma source(%dma_start3A_942 : memref<32000x128xf32, #tpu.memory_space<hbm>>) target(%dma_start3A_932 : memref<128x128xf32, #tpu.memory_space<vmem>>) offsets(%dma_start3A_939 : memref<128xi32, #tpu.memory_space<vmem>>) semaphore(%arg7 : memref<!tpu.dma_semaphore, #tpu.memory_space<semaphore_mem>>)
    %add3A_943 = arith.constant 1 : i32
    %add3A_944 = arith.addi %add3A_47, %add3A_943 : i32
    %mul3A_945 = arith.constant 128 : i32
    %mul3A_946 = arith.muli %add3A_944, %mul3A_945 : i32
    %dma_start3A_947 = arith.constant 0 : i32
    %dma_start3A_948 = arith.constant 1 : i32
    %dma_start3A_949 = arith.constant 1 : i32
    %dma_start3A_950 = arith.constant 0 : i32
    %dma_start3A_951 = arith.constant 0 : i32
    %dma_start3A_952 = tpu.memref_slice %arg6[%dma_start3A_949, %dma_start3A_950, %dma_start3A_951] : memref<4x128x128xf32, #tpu.memory_space<vmem>> -> memref<1x128x128xf32, #tpu.memory_space<vmem>>
    %dma_start3A_953 = tpu.memref_squeeze %dma_start3A_952 : memref<1x128x128xf32, #tpu.memory_space<vmem>> -> memref<128x128xf32, #tpu.memory_space<vmem>>
    %dma_start3A_954 = arith.constant 0 : i32
    %dma_start3A_955 = arith.constant 0 : i32
    %dma_start3A_956 = tpu.memref_slice %arg5[%dma_start3A_947, %dma_start3A_954, %dma_start3A_955] : memref<2x4x128xi32, #tpu.memory_space<vmem>> -> memref<1x4x128xi32, #tpu.memory_space<vmem>>
    %dma_start3A_957 = tpu.memref_squeeze %dma_start3A_956 : memref<1x4x128xi32, #tpu.memory_space<vmem>> -> memref<4x128xi32, #tpu.memory_space<vmem>>
    %dma_start3A_958 = arith.constant 0 : i32
    %dma_start3A_959 = tpu.memref_slice %dma_start3A_957[%dma_start3A_948, %dma_start3A_958] : memref<4x128xi32, #tpu.memory_space<vmem>> -> memref<1x128xi32, #tpu.memory_space<vmem>>
    %dma_start3A_960 = tpu.memref_squeeze %dma_start3A_959 : memref<1x128xi32, #tpu.memory_space<vmem>> -> memref<128xi32, #tpu.memory_space<vmem>>
    %dma_start3A_961 = arith.constant 0 : i32
    %dma_start3A_962 = arith.constant 0 : i32
    %dma_start3A_963 = tpu.memref_slice %arg3[%dma_start3A_961, %dma_start3A_962] : memref<32000x128xf32, #tpu.memory_space<hbm>> -> memref<32000x128xf32, #tpu.memory_space<hbm>>
    tpu.enqueue_indirect_dma source(%dma_start3A_963 : memref<32000x128xf32, #tpu.memory_space<hbm>>) target(%dma_start3A_953 : memref<128x128xf32, #tpu.memory_space<vmem>>) offsets(%dma_start3A_960 : memref<128xi32, #tpu.memory_space<vmem>>) semaphore(%arg8 : memref<!tpu.dma_semaphore, #tpu.memory_space<semaphore_mem>>)
    %add3A_964 = arith.constant 2 : i32
    %add3A_965 = arith.addi %add3A_47, %add3A_964 : i32
    %mul3A_966 = arith.constant 128 : i32
    %mul3A_967 = arith.muli %add3A_965, %mul3A_966 : i32
    %dma_start3A_968 = arith.constant 0 : i32
    %dma_start3A_969 = arith.constant 2 : i32
    %dma_start3A_970 = arith.constant 2 : i32
    %dma_start3A_971 = arith.constant 0 : i32
    %dma_start3A_972 = arith.constant 0 : i32
    %dma_start3A_973 = tpu.memref_slice %arg6[%dma_start3A_970, %dma_start3A_971, %dma_start3A_972] : memref<4x128x128xf32, #tpu.memory_space<vmem>> -> memref<1x128x128xf32, #tpu.memory_space<vmem>>
    %dma_start3A_974 = tpu.memref_squeeze %dma_start3A_973 : memref<1x128x128xf32, #tpu.memory_space<vmem>> -> memref<128x128xf32, #tpu.memory_space<vmem>>
    %dma_start3A_975 = arith.constant 0 : i32
    %dma_start3A_976 = arith.constant 0 : i32
    %dma_start3A_977 = tpu.memref_slice %arg5[%dma_start3A_968, %dma_start3A_975, %dma_start3A_976] : memref<2x4x128xi32, #tpu.memory_space<vmem>> -> memref<1x4x128xi32, #tpu.memory_space<vmem>>
    %dma_start3A_978 = tpu.memref_squeeze %dma_start3A_977 : memref<1x4x128xi32, #tpu.memory_space<vmem>> -> memref<4x128xi32, #tpu.memory_space<vmem>>
    %dma_start3A_979 = arith.constant 0 : i32
    %dma_start3A_980 = tpu.memref_slice %dma_start3A_978[%dma_start3A_969, %dma_start3A_979] : memref<4x128xi32, #tpu.memory_space<vmem>> -> memref<1x128xi32, #tpu.memory_space<vmem>>
    %dma_start3A_981 = tpu.memref_squeeze %dma_start3A_980 : memref<1x128xi32, #tpu.memory_space<vmem>> -> memref<128xi32, #tpu.memory_space<vmem>>
    %dma_start3A_982 = arith.constant 0 : i32
    %dma_start3A_983 = arith.constant 0 : i32
    %dma_start3A_984 = tpu.memref_slice %arg3[%dma_start3A_982, %dma_start3A_983] : memref<32000x128xf32, #tpu.memory_space<hbm>> -> memref<32000x128xf32, #tpu.memory_space<hbm>>
    tpu.enqueue_indirect_dma source(%dma_start3A_984 : memref<32000x128xf32, #tpu.memory_space<hbm>>) target(%dma_start3A_974 : memref<128x128xf32, #tpu.memory_space<vmem>>) offsets(%dma_start3A_981 : memref<128xi32, #tpu.memory_space<vmem>>) semaphore(%arg9 : memref<!tpu.dma_semaphore, #tpu.memory_space<semaphore_mem>>)
    %add3A_985 = arith.constant 3 : i32
    %add3A_986 = arith.addi %add3A_47, %add3A_985 : i32
    %mul3A_987 = arith.constant 128 : i32
    %mul3A_988 = arith.muli %add3A_986, %mul3A_987 : i32
    %dma_start3A_989 = arith.constant 0 : i32
    %dma_start3A_990 = arith.constant 3 : i32
    %dma_start3A_991 = arith.constant 3 : i32
    %dma_start3A_992 = arith.constant 0 : i32
    %dma_start3A_993 = arith.constant 0 : i32
    %dma_start3A_994 = tpu.memref_slice %arg6[%dma_start3A_991, %dma_start3A_992, %dma_start3A_993] : memref<4x128x128xf32, #tpu.memory_space<vmem>> -> memref<1x128x128xf32, #tpu.memory_space<vmem>>
    %dma_start3A_995 = tpu.memref_squeeze %dma_start3A_994 : memref<1x128x128xf32, #tpu.memory_space<vmem>> -> memref<128x128xf32, #tpu.memory_space<vmem>>
    %dma_start3A_996 = arith.constant 0 : i32
    %dma_start3A_997 = arith.constant 0 : i32
    %dma_start3A_998 = tpu.memref_slice %arg5[%dma_start3A_989, %dma_start3A_996, %dma_start3A_997] : memref<2x4x128xi32, #tpu.memory_space<vmem>> -> memref<1x4x128xi32, #tpu.memory_space<vmem>>
    %dma_start3A_999 = tpu.memref_squeeze %dma_start3A_998 : memref<1x4x128xi32, #tpu.memory_space<vmem>> -> memref<4x128xi32, #tpu.memory_space<vmem>>
    %dma_start3A_1000 = arith.constant 0 : i32
    %dma_start3A_1001 = tpu.memref_slice %dma_start3A_999[%dma_start3A_990, %dma_start3A_1000] : memref<4x128xi32, #tpu.memory_space<vmem>> -> memref<1x128xi32, #tpu.memory_space<vmem>>
    %dma_start3A_1002 = tpu.memref_squeeze %dma_start3A_1001 : memref<1x128xi32, #tpu.memory_space<vmem>> -> memref<128xi32, #tpu.memory_space<vmem>>
    %dma_start3A_1003 = arith.constant 0 : i32
    %dma_start3A_1004 = arith.constant 0 : i32
    %dma_start3A_1005 = tpu.memref_slice %arg3[%dma_start3A_1003, %dma_start3A_1004] : memref<32000x128xf32, #tpu.memory_space<hbm>> -> memref<32000x128xf32, #tpu.memory_space<hbm>>
    tpu.enqueue_indirect_dma source(%dma_start3A_1005 : memref<32000x128xf32, #tpu.memory_space<hbm>>) target(%dma_start3A_995 : memref<128x128xf32, #tpu.memory_space<vmem>>) offsets(%dma_start3A_1002 : memref<128xi32, #tpu.memory_space<vmem>>) semaphore(%arg10 : memref<!tpu.dma_semaphore, #tpu.memory_space<semaphore_mem>>)
    %dma_wait3A_1006 = arith.constant 0 : i32
    %dma_wait3A_1007 = arith.constant 0 : i32
    %dma_wait3A_1008 = arith.constant 0 : i32
    %dma_wait3A_1009 = arith.constant 0 : i32
    %dma_wait3A_1010 = arith.constant 0 : i32
    %dma_wait3A_1011 = tpu.memref_slice %arg6[%dma_wait3A_1008, %dma_wait3A_1009, %dma_wait3A_1010] : memref<4x128x128xf32, #tpu.memory_space<vmem>> -> memref<1x128x128xf32, #tpu.memory_space<vmem>>
    %dma_wait3A_1012 = tpu.memref_squeeze %dma_wait3A_1011 : memref<1x128x128xf32, #tpu.memory_space<vmem>> -> memref<128x128xf32, #tpu.memory_space<vmem>>
    %dma_wait3A_1013 = arith.constant 0 : i32
    %dma_wait3A_1014 = arith.constant 0 : i32
    %dma_wait3A_1015 = tpu.memref_slice %arg5[%dma_wait3A_1006, %dma_wait3A_1013, %dma_wait3A_1014] : memref<2x4x128xi32, #tpu.memory_space<vmem>> -> memref<1x4x128xi32, #tpu.memory_space<vmem>>
    %dma_wait3A_1016 = tpu.memref_squeeze %dma_wait3A_1015 : memref<1x4x128xi32, #tpu.memory_space<vmem>> -> memref<4x128xi32, #tpu.memory_space<vmem>>
    %dma_wait3A_1017 = arith.constant 0 : i32
    %dma_wait3A_1018 = tpu.memref_slice %dma_wait3A_1016[%dma_wait3A_1007, %dma_wait3A_1017] : memref<4x128xi32, #tpu.memory_space<vmem>> -> memref<1x128xi32, #tpu.memory_space<vmem>>
    %dma_wait3A_1019 = tpu.memref_squeeze %dma_wait3A_1018 : memref<1x128xi32, #tpu.memory_space<vmem>> -> memref<128xi32, #tpu.memory_space<vmem>>
    %dma_wait3A_1020 = arith.constant 0 : i32
    %dma_wait3A_1021 = arith.constant 0 : i32
    %dma_wait3A_1022 = tpu.memref_slice %arg3[%dma_wait3A_1020, %dma_wait3A_1021] : memref<32000x128xf32, #tpu.memory_space<hbm>> -> memref<32000x128xf32, #tpu.memory_space<hbm>>
    tpu.wait_indirect_dma semaphore(%arg7 : memref<!tpu.dma_semaphore, #tpu.memory_space<semaphore_mem>>) src(%dma_wait3A_1022 : memref<32000x128xf32, #tpu.memory_space<hbm>>) dst(%dma_wait3A_1012 : memref<128x128xf32, #tpu.memory_space<vmem>>)
    %add3A_1023 = arith.constant 0 : i32
    %add3A_1024 = arith.addi %add3A_47, %add3A_1023 : i32
    %mul3A_1025 = arith.constant 128 : i32
    %mul3A_1026 = arith.muli %add3A_1024, %mul3A_1025 : i32
    %dma_start3A_1027 = arith.constant 0 : i32
    %dma_start3A_1028 = arith.constant 0 : i32
    %dma_start3A_1029 = arith.constant 0 : i32
    %dma_start3A_1030 = tpu.memref_slice %arg6[%dma_start3A_1027, %dma_start3A_1028, %dma_start3A_1029] : memref<4x128x128xf32, #tpu.memory_space<vmem>> -> memref<1x128x128xf32, #tpu.memory_space<vmem>>
    %dma_start3A_1031 = tpu.memref_squeeze %dma_start3A_1030 : memref<1x128x128xf32, #tpu.memory_space<vmem>> -> memref<128x128xf32, #tpu.memory_space<vmem>>
    %dma_start3A_1032 = arith.constant 0 : i32
    %dma_start3A_1033 = tpu.memref_slice %arg4[%mul3A_1026, %dma_start3A_1032] : memref<1048576x128xf32, #tpu.memory_space<hbm>> -> memref<128x128xf32, #tpu.memory_space<hbm>>
    %dma_start3A_1034 = arith.constant 0 : i32
    %dma_start3A_1035 = tpu.memref_slice %arg4[%mul3A_1026, %dma_start3A_1034] : memref<1048576x128xf32, #tpu.memory_space<hbm>> -> memref<128x128xf32, #tpu.memory_space<hbm>>
    %dma_start3A_1036 = arith.constant 0 : i32
    %dma_start3A_1037 = arith.constant 0 : i32
    %dma_start3A_1038 = tpu.memref_slice %arg6[%dma_start3A_1027, %dma_start3A_1036, %dma_start3A_1037] : memref<4x128x128xf32, #tpu.memory_space<vmem>> -> memref<1x128x128xf32, #tpu.memory_space<vmem>>
    %dma_start3A_1039 = tpu.memref_squeeze %dma_start3A_1038 : memref<1x128x128xf32, #tpu.memory_space<vmem>> -> memref<128x128xf32, #tpu.memory_space<vmem>>
    tpu.enqueue_dma source(%dma_start3A_1039 : memref<128x128xf32, #tpu.memory_space<vmem>>) target(%dma_start3A_1035 : memref<128x128xf32, #tpu.memory_space<hbm>>) target_semaphore(%arg11 : memref<!tpu.dma_semaphore, #tpu.memory_space<semaphore_mem>>)
    %dma_wait3A_1040 = arith.constant 0 : i32
    %dma_wait3A_1041 = arith.constant 1 : i32
    %dma_wait3A_1042 = arith.constant 1 : i32
    %dma_wait3A_1043 = arith.constant 0 : i32
    %dma_wait3A_1044 = arith.constant 0 : i32
    %dma_wait3A_1045 = tpu.memref_slice %arg6[%dma_wait3A_1042, %dma_wait3A_1043, %dma_wait3A_1044] : memref<4x128x128xf32, #tpu.memory_space<vmem>> -> memref<1x128x128xf32, #tpu.memory_space<vmem>>
    %dma_wait3A_1046 = tpu.memref_squeeze %dma_wait3A_1045 : memref<1x128x128xf32, #tpu.memory_space<vmem>> -> memref<128x128xf32, #tpu.memory_space<vmem>>
    %dma_wait3A_1047 = arith.constant 0 : i32
    %dma_wait3A_1048 = arith.constant 0 : i32
    %dma_wait3A_1049 = tpu.memref_slice %arg5[%dma_wait3A_1040, %dma_wait3A_1047, %dma_wait3A_1048] : memref<2x4x128xi32, #tpu.memory_space<vmem>> -> memref<1x4x128xi32, #tpu.memory_space<vmem>>
    %dma_wait3A_1050 = tpu.memref_squeeze %dma_wait3A_1049 : memref<1x4x128xi32, #tpu.memory_space<vmem>> -> memref<4x128xi32, #tpu.memory_space<vmem>>
    %dma_wait3A_1051 = arith.constant 0 : i32
    %dma_wait3A_1052 = tpu.memref_slice %dma_wait3A_1050[%dma_wait3A_1041, %dma_wait3A_1051] : memref<4x128xi32, #tpu.memory_space<vmem>> -> memref<1x128xi32, #tpu.memory_space<vmem>>
    %dma_wait3A_1053 = tpu.memref_squeeze %dma_wait3A_1052 : memref<1x128xi32, #tpu.memory_space<vmem>> -> memref<128xi32, #tpu.memory_space<vmem>>
    %dma_wait3A_1054 = arith.constant 0 : i32
    %dma_wait3A_1055 = arith.constant 0 : i32
    %dma_wait3A_1056 = tpu.memref_slice %arg3[%dma_wait3A_1054, %dma_wait3A_1055] : memref<32000x128xf32, #tpu.memory_space<hbm>> -> memref<32000x128xf32, #tpu.memory_space<hbm>>
    tpu.wait_indirect_dma semaphore(%arg8 : memref<!tpu.dma_semaphore, #tpu.memory_space<semaphore_mem>>) src(%dma_wait3A_1056 : memref<32000x128xf32, #tpu.memory_space<hbm>>) dst(%dma_wait3A_1046 : memref<128x128xf32, #tpu.memory_space<vmem>>)
    %add3A_1057 = arith.constant 1 : i32
    %add3A_1058 = arith.addi %add3A_47, %add3A_1057 : i32
    %mul3A_1059 = arith.constant 128 : i32
    %mul3A_1060 = arith.muli %add3A_1058, %mul3A_1059 : i32
    %dma_start3A_1061 = arith.constant 1 : i32
    %dma_start3A_1062 = arith.constant 0 : i32
    %dma_start3A_1063 = arith.constant 0 : i32
    %dma_start3A_1064 = tpu.memref_slice %arg6[%dma_start3A_1061, %dma_start3A_1062, %dma_start3A_1063] : memref<4x128x128xf32, #tpu.memory_space<vmem>> -> memref<1x128x128xf32, #tpu.memory_space<vmem>>
    %dma_start3A_1065 = tpu.memref_squeeze %dma_start3A_1064 : memref<1x128x128xf32, #tpu.memory_space<vmem>> -> memref<128x128xf32, #tpu.memory_space<vmem>>
    %dma_start3A_1066 = arith.constant 0 : i32
    %dma_start3A_1067 = tpu.memref_slice %arg4[%mul3A_1060, %dma_start3A_1066] : memref<1048576x128xf32, #tpu.memory_space<hbm>> -> memref<128x128xf32, #tpu.memory_space<hbm>>
    %dma_start3A_1068 = arith.constant 0 : i32
    %dma_start3A_1069 = tpu.memref_slice %arg4[%mul3A_1060, %dma_start3A_1068] : memref<1048576x128xf32, #tpu.memory_space<hbm>> -> memref<128x128xf32, #tpu.memory_space<hbm>>
    %dma_start3A_1070 = arith.constant 0 : i32
    %dma_start3A_1071 = arith.constant 0 : i32
    %dma_start3A_1072 = tpu.memref_slice %arg6[%dma_start3A_1061, %dma_start3A_1070, %dma_start3A_1071] : memref<4x128x128xf32, #tpu.memory_space<vmem>> -> memref<1x128x128xf32, #tpu.memory_space<vmem>>
    %dma_start3A_1073 = tpu.memref_squeeze %dma_start3A_1072 : memref<1x128x128xf32, #tpu.memory_space<vmem>> -> memref<128x128xf32, #tpu.memory_space<vmem>>
    tpu.enqueue_dma source(%dma_start3A_1073 : memref<128x128xf32, #tpu.memory_space<vmem>>) target(%dma_start3A_1069 : memref<128x128xf32, #tpu.memory_space<hbm>>) target_semaphore(%arg12 : memref<!tpu.dma_semaphore, #tpu.memory_space<semaphore_mem>>)
    %dma_wait3A_1074 = arith.constant 0 : i32
    %dma_wait3A_1075 = arith.constant 2 : i32
    %dma_wait3A_1076 = arith.constant 2 : i32
    %dma_wait3A_1077 = arith.constant 0 : i32
    %dma_wait3A_1078 = arith.constant 0 : i32
    %dma_wait3A_1079 = tpu.memref_slice %arg6[%dma_wait3A_1076, %dma_wait3A_1077, %dma_wait3A_1078] : memref<4x128x128xf32, #tpu.memory_space<vmem>> -> memref<1x128x128xf32, #tpu.memory_space<vmem>>
    %dma_wait3A_1080 = tpu.memref_squeeze %dma_wait3A_1079 : memref<1x128x128xf32, #tpu.memory_space<vmem>> -> memref<128x128xf32, #tpu.memory_space<vmem>>
    %dma_wait3A_1081 = arith.constant 0 : i32
    %dma_wait3A_1082 = arith.constant 0 : i32
    %dma_wait3A_1083 = tpu.memref_slice %arg5[%dma_wait3A_1074, %dma_wait3A_1081, %dma_wait3A_1082] : memref<2x4x128xi32, #tpu.memory_space<vmem>> -> memref<1x4x128xi32, #tpu.memory_space<vmem>>
    %dma_wait3A_1084 = tpu.memref_squeeze %dma_wait3A_1083 : memref<1x4x128xi32, #tpu.memory_space<vmem>> -> memref<4x128xi32, #tpu.memory_space<vmem>>
    %dma_wait3A_1085 = arith.constant 0 : i32
    %dma_wait3A_1086 = tpu.memref_slice %dma_wait3A_1084[%dma_wait3A_1075, %dma_wait3A_1085] : memref<4x128xi32, #tpu.memory_space<vmem>> -> memref<1x128xi32, #tpu.memory_space<vmem>>
    %dma_wait3A_1087 = tpu.memref_squeeze %dma_wait3A_1086 : memref<1x128xi32, #tpu.memory_space<vmem>> -> memref<128xi32, #tpu.memory_space<vmem>>
    %dma_wait3A_1088 = arith.constant 0 : i32
    %dma_wait3A_1089 = arith.constant 0 : i32
    %dma_wait3A_1090 = tpu.memref_slice %arg3[%dma_wait3A_1088, %dma_wait3A_1089] : memref<32000x128xf32, #tpu.memory_space<hbm>> -> memref<32000x128xf32, #tpu.memory_space<hbm>>
    tpu.wait_indirect_dma semaphore(%arg9 : memref<!tpu.dma_semaphore, #tpu.memory_space<semaphore_mem>>) src(%dma_wait3A_1090 : memref<32000x128xf32, #tpu.memory_space<hbm>>) dst(%dma_wait3A_1080 : memref<128x128xf32, #tpu.memory_space<vmem>>)
    %add3A_1091 = arith.constant 2 : i32
    %add3A_1092 = arith.addi %add3A_47, %add3A_1091 : i32
    %mul3A_1093 = arith.constant 128 : i32
    %mul3A_1094 = arith.muli %add3A_1092, %mul3A_1093 : i32
    %dma_start3A_1095 = arith.constant 2 : i32
    %dma_start3A_1096 = arith.constant 0 : i32
    %dma_start3A_1097 = arith.constant 0 : i32
    %dma_start3A_1098 = tpu.memref_slice %arg6[%dma_start3A_1095, %dma_start3A_1096, %dma_start3A_1097] : memref<4x128x128xf32, #tpu.memory_space<vmem>> -> memref<1x128x128xf32, #tpu.memory_space<vmem>>
    %dma_start3A_1099 = tpu.memref_squeeze %dma_start3A_1098 : memref<1x128x128xf32, #tpu.memory_space<vmem>> -> memref<128x128xf32, #tpu.memory_space<vmem>>
    %dma_start3A_1100 = arith.constant 0 : i32
    %dma_start3A_1101 = tpu.memref_slice %arg4[%mul3A_1094, %dma_start3A_1100] : memref<1048576x128xf32, #tpu.memory_space<hbm>> -> memref<128x128xf32, #tpu.memory_space<hbm>>
    %dma_start3A_1102 = arith.constant 0 : i32
    %dma_start3A_1103 = tpu.memref_slice %arg4[%mul3A_1094, %dma_start3A_1102] : memref<1048576x128xf32, #tpu.memory_space<hbm>> -> memref<128x128xf32, #tpu.memory_space<hbm>>
    %dma_start3A_1104 = arith.constant 0 : i32
    %dma_start3A_1105 = arith.constant 0 : i32
    %dma_start3A_1106 = tpu.memref_slice %arg6[%dma_start3A_1095, %dma_start3A_1104, %dma_start3A_1105] : memref<4x128x128xf32, #tpu.memory_space<vmem>> -> memref<1x128x128xf32, #tpu.memory_space<vmem>>
    %dma_start3A_1107 = tpu.memref_squeeze %dma_start3A_1106 : memref<1x128x128xf32, #tpu.memory_space<vmem>> -> memref<128x128xf32, #tpu.memory_space<vmem>>
    tpu.enqueue_dma source(%dma_start3A_1107 : memref<128x128xf32, #tpu.memory_space<vmem>>) target(%dma_start3A_1103 : memref<128x128xf32, #tpu.memory_space<hbm>>) target_semaphore(%arg13 : memref<!tpu.dma_semaphore, #tpu.memory_space<semaphore_mem>>)
    %dma_wait3A_1108 = arith.constant 0 : i32
    %dma_wait3A_1109 = arith.constant 3 : i32
    %dma_wait3A_1110 = arith.constant 3 : i32
    %dma_wait3A_1111 = arith.constant 0 : i32
    %dma_wait3A_1112 = arith.constant 0 : i32
    %dma_wait3A_1113 = tpu.memref_slice %arg6[%dma_wait3A_1110, %dma_wait3A_1111, %dma_wait3A_1112] : memref<4x128x128xf32, #tpu.memory_space<vmem>> -> memref<1x128x128xf32, #tpu.memory_space<vmem>>
    %dma_wait3A_1114 = tpu.memref_squeeze %dma_wait3A_1113 : memref<1x128x128xf32, #tpu.memory_space<vmem>> -> memref<128x128xf32, #tpu.memory_space<vmem>>
    %dma_wait3A_1115 = arith.constant 0 : i32
    %dma_wait3A_1116 = arith.constant 0 : i32
    %dma_wait3A_1117 = tpu.memref_slice %arg5[%dma_wait3A_1108, %dma_wait3A_1115, %dma_wait3A_1116] : memref<2x4x128xi32, #tpu.memory_space<vmem>> -> memref<1x4x128xi32, #tpu.memory_space<vmem>>
    %dma_wait3A_1118 = tpu.memref_squeeze %dma_wait3A_1117 : memref<1x4x128xi32, #tpu.memory_space<vmem>> -> memref<4x128xi32, #tpu.memory_space<vmem>>
    %dma_wait3A_1119 = arith.constant 0 : i32
    %dma_wait3A_1120 = tpu.memref_slice %dma_wait3A_1118[%dma_wait3A_1109, %dma_wait3A_1119] : memref<4x128xi32, #tpu.memory_space<vmem>> -> memref<1x128xi32, #tpu.memory_space<vmem>>
    %dma_wait3A_1121 = tpu.memref_squeeze %dma_wait3A_1120 : memref<1x128xi32, #tpu.memory_space<vmem>> -> memref<128xi32, #tpu.memory_space<vmem>>
    %dma_wait3A_1122 = arith.constant 0 : i32
    %dma_wait3A_1123 = arith.constant 0 : i32
    %dma_wait3A_1124 = tpu.memref_slice %arg3[%dma_wait3A_1122, %dma_wait3A_1123] : memref<32000x128xf32, #tpu.memory_space<hbm>> -> memref<32000x128xf32, #tpu.memory_space<hbm>>
    tpu.wait_indirect_dma semaphore(%arg10 : memref<!tpu.dma_semaphore, #tpu.memory_space<semaphore_mem>>) src(%dma_wait3A_1124 : memref<32000x128xf32, #tpu.memory_space<hbm>>) dst(%dma_wait3A_1114 : memref<128x128xf32, #tpu.memory_space<vmem>>)
    %add3A_1125 = arith.constant 3 : i32
    %add3A_1126 = arith.addi %add3A_47, %add3A_1125 : i32
    %mul3A_1127 = arith.constant 128 : i32
    %mul3A_1128 = arith.muli %add3A_1126, %mul3A_1127 : i32
    %dma_start3A_1129 = arith.constant 3 : i32
    %dma_start3A_1130 = arith.constant 0 : i32
    %dma_start3A_1131 = arith.constant 0 : i32
    %dma_start3A_1132 = tpu.memref_slice %arg6[%dma_start3A_1129, %dma_start3A_1130, %dma_start3A_1131] : memref<4x128x128xf32, #tpu.memory_space<vmem>> -> memref<1x128x128xf32, #tpu.memory_space<vmem>>
    %dma_start3A_1133 = tpu.memref_squeeze %dma_start3A_1132 : memref<1x128x128xf32, #tpu.memory_space<vmem>> -> memref<128x128xf32, #tpu.memory_space<vmem>>
    %dma_start3A_1134 = arith.constant 0 : i32
    %dma_start3A_1135 = tpu.memref_slice %arg4[%mul3A_1128, %dma_start3A_1134] : memref<1048576x128xf32, #tpu.memory_space<hbm>> -> memref<128x128xf32, #tpu.memory_space<hbm>>
    %dma_start3A_1136 = arith.constant 0 : i32
    %dma_start3A_1137 = tpu.memref_slice %arg4[%mul3A_1128, %dma_start3A_1136] : memref<1048576x128xf32, #tpu.memory_space<hbm>> -> memref<128x128xf32, #tpu.memory_space<hbm>>
    %dma_start3A_1138 = arith.constant 0 : i32
    %dma_start3A_1139 = arith.constant 0 : i32
    %dma_start3A_1140 = tpu.memref_slice %arg6[%dma_start3A_1129, %dma_start3A_1138, %dma_start3A_1139] : memref<4x128x128xf32, #tpu.memory_space<vmem>> -> memref<1x128x128xf32, #tpu.memory_space<vmem>>
    %dma_start3A_1141 = tpu.memref_squeeze %dma_start3A_1140 : memref<1x128x128xf32, #tpu.memory_space<vmem>> -> memref<128x128xf32, #tpu.memory_space<vmem>>
    tpu.enqueue_dma source(%dma_start3A_1141 : memref<128x128xf32, #tpu.memory_space<vmem>>) target(%dma_start3A_1137 : memref<128x128xf32, #tpu.memory_space<hbm>>) target_semaphore(%arg14 : memref<!tpu.dma_semaphore, #tpu.memory_space<semaphore_mem>>)
    %min3A_1142 = arith.constant 8 : i32
    %min3A_1143 = arith.constant 252 : i32
    %min3A_1144 = arith.minsi %min3A_1142, %min3A_1143 : i32
    %add3A_1145 = arith.addi %mul3A_2, %min3A_1144 : i32
    %dma_start3A_1146 = arith.constant 0 : i32
    %dma_start3A_1147 = arith.constant 0 : i32
    %dma_start3A_1148 = arith.constant 0 : i32
    %dma_start3A_1149 = tpu.memref_slice %arg5[%dma_start3A_1146, %dma_start3A_1147, %dma_start3A_1148] : memref<2x4x128xi32, #tpu.memory_space<vmem>> -> memref<1x4x128xi32, #tpu.memory_space<vmem>>
    %dma_start3A_1150 = tpu.memref_squeeze %dma_start3A_1149 : memref<1x4x128xi32, #tpu.memory_space<vmem>> -> memref<4x128xi32, #tpu.memory_space<vmem>>
    %dma_start3A_1151 = arith.constant 0 : i32
    %dma_start3A_1152 = tpu.memref_slice %arg2[%add3A_1145, %dma_start3A_1151] : memref<8192x128xi32, #tpu.memory_space<hbm>> -> memref<4x128xi32, #tpu.memory_space<hbm>>
    %dma_start3A_1153 = arith.constant 0 : i32
    %dma_start3A_1154 = arith.constant 0 : i32
    %dma_start3A_1155 = tpu.memref_slice %arg5[%dma_start3A_1146, %dma_start3A_1153, %dma_start3A_1154] : memref<2x4x128xi32, #tpu.memory_space<vmem>> -> memref<1x4x128xi32, #tpu.memory_space<vmem>>
    %dma_start3A_1156 = tpu.memref_squeeze %dma_start3A_1155 : memref<1x4x128xi32, #tpu.memory_space<vmem>> -> memref<4x128xi32, #tpu.memory_space<vmem>>
    %dma_start3A_1157 = arith.constant 0 : i32
    %dma_start3A_1158 = tpu.memref_slice %arg2[%add3A_1145, %dma_start3A_1157] : memref<8192x128xi32, #tpu.memory_space<hbm>> -> memref<4x128xi32, #tpu.memory_space<hbm>>
    tpu.enqueue_dma source(%dma_start3A_1158 : memref<4x128xi32, #tpu.memory_space<hbm>>) target(%dma_start3A_1156 : memref<4x128xi32, #tpu.memory_space<vmem>>) target_semaphore(%arg15 : memref<!tpu.dma_semaphore, #tpu.memory_space<semaphore_mem>>)
    %add3A_1159 = arith.constant 4 : i32
    %add3A_1160 = arith.addi %mul3A_2, %add3A_1159 : i32
    %dma_wait3A_1161 = arith.constant 1 : i32
    %dma_wait3A_1162 = arith.constant 0 : i32
    %dma_wait3A_1163 = arith.constant 0 : i32
    %dma_wait3A_1164 = tpu.memref_slice %arg5[%dma_wait3A_1161, %dma_wait3A_1162, %dma_wait3A_1163] : memref<2x4x128xi32, #tpu.memory_space<vmem>> -> memref<1x4x128xi32, #tpu.memory_space<vmem>>
    %dma_wait3A_1165 = tpu.memref_squeeze %dma_wait3A_1164 : memref<1x4x128xi32, #tpu.memory_space<vmem>> -> memref<4x128xi32, #tpu.memory_space<vmem>>
    %dma_wait3A_1166 = arith.constant 0 : i32
    %dma_wait3A_1167 = tpu.memref_slice %arg2[%add3A_1160, %dma_wait3A_1166] : memref<8192x128xi32, #tpu.memory_space<hbm>> -> memref<4x128xi32, #tpu.memory_space<hbm>>
    %dma_wait3A_1168 = arith.constant 0 : i32
    %dma_wait3A_1169 = arith.constant 0 : i32
    %dma_wait3A_1170 = tpu.memref_slice %arg5[%dma_wait3A_1161, %dma_wait3A_1168, %dma_wait3A_1169] : memref<2x4x128xi32, #tpu.memory_space<vmem>> -> memref<1x4x128xi32, #tpu.memory_space<vmem>>
    %dma_wait3A_1171 = tpu.memref_squeeze %dma_wait3A_1170 : memref<1x4x128xi32, #tpu.memory_space<vmem>> -> memref<4x128xi32, #tpu.memory_space<vmem>>
    %dma_wait3A_1172 = arith.constant 0 : i32
    %dma_wait3A_1173 = tpu.memref_slice %arg2[%add3A_1160, %dma_wait3A_1172] : memref<8192x128xi32, #tpu.memory_space<hbm>> -> memref<4x128xi32, #tpu.memory_space<hbm>>
    tpu.wait_dma2 semaphore(%arg16 : memref<!tpu.dma_semaphore, #tpu.memory_space<semaphore_mem>>) src(%dma_wait3A_1173 : memref<4x128xi32, #tpu.memory_space<hbm>>) dst(%dma_wait3A_1171 : memref<4x128xi32, #tpu.memory_space<vmem>>)
    %get3A_1174 = arith.constant 1 : i32
    %get3A_1175 = arith.constant 0 : i32
    %get3A_1176 = arith.constant 0 : i32
    %get3A_1177 = arith.constant 0 : i32
    %get3A_1178 = tpu.memref_slice %arg5[%get3A_1174, %get3A_1176, %get3A_1177] : memref<2x4x128xi32, #tpu.memory_space<vmem>> -> memref<1x4x128xi32, #tpu.memory_space<vmem>>
    %get3A_1179 = tpu.memref_squeeze %get3A_1178 : memref<1x4x128xi32, #tpu.memory_space<vmem>> -> memref<4x128xi32, #tpu.memory_space<vmem>>
    %get3A_1180 = arith.constant 0 : i32
    %get3A_1181 = tpu.memref_slice %get3A_1179[%get3A_1175, %get3A_1180] : memref<4x128xi32, #tpu.memory_space<vmem>> -> memref<1x128xi32, #tpu.memory_space<vmem>>
    %get3A_1182 = tpu.memref_squeeze %get3A_1181 : memref<1x128xi32, #tpu.memory_space<vmem>> -> memref<128xi32, #tpu.memory_space<vmem>>
    %get3A_1183 = arith.constant 0 : index
    %get3A_1184 = tpu.vector_load %get3A_1182[%get3A_1183] {strides = array<i32>} : memref<128xi32, #tpu.memory_space<vmem>>, vector<16xi32>,
    %get3A_1185 = vector.shape_cast %get3A_1184 : vector<16xi32> to vector<16xi32>
    %add3A_1186 = vector.broadcast %mul3A_13 : i32 to vector<16xi32>
    %add3A_1187 = arith.addi %get3A_1185, %add3A_1186 : vector<16xi32>
    %swap3A_1188 = arith.constant 1 : i32
    %swap3A_1189 = arith.constant 0 : i32
    %swap3A_1190 = arith.constant 0 : i32
    %swap3A_1191 = arith.constant 0 : i32
    %swap3A_1192 = tpu.memref_slice %arg5[%swap3A_1188, %swap3A_1190, %swap3A_1191] : memref<2x4x128xi32, #tpu.memory_space<vmem>> -> memref<1x4x128xi32, #tpu.memory_space<vmem>>
    %swap3A_1193 = tpu.memref_squeeze %swap3A_1192 : memref<1x4x128xi32, #tpu.memory_space<vmem>> -> memref<4x128xi32, #tpu.memory_space<vmem>>
    %swap3A_1194 = arith.constant 0 : i32
    %swap3A_1195 = tpu.memref_slice %swap3A_1193[%swap3A_1189, %swap3A_1194] : memref<4x128xi32, #tpu.memory_space<vmem>> -> memref<1x128xi32, #tpu.memory_space<vmem>>
    %swap3A_1196 = tpu.memref_squeeze %swap3A_1195 : memref<1x128xi32, #tpu.memory_space<vmem>> -> memref<128xi32, #tpu.memory_space<vmem>>
    %swap3A_1197 = arith.constant 0 : index
    %swap3A_1198 = tpu.vector_load %swap3A_1196[%swap3A_1197] {strides = array<i32>} : memref<128xi32, #tpu.memory_space<vmem>>, vector<16xi32>,
    %swap3A_1199 = vector.shape_cast %swap3A_1198 : vector<16xi32> to vector<16xi32>
    %swap3A_1200 = vector.shape_cast %add3A_1187 : vector<16xi32> to vector<16xi32>
    tpu.vector_store %swap3A_1196[%swap3A_1197], %swap3A_1200 {strides = array<i32>} : memref<128xi32, #tpu.memory_space<vmem>>, vector<16xi32>,
    %get3A_1201 = arith.constant 1 : i32
    %get3A_1202 = arith.constant 0 : i32
    %get3A_1203 = arith.constant 0 : i32
    %get3A_1204 = arith.constant 0 : i32
    %get3A_1205 = tpu.memref_slice %arg5[%get3A_1201, %get3A_1203, %get3A_1204] : memref<2x4x128xi32, #tpu.memory_space<vmem>> -> memref<1x4x128xi32, #tpu.memory_space<vmem>>
    %get3A_1206 = tpu.memref_squeeze %get3A_1205 : memref<1x4x128xi32, #tpu.memory_space<vmem>> -> memref<4x128xi32, #tpu.memory_space<vmem>>
    %get3A_1207 = arith.constant 0 : i32
    %get3A_1208 = tpu.memref_slice %get3A_1206[%get3A_1202, %get3A_1207] : memref<4x128xi32, #tpu.memory_space<vmem>> -> memref<1x128xi32, #tpu.memory_space<vmem>>
    %get3A_1209 = tpu.memref_squeeze %get3A_1208 : memref<1x128xi32, #tpu.memory_space<vmem>> -> memref<128xi32, #tpu.memory_space<vmem>>
    %get3A_1210 = arith.constant 16 : index
    %get3A_1211 = tpu.vector_load %get3A_1209[%get3A_1210] {strides = array<i32>} : memref<128xi32, #tpu.memory_space<vmem>>, vector<16xi32>,
    %get3A_1212 = vector.shape_cast %get3A_1211 : vector<16xi32> to vector<16xi32>
    %add3A_1213 = vector.broadcast %mul3A_13 : i32 to vector<16xi32>
    %add3A_1214 = arith.addi %get3A_1212, %add3A_1213 : vector<16xi32>
    %swap3A_1215 = arith.constant 1 : i32
    %swap3A_1216 = arith.constant 0 : i32
    %swap3A_1217 = arith.constant 0 : i32
    %swap3A_1218 = arith.constant 0 : i32
    %swap3A_1219 = tpu.memref_slice %arg5[%swap3A_1215, %swap3A_1217, %swap3A_1218] : memref<2x4x128xi32, #tpu.memory_space<vmem>> -> memref<1x4x128xi32, #tpu.memory_space<vmem>>
    %swap3A_1220 = tpu.memref_squeeze %swap3A_1219 : memref<1x4x128xi32, #tpu.memory_space<vmem>> -> memref<4x128xi32, #tpu.memory_space<vmem>>
    %swap3A_1221 = arith.constant 0 : i32
    %swap3A_1222 = tpu.memref_slice %swap3A_1220[%swap3A_1216, %swap3A_1221] : memref<4x128xi32, #tpu.memory_space<vmem>> -> memref<1x128xi32, #tpu.memory_space<vmem>>
    %swap3A_1223 = tpu.memref_squeeze %swap3A_1222 : memref<1x128xi32, #tpu.memory_space<vmem>> -> memref<128xi32, #tpu.memory_space<vmem>>
    %swap3A_1224 = arith.constant 16 : index
    %swap3A_1225 = tpu.vector_load %swap3A_1223[%swap3A_1224] {strides = array<i32>} : memref<128xi32, #tpu.memory_space<vmem>>, vector<16xi32>,
    %swap3A_1226 = vector.shape_cast %swap3A_1225 : vector<16xi32> to vector<16xi32>
    %swap3A_1227 = vector.shape_cast %add3A_1214 : vector<16xi32> to vector<16xi32>
    tpu.vector_store %swap3A_1223[%swap3A_1224], %swap3A_1227 {strides = array<i32>} : memref<128xi32, #tpu.memory_space<vmem>>, vector<16xi32>,
    %get3A_1228 = arith.constant 1 : i32
    %get3A_1229 = arith.constant 0 : i32
    %get3A_1230 = arith.constant 0 : i32
    %get3A_1231 = arith.constant 0 : i32
    %get3A_1232 = tpu.memref_slice %arg5[%get3A_1228, %get3A_1230, %get3A_1231] : memref<2x4x128xi32, #tpu.memory_space<vmem>> -> memref<1x4x128xi32, #tpu.memory_space<vmem>>
    %get3A_1233 = tpu.memref_squeeze %get3A_1232 : memref<1x4x128xi32, #tpu.memory_space<vmem>> -> memref<4x128xi32, #tpu.memory_space<vmem>>
    %get3A_1234 = arith.constant 0 : i32
    %get3A_1235 = tpu.memref_slice %get3A_1233[%get3A_1229, %get3A_1234] : memref<4x128xi32, #tpu.memory_space<vmem>> -> memref<1x128xi32, #tpu.memory_space<vmem>>
    %get3A_1236 = tpu.memref_squeeze %get3A_1235 : memref<1x128xi32, #tpu.memory_space<vmem>> -> memref<128xi32, #tpu.memory_space<vmem>>
    %get3A_1237 = arith.constant 32 : index
    %get3A_1238 = tpu.vector_load %get3A_1236[%get3A_1237] {strides = array<i32>} : memref<128xi32, #tpu.memory_space<vmem>>, vector<16xi32>,
    %get3A_1239 = vector.shape_cast %get3A_1238 : vector<16xi32> to vector<16xi32>
    %add3A_1240 = vector.broadcast %mul3A_13 : i32 to vector<16xi32>
    %add3A_1241 = arith.addi %get3A_1239, %add3A_1240 : vector<16xi32>
    %swap3A_1242 = arith.constant 1 : i32
    %swap3A_1243 = arith.constant 0 : i32
    %swap3A_1244 = arith.constant 0 : i32
    %swap3A_1245 = arith.constant 0 : i32
    %swap3A_1246 = tpu.memref_slice %arg5[%swap3A_1242, %swap3A_1244, %swap3A_1245] : memref<2x4x128xi32, #tpu.memory_space<vmem>> -> memref<1x4x128xi32, #tpu.memory_space<vmem>>
    %swap3A_1247 = tpu.memref_squeeze %swap3A_1246 : memref<1x4x128xi32, #tpu.memory_space<vmem>> -> memref<4x128xi32, #tpu.memory_space<vmem>>
    %swap3A_1248 = arith.constant 0 : i32
    %swap3A_1249 = tpu.memref_slice %swap3A_1247[%swap3A_1243, %swap3A_1248] : memref<4x128xi32, #tpu.memory_space<vmem>> -> memref<1x128xi32, #tpu.memory_space<vmem>>
    %swap3A_1250 = tpu.memref_squeeze %swap3A_1249 : memref<1x128xi32, #tpu.memory_space<vmem>> -> memref<128xi32, #tpu.memory_space<vmem>>
    %swap3A_1251 = arith.constant 32 : index
    %swap3A_1252 = tpu.vector_load %swap3A_1250[%swap3A_1251] {strides = array<i32>} : memref<128xi32, #tpu.memory_space<vmem>>, vector<16xi32>,
    %swap3A_1253 = vector.shape_cast %swap3A_1252 : vector<16xi32> to vector<16xi32>
    %swap3A_1254 = vector.shape_cast %add3A_1241 : vector<16xi32> to vector<16xi32>
    tpu.vector_store %swap3A_1250[%swap3A_1251], %swap3A_1254 {strides = array<i32>} : memref<128xi32, #tpu.memory_space<vmem>>, vector<16xi32>,
    %get3A_1255 = arith.constant 1 : i32
    %get3A_1256 = arith.constant 0 : i32
    %get3A_1257 = arith.constant 0 : i32
    %get3A_1258 = arith.constant 0 : i32
    %get3A_1259 = tpu.memref_slice %arg5[%get3A_1255, %get3A_1257, %get3A_1258] : memref<2x4x128xi32, #tpu.memory_space<vmem>> -> memref<1x4x128xi32, #tpu.memory_space<vmem>>
    %get3A_1260 = tpu.memref_squeeze %get3A_1259 : memref<1x4x128xi32, #tpu.memory_space<vmem>> -> memref<4x128xi32, #tpu.memory_space<vmem>>
    %get3A_1261 = arith.constant 0 : i32
    %get3A_1262 = tpu.memref_slice %get3A_1260[%get3A_1256, %get3A_1261] : memref<4x128xi32, #tpu.memory_space<vmem>> -> memref<1x128xi32, #tpu.memory_space<vmem>>
    %get3A_1263 = tpu.memref_squeeze %get3A_1262 : memref<1x128xi32, #tpu.memory_space<vmem>> -> memref<128xi32, #tpu.memory_space<vmem>>
    %get3A_1264 = arith.constant 48 : index
    %get3A_1265 = tpu.vector_load %get3A_1263[%get3A_1264] {strides = array<i32>} : memref<128xi32, #tpu.memory_space<vmem>>, vector<16xi32>,
    %get3A_1266 = vector.shape_cast %get3A_1265 : vector<16xi32> to vector<16xi32>
    %add3A_1267 = vector.broadcast %mul3A_13 : i32 to vector<16xi32>
    %add3A_1268 = arith.addi %get3A_1266, %add3A_1267 : vector<16xi32>
    %swap3A_1269 = arith.constant 1 : i32
    %swap3A_1270 = arith.constant 0 : i32
    %swap3A_1271 = arith.constant 0 : i32
    %swap3A_1272 = arith.constant 0 : i32
    %swap3A_1273 = tpu.memref_slice %arg5[%swap3A_1269, %swap3A_1271, %swap3A_1272] : memref<2x4x128xi32, #tpu.memory_space<vmem>> -> memref<1x4x128xi32, #tpu.memory_space<vmem>>
    %swap3A_1274 = tpu.memref_squeeze %swap3A_1273 : memref<1x4x128xi32, #tpu.memory_space<vmem>> -> memref<4x128xi32, #tpu.memory_space<vmem>>
    %swap3A_1275 = arith.constant 0 : i32
    %swap3A_1276 = tpu.memref_slice %swap3A_1274[%swap3A_1270, %swap3A_1275] : memref<4x128xi32, #tpu.memory_space<vmem>> -> memref<1x128xi32, #tpu.memory_space<vmem>>
    %swap3A_1277 = tpu.memref_squeeze %swap3A_1276 : memref<1x128xi32, #tpu.memory_space<vmem>> -> memref<128xi32, #tpu.memory_space<vmem>>
    %swap3A_1278 = arith.constant 48 : index
    %swap3A_1279 = tpu.vector_load %swap3A_1277[%swap3A_1278] {strides = array<i32>} : memref<128xi32, #tpu.memory_space<vmem>>, vector<16xi32>,
    %swap3A_1280 = vector.shape_cast %swap3A_1279 : vector<16xi32> to vector<16xi32>
    %swap3A_1281 = vector.shape_cast %add3A_1268 : vector<16xi32> to vector<16xi32>
    tpu.vector_store %swap3A_1277[%swap3A_1278], %swap3A_1281 {strides = array<i32>} : memref<128xi32, #tpu.memory_space<vmem>>, vector<16xi32>,
    %get3A_1282 = arith.constant 1 : i32
    %get3A_1283 = arith.constant 0 : i32
    %get3A_1284 = arith.constant 0 : i32
    %get3A_1285 = arith.constant 0 : i32
    %get3A_1286 = tpu.memref_slice %arg5[%get3A_1282, %get3A_1284, %get3A_1285] : memref<2x4x128xi32, #tpu.memory_space<vmem>> -> memref<1x4x128xi32, #tpu.memory_space<vmem>>
    %get3A_1287 = tpu.memref_squeeze %get3A_1286 : memref<1x4x128xi32, #tpu.memory_space<vmem>> -> memref<4x128xi32, #tpu.memory_space<vmem>>
    %get3A_1288 = arith.constant 0 : i32
    %get3A_1289 = tpu.memref_slice %get3A_1287[%get3A_1283, %get3A_1288] : memref<4x128xi32, #tpu.memory_space<vmem>> -> memref<1x128xi32, #tpu.memory_space<vmem>>
    %get3A_1290 = tpu.memref_squeeze %get3A_1289 : memref<1x128xi32, #tpu.memory_space<vmem>> -> memref<128xi32, #tpu.memory_space<vmem>>
    %get3A_1291 = arith.constant 64 : index
    %get3A_1292 = tpu.vector_load %get3A_1290[%get3A_1291] {strides = array<i32>} : memref<128xi32, #tpu.memory_space<vmem>>, vector<16xi32>,
    %get3A_1293 = vector.shape_cast %get3A_1292 : vector<16xi32> to vector<16xi32>
    %add3A_1294 = vector.broadcast %mul3A_13 : i32 to vector<16xi32>
    %add3A_1295 = arith.addi %get3A_1293, %add3A_1294 : vector<16xi32>
    %swap3A_1296 = arith.constant 1 : i32
    %swap3A_1297 = arith.constant 0 : i32
    %swap3A_1298 = arith.constant 0 : i32
    %swap3A_1299 = arith.constant 0 : i32
    %swap3A_1300 = tpu.memref_slice %arg5[%swap3A_1296, %swap3A_1298, %swap3A_1299] : memref<2x4x128xi32, #tpu.memory_space<vmem>> -> memref<1x4x128xi32, #tpu.memory_space<vmem>>
    %swap3A_1301 = tpu.memref_squeeze %swap3A_1300 : memref<1x4x128xi32, #tpu.memory_space<vmem>> -> memref<4x128xi32, #tpu.memory_space<vmem>>
    %swap3A_1302 = arith.constant 0 : i32
    %swap3A_1303 = tpu.memref_slice %swap3A_1301[%swap3A_1297, %swap3A_1302] : memref<4x128xi32, #tpu.memory_space<vmem>> -> memref<1x128xi32, #tpu.memory_space<vmem>>
    %swap3A_1304 = tpu.memref_squeeze %swap3A_1303 : memref<1x128xi32, #tpu.memory_space<vmem>> -> memref<128xi32, #tpu.memory_space<vmem>>
    %swap3A_1305 = arith.constant 64 : index
    %swap3A_1306 = tpu.vector_load %swap3A_1304[%swap3A_1305] {strides = array<i32>} : memref<128xi32, #tpu.memory_space<vmem>>, vector<16xi32>,
    %swap3A_1307 = vector.shape_cast %swap3A_1306 : vector<16xi32> to vector<16xi32>
    %swap3A_1308 = vector.shape_cast %add3A_1295 : vector<16xi32> to vector<16xi32>
    tpu.vector_store %swap3A_1304[%swap3A_1305], %swap3A_1308 {strides = array<i32>} : memref<128xi32, #tpu.memory_space<vmem>>, vector<16xi32>,
    %get3A_1309 = arith.constant 1 : i32
    %get3A_1310 = arith.constant 0 : i32
    %get3A_1311 = arith.constant 0 : i32
    %get3A_1312 = arith.constant 0 : i32
    %get3A_1313 = tpu.memref_slice %arg5[%get3A_1309, %get3A_1311, %get3A_1312] : memref<2x4x128xi32, #tpu.memory_space<vmem>> -> memref<1x4x128xi32, #tpu.memory_space<vmem>>
    %get3A_1314 = tpu.memref_squeeze %get3A_1313 : memref<1x4x128xi32, #tpu.memory_space<vmem>> -> memref<4x128xi32, #tpu.memory_space<vmem>>
    %get3A_1315 = arith.constant 0 : i32
    %get3A_1316 = tpu.memref_slice %get3A_1314[%get3A_1310, %get3A_1315] : memref<4x128xi32, #tpu.memory_space<vmem>> -> memref<1x128xi32, #tpu.memory_space<vmem>>
    %get3A_1317 = tpu.memref_squeeze %get3A_1316 : memref<1x128xi32, #tpu.memory_space<vmem>> -> memref<128xi32, #tpu.memory_space<vmem>>
    %get3A_1318 = arith.constant 80 : index
    %get3A_1319 = tpu.vector_load %get3A_1317[%get3A_1318] {strides = array<i32>} : memref<128xi32, #tpu.memory_space<vmem>>, vector<16xi32>,
    %get3A_1320 = vector.shape_cast %get3A_1319 : vector<16xi32> to vector<16xi32>
    %add3A_1321 = vector.broadcast %mul3A_13 : i32 to vector<16xi32>
    %add3A_1322 = arith.addi %get3A_1320, %add3A_1321 : vector<16xi32>
    %swap3A_1323 = arith.constant 1 : i32
    %swap3A_1324 = arith.constant 0 : i32
    %swap3A_1325 = arith.constant 0 : i32
    %swap3A_1326 = arith.constant 0 : i32
    %swap3A_1327 = tpu.memref_slice %arg5[%swap3A_1323, %swap3A_1325, %swap3A_1326] : memref<2x4x128xi32, #tpu.memory_space<vmem>> -> memref<1x4x128xi32, #tpu.memory_space<vmem>>
    %swap3A_1328 = tpu.memref_squeeze %swap3A_1327 : memref<1x4x128xi32, #tpu.memory_space<vmem>> -> memref<4x128xi32, #tpu.memory_space<vmem>>
    %swap3A_1329 = arith.constant 0 : i32
    %swap3A_1330 = tpu.memref_slice %swap3A_1328[%swap3A_1324, %swap3A_1329] : memref<4x128xi32, #tpu.memory_space<vmem>> -> memref<1x128xi32, #tpu.memory_space<vmem>>
    %swap3A_1331 = tpu.memref_squeeze %swap3A_1330 : memref<1x128xi32, #tpu.memory_space<vmem>> -> memref<128xi32, #tpu.memory_space<vmem>>
    %swap3A_1332 = arith.constant 80 : index
    %swap3A_1333 = tpu.vector_load %swap3A_1331[%swap3A_1332] {strides = array<i32>} : memref<128xi32, #tpu.memory_space<vmem>>, vector<16xi32>,
    %swap3A_1334 = vector.shape_cast %swap3A_1333 : vector<16xi32> to vector<16xi32>
    %swap3A_1335 = vector.shape_cast %add3A_1322 : vector<16xi32> to vector<16xi32>
    tpu.vector_store %swap3A_1331[%swap3A_1332], %swap3A_1335 {strides = array<i32>} : memref<128xi32, #tpu.memory_space<vmem>>, vector<16xi32>,
    %get3A_1336 = arith.constant 1 : i32
    %get3A_1337 = arith.constant 0 : i32
    %get3A_1338 = arith.constant 0 : i32
    %get3A_1339 = arith.constant 0 : i32
    %get3A_1340 = tpu.memref_slice %arg5[%get3A_1336, %get3A_1338, %get3A_1339] : memref<2x4x128xi32, #tpu.memory_space<vmem>> -> memref<1x4x128xi32, #tpu.memory_space<vmem>>
    %get3A_1341 = tpu.memref_squeeze %get3A_1340 : memref<1x4x128xi32, #tpu.memory_space<vmem>> -> memref<4x128xi32, #tpu.memory_space<vmem>>
    %get3A_1342 = arith.constant 0 : i32
    %get3A_1343 = tpu.memref_slice %get3A_1341[%get3A_1337, %get3A_1342] : memref<4x128xi32, #tpu.memory_space<vmem>> -> memref<1x128xi32, #tpu.memory_space<vmem>>
    %get3A_1344 = tpu.memref_squeeze %get3A_1343 : memref<1x128xi32, #tpu.memory_space<vmem>> -> memref<128xi32, #tpu.memory_space<vmem>>
    %get3A_1345 = arith.constant 96 : index
    %get3A_1346 = tpu.vector_load %get3A_1344[%get3A_1345] {strides = array<i32>} : memref<128xi32, #tpu.memory_space<vmem>>, vector<16xi32>,
    %get3A_1347 = vector.shape_cast %get3A_1346 : vector<16xi32> to vector<16xi32>
    %add3A_1348 = vector.broadcast %mul3A_13 : i32 to vector<16xi32>
    %add3A_1349 = arith.addi %get3A_1347, %add3A_1348 : vector<16xi32>
    %swap3A_1350 = arith.constant 1 : i32
    %swap3A_1351 = arith.constant 0 : i32
    %swap3A_1352 = arith.constant 0 : i32
    %swap3A_1353 = arith.constant 0 : i32
    %swap3A_1354 = tpu.memref_slice %arg5[%swap3A_1350, %swap3A_1352, %swap3A_1353] : memref<2x4x128xi32, #tpu.memory_space<vmem>> -> memref<1x4x128xi32, #tpu.memory_space<vmem>>
    %swap3A_1355 = tpu.memref_squeeze %swap3A_1354 : memref<1x4x128xi32, #tpu.memory_space<vmem>> -> memref<4x128xi32, #tpu.memory_space<vmem>>
    %swap3A_1356 = arith.constant 0 : i32
    %swap3A_1357 = tpu.memref_slice %swap3A_1355[%swap3A_1351, %swap3A_1356] : memref<4x128xi32, #tpu.memory_space<vmem>> -> memref<1x128xi32, #tpu.memory_space<vmem>>
    %swap3A_1358 = tpu.memref_squeeze %swap3A_1357 : memref<1x128xi32, #tpu.memory_space<vmem>> -> memref<128xi32, #tpu.memory_space<vmem>>
    %swap3A_1359 = arith.constant 96 : index
    %swap3A_1360 = tpu.vector_load %swap3A_1358[%swap3A_1359] {strides = array<i32>} : memref<128xi32, #tpu.memory_space<vmem>>, vector<16xi32>,
    %swap3A_1361 = vector.shape_cast %swap3A_1360 : vector<16xi32> to vector<16xi32>
    %swap3A_1362 = vector.shape_cast %add3A_1349 : vector<16xi32> to vector<16xi32>
    tpu.vector_store %swap3A_1358[%swap3A_1359], %swap3A_1362 {strides = array<i32>} : memref<128xi32, #tpu.memory_space<vmem>>, vector<16xi32>,
    %get3A_1363 = arith.constant 1 : i32
    %get3A_1364 = arith.constant 0 : i32
    %get3A_1365 = arith.constant 0 : i32
    %get3A_1366 = arith.constant 0 : i32
    %get3A_1367 = tpu.memref_slice %arg5[%get3A_1363, %get3A_1365, %get3A_1366] : memref<2x4x128xi32, #tpu.memory_space<vmem>> -> memref<1x4x128xi32, #tpu.memory_space<vmem>>
    %get3A_1368 = tpu.memref_squeeze %get3A_1367 : memref<1x4x128xi32, #tpu.memory_space<vmem>> -> memref<4x128xi32, #tpu.memory_space<vmem>>
    %get3A_1369 = arith.constant 0 : i32
    %get3A_1370 = tpu.memref_slice %get3A_1368[%get3A_1364, %get3A_1369] : memref<4x128xi32, #tpu.memory_space<vmem>> -> memref<1x128xi32, #tpu.memory_space<vmem>>
    %get3A_1371 = tpu.memref_squeeze %get3A_1370 : memref<1x128xi32, #tpu.memory_space<vmem>> -> memref<128xi32, #tpu.memory_space<vmem>>
    %get3A_1372 = arith.constant 112 : index
    %get3A_1373 = tpu.vector_load %get3A_1371[%get3A_1372] {strides = array<i32>} : memref<128xi32, #tpu.memory_space<vmem>>, vector<16xi32>,
    %get3A_1374 = vector.shape_cast %get3A_1373 : vector<16xi32> to vector<16xi32>
    %add3A_1375 = vector.broadcast %mul3A_13 : i32 to vector<16xi32>
    %add3A_1376 = arith.addi %get3A_1374, %add3A_1375 : vector<16xi32>
    %swap3A_1377 = arith.constant 1 : i32
    %swap3A_1378 = arith.constant 0 : i32
    %swap3A_1379 = arith.constant 0 : i32
    %swap3A_1380 = arith.constant 0 : i32
    %swap3A_1381 = tpu.memref_slice %arg5[%swap3A_1377, %swap3A_1379, %swap3A_1380] : memref<2x4x128xi32, #tpu.memory_space<vmem>> -> memref<1x4x128xi32, #tpu.memory_space<vmem>>
    %swap3A_1382 = tpu.memref_squeeze %swap3A_1381 : memref<1x4x128xi32, #tpu.memory_space<vmem>> -> memref<4x128xi32, #tpu.memory_space<vmem>>
    %swap3A_1383 = arith.constant 0 : i32
    %swap3A_1384 = tpu.memref_slice %swap3A_1382[%swap3A_1378, %swap3A_1383] : memref<4x128xi32, #tpu.memory_space<vmem>> -> memref<1x128xi32, #tpu.memory_space<vmem>>
    %swap3A_1385 = tpu.memref_squeeze %swap3A_1384 : memref<1x128xi32, #tpu.memory_space<vmem>> -> memref<128xi32, #tpu.memory_space<vmem>>
    %swap3A_1386 = arith.constant 112 : index
    %swap3A_1387 = tpu.vector_load %swap3A_1385[%swap3A_1386] {strides = array<i32>} : memref<128xi32, #tpu.memory_space<vmem>>, vector<16xi32>,
    %swap3A_1388 = vector.shape_cast %swap3A_1387 : vector<16xi32> to vector<16xi32>
    %swap3A_1389 = vector.shape_cast %add3A_1376 : vector<16xi32> to vector<16xi32>
    tpu.vector_store %swap3A_1385[%swap3A_1386], %swap3A_1389 {strides = array<i32>} : memref<128xi32, #tpu.memory_space<vmem>>, vector<16xi32>,
    %get3A_1390 = arith.constant 1 : i32
    %get3A_1391 = arith.constant 1 : i32
    %get3A_1392 = arith.constant 0 : i32
    %get3A_1393 = arith.constant 0 : i32
    %get3A_1394 = tpu.memref_slice %arg5[%get3A_1390, %get3A_1392, %get3A_1393] : memref<2x4x128xi32, #tpu.memory_space<vmem>> -> memref<1x4x128xi32, #tpu.memory_space<vmem>>
    %get3A_1395 = tpu.memref_squeeze %get3A_1394 : memref<1x4x128xi32, #tpu.memory_space<vmem>> -> memref<4x128xi32, #tpu.memory_space<vmem>>
    %get3A_1396 = arith.constant 0 : i32
    %get3A_1397 = tpu.memref_slice %get3A_1395[%get3A_1391, %get3A_1396] : memref<4x128xi32, #tpu.memory_space<vmem>> -> memref<1x128xi32, #tpu.memory_space<vmem>>
    %get3A_1398 = tpu.memref_squeeze %get3A_1397 : memref<1x128xi32, #tpu.memory_space<vmem>> -> memref<128xi32, #tpu.memory_space<vmem>>
    %get3A_1399 = arith.constant 0 : index
    %get3A_1400 = tpu.vector_load %get3A_1398[%get3A_1399] {strides = array<i32>} : memref<128xi32, #tpu.memory_space<vmem>>, vector<16xi32>,
    %get3A_1401 = vector.shape_cast %get3A_1400 : vector<16xi32> to vector<16xi32>
    %add3A_1402 = vector.broadcast %mul3A_13 : i32 to vector<16xi32>
    %add3A_1403 = arith.addi %get3A_1401, %add3A_1402 : vector<16xi32>
    %swap3A_1404 = arith.constant 1 : i32
    %swap3A_1405 = arith.constant 1 : i32
    %swap3A_1406 = arith.constant 0 : i32
    %swap3A_1407 = arith.constant 0 : i32
    %swap3A_1408 = tpu.memref_slice %arg5[%swap3A_1404, %swap3A_1406, %swap3A_1407] : memref<2x4x128xi32, #tpu.memory_space<vmem>> -> memref<1x4x128xi32, #tpu.memory_space<vmem>>
    %swap3A_1409 = tpu.memref_squeeze %swap3A_1408 : memref<1x4x128xi32, #tpu.memory_space<vmem>> -> memref<4x128xi32, #tpu.memory_space<vmem>>
    %swap3A_1410 = arith.constant 0 : i32
    %swap3A_1411 = tpu.memref_slice %swap3A_1409[%swap3A_1405, %swap3A_1410] : memref<4x128xi32, #tpu.memory_space<vmem>> -> memref<1x128xi32, #tpu.memory_space<vmem>>
    %swap3A_1412 = tpu.memref_squeeze %swap3A_1411 : memref<1x128xi32, #tpu.memory_space<vmem>> -> memref<128xi32, #tpu.memory_space<vmem>>
    %swap3A_1413 = arith.constant 0 : index
    %swap3A_1414 = tpu.vector_load %swap3A_1412[%swap3A_1413] {strides = array<i32>} : memref<128xi32, #tpu.memory_space<vmem>>, vector<16xi32>,
    %swap3A_1415 = vector.shape_cast %swap3A_1414 : vector<16xi32> to vector<16xi32>
    %swap3A_1416 = vector.shape_cast %add3A_1403 : vector<16xi32> to vector<16xi32>
    tpu.vector_store %swap3A_1412[%swap3A_1413], %swap3A_1416 {strides = array<i32>} : memref<128xi32, #tpu.memory_space<vmem>>, vector<16xi32>,
    %get3A_1417 = arith.constant 1 : i32
    %get3A_1418 = arith.constant 1 : i32
    %get3A_1419 = arith.constant 0 : i32
    %get3A_1420 = arith.constant 0 : i32
    %get3A_1421 = tpu.memref_slice %arg5[%get3A_1417, %get3A_1419, %get3A_1420] : memref<2x4x128xi32, #tpu.memory_space<vmem>> -> memref<1x4x128xi32, #tpu.memory_space<vmem>>
    %get3A_1422 = tpu.memref_squeeze %get3A_1421 : memref<1x4x128xi32, #tpu.memory_space<vmem>> -> memref<4x128xi32, #tpu.memory_space<vmem>>
    %get3A_1423 = arith.constant 0 : i32
    %get3A_1424 = tpu.memref_slice %get3A_1422[%get3A_1418, %get3A_1423] : memref<4x128xi32, #tpu.memory_space<vmem>> -> memref<1x128xi32, #tpu.memory_space<vmem>>
    %get3A_1425 = tpu.memref_squeeze %get3A_1424 : memref<1x128xi32, #tpu.memory_space<vmem>> -> memref<128xi32, #tpu.memory_space<vmem>>
    %get3A_1426 = arith.constant 16 : index
    %get3A_1427 = tpu.vector_load %get3A_1425[%get3A_1426] {strides = array<i32>} : memref<128xi32, #tpu.memory_space<vmem>>, vector<16xi32>,
    %get3A_1428 = vector.shape_cast %get3A_1427 : vector<16xi32> to vector<16xi32>
    %add3A_1429 = vector.broadcast %mul3A_13 : i32 to vector<16xi32>
    %add3A_1430 = arith.addi %get3A_1428, %add3A_1429 : vector<16xi32>
    %swap3A_1431 = arith.constant 1 : i32
    %swap3A_1432 = arith.constant 1 : i32
    %swap3A_1433 = arith.constant 0 : i32
    %swap3A_1434 = arith.constant 0 : i32
    %swap3A_1435 = tpu.memref_slice %arg5[%swap3A_1431, %swap3A_1433, %swap3A_1434] : memref<2x4x128xi32, #tpu.memory_space<vmem>> -> memref<1x4x128xi32, #tpu.memory_space<vmem>>
    %swap3A_1436 = tpu.memref_squeeze %swap3A_1435 : memref<1x4x128xi32, #tpu.memory_space<vmem>> -> memref<4x128xi32, #tpu.memory_space<vmem>>
    %swap3A_1437 = arith.constant 0 : i32
    %swap3A_1438 = tpu.memref_slice %swap3A_1436[%swap3A_1432, %swap3A_1437] : memref<4x128xi32, #tpu.memory_space<vmem>> -> memref<1x128xi32, #tpu.memory_space<vmem>>
    %swap3A_1439 = tpu.memref_squeeze %swap3A_1438 : memref<1x128xi32, #tpu.memory_space<vmem>> -> memref<128xi32, #tpu.memory_space<vmem>>
    %swap3A_1440 = arith.constant 16 : index
    %swap3A_1441 = tpu.vector_load %swap3A_1439[%swap3A_1440] {strides = array<i32>} : memref<128xi32, #tpu.memory_space<vmem>>, vector<16xi32>,
    %swap3A_1442 = vector.shape_cast %swap3A_1441 : vector<16xi32> to vector<16xi32>
    %swap3A_1443 = vector.shape_cast %add3A_1430 : vector<16xi32> to vector<16xi32>
    tpu.vector_store %swap3A_1439[%swap3A_1440], %swap3A_1443 {strides = array<i32>} : memref<128xi32, #tpu.memory_space<vmem>>, vector<16xi32>,
    %get3A_1444 = arith.constant 1 : i32
    %get3A_1445 = arith.constant 1 : i32
    %get3A_1446 = arith.constant 0 : i32
    %get3A_1447 = arith.constant 0 : i32
    %get3A_1448 = tpu.memref_slice %arg5[%get3A_1444, %get3A_1446, %get3A_1447] : memref<2x4x128xi32, #tpu.memory_space<vmem>> -> memref<1x4x128xi32, #tpu.memory_space<vmem>>
    %get3A_1449 = tpu.memref_squeeze %get3A_1448 : memref<1x4x128xi32, #tpu.memory_space<vmem>> -> memref<4x128xi32, #tpu.memory_space<vmem>>
    %get3A_1450 = arith.constant 0 : i32
    %get3A_1451 = tpu.memref_slice %get3A_1449[%get3A_1445, %get3A_1450] : memref<4x128xi32, #tpu.memory_space<vmem>> -> memref<1x128xi32, #tpu.memory_space<vmem>>
    %get3A_1452 = tpu.memref_squeeze %get3A_1451 : memref<1x128xi32, #tpu.memory_space<vmem>> -> memref<128xi32, #tpu.memory_space<vmem>>
    %get3A_1453 = arith.constant 32 : index
    %get3A_1454 = tpu.vector_load %get3A_1452[%get3A_1453] {strides = array<i32>} : memref<128xi32, #tpu.memory_space<vmem>>, vector<16xi32>,
    %get3A_1455 = vector.shape_cast %get3A_1454 : vector<16xi32> to vector<16xi32>
    %add3A_1456 = vector.broadcast %mul3A_13 : i32 to vector<16xi32>
    %add3A_1457 = arith.addi %get3A_1455, %add3A_1456 : vector<16xi32>
    %swap3A_1458 = arith.constant 1 : i32
    %swap3A_1459 = arith.constant 1 : i32
    %swap3A_1460 = arith.constant 0 : i32
    %swap3A_1461 = arith.constant 0 : i32
    %swap3A_1462 = tpu.memref_slice %arg5[%swap3A_1458, %swap3A_1460, %swap3A_1461] : memref<2x4x128xi32, #tpu.memory_space<vmem>> -> memref<1x4x128xi32, #tpu.memory_space<vmem>>
    %swap3A_1463 = tpu.memref_squeeze %swap3A_1462 : memref<1x4x128xi32, #tpu.memory_space<vmem>> -> memref<4x128xi32, #tpu.memory_space<vmem>>
    %swap3A_1464 = arith.constant 0 : i32
    %swap3A_1465 = tpu.memref_slice %swap3A_1463[%swap3A_1459, %swap3A_1464] : memref<4x128xi32, #tpu.memory_space<vmem>> -> memref<1x128xi32, #tpu.memory_space<vmem>>
    %swap3A_1466 = tpu.memref_squeeze %swap3A_1465 : memref<1x128xi32, #tpu.memory_space<vmem>> -> memref<128xi32, #tpu.memory_space<vmem>>
    %swap3A_1467 = arith.constant 32 : index
    %swap3A_1468 = tpu.vector_load %swap3A_1466[%swap3A_1467] {strides = array<i32>} : memref<128xi32, #tpu.memory_space<vmem>>, vector<16xi32>,
    %swap3A_1469 = vector.shape_cast %swap3A_1468 : vector<16xi32> to vector<16xi32>
    %swap3A_1470 = vector.shape_cast %add3A_1457 : vector<16xi32> to vector<16xi32>
    tpu.vector_store %swap3A_1466[%swap3A_1467], %swap3A_1470 {strides = array<i32>} : memref<128xi32, #tpu.memory_space<vmem>>, vector<16xi32>,
    %get3A_1471 = arith.constant 1 : i32
    %get3A_1472 = arith.constant 1 : i32
    %get3A_1473 = arith.constant 0 : i32
    %get3A_1474 = arith.constant 0 : i32
    %get3A_1475 = tpu.memref_slice %arg5[%get3A_1471, %get3A_1473, %get3A_1474] : memref<2x4x128xi32, #tpu.memory_space<vmem>> -> memref<1x4x128xi32, #tpu.memory_space<vmem>>
    %get3A_1476 = tpu.memref_squeeze %get3A_1475 : memref<1x4x128xi32, #tpu.memory_space<vmem>> -> memref<4x128xi32, #tpu.memory_space<vmem>>
    %get3A_1477 = arith.constant 0 : i32
    %get3A_1478 = tpu.memref_slice %get3A_1476[%get3A_1472, %get3A_1477] : memref<4x128xi32, #tpu.memory_space<vmem>> -> memref<1x128xi32, #tpu.memory_space<vmem>>
    %get3A_1479 = tpu.memref_squeeze %get3A_1478 : memref<1x128xi32, #tpu.memory_space<vmem>> -> memref<128xi32, #tpu.memory_space<vmem>>
    %get3A_1480 = arith.constant 48 : index
    %get3A_1481 = tpu.vector_load %get3A_1479[%get3A_1480] {strides = array<i32>} : memref<128xi32, #tpu.memory_space<vmem>>, vector<16xi32>,
    %get3A_1482 = vector.shape_cast %get3A_1481 : vector<16xi32> to vector<16xi32>
    %add3A_1483 = vector.broadcast %mul3A_13 : i32 to vector<16xi32>
    %add3A_1484 = arith.addi %get3A_1482, %add3A_1483 : vector<16xi32>
    %swap3A_1485 = arith.constant 1 : i32
    %swap3A_1486 = arith.constant 1 : i32
    %swap3A_1487 = arith.constant 0 : i32
    %swap3A_1488 = arith.constant 0 : i32
    %swap3A_1489 = tpu.memref_slice %arg5[%swap3A_1485, %swap3A_1487, %swap3A_1488] : memref<2x4x128xi32, #tpu.memory_space<vmem>> -> memref<1x4x128xi32, #tpu.memory_space<vmem>>
    %swap3A_1490 = tpu.memref_squeeze %swap3A_1489 : memref<1x4x128xi32, #tpu.memory_space<vmem>> -> memref<4x128xi32, #tpu.memory_space<vmem>>
    %swap3A_1491 = arith.constant 0 : i32
    %swap3A_1492 = tpu.memref_slice %swap3A_1490[%swap3A_1486, %swap3A_1491] : memref<4x128xi32, #tpu.memory_space<vmem>> -> memref<1x128xi32, #tpu.memory_space<vmem>>
    %swap3A_1493 = tpu.memref_squeeze %swap3A_1492 : memref<1x128xi32, #tpu.memory_space<vmem>> -> memref<128xi32, #tpu.memory_space<vmem>>
    %swap3A_1494 = arith.constant 48 : index
    %swap3A_1495 = tpu.vector_load %swap3A_1493[%swap3A_1494] {strides = array<i32>} : memref<128xi32, #tpu.memory_space<vmem>>, vector<16xi32>,
    %swap3A_1496 = vector.shape_cast %swap3A_1495 : vector<16xi32> to vector<16xi32>
    %swap3A_1497 = vector.shape_cast %add3A_1484 : vector<16xi32> to vector<16xi32>
    tpu.vector_store %swap3A_1493[%swap3A_1494], %swap3A_1497 {strides = array<i32>} : memref<128xi32, #tpu.memory_space<vmem>>, vector<16xi32>,
    %get3A_1498 = arith.constant 1 : i32
    %get3A_1499 = arith.constant 1 : i32
    %get3A_1500 = arith.constant 0 : i32
    %get3A_1501 = arith.constant 0 : i32
    %get3A_1502 = tpu.memref_slice %arg5[%get3A_1498, %get3A_1500, %get3A_1501] : memref<2x4x128xi32, #tpu.memory_space<vmem>> -> memref<1x4x128xi32, #tpu.memory_space<vmem>>
    %get3A_1503 = tpu.memref_squeeze %get3A_1502 : memref<1x4x128xi32, #tpu.memory_space<vmem>> -> memref<4x128xi32, #tpu.memory_space<vmem>>
    %get3A_1504 = arith.constant 0 : i32
    %get3A_1505 = tpu.memref_slice %get3A_1503[%get3A_1499, %get3A_1504] : memref<4x128xi32, #tpu.memory_space<vmem>> -> memref<1x128xi32, #tpu.memory_space<vmem>>
    %get3A_1506 = tpu.memref_squeeze %get3A_1505 : memref<1x128xi32, #tpu.memory_space<vmem>> -> memref<128xi32, #tpu.memory_space<vmem>>
    %get3A_1507 = arith.constant 64 : index
    %get3A_1508 = tpu.vector_load %get3A_1506[%get3A_1507] {strides = array<i32>} : memref<128xi32, #tpu.memory_space<vmem>>, vector<16xi32>,
    %get3A_1509 = vector.shape_cast %get3A_1508 : vector<16xi32> to vector<16xi32>
    %add3A_1510 = vector.broadcast %mul3A_13 : i32 to vector<16xi32>
    %add3A_1511 = arith.addi %get3A_1509, %add3A_1510 : vector<16xi32>
    %swap3A_1512 = arith.constant 1 : i32
    %swap3A_1513 = arith.constant 1 : i32
    %swap3A_1514 = arith.constant 0 : i32
    %swap3A_1515 = arith.constant 0 : i32
    %swap3A_1516 = tpu.memref_slice %arg5[%swap3A_1512, %swap3A_1514, %swap3A_1515] : memref<2x4x128xi32, #tpu.memory_space<vmem>> -> memref<1x4x128xi32, #tpu.memory_space<vmem>>
    %swap3A_1517 = tpu.memref_squeeze %swap3A_1516 : memref<1x4x128xi32, #tpu.memory_space<vmem>> -> memref<4x128xi32, #tpu.memory_space<vmem>>
    %swap3A_1518 = arith.constant 0 : i32
    %swap3A_1519 = tpu.memref_slice %swap3A_1517[%swap3A_1513, %swap3A_1518] : memref<4x128xi32, #tpu.memory_space<vmem>> -> memref<1x128xi32, #tpu.memory_space<vmem>>
    %swap3A_1520 = tpu.memref_squeeze %swap3A_1519 : memref<1x128xi32, #tpu.memory_space<vmem>> -> memref<128xi32, #tpu.memory_space<vmem>>
    %swap3A_1521 = arith.constant 64 : index
    %swap3A_1522 = tpu.vector_load %swap3A_1520[%swap3A_1521] {strides = array<i32>} : memref<128xi32, #tpu.memory_space<vmem>>, vector<16xi32>,
    %swap3A_1523 = vector.shape_cast %swap3A_1522 : vector<16xi32> to vector<16xi32>
    %swap3A_1524 = vector.shape_cast %add3A_1511 : vector<16xi32> to vector<16xi32>
    tpu.vector_store %swap3A_1520[%swap3A_1521], %swap3A_1524 {strides = array<i32>} : memref<128xi32, #tpu.memory_space<vmem>>, vector<16xi32>,
    %get3A_1525 = arith.constant 1 : i32
    %get3A_1526 = arith.constant 1 : i32
    %get3A_1527 = arith.constant 0 : i32
    %get3A_1528 = arith.constant 0 : i32
    %get3A_1529 = tpu.memref_slice %arg5[%get3A_1525, %get3A_1527, %get3A_1528] : memref<2x4x128xi32, #tpu.memory_space<vmem>> -> memref<1x4x128xi32, #tpu.memory_space<vmem>>
    %get3A_1530 = tpu.memref_squeeze %get3A_1529 : memref<1x4x128xi32, #tpu.memory_space<vmem>> -> memref<4x128xi32, #tpu.memory_space<vmem>>
    %get3A_1531 = arith.constant 0 : i32
    %get3A_1532 = tpu.memref_slice %get3A_1530[%get3A_1526, %get3A_1531] : memref<4x128xi32, #tpu.memory_space<vmem>> -> memref<1x128xi32, #tpu.memory_space<vmem>>
    %get3A_1533 = tpu.memref_squeeze %get3A_1532 : memref<1x128xi32, #tpu.memory_space<vmem>> -> memref<128xi32, #tpu.memory_space<vmem>>
    %get3A_1534 = arith.constant 80 : index
    %get3A_1535 = tpu.vector_load %get3A_1533[%get3A_1534] {strides = array<i32>} : memref<128xi32, #tpu.memory_space<vmem>>, vector<16xi32>,
    %get3A_1536 = vector.shape_cast %get3A_1535 : vector<16xi32> to vector<16xi32>
    %add3A_1537 = vector.broadcast %mul3A_13 : i32 to vector<16xi32>
    %add3A_1538 = arith.addi %get3A_1536, %add3A_1537 : vector<16xi32>
    %swap3A_1539 = arith.constant 1 : i32
    %swap3A_1540 = arith.constant 1 : i32
    %swap3A_1541 = arith.constant 0 : i32
    %swap3A_1542 = arith.constant 0 : i32
    %swap3A_1543 = tpu.memref_slice %arg5[%swap3A_1539, %swap3A_1541, %swap3A_1542] : memref<2x4x128xi32, #tpu.memory_space<vmem>> -> memref<1x4x128xi32, #tpu.memory_space<vmem>>
    %swap3A_1544 = tpu.memref_squeeze %swap3A_1543 : memref<1x4x128xi32, #tpu.memory_space<vmem>> -> memref<4x128xi32, #tpu.memory_space<vmem>>
    %swap3A_1545 = arith.constant 0 : i32
    %swap3A_1546 = tpu.memref_slice %swap3A_1544[%swap3A_1540, %swap3A_1545] : memref<4x128xi32, #tpu.memory_space<vmem>> -> memref<1x128xi32, #tpu.memory_space<vmem>>
    %swap3A_1547 = tpu.memref_squeeze %swap3A_1546 : memref<1x128xi32, #tpu.memory_space<vmem>> -> memref<128xi32, #tpu.memory_space<vmem>>
    %swap3A_1548 = arith.constant 80 : index
    %swap3A_1549 = tpu.vector_load %swap3A_1547[%swap3A_1548] {strides = array<i32>} : memref<128xi32, #tpu.memory_space<vmem>>, vector<16xi32>,
    %swap3A_1550 = vector.shape_cast %swap3A_1549 : vector<16xi32> to vector<16xi32>
    %swap3A_1551 = vector.shape_cast %add3A_1538 : vector<16xi32> to vector<16xi32>
    tpu.vector_store %swap3A_1547[%swap3A_1548], %swap3A_1551 {strides = array<i32>} : memref<128xi32, #tpu.memory_space<vmem>>, vector<16xi32>,
    %get3A_1552 = arith.constant 1 : i32
    %get3A_1553 = arith.constant 1 : i32
    %get3A_1554 = arith.constant 0 : i32
    %get3A_1555 = arith.constant 0 : i32
    %get3A_1556 = tpu.memref_slice %arg5[%get3A_1552, %get3A_1554, %get3A_1555] : memref<2x4x128xi32, #tpu.memory_space<vmem>> -> memref<1x4x128xi32, #tpu.memory_space<vmem>>
    %get3A_1557 = tpu.memref_squeeze %get3A_1556 : memref<1x4x128xi32, #tpu.memory_space<vmem>> -> memref<4x128xi32, #tpu.memory_space<vmem>>
    %get3A_1558 = arith.constant 0 : i32
    %get3A_1559 = tpu.memref_slice %get3A_1557[%get3A_1553, %get3A_1558] : memref<4x128xi32, #tpu.memory_space<vmem>> -> memref<1x128xi32, #tpu.memory_space<vmem>>
    %get3A_1560 = tpu.memref_squeeze %get3A_1559 : memref<1x128xi32, #tpu.memory_space<vmem>> -> memref<128xi32, #tpu.memory_space<vmem>>
    %get3A_1561 = arith.constant 96 : index
    %get3A_1562 = tpu.vector_load %get3A_1560[%get3A_1561] {strides = array<i32>} : memref<128xi32, #tpu.memory_space<vmem>>, vector<16xi32>,
    %get3A_1563 = vector.shape_cast %get3A_1562 : vector<16xi32> to vector<16xi32>
    %add3A_1564 = vector.broadcast %mul3A_13 : i32 to vector<16xi32>
    %add3A_1565 = arith.addi %get3A_1563, %add3A_1564 : vector<16xi32>
    %swap3A_1566 = arith.constant 1 : i32
    %swap3A_1567 = arith.constant 1 : i32
    %swap3A_1568 = arith.constant 0 : i32
    %swap3A_1569 = arith.constant 0 : i32
    %swap3A_1570 = tpu.memref_slice %arg5[%swap3A_1566, %swap3A_1568, %swap3A_1569] : memref<2x4x128xi32, #tpu.memory_space<vmem>> -> memref<1x4x128xi32, #tpu.memory_space<vmem>>
    %swap3A_1571 = tpu.memref_squeeze %swap3A_1570 : memref<1x4x128xi32, #tpu.memory_space<vmem>> -> memref<4x128xi32, #tpu.memory_space<vmem>>
    %swap3A_1572 = arith.constant 0 : i32
    %swap3A_1573 = tpu.memref_slice %swap3A_1571[%swap3A_1567, %swap3A_1572] : memref<4x128xi32, #tpu.memory_space<vmem>> -> memref<1x128xi32, #tpu.memory_space<vmem>>
    %swap3A_1574 = tpu.memref_squeeze %swap3A_1573 : memref<1x128xi32, #tpu.memory_space<vmem>> -> memref<128xi32, #tpu.memory_space<vmem>>
    %swap3A_1575 = arith.constant 96 : index
    %swap3A_1576 = tpu.vector_load %swap3A_1574[%swap3A_1575] {strides = array<i32>} : memref<128xi32, #tpu.memory_space<vmem>>, vector<16xi32>,
    %swap3A_1577 = vector.shape_cast %swap3A_1576 : vector<16xi32> to vector<16xi32>
    %swap3A_1578 = vector.shape_cast %add3A_1565 : vector<16xi32> to vector<16xi32>
    tpu.vector_store %swap3A_1574[%swap3A_1575], %swap3A_1578 {strides = array<i32>} : memref<128xi32, #tpu.memory_space<vmem>>, vector<16xi32>,
    %get3A_1579 = arith.constant 1 : i32
    %get3A_1580 = arith.constant 1 : i32
    %get3A_1581 = arith.constant 0 : i32
    %get3A_1582 = arith.constant 0 : i32
    %get3A_1583 = tpu.memref_slice %arg5[%get3A_1579, %get3A_1581, %get3A_1582] : memref<2x4x128xi32, #tpu.memory_space<vmem>> -> memref<1x4x128xi32, #tpu.memory_space<vmem>>
    %get3A_1584 = tpu.memref_squeeze %get3A_1583 : memref<1x4x128xi32, #tpu.memory_space<vmem>> -> memref<4x128xi32, #tpu.memory_space<vmem>>
    %get3A_1585 = arith.constant 0 : i32
    %get3A_1586 = tpu.memref_slice %get3A_1584[%get3A_1580, %get3A_1585] : memref<4x128xi32, #tpu.memory_space<vmem>> -> memref<1x128xi32, #tpu.memory_space<vmem>>
    %get3A_1587 = tpu.memref_squeeze %get3A_1586 : memref<1x128xi32, #tpu.memory_space<vmem>> -> memref<128xi32, #tpu.memory_space<vmem>>
    %get3A_1588 = arith.constant 112 : index
    %get3A_1589 = tpu.vector_load %get3A_1587[%get3A_1588] {strides = array<i32>} : memref<128xi32, #tpu.memory_space<vmem>>, vector<16xi32>,
    %get3A_1590 = vector.shape_cast %get3A_1589 : vector<16xi32> to vector<16xi32>
    %add3A_1591 = vector.broadcast %mul3A_13 : i32 to vector<16xi32>
    %add3A_1592 = arith.addi %get3A_1590, %add3A_1591 : vector<16xi32>
    %swap3A_1593 = arith.constant 1 : i32
    %swap3A_1594 = arith.constant 1 : i32
    %swap3A_1595 = arith.constant 0 : i32
    %swap3A_1596 = arith.constant 0 : i32
    %swap3A_1597 = tpu.memref_slice %arg5[%swap3A_1593, %swap3A_1595, %swap3A_1596] : memref<2x4x128xi32, #tpu.memory_space<vmem>> -> memref<1x4x128xi32, #tpu.memory_space<vmem>>
    %swap3A_1598 = tpu.memref_squeeze %swap3A_1597 : memref<1x4x128xi32, #tpu.memory_space<vmem>> -> memref<4x128xi32, #tpu.memory_space<vmem>>
    %swap3A_1599 = arith.constant 0 : i32
    %swap3A_1600 = tpu.memref_slice %swap3A_1598[%swap3A_1594, %swap3A_1599] : memref<4x128xi32, #tpu.memory_space<vmem>> -> memref<1x128xi32, #tpu.memory_space<vmem>>
    %swap3A_1601 = tpu.memref_squeeze %swap3A_1600 : memref<1x128xi32, #tpu.memory_space<vmem>> -> memref<128xi32, #tpu.memory_space<vmem>>
    %swap3A_1602 = arith.constant 112 : index
    %swap3A_1603 = tpu.vector_load %swap3A_1601[%swap3A_1602] {strides = array<i32>} : memref<128xi32, #tpu.memory_space<vmem>>, vector<16xi32>,
    %swap3A_1604 = vector.shape_cast %swap3A_1603 : vector<16xi32> to vector<16xi32>
    %swap3A_1605 = vector.shape_cast %add3A_1592 : vector<16xi32> to vector<16xi32>
    tpu.vector_store %swap3A_1601[%swap3A_1602], %swap3A_1605 {strides = array<i32>} : memref<128xi32, #tpu.memory_space<vmem>>, vector<16xi32>,
    %get3A_1606 = arith.constant 1 : i32
    %get3A_1607 = arith.constant 2 : i32
    %get3A_1608 = arith.constant 0 : i32
    %get3A_1609 = arith.constant 0 : i32
    %get3A_1610 = tpu.memref_slice %arg5[%get3A_1606, %get3A_1608, %get3A_1609] : memref<2x4x128xi32, #tpu.memory_space<vmem>> -> memref<1x4x128xi32, #tpu.memory_space<vmem>>
    %get3A_1611 = tpu.memref_squeeze %get3A_1610 : memref<1x4x128xi32, #tpu.memory_space<vmem>> -> memref<4x128xi32, #tpu.memory_space<vmem>>
    %get3A_1612 = arith.constant 0 : i32
    %get3A_1613 = tpu.memref_slice %get3A_1611[%get3A_1607, %get3A_1612] : memref<4x128xi32, #tpu.memory_space<vmem>> -> memref<1x128xi32, #tpu.memory_space<vmem>>
    %get3A_1614 = tpu.memref_squeeze %get3A_1613 : memref<1x128xi32, #tpu.memory_space<vmem>> -> memref<128xi32, #tpu.memory_space<vmem>>
    %get3A_1615 = arith.constant 0 : index
    %get3A_1616 = tpu.vector_load %get3A_1614[%get3A_1615] {strides = array<i32>} : memref<128xi32, #tpu.memory_space<vmem>>, vector<16xi32>,
    %get3A_1617 = vector.shape_cast %get3A_1616 : vector<16xi32> to vector<16xi32>
    %add3A_1618 = vector.broadcast %mul3A_13 : i32 to vector<16xi32>
    %add3A_1619 = arith.addi %get3A_1617, %add3A_1618 : vector<16xi32>
    %swap3A_1620 = arith.constant 1 : i32
    %swap3A_1621 = arith.constant 2 : i32
    %swap3A_1622 = arith.constant 0 : i32
    %swap3A_1623 = arith.constant 0 : i32
    %swap3A_1624 = tpu.memref_slice %arg5[%swap3A_1620, %swap3A_1622, %swap3A_1623] : memref<2x4x128xi32, #tpu.memory_space<vmem>> -> memref<1x4x128xi32, #tpu.memory_space<vmem>>
    %swap3A_1625 = tpu.memref_squeeze %swap3A_1624 : memref<1x4x128xi32, #tpu.memory_space<vmem>> -> memref<4x128xi32, #tpu.memory_space<vmem>>
    %swap3A_1626 = arith.constant 0 : i32
    %swap3A_1627 = tpu.memref_slice %swap3A_1625[%swap3A_1621, %swap3A_1626] : memref<4x128xi32, #tpu.memory_space<vmem>> -> memref<1x128xi32, #tpu.memory_space<vmem>>
    %swap3A_1628 = tpu.memref_squeeze %swap3A_1627 : memref<1x128xi32, #tpu.memory_space<vmem>> -> memref<128xi32, #tpu.memory_space<vmem>>
    %swap3A_1629 = arith.constant 0 : index
    %swap3A_1630 = tpu.vector_load %swap3A_1628[%swap3A_1629] {strides = array<i32>} : memref<128xi32, #tpu.memory_space<vmem>>, vector<16xi32>,
    %swap3A_1631 = vector.shape_cast %swap3A_1630 : vector<16xi32> to vector<16xi32>
    %swap3A_1632 = vector.shape_cast %add3A_1619 : vector<16xi32> to vector<16xi32>
    tpu.vector_store %swap3A_1628[%swap3A_1629], %swap3A_1632 {strides = array<i32>} : memref<128xi32, #tpu.memory_space<vmem>>, vector<16xi32>,
    %get3A_1633 = arith.constant 1 : i32
    %get3A_1634 = arith.constant 2 : i32
    %get3A_1635 = arith.constant 0 : i32
    %get3A_1636 = arith.constant 0 : i32
    %get3A_1637 = tpu.memref_slice %arg5[%get3A_1633, %get3A_1635, %get3A_1636] : memref<2x4x128xi32, #tpu.memory_space<vmem>> -> memref<1x4x128xi32, #tpu.memory_space<vmem>>
    %get3A_1638 = tpu.memref_squeeze %get3A_1637 : memref<1x4x128xi32, #tpu.memory_space<vmem>> -> memref<4x128xi32, #tpu.memory_space<vmem>>
    %get3A_1639 = arith.constant 0 : i32
    %get3A_1640 = tpu.memref_slice %get3A_1638[%get3A_1634, %get3A_1639] : memref<4x128xi32, #tpu.memory_space<vmem>> -> memref<1x128xi32, #tpu.memory_space<vmem>>
    %get3A_1641 = tpu.memref_squeeze %get3A_1640 : memref<1x128xi32, #tpu.memory_space<vmem>> -> memref<128xi32, #tpu.memory_space<vmem>>
    %get3A_1642 = arith.constant 16 : index
    %get3A_1643 = tpu.vector_load %get3A_1641[%get3A_1642] {strides = array<i32>} : memref<128xi32, #tpu.memory_space<vmem>>, vector<16xi32>,
    %get3A_1644 = vector.shape_cast %get3A_1643 : vector<16xi32> to vector<16xi32>
    %add3A_1645 = vector.broadcast %mul3A_13 : i32 to vector<16xi32>
    %add3A_1646 = arith.addi %get3A_1644, %add3A_1645 : vector<16xi32>
    %swap3A_1647 = arith.constant 1 : i32
    %swap3A_1648 = arith.constant 2 : i32
    %swap3A_1649 = arith.constant 0 : i32
    %swap3A_1650 = arith.constant 0 : i32
    %swap3A_1651 = tpu.memref_slice %arg5[%swap3A_1647, %swap3A_1649, %swap3A_1650] : memref<2x4x128xi32, #tpu.memory_space<vmem>> -> memref<1x4x128xi32, #tpu.memory_space<vmem>>
    %swap3A_1652 = tpu.memref_squeeze %swap3A_1651 : memref<1x4x128xi32, #tpu.memory_space<vmem>> -> memref<4x128xi32, #tpu.memory_space<vmem>>
    %swap3A_1653 = arith.constant 0 : i32
    %swap3A_1654 = tpu.memref_slice %swap3A_1652[%swap3A_1648, %swap3A_1653] : memref<4x128xi32, #tpu.memory_space<vmem>> -> memref<1x128xi32, #tpu.memory_space<vmem>>
    %swap3A_1655 = tpu.memref_squeeze %swap3A_1654 : memref<1x128xi32, #tpu.memory_space<vmem>> -> memref<128xi32, #tpu.memory_space<vmem>>
    %swap3A_1656 = arith.constant 16 : index
    %swap3A_1657 = tpu.vector_load %swap3A_1655[%swap3A_1656] {strides = array<i32>} : memref<128xi32, #tpu.memory_space<vmem>>, vector<16xi32>,
    %swap3A_1658 = vector.shape_cast %swap3A_1657 : vector<16xi32> to vector<16xi32>
    %swap3A_1659 = vector.shape_cast %add3A_1646 : vector<16xi32> to vector<16xi32>
    tpu.vector_store %swap3A_1655[%swap3A_1656], %swap3A_1659 {strides = array<i32>} : memref<128xi32, #tpu.memory_space<vmem>>, vector<16xi32>,
    %get3A_1660 = arith.constant 1 : i32
    %get3A_1661 = arith.constant 2 : i32
    %get3A_1662 = arith.constant 0 : i32
    %get3A_1663 = arith.constant 0 : i32
    %get3A_1664 = tpu.memref_slice %arg5[%get3A_1660, %get3A_1662, %get3A_1663] : memref<2x4x128xi32, #tpu.memory_space<vmem>> -> memref<1x4x128xi32, #tpu.memory_space<vmem>>
    %get3A_1665 = tpu.memref_squeeze %get3A_1664 : memref<1x4x128xi32, #tpu.memory_space<vmem>> -> memref<4x128xi32, #tpu.memory_space<vmem>>
    %get3A_1666 = arith.constant 0 : i32
    %get3A_1667 = tpu.memref_slice %get3A_1665[%get3A_1661, %get3A_1666] : memref<4x128xi32, #tpu.memory_space<vmem>> -> memref<1x128xi32, #tpu.memory_space<vmem>>
    %get3A_1668 = tpu.memref_squeeze %get3A_1667 : memref<1x128xi32, #tpu.memory_space<vmem>> -> memref<128xi32, #tpu.memory_space<vmem>>
    %get3A_1669 = arith.constant 32 : index
    %get3A_1670 = tpu.vector_load %get3A_1668[%get3A_1669] {strides = array<i32>} : memref<128xi32, #tpu.memory_space<vmem>>, vector<16xi32>,
    %get3A_1671 = vector.shape_cast %get3A_1670 : vector<16xi32> to vector<16xi32>
    %add3A_1672 = vector.broadcast %mul3A_13 : i32 to vector<16xi32>
    %add3A_1673 = arith.addi %get3A_1671, %add3A_1672 : vector<16xi32>
    %swap3A_1674 = arith.constant 1 : i32
    %swap3A_1675 = arith.constant 2 : i32
    %swap3A_1676 = arith.constant 0 : i32
    %swap3A_1677 = arith.constant 0 : i32
    %swap3A_1678 = tpu.memref_slice %arg5[%swap3A_1674, %swap3A_1676, %swap3A_1677] : memref<2x4x128xi32, #tpu.memory_space<vmem>> -> memref<1x4x128xi32, #tpu.memory_space<vmem>>
    %swap3A_1679 = tpu.memref_squeeze %swap3A_1678 : memref<1x4x128xi32, #tpu.memory_space<vmem>> -> memref<4x128xi32, #tpu.memory_space<vmem>>
    %swap3A_1680 = arith.constant 0 : i32
    %swap3A_1681 = tpu.memref_slice %swap3A_1679[%swap3A_1675, %swap3A_1680] : memref<4x128xi32, #tpu.memory_space<vmem>> -> memref<1x128xi32, #tpu.memory_space<vmem>>
    %swap3A_1682 = tpu.memref_squeeze %swap3A_1681 : memref<1x128xi32, #tpu.memory_space<vmem>> -> memref<128xi32, #tpu.memory_space<vmem>>
    %swap3A_1683 = arith.constant 32 : index
    %swap3A_1684 = tpu.vector_load %swap3A_1682[%swap3A_1683] {strides = array<i32>} : memref<128xi32, #tpu.memory_space<vmem>>, vector<16xi32>,
    %swap3A_1685 = vector.shape_cast %swap3A_1684 : vector<16xi32> to vector<16xi32>
    %swap3A_1686 = vector.shape_cast %add3A_1673 : vector<16xi32> to vector<16xi32>
    tpu.vector_store %swap3A_1682[%swap3A_1683], %swap3A_1686 {strides = array<i32>} : memref<128xi32, #tpu.memory_space<vmem>>, vector<16xi32>,
    %get3A_1687 = arith.constant 1 : i32
    %get3A_1688 = arith.constant 2 : i32
    %get3A_1689 = arith.constant 0 : i32
    %get3A_1690 = arith.constant 0 : i32
    %get3A_1691 = tpu.memref_slice %arg5[%get3A_1687, %get3A_1689, %get3A_1690] : memref<2x4x128xi32, #tpu.memory_space<vmem>> -> memref<1x4x128xi32, #tpu.memory_space<vmem>>
    %get3A_1692 = tpu.memref_squeeze %get3A_1691 : memref<1x4x128xi32, #tpu.memory_space<vmem>> -> memref<4x128xi32, #tpu.memory_space<vmem>>
    %get3A_1693 = arith.constant 0 : i32
    %get3A_1694 = tpu.memref_slice %get3A_1692[%get3A_1688, %get3A_1693] : memref<4x128xi32, #tpu.memory_space<vmem>> -> memref<1x128xi32, #tpu.memory_space<vmem>>
    %get3A_1695 = tpu.memref_squeeze %get3A_1694 : memref<1x128xi32, #tpu.memory_space<vmem>> -> memref<128xi32, #tpu.memory_space<vmem>>
    %get3A_1696 = arith.constant 48 : index
    %get3A_1697 = tpu.vector_load %get3A_1695[%get3A_1696] {strides = array<i32>} : memref<128xi32, #tpu.memory_space<vmem>>, vector<16xi32>,
    %get3A_1698 = vector.shape_cast %get3A_1697 : vector<16xi32> to vector<16xi32>
    %add3A_1699 = vector.broadcast %mul3A_13 : i32 to vector<16xi32>
    %add3A_1700 = arith.addi %get3A_1698, %add3A_1699 : vector<16xi32>
    %swap3A_1701 = arith.constant 1 : i32
    %swap3A_1702 = arith.constant 2 : i32
    %swap3A_1703 = arith.constant 0 : i32
    %swap3A_1704 = arith.constant 0 : i32
    %swap3A_1705 = tpu.memref_slice %arg5[%swap3A_1701, %swap3A_1703, %swap3A_1704] : memref<2x4x128xi32, #tpu.memory_space<vmem>> -> memref<1x4x128xi32, #tpu.memory_space<vmem>>
    %swap3A_1706 = tpu.memref_squeeze %swap3A_1705 : memref<1x4x128xi32, #tpu.memory_space<vmem>> -> memref<4x128xi32, #tpu.memory_space<vmem>>
    %swap3A_1707 = arith.constant 0 : i32
    %swap3A_1708 = tpu.memref_slice %swap3A_1706[%swap3A_1702, %swap3A_1707] : memref<4x128xi32, #tpu.memory_space<vmem>> -> memref<1x128xi32, #tpu.memory_space<vmem>>
    %swap3A_1709 = tpu.memref_squeeze %swap3A_1708 : memref<1x128xi32, #tpu.memory_space<vmem>> -> memref<128xi32, #tpu.memory_space<vmem>>
    %swap3A_1710 = arith.constant 48 : index
    %swap3A_1711 = tpu.vector_load %swap3A_1709[%swap3A_1710] {strides = array<i32>} : memref<128xi32, #tpu.memory_space<vmem>>, vector<16xi32>,
    %swap3A_1712 = vector.shape_cast %swap3A_1711 : vector<16xi32> to vector<16xi32>
    %swap3A_1713 = vector.shape_cast %add3A_1700 : vector<16xi32> to vector<16xi32>
    tpu.vector_store %swap3A_1709[%swap3A_1710], %swap3A_1713 {strides = array<i32>} : memref<128xi32, #tpu.memory_space<vmem>>, vector<16xi32>,
    %get3A_1714 = arith.constant 1 : i32
    %get3A_1715 = arith.constant 2 : i32
    %get3A_1716 = arith.constant 0 : i32
    %get3A_1717 = arith.constant 0 : i32
    %get3A_1718 = tpu.memref_slice %arg5[%get3A_1714, %get3A_1716, %get3A_1717] : memref<2x4x128xi32, #tpu.memory_space<vmem>> -> memref<1x4x128xi32, #tpu.memory_space<vmem>>
    %get3A_1719 = tpu.memref_squeeze %get3A_1718 : memref<1x4x128xi32, #tpu.memory_space<vmem>> -> memref<4x128xi32, #tpu.memory_space<vmem>>
    %get3A_1720 = arith.constant 0 : i32
    %get3A_1721 = tpu.memref_slice %get3A_1719[%get3A_1715, %get3A_1720] : memref<4x128xi32, #tpu.memory_space<vmem>> -> memref<1x128xi32, #tpu.memory_space<vmem>>
    %get3A_1722 = tpu.memref_squeeze %get3A_1721 : memref<1x128xi32, #tpu.memory_space<vmem>> -> memref<128xi32, #tpu.memory_space<vmem>>
    %get3A_1723 = arith.constant 64 : index
    %get3A_1724 = tpu.vector_load %get3A_1722[%get3A_1723] {strides = array<i32>} : memref<128xi32, #tpu.memory_space<vmem>>, vector<16xi32>,
    %get3A_1725 = vector.shape_cast %get3A_1724 : vector<16xi32> to vector<16xi32>
    %add3A_1726 = vector.broadcast %mul3A_13 : i32 to vector<16xi32>
    %add3A_1727 = arith.addi %get3A_1725, %add3A_1726 : vector<16xi32>
    %swap3A_1728 = arith.constant 1 : i32
    %swap3A_1729 = arith.constant 2 : i32
    %swap3A_1730 = arith.constant 0 : i32
    %swap3A_1731 = arith.constant 0 : i32
    %swap3A_1732 = tpu.memref_slice %arg5[%swap3A_1728, %swap3A_1730, %swap3A_1731] : memref<2x4x128xi32, #tpu.memory_space<vmem>> -> memref<1x4x128xi32, #tpu.memory_space<vmem>>
    %swap3A_1733 = tpu.memref_squeeze %swap3A_1732 : memref<1x4x128xi32, #tpu.memory_space<vmem>> -> memref<4x128xi32, #tpu.memory_space<vmem>>
    %swap3A_1734 = arith.constant 0 : i32
    %swap3A_1735 = tpu.memref_slice %swap3A_1733[%swap3A_1729, %swap3A_1734] : memref<4x128xi32, #tpu.memory_space<vmem>> -> memref<1x128xi32, #tpu.memory_space<vmem>>
    %swap3A_1736 = tpu.memref_squeeze %swap3A_1735 : memref<1x128xi32, #tpu.memory_space<vmem>> -> memref<128xi32, #tpu.memory_space<vmem>>
    %swap3A_1737 = arith.constant 64 : index
    %swap3A_1738 = tpu.vector_load %swap3A_1736[%swap3A_1737] {strides = array<i32>} : memref<128xi32, #tpu.memory_space<vmem>>, vector<16xi32>,
    %swap3A_1739 = vector.shape_cast %swap3A_1738 : vector<16xi32> to vector<16xi32>
    %swap3A_1740 = vector.shape_cast %add3A_1727 : vector<16xi32> to vector<16xi32>
    tpu.vector_store %swap3A_1736[%swap3A_1737], %swap3A_1740 {strides = array<i32>} : memref<128xi32, #tpu.memory_space<vmem>>, vector<16xi32>,
    %get3A_1741 = arith.constant 1 : i32
    %get3A_1742 = arith.constant 2 : i32
    %get3A_1743 = arith.constant 0 : i32
    %get3A_1744 = arith.constant 0 : i32
    %get3A_1745 = tpu.memref_slice %arg5[%get3A_1741, %get3A_1743, %get3A_1744] : memref<2x4x128xi32, #tpu.memory_space<vmem>> -> memref<1x4x128xi32, #tpu.memory_space<vmem>>
    %get3A_1746 = tpu.memref_squeeze %get3A_1745 : memref<1x4x128xi32, #tpu.memory_space<vmem>> -> memref<4x128xi32, #tpu.memory_space<vmem>>
    %get3A_1747 = arith.constant 0 : i32
    %get3A_1748 = tpu.memref_slice %get3A_1746[%get3A_1742, %get3A_1747] : memref<4x128xi32, #tpu.memory_space<vmem>> -> memref<1x128xi32, #tpu.memory_space<vmem>>
    %get3A_1749 = tpu.memref_squeeze %get3A_1748 : memref<1x128xi32, #tpu.memory_space<vmem>> -> memref<128xi32, #tpu.memory_space<vmem>>
    %get3A_1750 = arith.constant 80 : index
    %get3A_1751 = tpu.vector_load %get3A_1749[%get3A_1750] {strides = array<i32>} : memref<128xi32, #tpu.memory_space<vmem>>, vector<16xi32>,
    %get3A_1752 = vector.shape_cast %get3A_1751 : vector<16xi32> to vector<16xi32>
    %add3A_1753 = vector.broadcast %mul3A_13 : i32 to vector<16xi32>
    %add3A_1754 = arith.addi %get3A_1752, %add3A_1753 : vector<16xi32>
    %swap3A_1755 = arith.constant 1 : i32
    %swap3A_1756 = arith.constant 2 : i32
    %swap3A_1757 = arith.constant 0 : i32
    %swap3A_1758 = arith.constant 0 : i32
    %swap3A_1759 = tpu.memref_slice %arg5[%swap3A_1755, %swap3A_1757, %swap3A_1758] : memref<2x4x128xi32, #tpu.memory_space<vmem>> -> memref<1x4x128xi32, #tpu.memory_space<vmem>>
    %swap3A_1760 = tpu.memref_squeeze %swap3A_1759 : memref<1x4x128xi32, #tpu.memory_space<vmem>> -> memref<4x128xi32, #tpu.memory_space<vmem>>
    %swap3A_1761 = arith.constant 0 : i32
    %swap3A_1762 = tpu.memref_slice %swap3A_1760[%swap3A_1756, %swap3A_1761] : memref<4x128xi32, #tpu.memory_space<vmem>> -> memref<1x128xi32, #tpu.memory_space<vmem>>
    %swap3A_1763 = tpu.memref_squeeze %swap3A_1762 : memref<1x128xi32, #tpu.memory_space<vmem>> -> memref<128xi32, #tpu.memory_space<vmem>>
    %swap3A_1764 = arith.constant 80 : index
    %swap3A_1765 = tpu.vector_load %swap3A_1763[%swap3A_1764] {strides = array<i32>} : memref<128xi32, #tpu.memory_space<vmem>>, vector<16xi32>,
    %swap3A_1766 = vector.shape_cast %swap3A_1765 : vector<16xi32> to vector<16xi32>
    %swap3A_1767 = vector.shape_cast %add3A_1754 : vector<16xi32> to vector<16xi32>
    tpu.vector_store %swap3A_1763[%swap3A_1764], %swap3A_1767 {strides = array<i32>} : memref<128xi32, #tpu.memory_space<vmem>>, vector<16xi32>,
    %get3A_1768 = arith.constant 1 : i32
    %get3A_1769 = arith.constant 2 : i32
    %get3A_1770 = arith.constant 0 : i32
    %get3A_1771 = arith.constant 0 : i32
    %get3A_1772 = tpu.memref_slice %arg5[%get3A_1768, %get3A_1770, %get3A_1771] : memref<2x4x128xi32, #tpu.memory_space<vmem>> -> memref<1x4x128xi32, #tpu.memory_space<vmem>>
    %get3A_1773 = tpu.memref_squeeze %get3A_1772 : memref<1x4x128xi32, #tpu.memory_space<vmem>> -> memref<4x128xi32, #tpu.memory_space<vmem>>
    %get3A_1774 = arith.constant 0 : i32
    %get3A_1775 = tpu.memref_slice %get3A_1773[%get3A_1769, %get3A_1774] : memref<4x128xi32, #tpu.memory_space<vmem>> -> memref<1x128xi32, #tpu.memory_space<vmem>>
    %get3A_1776 = tpu.memref_squeeze %get3A_1775 : memref<1x128xi32, #tpu.memory_space<vmem>> -> memref<128xi32, #tpu.memory_space<vmem>>
    %get3A_1777 = arith.constant 96 : index
    %get3A_1778 = tpu.vector_load %get3A_1776[%get3A_1777] {strides = array<i32>} : memref<128xi32, #tpu.memory_space<vmem>>, vector<16xi32>,
    %get3A_1779 = vector.shape_cast %get3A_1778 : vector<16xi32> to vector<16xi32>
    %add3A_1780 = vector.broadcast %mul3A_13 : i32 to vector<16xi32>
    %add3A_1781 = arith.addi %get3A_1779, %add3A_1780 : vector<16xi32>
    %swap3A_1782 = arith.constant 1 : i32
    %swap3A_1783 = arith.constant 2 : i32
    %swap3A_1784 = arith.constant 0 : i32
    %swap3A_1785 = arith.constant 0 : i32
    %swap3A_1786 = tpu.memref_slice %arg5[%swap3A_1782, %swap3A_1784, %swap3A_1785] : memref<2x4x128xi32, #tpu.memory_space<vmem>> -> memref<1x4x128xi32, #tpu.memory_space<vmem>>
    %swap3A_1787 = tpu.memref_squeeze %swap3A_1786 : memref<1x4x128xi32, #tpu.memory_space<vmem>> -> memref<4x128xi32, #tpu.memory_space<vmem>>
    %swap3A_1788 = arith.constant 0 : i32
    %swap3A_1789 = tpu.memref_slice %swap3A_1787[%swap3A_1783, %swap3A_1788] : memref<4x128xi32, #tpu.memory_space<vmem>> -> memref<1x128xi32, #tpu.memory_space<vmem>>
    %swap3A_1790 = tpu.memref_squeeze %swap3A_1789 : memref<1x128xi32, #tpu.memory_space<vmem>> -> memref<128xi32, #tpu.memory_space<vmem>>
    %swap3A_1791 = arith.constant 96 : index
    %swap3A_1792 = tpu.vector_load %swap3A_1790[%swap3A_1791] {strides = array<i32>} : memref<128xi32, #tpu.memory_space<vmem>>, vector<16xi32>,
    %swap3A_1793 = vector.shape_cast %swap3A_1792 : vector<16xi32> to vector<16xi32>
    %swap3A_1794 = vector.shape_cast %add3A_1781 : vector<16xi32> to vector<16xi32>
    tpu.vector_store %swap3A_1790[%swap3A_1791], %swap3A_1794 {strides = array<i32>} : memref<128xi32, #tpu.memory_space<vmem>>, vector<16xi32>,
    %get3A_1795 = arith.constant 1 : i32
    %get3A_1796 = arith.constant 2 : i32
    %get3A_1797 = arith.constant 0 : i32
    %get3A_1798 = arith.constant 0 : i32
    %get3A_1799 = tpu.memref_slice %arg5[%get3A_1795, %get3A_1797, %get3A_1798] : memref<2x4x128xi32, #tpu.memory_space<vmem>> -> memref<1x4x128xi32, #tpu.memory_space<vmem>>
    %get3A_1800 = tpu.memref_squeeze %get3A_1799 : memref<1x4x128xi32, #tpu.memory_space<vmem>> -> memref<4x128xi32, #tpu.memory_space<vmem>>
    %get3A_1801 = arith.constant 0 : i32
    %get3A_1802 = tpu.memref_slice %get3A_1800[%get3A_1796, %get3A_1801] : memref<4x128xi32, #tpu.memory_space<vmem>> -> memref<1x128xi32, #tpu.memory_space<vmem>>
    %get3A_1803 = tpu.memref_squeeze %get3A_1802 : memref<1x128xi32, #tpu.memory_space<vmem>> -> memref<128xi32, #tpu.memory_space<vmem>>
    %get3A_1804 = arith.constant 112 : index
    %get3A_1805 = tpu.vector_load %get3A_1803[%get3A_1804] {strides = array<i32>} : memref<128xi32, #tpu.memory_space<vmem>>, vector<16xi32>,
    %get3A_1806 = vector.shape_cast %get3A_1805 : vector<16xi32> to vector<16xi32>
    %add3A_1807 = vector.broadcast %mul3A_13 : i32 to vector<16xi32>
    %add3A_1808 = arith.addi %get3A_1806, %add3A_1807 : vector<16xi32>
    %swap3A_1809 = arith.constant 1 : i32
    %swap3A_1810 = arith.constant 2 : i32
    %swap3A_1811 = arith.constant 0 : i32
    %swap3A_1812 = arith.constant 0 : i32
    %swap3A_1813 = tpu.memref_slice %arg5[%swap3A_1809, %swap3A_1811, %swap3A_1812] : memref<2x4x128xi32, #tpu.memory_space<vmem>> -> memref<1x4x128xi32, #tpu.memory_space<vmem>>
    %swap3A_1814 = tpu.memref_squeeze %swap3A_1813 : memref<1x4x128xi32, #tpu.memory_space<vmem>> -> memref<4x128xi32, #tpu.memory_space<vmem>>
    %swap3A_1815 = arith.constant 0 : i32
    %swap3A_1816 = tpu.memref_slice %swap3A_1814[%swap3A_1810, %swap3A_1815] : memref<4x128xi32, #tpu.memory_space<vmem>> -> memref<1x128xi32, #tpu.memory_space<vmem>>
    %swap3A_1817 = tpu.memref_squeeze %swap3A_1816 : memref<1x128xi32, #tpu.memory_space<vmem>> -> memref<128xi32, #tpu.memory_space<vmem>>
    %swap3A_1818 = arith.constant 112 : index
    %swap3A_1819 = tpu.vector_load %swap3A_1817[%swap3A_1818] {strides = array<i32>} : memref<128xi32, #tpu.memory_space<vmem>>, vector<16xi32>,
    %swap3A_1820 = vector.shape_cast %swap3A_1819 : vector<16xi32> to vector<16xi32>
    %swap3A_1821 = vector.shape_cast %add3A_1808 : vector<16xi32> to vector<16xi32>
    tpu.vector_store %swap3A_1817[%swap3A_1818], %swap3A_1821 {strides = array<i32>} : memref<128xi32, #tpu.memory_space<vmem>>, vector<16xi32>,
    %get3A_1822 = arith.constant 1 : i32
    %get3A_1823 = arith.constant 3 : i32
    %get3A_1824 = arith.constant 0 : i32
    %get3A_1825 = arith.constant 0 : i32
    %get3A_1826 = tpu.memref_slice %arg5[%get3A_1822, %get3A_1824, %get3A_1825] : memref<2x4x128xi32, #tpu.memory_space<vmem>> -> memref<1x4x128xi32, #tpu.memory_space<vmem>>
    %get3A_1827 = tpu.memref_squeeze %get3A_1826 : memref<1x4x128xi32, #tpu.memory_space<vmem>> -> memref<4x128xi32, #tpu.memory_space<vmem>>
    %get3A_1828 = arith.constant 0 : i32
    %get3A_1829 = tpu.memref_slice %get3A_1827[%get3A_1823, %get3A_1828] : memref<4x128xi32, #tpu.memory_space<vmem>> -> memref<1x128xi32, #tpu.memory_space<vmem>>
    %get3A_1830 = tpu.memref_squeeze %get3A_1829 : memref<1x128xi32, #tpu.memory_space<vmem>> -> memref<128xi32, #tpu.memory_space<vmem>>
    %get3A_1831 = arith.constant 0 : index
    %get3A_1832 = tpu.vector_load %get3A_1830[%get3A_1831] {strides = array<i32>} : memref<128xi32, #tpu.memory_space<vmem>>, vector<16xi32>,
    %get3A_1833 = vector.shape_cast %get3A_1832 : vector<16xi32> to vector<16xi32>
    %add3A_1834 = vector.broadcast %mul3A_13 : i32 to vector<16xi32>
    %add3A_1835 = arith.addi %get3A_1833, %add3A_1834 : vector<16xi32>
    %swap3A_1836 = arith.constant 1 : i32
    %swap3A_1837 = arith.constant 3 : i32
    %swap3A_1838 = arith.constant 0 : i32
    %swap3A_1839 = arith.constant 0 : i32
    %swap3A_1840 = tpu.memref_slice %arg5[%swap3A_1836, %swap3A_1838, %swap3A_1839] : memref<2x4x128xi32, #tpu.memory_space<vmem>> -> memref<1x4x128xi32, #tpu.memory_space<vmem>>
    %swap3A_1841 = tpu.memref_squeeze %swap3A_1840 : memref<1x4x128xi32, #tpu.memory_space<vmem>> -> memref<4x128xi32, #tpu.memory_space<vmem>>
    %swap3A_1842 = arith.constant 0 : i32
    %swap3A_1843 = tpu.memref_slice %swap3A_1841[%swap3A_1837, %swap3A_1842] : memref<4x128xi32, #tpu.memory_space<vmem>> -> memref<1x128xi32, #tpu.memory_space<vmem>>
    %swap3A_1844 = tpu.memref_squeeze %swap3A_1843 : memref<1x128xi32, #tpu.memory_space<vmem>> -> memref<128xi32, #tpu.memory_space<vmem>>
    %swap3A_1845 = arith.constant 0 : index
    %swap3A_1846 = tpu.vector_load %swap3A_1844[%swap3A_1845] {strides = array<i32>} : memref<128xi32, #tpu.memory_space<vmem>>, vector<16xi32>,
    %swap3A_1847 = vector.shape_cast %swap3A_1846 : vector<16xi32> to vector<16xi32>
    %swap3A_1848 = vector.shape_cast %add3A_1835 : vector<16xi32> to vector<16xi32>
    tpu.vector_store %swap3A_1844[%swap3A_1845], %swap3A_1848 {strides = array<i32>} : memref<128xi32, #tpu.memory_space<vmem>>, vector<16xi32>,
    %get3A_1849 = arith.constant 1 : i32
    %get3A_1850 = arith.constant 3 : i32
    %get3A_1851 = arith.constant 0 : i32
    %get3A_1852 = arith.constant 0 : i32
    %get3A_1853 = tpu.memref_slice %arg5[%get3A_1849, %get3A_1851, %get3A_1852] : memref<2x4x128xi32, #tpu.memory_space<vmem>> -> memref<1x4x128xi32, #tpu.memory_space<vmem>>
    %get3A_1854 = tpu.memref_squeeze %get3A_1853 : memref<1x4x128xi32, #tpu.memory_space<vmem>> -> memref<4x128xi32, #tpu.memory_space<vmem>>
    %get3A_1855 = arith.constant 0 : i32
    %get3A_1856 = tpu.memref_slice %get3A_1854[%get3A_1850, %get3A_1855] : memref<4x128xi32, #tpu.memory_space<vmem>> -> memref<1x128xi32, #tpu.memory_space<vmem>>
    %get3A_1857 = tpu.memref_squeeze %get3A_1856 : memref<1x128xi32, #tpu.memory_space<vmem>> -> memref<128xi32, #tpu.memory_space<vmem>>
    %get3A_1858 = arith.constant 16 : index
    %get3A_1859 = tpu.vector_load %get3A_1857[%get3A_1858] {strides = array<i32>} : memref<128xi32, #tpu.memory_space<vmem>>, vector<16xi32>,
    %get3A_1860 = vector.shape_cast %get3A_1859 : vector<16xi32> to vector<16xi32>
    %add3A_1861 = vector.broadcast %mul3A_13 : i32 to vector<16xi32>
    %add3A_1862 = arith.addi %get3A_1860, %add3A_1861 : vector<16xi32>
    %swap3A_1863 = arith.constant 1 : i32
    %swap3A_1864 = arith.constant 3 : i32
    %swap3A_1865 = arith.constant 0 : i32
    %swap3A_1866 = arith.constant 0 : i32
    %swap3A_1867 = tpu.memref_slice %arg5[%swap3A_1863, %swap3A_1865, %swap3A_1866] : memref<2x4x128xi32, #tpu.memory_space<vmem>> -> memref<1x4x128xi32, #tpu.memory_space<vmem>>
    %swap3A_1868 = tpu.memref_squeeze %swap3A_1867 : memref<1x4x128xi32, #tpu.memory_space<vmem>> -> memref<4x128xi32, #tpu.memory_space<vmem>>
    %swap3A_1869 = arith.constant 0 : i32
    %swap3A_1870 = tpu.memref_slice %swap3A_1868[%swap3A_1864, %swap3A_1869] : memref<4x128xi32, #tpu.memory_space<vmem>> -> memref<1x128xi32, #tpu.memory_space<vmem>>
    %swap3A_1871 = tpu.memref_squeeze %swap3A_1870 : memref<1x128xi32, #tpu.memory_space<vmem>> -> memref<128xi32, #tpu.memory_space<vmem>>
    %swap3A_1872 = arith.constant 16 : index
    %swap3A_1873 = tpu.vector_load %swap3A_1871[%swap3A_1872] {strides = array<i32>} : memref<128xi32, #tpu.memory_space<vmem>>, vector<16xi32>,
    %swap3A_1874 = vector.shape_cast %swap3A_1873 : vector<16xi32> to vector<16xi32>
    %swap3A_1875 = vector.shape_cast %add3A_1862 : vector<16xi32> to vector<16xi32>
    tpu.vector_store %swap3A_1871[%swap3A_1872], %swap3A_1875 {strides = array<i32>} : memref<128xi32, #tpu.memory_space<vmem>>, vector<16xi32>,
    %get3A_1876 = arith.constant 1 : i32
    %get3A_1877 = arith.constant 3 : i32
    %get3A_1878 = arith.constant 0 : i32
    %get3A_1879 = arith.constant 0 : i32
    %get3A_1880 = tpu.memref_slice %arg5[%get3A_1876, %get3A_1878, %get3A_1879] : memref<2x4x128xi32, #tpu.memory_space<vmem>> -> memref<1x4x128xi32, #tpu.memory_space<vmem>>
    %get3A_1881 = tpu.memref_squeeze %get3A_1880 : memref<1x4x128xi32, #tpu.memory_space<vmem>> -> memref<4x128xi32, #tpu.memory_space<vmem>>
    %get3A_1882 = arith.constant 0 : i32
    %get3A_1883 = tpu.memref_slice %get3A_1881[%get3A_1877, %get3A_1882] : memref<4x128xi32, #tpu.memory_space<vmem>> -> memref<1x128xi32, #tpu.memory_space<vmem>>
    %get3A_1884 = tpu.memref_squeeze %get3A_1883 : memref<1x128xi32, #tpu.memory_space<vmem>> -> memref<128xi32, #tpu.memory_space<vmem>>
    %get3A_1885 = arith.constant 32 : index
    %get3A_1886 = tpu.vector_load %get3A_1884[%get3A_1885] {strides = array<i32>} : memref<128xi32, #tpu.memory_space<vmem>>, vector<16xi32>,
    %get3A_1887 = vector.shape_cast %get3A_1886 : vector<16xi32> to vector<16xi32>
    %add3A_1888 = vector.broadcast %mul3A_13 : i32 to vector<16xi32>
    %add3A_1889 = arith.addi %get3A_1887, %add3A_1888 : vector<16xi32>
    %swap3A_1890 = arith.constant 1 : i32
    %swap3A_1891 = arith.constant 3 : i32
    %swap3A_1892 = arith.constant 0 : i32
    %swap3A_1893 = arith.constant 0 : i32
    %swap3A_1894 = tpu.memref_slice %arg5[%swap3A_1890, %swap3A_1892, %swap3A_1893] : memref<2x4x128xi32, #tpu.memory_space<vmem>> -> memref<1x4x128xi32, #tpu.memory_space<vmem>>
    %swap3A_1895 = tpu.memref_squeeze %swap3A_1894 : memref<1x4x128xi32, #tpu.memory_space<vmem>> -> memref<4x128xi32, #tpu.memory_space<vmem>>
    %swap3A_1896 = arith.constant 0 : i32
    %swap3A_1897 = tpu.memref_slice %swap3A_1895[%swap3A_1891, %swap3A_1896] : memref<4x128xi32, #tpu.memory_space<vmem>> -> memref<1x128xi32, #tpu.memory_space<vmem>>
    %swap3A_1898 = tpu.memref_squeeze %swap3A_1897 : memref<1x128xi32, #tpu.memory_space<vmem>> -> memref<128xi32, #tpu.memory_space<vmem>>
    %swap3A_1899 = arith.constant 32 : index
    %swap3A_1900 = tpu.vector_load %swap3A_1898[%swap3A_1899] {strides = array<i32>} : memref<128xi32, #tpu.memory_space<vmem>>, vector<16xi32>,
    %swap3A_1901 = vector.shape_cast %swap3A_1900 : vector<16xi32> to vector<16xi32>
    %swap3A_1902 = vector.shape_cast %add3A_1889 : vector<16xi32> to vector<16xi32>
    tpu.vector_store %swap3A_1898[%swap3A_1899], %swap3A_1902 {strides = array<i32>} : memref<128xi32, #tpu.memory_space<vmem>>, vector<16xi32>,
    %get3A_1903 = arith.constant 1 : i32
    %get3A_1904 = arith.constant 3 : i32
    %get3A_1905 = arith.constant 0 : i32
    %get3A_1906 = arith.constant 0 : i32
    %get3A_1907 = tpu.memref_slice %arg5[%get3A_1903, %get3A_1905, %get3A_1906] : memref<2x4x128xi32, #tpu.memory_space<vmem>> -> memref<1x4x128xi32, #tpu.memory_space<vmem>>
    %get3A_1908 = tpu.memref_squeeze %get3A_1907 : memref<1x4x128xi32, #tpu.memory_space<vmem>> -> memref<4x128xi32, #tpu.memory_space<vmem>>
    %get3A_1909 = arith.constant 0 : i32
    %get3A_1910 = tpu.memref_slice %get3A_1908[%get3A_1904, %get3A_1909] : memref<4x128xi32, #tpu.memory_space<vmem>> -> memref<1x128xi32, #tpu.memory_space<vmem>>
    %get3A_1911 = tpu.memref_squeeze %get3A_1910 : memref<1x128xi32, #tpu.memory_space<vmem>> -> memref<128xi32, #tpu.memory_space<vmem>>
    %get3A_1912 = arith.constant 48 : index
    %get3A_1913 = tpu.vector_load %get3A_1911[%get3A_1912] {strides = array<i32>} : memref<128xi32, #tpu.memory_space<vmem>>, vector<16xi32>,
    %get3A_1914 = vector.shape_cast %get3A_1913 : vector<16xi32> to vector<16xi32>
    %add3A_1915 = vector.broadcast %mul3A_13 : i32 to vector<16xi32>
    %add3A_1916 = arith.addi %get3A_1914, %add3A_1915 : vector<16xi32>
    %swap3A_1917 = arith.constant 1 : i32
    %swap3A_1918 = arith.constant 3 : i32
    %swap3A_1919 = arith.constant 0 : i32
    %swap3A_1920 = arith.constant 0 : i32
    %swap3A_1921 = tpu.memref_slice %arg5[%swap3A_1917, %swap3A_1919, %swap3A_1920] : memref<2x4x128xi32, #tpu.memory_space<vmem>> -> memref<1x4x128xi32, #tpu.memory_space<vmem>>
    %swap3A_1922 = tpu.memref_squeeze %swap3A_1921 : memref<1x4x128xi32, #tpu.memory_space<vmem>> -> memref<4x128xi32, #tpu.memory_space<vmem>>
    %swap3A_1923 = arith.constant 0 : i32
    %swap3A_1924 = tpu.memref_slice %swap3A_1922[%swap3A_1918, %swap3A_1923] : memref<4x128xi32, #tpu.memory_space<vmem>> -> memref<1x128xi32, #tpu.memory_space<vmem>>
    %swap3A_1925 = tpu.memref_squeeze %swap3A_1924 : memref<1x128xi32, #tpu.memory_space<vmem>> -> memref<128xi32, #tpu.memory_space<vmem>>
    %swap3A_1926 = arith.constant 48 : index
    %swap3A_1927 = tpu.vector_load %swap3A_1925[%swap3A_1926] {strides = array<i32>} : memref<128xi32, #tpu.memory_space<vmem>>, vector<16xi32>,
    %swap3A_1928 = vector.shape_cast %swap3A_1927 : vector<16xi32> to vector<16xi32>
    %swap3A_1929 = vector.shape_cast %add3A_1916 : vector<16xi32> to vector<16xi32>
    tpu.vector_store %swap3A_1925[%swap3A_1926], %swap3A_1929 {strides = array<i32>} : memref<128xi32, #tpu.memory_space<vmem>>, vector<16xi32>,
    %get3A_1930 = arith.constant 1 : i32
    %get3A_1931 = arith.constant 3 : i32
    %get3A_1932 = arith.constant 0 : i32
    %get3A_1933 = arith.constant 0 : i32
    %get3A_1934 = tpu.memref_slice %arg5[%get3A_1930, %get3A_1932, %get3A_1933] : memref<2x4x128xi32, #tpu.memory_space<vmem>> -> memref<1x4x128xi32, #tpu.memory_space<vmem>>
    %get3A_1935 = tpu.memref_squeeze %get3A_1934 : memref<1x4x128xi32, #tpu.memory_space<vmem>> -> memref<4x128xi32, #tpu.memory_space<vmem>>
    %get3A_1936 = arith.constant 0 : i32
    %get3A_1937 = tpu.memref_slice %get3A_1935[%get3A_1931, %get3A_1936] : memref<4x128xi32, #tpu.memory_space<vmem>> -> memref<1x128xi32, #tpu.memory_space<vmem>>
    %get3A_1938 = tpu.memref_squeeze %get3A_1937 : memref<1x128xi32, #tpu.memory_space<vmem>> -> memref<128xi32, #tpu.memory_space<vmem>>
    %get3A_1939 = arith.constant 64 : index
    %get3A_1940 = tpu.vector_load %get3A_1938[%get3A_1939] {strides = array<i32>} : memref<128xi32, #tpu.memory_space<vmem>>, vector<16xi32>,
    %get3A_1941 = vector.shape_cast %get3A_1940 : vector<16xi32> to vector<16xi32>
    %add3A_1942 = vector.broadcast %mul3A_13 : i32 to vector<16xi32>
    %add3A_1943 = arith.addi %get3A_1941, %add3A_1942 : vector<16xi32>
    %swap3A_1944 = arith.constant 1 : i32
    %swap3A_1945 = arith.constant 3 : i32
    %swap3A_1946 = arith.constant 0 : i32
    %swap3A_1947 = arith.constant 0 : i32
    %swap3A_1948 = tpu.memref_slice %arg5[%swap3A_1944, %swap3A_1946, %swap3A_1947] : memref<2x4x128xi32, #tpu.memory_space<vmem>> -> memref<1x4x128xi32, #tpu.memory_space<vmem>>
    %swap3A_1949 = tpu.memref_squeeze %swap3A_1948 : memref<1x4x128xi32, #tpu.memory_space<vmem>> -> memref<4x128xi32, #tpu.memory_space<vmem>>
    %swap3A_1950 = arith.constant 0 : i32
    %swap3A_1951 = tpu.memref_slice %swap3A_1949[%swap3A_1945, %swap3A_1950] : memref<4x128xi32, #tpu.memory_space<vmem>> -> memref<1x128xi32, #tpu.memory_space<vmem>>
    %swap3A_1952 = tpu.memref_squeeze %swap3A_1951 : memref<1x128xi32, #tpu.memory_space<vmem>> -> memref<128xi32, #tpu.memory_space<vmem>>
    %swap3A_1953 = arith.constant 64 : index
    %swap3A_1954 = tpu.vector_load %swap3A_1952[%swap3A_1953] {strides = array<i32>} : memref<128xi32, #tpu.memory_space<vmem>>, vector<16xi32>,
    %swap3A_1955 = vector.shape_cast %swap3A_1954 : vector<16xi32> to vector<16xi32>
    %swap3A_1956 = vector.shape_cast %add3A_1943 : vector<16xi32> to vector<16xi32>
    tpu.vector_store %swap3A_1952[%swap3A_1953], %swap3A_1956 {strides = array<i32>} : memref<128xi32, #tpu.memory_space<vmem>>, vector<16xi32>,
    %get3A_1957 = arith.constant 1 : i32
    %get3A_1958 = arith.constant 3 : i32
    %get3A_1959 = arith.constant 0 : i32
    %get3A_1960 = arith.constant 0 : i32
    %get3A_1961 = tpu.memref_slice %arg5[%get3A_1957, %get3A_1959, %get3A_1960] : memref<2x4x128xi32, #tpu.memory_space<vmem>> -> memref<1x4x128xi32, #tpu.memory_space<vmem>>
    %get3A_1962 = tpu.memref_squeeze %get3A_1961 : memref<1x4x128xi32, #tpu.memory_space<vmem>> -> memref<4x128xi32, #tpu.memory_space<vmem>>
    %get3A_1963 = arith.constant 0 : i32
    %get3A_1964 = tpu.memref_slice %get3A_1962[%get3A_1958, %get3A_1963] : memref<4x128xi32, #tpu.memory_space<vmem>> -> memref<1x128xi32, #tpu.memory_space<vmem>>
    %get3A_1965 = tpu.memref_squeeze %get3A_1964 : memref<1x128xi32, #tpu.memory_space<vmem>> -> memref<128xi32, #tpu.memory_space<vmem>>
    %get3A_1966 = arith.constant 80 : index
    %get3A_1967 = tpu.vector_load %get3A_1965[%get3A_1966] {strides = array<i32>} : memref<128xi32, #tpu.memory_space<vmem>>, vector<16xi32>,
    %get3A_1968 = vector.shape_cast %get3A_1967 : vector<16xi32> to vector<16xi32>
    %add3A_1969 = vector.broadcast %mul3A_13 : i32 to vector<16xi32>
    %add3A_1970 = arith.addi %get3A_1968, %add3A_1969 : vector<16xi32>
    %swap3A_1971 = arith.constant 1 : i32
    %swap3A_1972 = arith.constant 3 : i32
    %swap3A_1973 = arith.constant 0 : i32
    %swap3A_1974 = arith.constant 0 : i32
    %swap3A_1975 = tpu.memref_slice %arg5[%swap3A_1971, %swap3A_1973, %swap3A_1974] : memref<2x4x128xi32, #tpu.memory_space<vmem>> -> memref<1x4x128xi32, #tpu.memory_space<vmem>>
    %swap3A_1976 = tpu.memref_squeeze %swap3A_1975 : memref<1x4x128xi32, #tpu.memory_space<vmem>> -> memref<4x128xi32, #tpu.memory_space<vmem>>
    %swap3A_1977 = arith.constant 0 : i32
    %swap3A_1978 = tpu.memref_slice %swap3A_1976[%swap3A_1972, %swap3A_1977] : memref<4x128xi32, #tpu.memory_space<vmem>> -> memref<1x128xi32, #tpu.memory_space<vmem>>
    %swap3A_1979 = tpu.memref_squeeze %swap3A_1978 : memref<1x128xi32, #tpu.memory_space<vmem>> -> memref<128xi32, #tpu.memory_space<vmem>>
    %swap3A_1980 = arith.constant 80 : index
    %swap3A_1981 = tpu.vector_load %swap3A_1979[%swap3A_1980] {strides = array<i32>} : memref<128xi32, #tpu.memory_space<vmem>>, vector<16xi32>,
    %swap3A_1982 = vector.shape_cast %swap3A_1981 : vector<16xi32> to vector<16xi32>
    %swap3A_1983 = vector.shape_cast %add3A_1970 : vector<16xi32> to vector<16xi32>
    tpu.vector_store %swap3A_1979[%swap3A_1980], %swap3A_1983 {strides = array<i32>} : memref<128xi32, #tpu.memory_space<vmem>>, vector<16xi32>,
    %get3A_1984 = arith.constant 1 : i32
    %get3A_1985 = arith.constant 3 : i32
    %get3A_1986 = arith.constant 0 : i32
    %get3A_1987 = arith.constant 0 : i32
    %get3A_1988 = tpu.memref_slice %arg5[%get3A_1984, %get3A_1986, %get3A_1987] : memref<2x4x128xi32, #tpu.memory_space<vmem>> -> memref<1x4x128xi32, #tpu.memory_space<vmem>>
    %get3A_1989 = tpu.memref_squeeze %get3A_1988 : memref<1x4x128xi32, #tpu.memory_space<vmem>> -> memref<4x128xi32, #tpu.memory_space<vmem>>
    %get3A_1990 = arith.constant 0 : i32
    %get3A_1991 = tpu.memref_slice %get3A_1989[%get3A_1985, %get3A_1990] : memref<4x128xi32, #tpu.memory_space<vmem>> -> memref<1x128xi32, #tpu.memory_space<vmem>>
    %get3A_1992 = tpu.memref_squeeze %get3A_1991 : memref<1x128xi32, #tpu.memory_space<vmem>> -> memref<128xi32, #tpu.memory_space<vmem>>
    %get3A_1993 = arith.constant 96 : index
    %get3A_1994 = tpu.vector_load %get3A_1992[%get3A_1993] {strides = array<i32>} : memref<128xi32, #tpu.memory_space<vmem>>, vector<16xi32>,
    %get3A_1995 = vector.shape_cast %get3A_1994 : vector<16xi32> to vector<16xi32>
    %add3A_1996 = vector.broadcast %mul3A_13 : i32 to vector<16xi32>
    %add3A_1997 = arith.addi %get3A_1995, %add3A_1996 : vector<16xi32>
    %swap3A_1998 = arith.constant 1 : i32
    %swap3A_1999 = arith.constant 3 : i32
    %swap3A_2000 = arith.constant 0 : i32
    %swap3A_2001 = arith.constant 0 : i32
    %swap3A_2002 = tpu.memref_slice %arg5[%swap3A_1998, %swap3A_2000, %swap3A_2001] : memref<2x4x128xi32, #tpu.memory_space<vmem>> -> memref<1x4x128xi32, #tpu.memory_space<vmem>>
    %swap3A_2003 = tpu.memref_squeeze %swap3A_2002 : memref<1x4x128xi32, #tpu.memory_space<vmem>> -> memref<4x128xi32, #tpu.memory_space<vmem>>
    %swap3A_2004 = arith.constant 0 : i32
    %swap3A_2005 = tpu.memref_slice %swap3A_2003[%swap3A_1999, %swap3A_2004] : memref<4x128xi32, #tpu.memory_space<vmem>> -> memref<1x128xi32, #tpu.memory_space<vmem>>
    %swap3A_2006 = tpu.memref_squeeze %swap3A_2005 : memref<1x128xi32, #tpu.memory_space<vmem>> -> memref<128xi32, #tpu.memory_space<vmem>>
    %swap3A_2007 = arith.constant 96 : index
    %swap3A_2008 = tpu.vector_load %swap3A_2006[%swap3A_2007] {strides = array<i32>} : memref<128xi32, #tpu.memory_space<vmem>>, vector<16xi32>,
    %swap3A_2009 = vector.shape_cast %swap3A_2008 : vector<16xi32> to vector<16xi32>
    %swap3A_2010 = vector.shape_cast %add3A_1997 : vector<16xi32> to vector<16xi32>
    tpu.vector_store %swap3A_2006[%swap3A_2007], %swap3A_2010 {strides = array<i32>} : memref<128xi32, #tpu.memory_space<vmem>>, vector<16xi32>,
    %get3A_2011 = arith.constant 1 : i32
    %get3A_2012 = arith.constant 3 : i32
    %get3A_2013 = arith.constant 0 : i32
    %get3A_2014 = arith.constant 0 : i32
    %get3A_2015 = tpu.memref_slice %arg5[%get3A_2011, %get3A_2013, %get3A_2014] : memref<2x4x128xi32, #tpu.memory_space<vmem>> -> memref<1x4x128xi32, #tpu.memory_space<vmem>>
    %get3A_2016 = tpu.memref_squeeze %get3A_2015 : memref<1x4x128xi32, #tpu.memory_space<vmem>> -> memref<4x128xi32, #tpu.memory_space<vmem>>
    %get3A_2017 = arith.constant 0 : i32
    %get3A_2018 = tpu.memref_slice %get3A_2016[%get3A_2012, %get3A_2017] : memref<4x128xi32, #tpu.memory_space<vmem>> -> memref<1x128xi32, #tpu.memory_space<vmem>>
    %get3A_2019 = tpu.memref_squeeze %get3A_2018 : memref<1x128xi32, #tpu.memory_space<vmem>> -> memref<128xi32, #tpu.memory_space<vmem>>
    %get3A_2020 = arith.constant 112 : index
    %get3A_2021 = tpu.vector_load %get3A_2019[%get3A_2020] {strides = array<i32>} : memref<128xi32, #tpu.memory_space<vmem>>, vector<16xi32>,
    %get3A_2022 = vector.shape_cast %get3A_2021 : vector<16xi32> to vector<16xi32>
    %add3A_2023 = vector.broadcast %mul3A_13 : i32 to vector<16xi32>
    %add3A_2024 = arith.addi %get3A_2022, %add3A_2023 : vector<16xi32>
    %swap3A_2025 = arith.constant 1 : i32
    %swap3A_2026 = arith.constant 3 : i32
    %swap3A_2027 = arith.constant 0 : i32
    %swap3A_2028 = arith.constant 0 : i32
    %swap3A_2029 = tpu.memref_slice %arg5[%swap3A_2025, %swap3A_2027, %swap3A_2028] : memref<2x4x128xi32, #tpu.memory_space<vmem>> -> memref<1x4x128xi32, #tpu.memory_space<vmem>>
    %swap3A_2030 = tpu.memref_squeeze %swap3A_2029 : memref<1x4x128xi32, #tpu.memory_space<vmem>> -> memref<4x128xi32, #tpu.memory_space<vmem>>
    %swap3A_2031 = arith.constant 0 : i32
    %swap3A_2032 = tpu.memref_slice %swap3A_2030[%swap3A_2026, %swap3A_2031] : memref<4x128xi32, #tpu.memory_space<vmem>> -> memref<1x128xi32, #tpu.memory_space<vmem>>
    %swap3A_2033 = tpu.memref_squeeze %swap3A_2032 : memref<1x128xi32, #tpu.memory_space<vmem>> -> memref<128xi32, #tpu.memory_space<vmem>>
    %swap3A_2034 = arith.constant 112 : index
    %swap3A_2035 = tpu.vector_load %swap3A_2033[%swap3A_2034] {strides = array<i32>} : memref<128xi32, #tpu.memory_space<vmem>>, vector<16xi32>,
    %swap3A_2036 = vector.shape_cast %swap3A_2035 : vector<16xi32> to vector<16xi32>
    %swap3A_2037 = vector.shape_cast %add3A_2024 : vector<16xi32> to vector<16xi32>
    tpu.vector_store %swap3A_2033[%swap3A_2034], %swap3A_2037 {strides = array<i32>} : memref<128xi32, #tpu.memory_space<vmem>>, vector<16xi32>,
    %add3A_2038 = arith.constant 0 : i32
    %add3A_2039 = arith.addi %add3A_1160, %add3A_2038 : i32
    %mul3A_2040 = arith.constant 128 : i32
    %mul3A_2041 = arith.muli %add3A_2039, %mul3A_2040 : i32
    %dma_wait3A_2042 = arith.constant 0 : i32
    %dma_wait3A_2043 = arith.constant 0 : i32
    %dma_wait3A_2044 = arith.constant 0 : i32
    %dma_wait3A_2045 = tpu.memref_slice %arg6[%dma_wait3A_2042, %dma_wait3A_2043, %dma_wait3A_2044] : memref<4x128x128xf32, #tpu.memory_space<vmem>> -> memref<1x128x128xf32, #tpu.memory_space<vmem>>
    %dma_wait3A_2046 = tpu.memref_squeeze %dma_wait3A_2045 : memref<1x128x128xf32, #tpu.memory_space<vmem>> -> memref<128x128xf32, #tpu.memory_space<vmem>>
    %dma_wait3A_2047 = arith.constant 0 : i32
    %dma_wait3A_2048 = tpu.memref_slice %arg4[%mul3A_2041, %dma_wait3A_2047] : memref<1048576x128xf32, #tpu.memory_space<hbm>> -> memref<128x128xf32, #tpu.memory_space<hbm>>
    %dma_wait3A_2049 = arith.constant 0 : i32
    %dma_wait3A_2050 = tpu.memref_slice %arg4[%mul3A_2041, %dma_wait3A_2049] : memref<1048576x128xf32, #tpu.memory_space<hbm>> -> memref<128x128xf32, #tpu.memory_space<hbm>>
    %dma_wait3A_2051 = arith.constant 0 : i32
    %dma_wait3A_2052 = arith.constant 0 : i32
    %dma_wait3A_2053 = tpu.memref_slice %arg6[%dma_wait3A_2042, %dma_wait3A_2051, %dma_wait3A_2052] : memref<4x128x128xf32, #tpu.memory_space<vmem>> -> memref<1x128x128xf32, #tpu.memory_space<vmem>>
    %dma_wait3A_2054 = tpu.memref_squeeze %dma_wait3A_2053 : memref<1x128x128xf32, #tpu.memory_space<vmem>> -> memref<128x128xf32, #tpu.memory_space<vmem>>
    tpu.wait_dma2 semaphore(%arg11 : memref<!tpu.dma_semaphore, #tpu.memory_space<semaphore_mem>>) src(%dma_wait3A_2054 : memref<128x128xf32, #tpu.memory_space<vmem>>) dst(%dma_wait3A_2050 : memref<128x128xf32, #tpu.memory_space<hbm>>)
    %dma_start3A_2055 = arith.constant 1 : i32
    %dma_start3A_2056 = arith.constant 0 : i32
    %dma_start3A_2057 = arith.constant 0 : i32
    %dma_start3A_2058 = arith.constant 0 : i32
    %dma_start3A_2059 = arith.constant 0 : i32
    %dma_start3A_2060 = tpu.memref_slice %arg6[%dma_start3A_2057, %dma_start3A_2058, %dma_start3A_2059] : memref<4x128x128xf32, #tpu.memory_space<vmem>> -> memref<1x128x128xf32, #tpu.memory_space<vmem>>
    %dma_start3A_2061 = tpu.memref_squeeze %dma_start3A_2060 : memref<1x128x128xf32, #tpu.memory_space<vmem>> -> memref<128x128xf32, #tpu.memory_space<vmem>>
    %dma_start3A_2062 = arith.constant 0 : i32
    %dma_start3A_2063 = arith.constant 0 : i32
    %dma_start3A_2064 = tpu.memref_slice %arg5[%dma_start3A_2055, %dma_start3A_2062, %dma_start3A_2063] : memref<2x4x128xi32, #tpu.memory_space<vmem>> -> memref<1x4x128xi32, #tpu.memory_space<vmem>>
    %dma_start3A_2065 = tpu.memref_squeeze %dma_start3A_2064 : memref<1x4x128xi32, #tpu.memory_space<vmem>> -> memref<4x128xi32, #tpu.memory_space<vmem>>
    %dma_start3A_2066 = arith.constant 0 : i32
    %dma_start3A_2067 = tpu.memref_slice %dma_start3A_2065[%dma_start3A_2056, %dma_start3A_2066] : memref<4x128xi32, #tpu.memory_space<vmem>> -> memref<1x128xi32, #tpu.memory_space<vmem>>
    %dma_start3A_2068 = tpu.memref_squeeze %dma_start3A_2067 : memref<1x128xi32, #tpu.memory_space<vmem>> -> memref<128xi32, #tpu.memory_space<vmem>>
    %dma_start3A_2069 = arith.constant 0 : i32
    %dma_start3A_2070 = arith.constant 0 : i32
    %dma_start3A_2071 = tpu.memref_slice %arg3[%dma_start3A_2069, %dma_start3A_2070] : memref<32000x128xf32, #tpu.memory_space<hbm>> -> memref<32000x128xf32, #tpu.memory_space<hbm>>
    tpu.enqueue_indirect_dma source(%dma_start3A_2071 : memref<32000x128xf32, #tpu.memory_space<hbm>>) target(%dma_start3A_2061 : memref<128x128xf32, #tpu.memory_space<vmem>>) offsets(%dma_start3A_2068 : memref<128xi32, #tpu.memory_space<vmem>>) semaphore(%arg7 : memref<!tpu.dma_semaphore, #tpu.memory_space<semaphore_mem>>)
    %add3A_2072 = arith.constant 1 : i32
    %add3A_2073 = arith.addi %add3A_1160, %add3A_2072 : i32
    %mul3A_2074 = arith.constant 128 : i32
    %mul3A_2075 = arith.muli %add3A_2073, %mul3A_2074 : i32
    %dma_wait3A_2076 = arith.constant 1 : i32
    %dma_wait3A_2077 = arith.constant 0 : i32
    %dma_wait3A_2078 = arith.constant 0 : i32
    %dma_wait3A_2079 = tpu.memref_slice %arg6[%dma_wait3A_2076, %dma_wait3A_2077, %dma_wait3A_2078] : memref<4x128x128xf32, #tpu.memory_space<vmem>> -> memref<1x128x128xf32, #tpu.memory_space<vmem>>
    %dma_wait3A_2080 = tpu.memref_squeeze %dma_wait3A_2079 : memref<1x128x128xf32, #tpu.memory_space<vmem>> -> memref<128x128xf32, #tpu.memory_space<vmem>>
    %dma_wait3A_2081 = arith.constant 0 : i32
    %dma_wait3A_2082 = tpu.memref_slice %arg4[%mul3A_2075, %dma_wait3A_2081] : memref<1048576x128xf32, #tpu.memory_space<hbm>> -> memref<128x128xf32, #tpu.memory_space<hbm>>
    %dma_wait3A_2083 = arith.constant 0 : i32
    %dma_wait3A_2084 = tpu.memref_slice %arg4[%mul3A_2075, %dma_wait3A_2083] : memref<1048576x128xf32, #tpu.memory_space<hbm>> -> memref<128x128xf32, #tpu.memory_space<hbm>>
    %dma_wait3A_2085 = arith.constant 0 : i32
    %dma_wait3A_2086 = arith.constant 0 : i32
    %dma_wait3A_2087 = tpu.memref_slice %arg6[%dma_wait3A_2076, %dma_wait3A_2085, %dma_wait3A_2086] : memref<4x128x128xf32, #tpu.memory_space<vmem>> -> memref<1x128x128xf32, #tpu.memory_space<vmem>>
    %dma_wait3A_2088 = tpu.memref_squeeze %dma_wait3A_2087 : memref<1x128x128xf32, #tpu.memory_space<vmem>> -> memref<128x128xf32, #tpu.memory_space<vmem>>
    tpu.wait_dma2 semaphore(%arg12 : memref<!tpu.dma_semaphore, #tpu.memory_space<semaphore_mem>>) src(%dma_wait3A_2088 : memref<128x128xf32, #tpu.memory_space<vmem>>) dst(%dma_wait3A_2084 : memref<128x128xf32, #tpu.memory_space<hbm>>)
    %dma_start3A_2089 = arith.constant 1 : i32
    %dma_start3A_2090 = arith.constant 1 : i32
    %dma_start3A_2091 = arith.constant 1 : i32
    %dma_start3A_2092 = arith.constant 0 : i32
    %dma_start3A_2093 = arith.constant 0 : i32
    %dma_start3A_2094 = tpu.memref_slice %arg6[%dma_start3A_2091, %dma_start3A_2092, %dma_start3A_2093] : memref<4x128x128xf32, #tpu.memory_space<vmem>> -> memref<1x128x128xf32, #tpu.memory_space<vmem>>
    %dma_start3A_2095 = tpu.memref_squeeze %dma_start3A_2094 : memref<1x128x128xf32, #tpu.memory_space<vmem>> -> memref<128x128xf32, #tpu.memory_space<vmem>>
    %dma_start3A_2096 = arith.constant 0 : i32
    %dma_start3A_2097 = arith.constant 0 : i32
    %dma_start3A_2098 = tpu.memref_slice %arg5[%dma_start3A_2089, %dma_start3A_2096, %dma_start3A_2097] : memref<2x4x128xi32, #tpu.memory_space<vmem>> -> memref<1x4x128xi32, #tpu.memory_space<vmem>>
    %dma_start3A_2099 = tpu.memref_squeeze %dma_start3A_2098 : memref<1x4x128xi32, #tpu.memory_space<vmem>> -> memref<4x128xi32, #tpu.memory_space<vmem>>
    %dma_start3A_2100 = arith.constant 0 : i32
    %dma_start3A_2101 = tpu.memref_slice %dma_start3A_2099[%dma_start3A_2090, %dma_start3A_2100] : memref<4x128xi32, #tpu.memory_space<vmem>> -> memref<1x128xi32, #tpu.memory_space<vmem>>
    %dma_start3A_2102 = tpu.memref_squeeze %dma_start3A_2101 : memref<1x128xi32, #tpu.memory_space<vmem>> -> memref<128xi32, #tpu.memory_space<vmem>>
    %dma_start3A_2103 = arith.constant 0 : i32
    %dma_start3A_2104 = arith.constant 0 : i32
    %dma_start3A_2105 = tpu.memref_slice %arg3[%dma_start3A_2103, %dma_start3A_2104] : memref<32000x128xf32, #tpu.memory_space<hbm>> -> memref<32000x128xf32, #tpu.memory_space<hbm>>
    tpu.enqueue_indirect_dma source(%dma_start3A_2105 : memref<32000x128xf32, #tpu.memory_space<hbm>>) target(%dma_start3A_2095 : memref<128x128xf32, #tpu.memory_space<vmem>>) offsets(%dma_start3A_2102 : memref<128xi32, #tpu.memory_space<vmem>>) semaphore(%arg8 : memref<!tpu.dma_semaphore, #tpu.memory_space<semaphore_mem>>)
    %add3A_2106 = arith.constant 2 : i32
    %add3A_2107 = arith.addi %add3A_1160, %add3A_2106 : i32
    %mul3A_2108 = arith.constant 128 : i32
    %mul3A_2109 = arith.muli %add3A_2107, %mul3A_2108 : i32
    %dma_wait3A_2110 = arith.constant 2 : i32
    %dma_wait3A_2111 = arith.constant 0 : i32
    %dma_wait3A_2112 = arith.constant 0 : i32
    %dma_wait3A_2113 = tpu.memref_slice %arg6[%dma_wait3A_2110, %dma_wait3A_2111, %dma_wait3A_2112] : memref<4x128x128xf32, #tpu.memory_space<vmem>> -> memref<1x128x128xf32, #tpu.memory_space<vmem>>
    %dma_wait3A_2114 = tpu.memref_squeeze %dma_wait3A_2113 : memref<1x128x128xf32, #tpu.memory_space<vmem>> -> memref<128x128xf32, #tpu.memory_space<vmem>>
    %dma_wait3A_2115 = arith.constant 0 : i32
    %dma_wait3A_2116 = tpu.memref_slice %arg4[%mul3A_2109, %dma_wait3A_2115] : memref<1048576x128xf32, #tpu.memory_space<hbm>> -> memref<128x128xf32, #tpu.memory_space<hbm>>
    %dma_wait3A_2117 = arith.constant 0 : i32
    %dma_wait3A_2118 = tpu.memref_slice %arg4[%mul3A_2109, %dma_wait3A_2117] : memref<1048576x128xf32, #tpu.memory_space<hbm>> -> memref<128x128xf32, #tpu.memory_space<hbm>>
    %dma_wait3A_2119 = arith.constant 0 : i32
    %dma_wait3A_2120 = arith.constant 0 : i32
    %dma_wait3A_2121 = tpu.memref_slice %arg6[%dma_wait3A_2110, %dma_wait3A_2119, %dma_wait3A_2120] : memref<4x128x128xf32, #tpu.memory_space<vmem>> -> memref<1x128x128xf32, #tpu.memory_space<vmem>>
    %dma_wait3A_2122 = tpu.memref_squeeze %dma_wait3A_2121 : memref<1x128x128xf32, #tpu.memory_space<vmem>> -> memref<128x128xf32, #tpu.memory_space<vmem>>
    tpu.wait_dma2 semaphore(%arg13 : memref<!tpu.dma_semaphore, #tpu.memory_space<semaphore_mem>>) src(%dma_wait3A_2122 : memref<128x128xf32, #tpu.memory_space<vmem>>) dst(%dma_wait3A_2118 : memref<128x128xf32, #tpu.memory_space<hbm>>)
    %dma_start3A_2123 = arith.constant 1 : i32
    %dma_start3A_2124 = arith.constant 2 : i32
    %dma_start3A_2125 = arith.constant 2 : i32
    %dma_start3A_2126 = arith.constant 0 : i32
    %dma_start3A_2127 = arith.constant 0 : i32
    %dma_start3A_2128 = tpu.memref_slice %arg6[%dma_start3A_2125, %dma_start3A_2126, %dma_start3A_2127] : memref<4x128x128xf32, #tpu.memory_space<vmem>> -> memref<1x128x128xf32, #tpu.memory_space<vmem>>
    %dma_start3A_2129 = tpu.memref_squeeze %dma_start3A_2128 : memref<1x128x128xf32, #tpu.memory_space<vmem>> -> memref<128x128xf32, #tpu.memory_space<vmem>>
    %dma_start3A_2130 = arith.constant 0 : i32
    %dma_start3A_2131 = arith.constant 0 : i32
    %dma_start3A_2132 = tpu.memref_slice %arg5[%dma_start3A_2123, %dma_start3A_2130, %dma_start3A_2131] : memref<2x4x128xi32, #tpu.memory_space<vmem>> -> memref<1x4x128xi32, #tpu.memory_space<vmem>>
    %dma_start3A_2133 = tpu.memref_squeeze %dma_start3A_2132 : memref<1x4x128xi32, #tpu.memory_space<vmem>> -> memref<4x128xi32, #tpu.memory_space<vmem>>
    %dma_start3A_2134 = arith.constant 0 : i32
    %dma_start3A_2135 = tpu.memref_slice %dma_start3A_2133[%dma_start3A_2124, %dma_start3A_2134] : memref<4x128xi32, #tpu.memory_space<vmem>> -> memref<1x128xi32, #tpu.memory_space<vmem>>
    %dma_start3A_2136 = tpu.memref_squeeze %dma_start3A_2135 : memref<1x128xi32, #tpu.memory_space<vmem>> -> memref<128xi32, #tpu.memory_space<vmem>>
    %dma_start3A_2137 = arith.constant 0 : i32
    %dma_start3A_2138 = arith.constant 0 : i32
    %dma_start3A_2139 = tpu.memref_slice %arg3[%dma_start3A_2137, %dma_start3A_2138] : memref<32000x128xf32, #tpu.memory_space<hbm>> -> memref<32000x128xf32, #tpu.memory_space<hbm>>
    tpu.enqueue_indirect_dma source(%dma_start3A_2139 : memref<32000x128xf32, #tpu.memory_space<hbm>>) target(%dma_start3A_2129 : memref<128x128xf32, #tpu.memory_space<vmem>>) offsets(%dma_start3A_2136 : memref<128xi32, #tpu.memory_space<vmem>>) semaphore(%arg9 : memref<!tpu.dma_semaphore, #tpu.memory_space<semaphore_mem>>)
    %add3A_2140 = arith.constant 3 : i32
    %add3A_2141 = arith.addi %add3A_1160, %add3A_2140 : i32
    %mul3A_2142 = arith.constant 128 : i32
    %mul3A_2143 = arith.muli %add3A_2141, %mul3A_2142 : i32
    %dma_wait3A_2144 = arith.constant 3 : i32
    %dma_wait3A_2145 = arith.constant 0 : i32
    %dma_wait3A_2146 = arith.constant 0 : i32
    %dma_wait3A_2147 = tpu.memref_slice %arg6[%dma_wait3A_2144, %dma_wait3A_2145, %dma_wait3A_2146] : memref<4x128x128xf32, #tpu.memory_space<vmem>> -> memref<1x128x128xf32, #tpu.memory_space<vmem>>
    %dma_wait3A_2148 = tpu.memref_squeeze %dma_wait3A_2147 : memref<1x128x128xf32, #tpu.memory_space<vmem>> -> memref<128x128xf32, #tpu.memory_space<vmem>>
    %dma_wait3A_2149 = arith.constant 0 : i32
    %dma_wait3A_2150 = tpu.memref_slice %arg4[%mul3A_2143, %dma_wait3A_2149] : memref<1048576x128xf32, #tpu.memory_space<hbm>> -> memref<128x128xf32, #tpu.memory_space<hbm>>
    %dma_wait3A_2151 = arith.constant 0 : i32
    %dma_wait3A_2152 = tpu.memref_slice %arg4[%mul3A_2143, %dma_wait3A_2151] : memref<1048576x128xf32, #tpu.memory_space<hbm>> -> memref<128x128xf32, #tpu.memory_space<hbm>>
    %dma_wait3A_2153 = arith.constant 0 : i32
    %dma_wait3A_2154 = arith.constant 0 : i32
    %dma_wait3A_2155 = tpu.memref_slice %arg6[%dma_wait3A_2144, %dma_wait3A_2153, %dma_wait3A_2154] : memref<4x128x128xf32, #tpu.memory_space<vmem>> -> memref<1x128x128xf32, #tpu.memory_space<vmem>>
    %dma_wait3A_2156 = tpu.memref_squeeze %dma_wait3A_2155 : memref<1x128x128xf32, #tpu.memory_space<vmem>> -> memref<128x128xf32, #tpu.memory_space<vmem>>
    tpu.wait_dma2 semaphore(%arg14 : memref<!tpu.dma_semaphore, #tpu.memory_space<semaphore_mem>>) src(%dma_wait3A_2156 : memref<128x128xf32, #tpu.memory_space<vmem>>) dst(%dma_wait3A_2152 : memref<128x128xf32, #tpu.memory_space<hbm>>)
    %dma_start3A_2157 = arith.constant 1 : i32
    %dma_start3A_2158 = arith.constant 3 : i32
    %dma_start3A_2159 = arith.constant 3 : i32
    %dma_start3A_2160 = arith.constant 0 : i32
    %dma_start3A_2161 = arith.constant 0 : i32
    %dma_start3A_2162 = tpu.memref_slice %arg6[%dma_start3A_2159, %dma_start3A_2160, %dma_start3A_2161] : memref<4x128x128xf32, #tpu.memory_space<vmem>> -> memref<1x128x128xf32, #tpu.memory_space<vmem>>
    %dma_start3A_2163 = tpu.memref_squeeze %dma_start3A_2162 : memref<1x128x128xf32, #tpu.memory_space<vmem>> -> memref<128x128xf32, #tpu.memory_space<vmem>>
    %dma_start3A_2164 = arith.constant 0 : i32
    %dma_start3A_2165 = arith.constant 0 : i32
    %dma_start3A_2166 = tpu.memref_slice %arg5[%dma_start3A_2157, %dma_start3A_2164, %dma_start3A_2165] : memref<2x4x128xi32, #tpu.memory_space<vmem>> -> memref<1x4x128xi32, #tpu.memory_space<vmem>>
    %dma_start3A_2167 = tpu.memref_squeeze %dma_start3A_2166 : memref<1x4x128xi32, #tpu.memory_space<vmem>> -> memref<4x128xi32, #tpu.memory_space<vmem>>
    %dma_start3A_2168 = arith.constant 0 : i32
    %dma_start3A_2169 = tpu.memref_slice %dma_start3A_2167[%dma_start3A_2158, %dma_start3A_2168] : memref<4x128xi32, #tpu.memory_space<vmem>> -> memref<1x128xi32, #tpu.memory_space<vmem>>
    %dma_start3A_2170 = tpu.memref_squeeze %dma_start3A_2169 : memref<1x128xi32, #tpu.memory_space<vmem>> -> memref<128xi32, #tpu.memory_space<vmem>>
    %dma_start3A_2171 = arith.constant 0 : i32
    %dma_start3A_2172 = arith.constant 0 : i32
    %dma_start3A_2173 = tpu.memref_slice %arg3[%dma_start3A_2171, %dma_start3A_2172] : memref<32000x128xf32, #tpu.memory_space<hbm>> -> memref<32000x128xf32, #tpu.memory_space<hbm>>
    tpu.enqueue_indirect_dma source(%dma_start3A_2173 : memref<32000x128xf32, #tpu.memory_space<hbm>>) target(%dma_start3A_2163 : memref<128x128xf32, #tpu.memory_space<vmem>>) offsets(%dma_start3A_2170 : memref<128xi32, #tpu.memory_space<vmem>>) semaphore(%arg10 : memref<!tpu.dma_semaphore, #tpu.memory_space<semaphore_mem>>)
    %dma_wait3A_2174 = arith.constant 1 : i32
    %dma_wait3A_2175 = arith.constant 0 : i32
    %dma_wait3A_2176 = arith.constant 0 : i32
    %dma_wait3A_2177 = arith.constant 0 : i32
    %dma_wait3A_2178 = arith.constant 0 : i32
    %dma_wait3A_2179 = tpu.memref_slice %arg6[%dma_wait3A_2176, %dma_wait3A_2177, %dma_wait3A_2178] : memref<4x128x128xf32, #tpu.memory_space<vmem>> -> memref<1x128x128xf32, #tpu.memory_space<vmem>>
    %dma_wait3A_2180 = tpu.memref_squeeze %dma_wait3A_2179 : memref<1x128x128xf32, #tpu.memory_space<vmem>> -> memref<128x128xf32, #tpu.memory_space<vmem>>
    %dma_wait3A_2181 = arith.constant 0 : i32
    %dma_wait3A_2182 = arith.constant 0 : i32
    %dma_wait3A_2183 = tpu.memref_slice %arg5[%dma_wait3A_2174, %dma_wait3A_2181, %dma_wait3A_2182] : memref<2x4x128xi32, #tpu.memory_space<vmem>> -> memref<1x4x128xi32, #tpu.memory_space<vmem>>
    %dma_wait3A_2184 = tpu.memref_squeeze %dma_wait3A_2183 : memref<1x4x128xi32, #tpu.memory_space<vmem>> -> memref<4x128xi32, #tpu.memory_space<vmem>>
    %dma_wait3A_2185 = arith.constant 0 : i32
    %dma_wait3A_2186 = tpu.memref_slice %dma_wait3A_2184[%dma_wait3A_2175, %dma_wait3A_2185] : memref<4x128xi32, #tpu.memory_space<vmem>> -> memref<1x128xi32, #tpu.memory_space<vmem>>
    %dma_wait3A_2187 = tpu.memref_squeeze %dma_wait3A_2186 : memref<1x128xi32, #tpu.memory_space<vmem>> -> memref<128xi32, #tpu.memory_space<vmem>>
    %dma_wait3A_2188 = arith.constant 0 : i32
    %dma_wait3A_2189 = arith.constant 0 : i32
    %dma_wait3A_2190 = tpu.memref_slice %arg3[%dma_wait3A_2188, %dma_wait3A_2189] : memref<32000x128xf32, #tpu.memory_space<hbm>> -> memref<32000x128xf32, #tpu.memory_space<hbm>>
    tpu.wait_indirect_dma semaphore(%arg7 : memref<!tpu.dma_semaphore, #tpu.memory_space<semaphore_mem>>) src(%dma_wait3A_2190 : memref<32000x128xf32, #tpu.memory_space<hbm>>) dst(%dma_wait3A_2180 : memref<128x128xf32, #tpu.memory_space<vmem>>)
    %add3A_2191 = arith.constant 0 : i32
    %add3A_2192 = arith.addi %add3A_1160, %add3A_2191 : i32
    %mul3A_2193 = arith.constant 128 : i32
    %mul3A_2194 = arith.muli %add3A_2192, %mul3A_2193 : i32
    %dma_start3A_2195 = arith.constant 0 : i32
    %dma_start3A_2196 = arith.constant 0 : i32
    %dma_start3A_2197 = arith.constant 0 : i32
    %dma_start3A_2198 = tpu.memref_slice %arg6[%dma_start3A_2195, %dma_start3A_2196, %dma_start3A_2197] : memref<4x128x128xf32, #tpu.memory_space<vmem>> -> memref<1x128x128xf32, #tpu.memory_space<vmem>>
    %dma_start3A_2199 = tpu.memref_squeeze %dma_start3A_2198 : memref<1x128x128xf32, #tpu.memory_space<vmem>> -> memref<128x128xf32, #tpu.memory_space<vmem>>
    %dma_start3A_2200 = arith.constant 0 : i32
    %dma_start3A_2201 = tpu.memref_slice %arg4[%mul3A_2194, %dma_start3A_2200] : memref<1048576x128xf32, #tpu.memory_space<hbm>> -> memref<128x128xf32, #tpu.memory_space<hbm>>
    %dma_start3A_2202 = arith.constant 0 : i32
    %dma_start3A_2203 = tpu.memref_slice %arg4[%mul3A_2194, %dma_start3A_2202] : memref<1048576x128xf32, #tpu.memory_space<hbm>> -> memref<128x128xf32, #tpu.memory_space<hbm>>
    %dma_start3A_2204 = arith.constant 0 : i32
    %dma_start3A_2205 = arith.constant 0 : i32
    %dma_start3A_2206 = tpu.memref_slice %arg6[%dma_start3A_2195, %dma_start3A_2204, %dma_start3A_2205] : memref<4x128x128xf32, #tpu.memory_space<vmem>> -> memref<1x128x128xf32, #tpu.memory_space<vmem>>
    %dma_start3A_2207 = tpu.memref_squeeze %dma_start3A_2206 : memref<1x128x128xf32, #tpu.memory_space<vmem>> -> memref<128x128xf32, #tpu.memory_space<vmem>>
    tpu.enqueue_dma source(%dma_start3A_2207 : memref<128x128xf32, #tpu.memory_space<vmem>>) target(%dma_start3A_2203 : memref<128x128xf32, #tpu.memory_space<hbm>>) target_semaphore(%arg11 : memref<!tpu.dma_semaphore, #tpu.memory_space<semaphore_mem>>)
    %dma_wait3A_2208 = arith.constant 1 : i32
    %dma_wait3A_2209 = arith.constant 1 : i32
    %dma_wait3A_2210 = arith.constant 1 : i32
    %dma_wait3A_2211 = arith.constant 0 : i32
    %dma_wait3A_2212 = arith.constant 0 : i32
    %dma_wait3A_2213 = tpu.memref_slice %arg6[%dma_wait3A_2210, %dma_wait3A_2211, %dma_wait3A_2212] : memref<4x128x128xf32, #tpu.memory_space<vmem>> -> memref<1x128x128xf32, #tpu.memory_space<vmem>>
    %dma_wait3A_2214 = tpu.memref_squeeze %dma_wait3A_2213 : memref<1x128x128xf32, #tpu.memory_space<vmem>> -> memref<128x128xf32, #tpu.memory_space<vmem>>
    %dma_wait3A_2215 = arith.constant 0 : i32
    %dma_wait3A_2216 = arith.constant 0 : i32
    %dma_wait3A_2217 = tpu.memref_slice %arg5[%dma_wait3A_2208, %dma_wait3A_2215, %dma_wait3A_2216] : memref<2x4x128xi32, #tpu.memory_space<vmem>> -> memref<1x4x128xi32, #tpu.memory_space<vmem>>
    %dma_wait3A_2218 = tpu.memref_squeeze %dma_wait3A_2217 : memref<1x4x128xi32, #tpu.memory_space<vmem>> -> memref<4x128xi32, #tpu.memory_space<vmem>>
    %dma_wait3A_2219 = arith.constant 0 : i32
    %dma_wait3A_2220 = tpu.memref_slice %dma_wait3A_2218[%dma_wait3A_2209, %dma_wait3A_2219] : memref<4x128xi32, #tpu.memory_space<vmem>> -> memref<1x128xi32, #tpu.memory_space<vmem>>
    %dma_wait3A_2221 = tpu.memref_squeeze %dma_wait3A_2220 : memref<1x128xi32, #tpu.memory_space<vmem>> -> memref<128xi32, #tpu.memory_space<vmem>>
    %dma_wait3A_2222 = arith.constant 0 : i32
    %dma_wait3A_2223 = arith.constant 0 : i32
    %dma_wait3A_2224 = tpu.memref_slice %arg3[%dma_wait3A_2222, %dma_wait3A_2223] : memref<32000x128xf32, #tpu.memory_space<hbm>> -> memref<32000x128xf32, #tpu.memory_space<hbm>>
    tpu.wait_indirect_dma semaphore(%arg8 : memref<!tpu.dma_semaphore, #tpu.memory_space<semaphore_mem>>) src(%dma_wait3A_2224 : memref<32000x128xf32, #tpu.memory_space<hbm>>) dst(%dma_wait3A_2214 : memref<128x128xf32, #tpu.memory_space<vmem>>)
    %add3A_2225 = arith.constant 1 : i32
    %add3A_2226 = arith.addi %add3A_1160, %add3A_2225 : i32
    %mul3A_2227 = arith.constant 128 : i32
    %mul3A_2228 = arith.muli %add3A_2226, %mul3A_2227 : i32
    %dma_start3A_2229 = arith.constant 1 : i32
    %dma_start3A_2230 = arith.constant 0 : i32
    %dma_start3A_2231 = arith.constant 0 : i32
    %dma_start3A_2232 = tpu.memref_slice %arg6[%dma_start3A_2229, %dma_start3A_2230, %dma_start3A_2231] : memref<4x128x128xf32, #tpu.memory_space<vmem>> -> memref<1x128x128xf32, #tpu.memory_space<vmem>>
    %dma_start3A_2233 = tpu.memref_squeeze %dma_start3A_2232 : memref<1x128x128xf32, #tpu.memory_space<vmem>> -> memref<128x128xf32, #tpu.memory_space<vmem>>
    %dma_start3A_2234 = arith.constant 0 : i32
    %dma_start3A_2235 = tpu.memref_slice %arg4[%mul3A_2228, %dma_start3A_2234] : memref<1048576x128xf32, #tpu.memory_space<hbm>> -> memref<128x128xf32, #tpu.memory_space<hbm>>
    %dma_start3A_2236 = arith.constant 0 : i32
    %dma_start3A_2237 = tpu.memref_slice %arg4[%mul3A_2228, %dma_start3A_2236] : memref<1048576x128xf32, #tpu.memory_space<hbm>> -> memref<128x128xf32, #tpu.memory_space<hbm>>
    %dma_start3A_2238 = arith.constant 0 : i32
    %dma_start3A_2239 = arith.constant 0 : i32
    %dma_start3A_2240 = tpu.memref_slice %arg6[%dma_start3A_2229, %dma_start3A_2238, %dma_start3A_2239] : memref<4x128x128xf32, #tpu.memory_space<vmem>> -> memref<1x128x128xf32, #tpu.memory_space<vmem>>
    %dma_start3A_2241 = tpu.memref_squeeze %dma_start3A_2240 : memref<1x128x128xf32, #tpu.memory_space<vmem>> -> memref<128x128xf32, #tpu.memory_space<vmem>>
    tpu.enqueue_dma source(%dma_start3A_2241 : memref<128x128xf32, #tpu.memory_space<vmem>>) target(%dma_start3A_2237 : memref<128x128xf32, #tpu.memory_space<hbm>>) target_semaphore(%arg12 : memref<!tpu.dma_semaphore, #tpu.memory_space<semaphore_mem>>)
    %dma_wait3A_2242 = arith.constant 1 : i32
    %dma_wait3A_2243 = arith.constant 2 : i32
    %dma_wait3A_2244 = arith.constant 2 : i32
    %dma_wait3A_2245 = arith.constant 0 : i32
    %dma_wait3A_2246 = arith.constant 0 : i32
    %dma_wait3A_2247 = tpu.memref_slice %arg6[%dma_wait3A_2244, %dma_wait3A_2245, %dma_wait3A_2246] : memref<4x128x128xf32, #tpu.memory_space<vmem>> -> memref<1x128x128xf32, #tpu.memory_space<vmem>>
    %dma_wait3A_2248 = tpu.memref_squeeze %dma_wait3A_2247 : memref<1x128x128xf32, #tpu.memory_space<vmem>> -> memref<128x128xf32, #tpu.memory_space<vmem>>
    %dma_wait3A_2249 = arith.constant 0 : i32
    %dma_wait3A_2250 = arith.constant 0 : i32
    %dma_wait3A_2251 = tpu.memref_slice %arg5[%dma_wait3A_2242, %dma_wait3A_2249, %dma_wait3A_2250] : memref<2x4x128xi32, #tpu.memory_space<vmem>> -> memref<1x4x128xi32, #tpu.memory_space<vmem>>
    %dma_wait3A_2252 = tpu.memref_squeeze %dma_wait3A_2251 : memref<1x4x128xi32, #tpu.memory_space<vmem>> -> memref<4x128xi32, #tpu.memory_space<vmem>>
    %dma_wait3A_2253 = arith.constant 0 : i32
    %dma_wait3A_2254 = tpu.memref_slice %dma_wait3A_2252[%dma_wait3A_2243, %dma_wait3A_2253] : memref<4x128xi32, #tpu.memory_space<vmem>> -> memref<1x128xi32, #tpu.memory_space<vmem>>
    %dma_wait3A_2255 = tpu.memref_squeeze %dma_wait3A_2254 : memref<1x128xi32, #tpu.memory_space<vmem>> -> memref<128xi32, #tpu.memory_space<vmem>>
    %dma_wait3A_2256 = arith.constant 0 : i32
    %dma_wait3A_2257 = arith.constant 0 : i32
    %dma_wait3A_2258 = tpu.memref_slice %arg3[%dma_wait3A_2256, %dma_wait3A_2257] : memref<32000x128xf32, #tpu.memory_space<hbm>> -> memref<32000x128xf32, #tpu.memory_space<hbm>>
    tpu.wait_indirect_dma semaphore(%arg9 : memref<!tpu.dma_semaphore, #tpu.memory_space<semaphore_mem>>) src(%dma_wait3A_2258 : memref<32000x128xf32, #tpu.memory_space<hbm>>) dst(%dma_wait3A_2248 : memref<128x128xf32, #tpu.memory_space<vmem>>)
    %add3A_2259 = arith.constant 2 : i32
    %add3A_2260 = arith.addi %add3A_1160, %add3A_2259 : i32
    %mul3A_2261 = arith.constant 128 : i32
    %mul3A_2262 = arith.muli %add3A_2260, %mul3A_2261 : i32
    %dma_start3A_2263 = arith.constant 2 : i32
    %dma_start3A_2264 = arith.constant 0 : i32
    %dma_start3A_2265 = arith.constant 0 : i32
    %dma_start3A_2266 = tpu.memref_slice %arg6[%dma_start3A_2263, %dma_start3A_2264, %dma_start3A_2265] : memref<4x128x128xf32, #tpu.memory_space<vmem>> -> memref<1x128x128xf32, #tpu.memory_space<vmem>>
    %dma_start3A_2267 = tpu.memref_squeeze %dma_start3A_2266 : memref<1x128x128xf32, #tpu.memory_space<vmem>> -> memref<128x128xf32, #tpu.memory_space<vmem>>
    %dma_start3A_2268 = arith.constant 0 : i32
    %dma_start3A_2269 = tpu.memref_slice %arg4[%mul3A_2262, %dma_start3A_2268] : memref<1048576x128xf32, #tpu.memory_space<hbm>> -> memref<128x128xf32, #tpu.memory_space<hbm>>
    %dma_start3A_2270 = arith.constant 0 : i32
    %dma_start3A_2271 = tpu.memref_slice %arg4[%mul3A_2262, %dma_start3A_2270] : memref<1048576x128xf32, #tpu.memory_space<hbm>> -> memref<128x128xf32, #tpu.memory_space<hbm>>
    %dma_start3A_2272 = arith.constant 0 : i32
    %dma_start3A_2273 = arith.constant 0 : i32
    %dma_start3A_2274 = tpu.memref_slice %arg6[%dma_start3A_2263, %dma_start3A_2272, %dma_start3A_2273] : memref<4x128x128xf32, #tpu.memory_space<vmem>> -> memref<1x128x128xf32, #tpu.memory_space<vmem>>
    %dma_start3A_2275 = tpu.memref_squeeze %dma_start3A_2274 : memref<1x128x128xf32, #tpu.memory_space<vmem>> -> memref<128x128xf32, #tpu.memory_space<vmem>>
    tpu.enqueue_dma source(%dma_start3A_2275 : memref<128x128xf32, #tpu.memory_space<vmem>>) target(%dma_start3A_2271 : memref<128x128xf32, #tpu.memory_space<hbm>>) target_semaphore(%arg13 : memref<!tpu.dma_semaphore, #tpu.memory_space<semaphore_mem>>)
    %dma_wait3A_2276 = arith.constant 1 : i32
    %dma_wait3A_2277 = arith.constant 3 : i32
    %dma_wait3A_2278 = arith.constant 3 : i32
    %dma_wait3A_2279 = arith.constant 0 : i32
    %dma_wait3A_2280 = arith.constant 0 : i32
    %dma_wait3A_2281 = tpu.memref_slice %arg6[%dma_wait3A_2278, %dma_wait3A_2279, %dma_wait3A_2280] : memref<4x128x128xf32, #tpu.memory_space<vmem>> -> memref<1x128x128xf32, #tpu.memory_space<vmem>>
    %dma_wait3A_2282 = tpu.memref_squeeze %dma_wait3A_2281 : memref<1x128x128xf32, #tpu.memory_space<vmem>> -> memref<128x128xf32, #tpu.memory_space<vmem>>
    %dma_wait3A_2283 = arith.constant 0 : i32
    %dma_wait3A_2284 = arith.constant 0 : i32
    %dma_wait3A_2285 = tpu.memref_slice %arg5[%dma_wait3A_2276, %dma_wait3A_2283, %dma_wait3A_2284] : memref<2x4x128xi32, #tpu.memory_space<vmem>> -> memref<1x4x128xi32, #tpu.memory_space<vmem>>
    %dma_wait3A_2286 = tpu.memref_squeeze %dma_wait3A_2285 : memref<1x4x128xi32, #tpu.memory_space<vmem>> -> memref<4x128xi32, #tpu.memory_space<vmem>>
    %dma_wait3A_2287 = arith.constant 0 : i32
    %dma_wait3A_2288 = tpu.memref_slice %dma_wait3A_2286[%dma_wait3A_2277, %dma_wait3A_2287] : memref<4x128xi32, #tpu.memory_space<vmem>> -> memref<1x128xi32, #tpu.memory_space<vmem>>
    %dma_wait3A_2289 = tpu.memref_squeeze %dma_wait3A_2288 : memref<1x128xi32, #tpu.memory_space<vmem>> -> memref<128xi32, #tpu.memory_space<vmem>>
    %dma_wait3A_2290 = arith.constant 0 : i32
    %dma_wait3A_2291 = arith.constant 0 : i32
    %dma_wait3A_2292 = tpu.memref_slice %arg3[%dma_wait3A_2290, %dma_wait3A_2291] : memref<32000x128xf32, #tpu.memory_space<hbm>> -> memref<32000x128xf32, #tpu.memory_space<hbm>>
    tpu.wait_indirect_dma semaphore(%arg10 : memref<!tpu.dma_semaphore, #tpu.memory_space<semaphore_mem>>) src(%dma_wait3A_2292 : memref<32000x128xf32, #tpu.memory_space<hbm>>) dst(%dma_wait3A_2282 : memref<128x128xf32, #tpu.memory_space<vmem>>)
    %add3A_2293 = arith.constant 3 : i32
    %add3A_2294 = arith.addi %add3A_1160, %add3A_2293 : i32
    %mul3A_2295 = arith.constant 128 : i32
    %mul3A_2296 = arith.muli %add3A_2294, %mul3A_2295 : i32
    %dma_start3A_2297 = arith.constant 3 : i32
    %dma_start3A_2298 = arith.constant 0 : i32
    %dma_start3A_2299 = arith.constant 0 : i32
    %dma_start3A_2300 = tpu.memref_slice %arg6[%dma_start3A_2297, %dma_start3A_2298, %dma_start3A_2299] : memref<4x128x128xf32, #tpu.memory_space<vmem>> -> memref<1x128x128xf32, #tpu.memory_space<vmem>>
    %dma_start3A_2301 = tpu.memref_squeeze %dma_start3A_2300 : memref<1x128x128xf32, #tpu.memory_space<vmem>> -> memref<128x128xf32, #tpu.memory_space<vmem>>
    %dma_start3A_2302 = arith.constant 0 : i32
    %dma_start3A_2303 = tpu.memref_slice %arg4[%mul3A_2296, %dma_start3A_2302] : memref<1048576x128xf32, #tpu.memory_space<hbm>> -> memref<128x128xf32, #tpu.memory_space<hbm>>
    %dma_start3A_2304 = arith.constant 0 : i32
    %dma_start3A_2305 = tpu.memref_slice %arg4[%mul3A_2296, %dma_start3A_2304] : memref<1048576x128xf32, #tpu.memory_space<hbm>> -> memref<128x128xf32, #tpu.memory_space<hbm>>
    %dma_start3A_2306 = arith.constant 0 : i32
    %dma_start3A_2307 = arith.constant 0 : i32
    %dma_start3A_2308 = tpu.memref_slice %arg6[%dma_start3A_2297, %dma_start3A_2306, %dma_start3A_2307] : memref<4x128x128xf32, #tpu.memory_space<vmem>> -> memref<1x128x128xf32, #tpu.memory_space<vmem>>
    %dma_start3A_2309 = tpu.memref_squeeze %dma_start3A_2308 : memref<1x128x128xf32, #tpu.memory_space<vmem>> -> memref<128x128xf32, #tpu.memory_space<vmem>>
    tpu.enqueue_dma source(%dma_start3A_2309 : memref<128x128xf32, #tpu.memory_space<vmem>>) target(%dma_start3A_2305 : memref<128x128xf32, #tpu.memory_space<hbm>>) target_semaphore(%arg14 : memref<!tpu.dma_semaphore, #tpu.memory_space<semaphore_mem>>)
    %min3A_2310 = arith.constant 12 : i32
    %min3A_2311 = arith.constant 252 : i32
    %min3A_2312 = arith.minsi %min3A_2310, %min3A_2311 : i32
    %add3A_2313 = arith.addi %mul3A_2, %min3A_2312 : i32
    %dma_start3A_2314 = arith.constant 1 : i32
    %dma_start3A_2315 = arith.constant 0 : i32
    %dma_start3A_2316 = arith.constant 0 : i32
    %dma_start3A_2317 = tpu.memref_slice %arg5[%dma_start3A_2314, %dma_start3A_2315, %dma_start3A_2316] : memref<2x4x128xi32, #tpu.memory_space<vmem>> -> memref<1x4x128xi32, #tpu.memory_space<vmem>>
    %dma_start3A_2318 = tpu.memref_squeeze %dma_start3A_2317 : memref<1x4x128xi32, #tpu.memory_space<vmem>> -> memref<4x128xi32, #tpu.memory_space<vmem>>
    %dma_start3A_2319 = arith.constant 0 : i32
    %dma_start3A_2320 = tpu.memref_slice %arg2[%add3A_2313, %dma_start3A_2319] : memref<8192x128xi32, #tpu.memory_space<hbm>> -> memref<4x128xi32, #tpu.memory_space<hbm>>
    %dma_start3A_2321 = arith.constant 0 : i32
    %dma_start3A_2322 = arith.constant 0 : i32
    %dma_start3A_2323 = tpu.memref_slice %arg5[%dma_start3A_2314, %dma_start3A_2321, %dma_start3A_2322] : memref<2x4x128xi32, #tpu.memory_space<vmem>> -> memref<1x4x128xi32, #tpu.memory_space<vmem>>
    %dma_start3A_2324 = tpu.memref_squeeze %dma_start3A_2323 : memref<1x4x128xi32, #tpu.memory_space<vmem>> -> memref<4x128xi32, #tpu.memory_space<vmem>>
    %dma_start3A_2325 = arith.constant 0 : i32
    %dma_start3A_2326 = tpu.memref_slice %arg2[%add3A_2313, %dma_start3A_2325] : memref<8192x128xi32, #tpu.memory_space<hbm>> -> memref<4x128xi32, #tpu.memory_space<hbm>>
    tpu.enqueue_dma source(%dma_start3A_2326 : memref<4x128xi32, #tpu.memory_space<hbm>>) target(%dma_start3A_2324 : memref<4x128xi32, #tpu.memory_space<vmem>>) target_semaphore(%arg16 : memref<!tpu.dma_semaphore, #tpu.memory_space<semaphore_mem>>)
    %scan3A = arith.constant 0 : i32
    %scan3A_2327 = arith.constant 1 : i32
    %scan3A_2328 = arith.constant 31 : i32
    %scan3A_2329 = arith.addi %scan3A_2327, %scan3A_2328 : i32
    %scan3A_2330 = arith.constant 1 : i32
    scf.for %scan3A_2432 = %scan3A_2327 to %scan3A_2329 step %scan3A_2330  : i32 {
      %mul3A_2433 = arith.constant 2 : i32
      %mul3A_2434 = arith.muli %mul3A_2433, %scan3A_2432 : i32
      %mul3A_2435 = arith.constant 4 : i32
      %mul3A_2436 = arith.muli %mul3A_2434, %mul3A_2435 : i32
      %add3A_2437 = arith.addi %mul3A_2, %mul3A_2436 : i32
      %dma_wait3A_2438 = arith.constant 0 : i32
      %dma_wait3A_2439 = arith.constant 0 : i32
      %dma_wait3A_2440 = arith.constant 0 : i32
      %dma_wait3A_2441 = tpu.memref_slice %arg5[%dma_wait3A_2438, %dma_wait3A_2439, %dma_wait3A_2440] : memref<2x4x128xi32, #tpu.memory_space<vmem>> -> memref<1x4x128xi32, #tpu.memory_space<vmem>>
      %dma_wait3A_2442 = tpu.memref_squeeze %dma_wait3A_2441 : memref<1x4x128xi32, #tpu.memory_space<vmem>> -> memref<4x128xi32, #tpu.memory_space<vmem>>
      %dma_wait3A_2443 = arith.constant 0 : i32
      %dma_wait3A_2444 = tpu.memref_slice %arg2[%add3A_2437, %dma_wait3A_2443] : memref<8192x128xi32, #tpu.memory_space<hbm>> -> memref<4x128xi32, #tpu.memory_space<hbm>>
      %dma_wait3A_2445 = arith.constant 0 : i32
      %dma_wait3A_2446 = arith.constant 0 : i32
      %dma_wait3A_2447 = tpu.memref_slice %arg5[%dma_wait3A_2438, %dma_wait3A_2445, %dma_wait3A_2446] : memref<2x4x128xi32, #tpu.memory_space<vmem>> -> memref<1x4x128xi32, #tpu.memory_space<vmem>>
      %dma_wait3A_2448 = tpu.memref_squeeze %dma_wait3A_2447 : memref<1x4x128xi32, #tpu.memory_space<vmem>> -> memref<4x128xi32, #tpu.memory_space<vmem>>
      %dma_wait3A_2449 = arith.constant 0 : i32
      %dma_wait3A_2450 = tpu.memref_slice %arg2[%add3A_2437, %dma_wait3A_2449] : memref<8192x128xi32, #tpu.memory_space<hbm>> -> memref<4x128xi32, #tpu.memory_space<hbm>>
      tpu.wait_dma2 semaphore(%arg15 : memref<!tpu.dma_semaphore, #tpu.memory_space<semaphore_mem>>) src(%dma_wait3A_2450 : memref<4x128xi32, #tpu.memory_space<hbm>>) dst(%dma_wait3A_2448 : memref<4x128xi32, #tpu.memory_space<vmem>>)
      %get3A_2451 = arith.constant 0 : i32
      %get3A_2452 = arith.constant 0 : i32
      %get3A_2453 = arith.constant 0 : i32
      %get3A_2454 = arith.constant 0 : i32
      %get3A_2455 = tpu.memref_slice %arg5[%get3A_2451, %get3A_2453, %get3A_2454] : memref<2x4x128xi32, #tpu.memory_space<vmem>> -> memref<1x4x128xi32, #tpu.memory_space<vmem>>
      %get3A_2456 = tpu.memref_squeeze %get3A_2455 : memref<1x4x128xi32, #tpu.memory_space<vmem>> -> memref<4x128xi32, #tpu.memory_space<vmem>>
      %get3A_2457 = arith.constant 0 : i32
      %get3A_2458 = tpu.memref_slice %get3A_2456[%get3A_2452, %get3A_2457] : memref<4x128xi32, #tpu.memory_space<vmem>> -> memref<1x128xi32, #tpu.memory_space<vmem>>
      %get3A_2459 = tpu.memref_squeeze %get3A_2458 : memref<1x128xi32, #tpu.memory_space<vmem>> -> memref<128xi32, #tpu.memory_space<vmem>>
      %get3A_2460 = arith.constant 0 : index
      %get3A_2461 = tpu.vector_load %get3A_2459[%get3A_2460] {strides = array<i32>} : memref<128xi32, #tpu.memory_space<vmem>>, vector<16xi32>,
      %get3A_2462 = vector.shape_cast %get3A_2461 : vector<16xi32> to vector<16xi32>
      %add3A_2463 = vector.broadcast %mul3A_13 : i32 to vector<16xi32>
      %add3A_2464 = arith.addi %get3A_2462, %add3A_2463 : vector<16xi32>
      %swap3A_2465 = arith.constant 0 : i32
      %swap3A_2466 = arith.constant 0 : i32
      %swap3A_2467 = arith.constant 0 : i32
      %swap3A_2468 = arith.constant 0 : i32
      %swap3A_2469 = tpu.memref_slice %arg5[%swap3A_2465, %swap3A_2467, %swap3A_2468] : memref<2x4x128xi32, #tpu.memory_space<vmem>> -> memref<1x4x128xi32, #tpu.memory_space<vmem>>
      %swap3A_2470 = tpu.memref_squeeze %swap3A_2469 : memref<1x4x128xi32, #tpu.memory_space<vmem>> -> memref<4x128xi32, #tpu.memory_space<vmem>>
      %swap3A_2471 = arith.constant 0 : i32
      %swap3A_2472 = tpu.memref_slice %swap3A_2470[%swap3A_2466, %swap3A_2471] : memref<4x128xi32, #tpu.memory_space<vmem>> -> memref<1x128xi32, #tpu.memory_space<vmem>>
      %swap3A_2473 = tpu.memref_squeeze %swap3A_2472 : memref<1x128xi32, #tpu.memory_space<vmem>> -> memref<128xi32, #tpu.memory_space<vmem>>
      %swap3A_2474 = arith.constant 0 : index
      %swap3A_2475 = tpu.vector_load %swap3A_2473[%swap3A_2474] {strides = array<i32>} : memref<128xi32, #tpu.memory_space<vmem>>, vector<16xi32>,
      %swap3A_2476 = vector.shape_cast %swap3A_2475 : vector<16xi32> to vector<16xi32>
      %swap3A_2477 = vector.shape_cast %add3A_2464 : vector<16xi32> to vector<16xi32>
      tpu.vector_store %swap3A_2473[%swap3A_2474], %swap3A_2477 {strides = array<i32>} : memref<128xi32, #tpu.memory_space<vmem>>, vector<16xi32>,
      %get3A_2478 = arith.constant 0 : i32
      %get3A_2479 = arith.constant 0 : i32
      %get3A_2480 = arith.constant 0 : i32
      %get3A_2481 = arith.constant 0 : i32
      %get3A_2482 = tpu.memref_slice %arg5[%get3A_2478, %get3A_2480, %get3A_2481] : memref<2x4x128xi32, #tpu.memory_space<vmem>> -> memref<1x4x128xi32, #tpu.memory_space<vmem>>
      %get3A_2483 = tpu.memref_squeeze %get3A_2482 : memref<1x4x128xi32, #tpu.memory_space<vmem>> -> memref<4x128xi32, #tpu.memory_space<vmem>>
      %get3A_2484 = arith.constant 0 : i32
      %get3A_2485 = tpu.memref_slice %get3A_2483[%get3A_2479, %get3A_2484] : memref<4x128xi32, #tpu.memory_space<vmem>> -> memref<1x128xi32, #tpu.memory_space<vmem>>
      %get3A_2486 = tpu.memref_squeeze %get3A_2485 : memref<1x128xi32, #tpu.memory_space<vmem>> -> memref<128xi32, #tpu.memory_space<vmem>>
      %get3A_2487 = arith.constant 16 : index
      %get3A_2488 = tpu.vector_load %get3A_2486[%get3A_2487] {strides = array<i32>} : memref<128xi32, #tpu.memory_space<vmem>>, vector<16xi32>,
      %get3A_2489 = vector.shape_cast %get3A_2488 : vector<16xi32> to vector<16xi32>
      %add3A_2490 = vector.broadcast %mul3A_13 : i32 to vector<16xi32>
      %add3A_2491 = arith.addi %get3A_2489, %add3A_2490 : vector<16xi32>
      %swap3A_2492 = arith.constant 0 : i32
      %swap3A_2493 = arith.constant 0 : i32
      %swap3A_2494 = arith.constant 0 : i32
      %swap3A_2495 = arith.constant 0 : i32
      %swap3A_2496 = tpu.memref_slice %arg5[%swap3A_2492, %swap3A_2494, %swap3A_2495] : memref<2x4x128xi32, #tpu.memory_space<vmem>> -> memref<1x4x128xi32, #tpu.memory_space<vmem>>
      %swap3A_2497 = tpu.memref_squeeze %swap3A_2496 : memref<1x4x128xi32, #tpu.memory_space<vmem>> -> memref<4x128xi32, #tpu.memory_space<vmem>>
      %swap3A_2498 = arith.constant 0 : i32
      %swap3A_2499 = tpu.memref_slice %swap3A_2497[%swap3A_2493, %swap3A_2498] : memref<4x128xi32, #tpu.memory_space<vmem>> -> memref<1x128xi32, #tpu.memory_space<vmem>>
      %swap3A_2500 = tpu.memref_squeeze %swap3A_2499 : memref<1x128xi32, #tpu.memory_space<vmem>> -> memref<128xi32, #tpu.memory_space<vmem>>
      %swap3A_2501 = arith.constant 16 : index
      %swap3A_2502 = tpu.vector_load %swap3A_2500[%swap3A_2501] {strides = array<i32>} : memref<128xi32, #tpu.memory_space<vmem>>, vector<16xi32>,
      %swap3A_2503 = vector.shape_cast %swap3A_2502 : vector<16xi32> to vector<16xi32>
      %swap3A_2504 = vector.shape_cast %add3A_2491 : vector<16xi32> to vector<16xi32>
      tpu.vector_store %swap3A_2500[%swap3A_2501], %swap3A_2504 {strides = array<i32>} : memref<128xi32, #tpu.memory_space<vmem>>, vector<16xi32>,
      %get3A_2505 = arith.constant 0 : i32
      %get3A_2506 = arith.constant 0 : i32
      %get3A_2507 = arith.constant 0 : i32
      %get3A_2508 = arith.constant 0 : i32
      %get3A_2509 = tpu.memref_slice %arg5[%get3A_2505, %get3A_2507, %get3A_2508] : memref<2x4x128xi32, #tpu.memory_space<vmem>> -> memref<1x4x128xi32, #tpu.memory_space<vmem>>
      %get3A_2510 = tpu.memref_squeeze %get3A_2509 : memref<1x4x128xi32, #tpu.memory_space<vmem>> -> memref<4x128xi32, #tpu.memory_space<vmem>>
      %get3A_2511 = arith.constant 0 : i32
      %get3A_2512 = tpu.memref_slice %get3A_2510[%get3A_2506, %get3A_2511] : memref<4x128xi32, #tpu.memory_space<vmem>> -> memref<1x128xi32, #tpu.memory_space<vmem>>
      %get3A_2513 = tpu.memref_squeeze %get3A_2512 : memref<1x128xi32, #tpu.memory_space<vmem>> -> memref<128xi32, #tpu.memory_space<vmem>>
      %get3A_2514 = arith.constant 32 : index
      %get3A_2515 = tpu.vector_load %get3A_2513[%get3A_2514] {strides = array<i32>} : memref<128xi32, #tpu.memory_space<vmem>>, vector<16xi32>,
      %get3A_2516 = vector.shape_cast %get3A_2515 : vector<16xi32> to vector<16xi32>
      %add3A_2517 = vector.broadcast %mul3A_13 : i32 to vector<16xi32>
      %add3A_2518 = arith.addi %get3A_2516, %add3A_2517 : vector<16xi32>
      %swap3A_2519 = arith.constant 0 : i32
      %swap3A_2520 = arith.constant 0 : i32
      %swap3A_2521 = arith.constant 0 : i32
      %swap3A_2522 = arith.constant 0 : i32
      %swap3A_2523 = tpu.memref_slice %arg5[%swap3A_2519, %swap3A_2521, %swap3A_2522] : memref<2x4x128xi32, #tpu.memory_space<vmem>> -> memref<1x4x128xi32, #tpu.memory_space<vmem>>
      %swap3A_2524 = tpu.memref_squeeze %swap3A_2523 : memref<1x4x128xi32, #tpu.memory_space<vmem>> -> memref<4x128xi32, #tpu.memory_space<vmem>>
      %swap3A_2525 = arith.constant 0 : i32
      %swap3A_2526 = tpu.memref_slice %swap3A_2524[%swap3A_2520, %swap3A_2525] : memref<4x128xi32, #tpu.memory_space<vmem>> -> memref<1x128xi32, #tpu.memory_space<vmem>>
      %swap3A_2527 = tpu.memref_squeeze %swap3A_2526 : memref<1x128xi32, #tpu.memory_space<vmem>> -> memref<128xi32, #tpu.memory_space<vmem>>
      %swap3A_2528 = arith.constant 32 : index
      %swap3A_2529 = tpu.vector_load %swap3A_2527[%swap3A_2528] {strides = array<i32>} : memref<128xi32, #tpu.memory_space<vmem>>, vector<16xi32>,
      %swap3A_2530 = vector.shape_cast %swap3A_2529 : vector<16xi32> to vector<16xi32>
      %swap3A_2531 = vector.shape_cast %add3A_2518 : vector<16xi32> to vector<16xi32>
      tpu.vector_store %swap3A_2527[%swap3A_2528], %swap3A_2531 {strides = array<i32>} : memref<128xi32, #tpu.memory_space<vmem>>, vector<16xi32>,
      %get3A_2532 = arith.constant 0 : i32
      %get3A_2533 = arith.constant 0 : i32
      %get3A_2534 = arith.constant 0 : i32
      %get3A_2535 = arith.constant 0 : i32
      %get3A_2536 = tpu.memref_slice %arg5[%get3A_2532, %get3A_2534, %get3A_2535] : memref<2x4x128xi32, #tpu.memory_space<vmem>> -> memref<1x4x128xi32, #tpu.memory_space<vmem>>
      %get3A_2537 = tpu.memref_squeeze %get3A_2536 : memref<1x4x128xi32, #tpu.memory_space<vmem>> -> memref<4x128xi32, #tpu.memory_space<vmem>>
      %get3A_2538 = arith.constant 0 : i32
      %get3A_2539 = tpu.memref_slice %get3A_2537[%get3A_2533, %get3A_2538] : memref<4x128xi32, #tpu.memory_space<vmem>> -> memref<1x128xi32, #tpu.memory_space<vmem>>
      %get3A_2540 = tpu.memref_squeeze %get3A_2539 : memref<1x128xi32, #tpu.memory_space<vmem>> -> memref<128xi32, #tpu.memory_space<vmem>>
      %get3A_2541 = arith.constant 48 : index
      %get3A_2542 = tpu.vector_load %get3A_2540[%get3A_2541] {strides = array<i32>} : memref<128xi32, #tpu.memory_space<vmem>>, vector<16xi32>,
      %get3A_2543 = vector.shape_cast %get3A_2542 : vector<16xi32> to vector<16xi32>
      %add3A_2544 = vector.broadcast %mul3A_13 : i32 to vector<16xi32>
      %add3A_2545 = arith.addi %get3A_2543, %add3A_2544 : vector<16xi32>
      %swap3A_2546 = arith.constant 0 : i32
      %swap3A_2547 = arith.constant 0 : i32
      %swap3A_2548 = arith.constant 0 : i32
      %swap3A_2549 = arith.constant 0 : i32
      %swap3A_2550 = tpu.memref_slice %arg5[%swap3A_2546, %swap3A_2548, %swap3A_2549] : memref<2x4x128xi32, #tpu.memory_space<vmem>> -> memref<1x4x128xi32, #tpu.memory_space<vmem>>
      %swap3A_2551 = tpu.memref_squeeze %swap3A_2550 : memref<1x4x128xi32, #tpu.memory_space<vmem>> -> memref<4x128xi32, #tpu.memory_space<vmem>>
      %swap3A_2552 = arith.constant 0 : i32
      %swap3A_2553 = tpu.memref_slice %swap3A_2551[%swap3A_2547, %swap3A_2552] : memref<4x128xi32, #tpu.memory_space<vmem>> -> memref<1x128xi32, #tpu.memory_space<vmem>>
      %swap3A_2554 = tpu.memref_squeeze %swap3A_2553 : memref<1x128xi32, #tpu.memory_space<vmem>> -> memref<128xi32, #tpu.memory_space<vmem>>
      %swap3A_2555 = arith.constant 48 : index
      %swap3A_2556 = tpu.vector_load %swap3A_2554[%swap3A_2555] {strides = array<i32>} : memref<128xi32, #tpu.memory_space<vmem>>, vector<16xi32>,
      %swap3A_2557 = vector.shape_cast %swap3A_2556 : vector<16xi32> to vector<16xi32>
      %swap3A_2558 = vector.shape_cast %add3A_2545 : vector<16xi32> to vector<16xi32>
      tpu.vector_store %swap3A_2554[%swap3A_2555], %swap3A_2558 {strides = array<i32>} : memref<128xi32, #tpu.memory_space<vmem>>, vector<16xi32>,
      %get3A_2559 = arith.constant 0 : i32
      %get3A_2560 = arith.constant 0 : i32
      %get3A_2561 = arith.constant 0 : i32
      %get3A_2562 = arith.constant 0 : i32
      %get3A_2563 = tpu.memref_slice %arg5[%get3A_2559, %get3A_2561, %get3A_2562] : memref<2x4x128xi32, #tpu.memory_space<vmem>> -> memref<1x4x128xi32, #tpu.memory_space<vmem>>
      %get3A_2564 = tpu.memref_squeeze %get3A_2563 : memref<1x4x128xi32, #tpu.memory_space<vmem>> -> memref<4x128xi32, #tpu.memory_space<vmem>>
      %get3A_2565 = arith.constant 0 : i32
      %get3A_2566 = tpu.memref_slice %get3A_2564[%get3A_2560, %get3A_2565] : memref<4x128xi32, #tpu.memory_space<vmem>> -> memref<1x128xi32, #tpu.memory_space<vmem>>
      %get3A_2567 = tpu.memref_squeeze %get3A_2566 : memref<1x128xi32, #tpu.memory_space<vmem>> -> memref<128xi32, #tpu.memory_space<vmem>>
      %get3A_2568 = arith.constant 64 : index
      %get3A_2569 = tpu.vector_load %get3A_2567[%get3A_2568] {strides = array<i32>} : memref<128xi32, #tpu.memory_space<vmem>>, vector<16xi32>,
      %get3A_2570 = vector.shape_cast %get3A_2569 : vector<16xi32> to vector<16xi32>
      %add3A_2571 = vector.broadcast %mul3A_13 : i32 to vector<16xi32>
      %add3A_2572 = arith.addi %get3A_2570, %add3A_2571 : vector<16xi32>
      %swap3A_2573 = arith.constant 0 : i32
      %swap3A_2574 = arith.constant 0 : i32
      %swap3A_2575 = arith.constant 0 : i32
      %swap3A_2576 = arith.constant 0 : i32
      %swap3A_2577 = tpu.memref_slice %arg5[%swap3A_2573, %swap3A_2575, %swap3A_2576] : memref<2x4x128xi32, #tpu.memory_space<vmem>> -> memref<1x4x128xi32, #tpu.memory_space<vmem>>
      %swap3A_2578 = tpu.memref_squeeze %swap3A_2577 : memref<1x4x128xi32, #tpu.memory_space<vmem>> -> memref<4x128xi32, #tpu.memory_space<vmem>>
      %swap3A_2579 = arith.constant 0 : i32
      %swap3A_2580 = tpu.memref_slice %swap3A_2578[%swap3A_2574, %swap3A_2579] : memref<4x128xi32, #tpu.memory_space<vmem>> -> memref<1x128xi32, #tpu.memory_space<vmem>>
      %swap3A_2581 = tpu.memref_squeeze %swap3A_2580 : memref<1x128xi32, #tpu.memory_space<vmem>> -> memref<128xi32, #tpu.memory_space<vmem>>
      %swap3A_2582 = arith.constant 64 : index
      %swap3A_2583 = tpu.vector_load %swap3A_2581[%swap3A_2582] {strides = array<i32>} : memref<128xi32, #tpu.memory_space<vmem>>, vector<16xi32>,
      %swap3A_2584 = vector.shape_cast %swap3A_2583 : vector<16xi32> to vector<16xi32>
      %swap3A_2585 = vector.shape_cast %add3A_2572 : vector<16xi32> to vector<16xi32>
      tpu.vector_store %swap3A_2581[%swap3A_2582], %swap3A_2585 {strides = array<i32>} : memref<128xi32, #tpu.memory_space<vmem>>, vector<16xi32>,
      %get3A_2586 = arith.constant 0 : i32
      %get3A_2587 = arith.constant 0 : i32
      %get3A_2588 = arith.constant 0 : i32
      %get3A_2589 = arith.constant 0 : i32
      %get3A_2590 = tpu.memref_slice %arg5[%get3A_2586, %get3A_2588, %get3A_2589] : memref<2x4x128xi32, #tpu.memory_space<vmem>> -> memref<1x4x128xi32, #tpu.memory_space<vmem>>
      %get3A_2591 = tpu.memref_squeeze %get3A_2590 : memref<1x4x128xi32, #tpu.memory_space<vmem>> -> memref<4x128xi32, #tpu.memory_space<vmem>>
      %get3A_2592 = arith.constant 0 : i32
      %get3A_2593 = tpu.memref_slice %get3A_2591[%get3A_2587, %get3A_2592] : memref<4x128xi32, #tpu.memory_space<vmem>> -> memref<1x128xi32, #tpu.memory_space<vmem>>
      %get3A_2594 = tpu.memref_squeeze %get3A_2593 : memref<1x128xi32, #tpu.memory_space<vmem>> -> memref<128xi32, #tpu.memory_space<vmem>>
      %get3A_2595 = arith.constant 80 : index
      %get3A_2596 = tpu.vector_load %get3A_2594[%get3A_2595] {strides = array<i32>} : memref<128xi32, #tpu.memory_space<vmem>>, vector<16xi32>,
      %get3A_2597 = vector.shape_cast %get3A_2596 : vector<16xi32> to vector<16xi32>
      %add3A_2598 = vector.broadcast %mul3A_13 : i32 to vector<16xi32>
      %add3A_2599 = arith.addi %get3A_2597, %add3A_2598 : vector<16xi32>
      %swap3A_2600 = arith.constant 0 : i32
      %swap3A_2601 = arith.constant 0 : i32
      %swap3A_2602 = arith.constant 0 : i32
      %swap3A_2603 = arith.constant 0 : i32
      %swap3A_2604 = tpu.memref_slice %arg5[%swap3A_2600, %swap3A_2602, %swap3A_2603] : memref<2x4x128xi32, #tpu.memory_space<vmem>> -> memref<1x4x128xi32, #tpu.memory_space<vmem>>
      %swap3A_2605 = tpu.memref_squeeze %swap3A_2604 : memref<1x4x128xi32, #tpu.memory_space<vmem>> -> memref<4x128xi32, #tpu.memory_space<vmem>>
      %swap3A_2606 = arith.constant 0 : i32
      %swap3A_2607 = tpu.memref_slice %swap3A_2605[%swap3A_2601, %swap3A_2606] : memref<4x128xi32, #tpu.memory_space<vmem>> -> memref<1x128xi32, #tpu.memory_space<vmem>>
      %swap3A_2608 = tpu.memref_squeeze %swap3A_2607 : memref<1x128xi32, #tpu.memory_space<vmem>> -> memref<128xi32, #tpu.memory_space<vmem>>
      %swap3A_2609 = arith.constant 80 : index
      %swap3A_2610 = tpu.vector_load %swap3A_2608[%swap3A_2609] {strides = array<i32>} : memref<128xi32, #tpu.memory_space<vmem>>, vector<16xi32>,
      %swap3A_2611 = vector.shape_cast %swap3A_2610 : vector<16xi32> to vector<16xi32>
      %swap3A_2612 = vector.shape_cast %add3A_2599 : vector<16xi32> to vector<16xi32>
      tpu.vector_store %swap3A_2608[%swap3A_2609], %swap3A_2612 {strides = array<i32>} : memref<128xi32, #tpu.memory_space<vmem>>, vector<16xi32>,
      %get3A_2613 = arith.constant 0 : i32
      %get3A_2614 = arith.constant 0 : i32
      %get3A_2615 = arith.constant 0 : i32
      %get3A_2616 = arith.constant 0 : i32
      %get3A_2617 = tpu.memref_slice %arg5[%get3A_2613, %get3A_2615, %get3A_2616] : memref<2x4x128xi32, #tpu.memory_space<vmem>> -> memref<1x4x128xi32, #tpu.memory_space<vmem>>
      %get3A_2618 = tpu.memref_squeeze %get3A_2617 : memref<1x4x128xi32, #tpu.memory_space<vmem>> -> memref<4x128xi32, #tpu.memory_space<vmem>>
      %get3A_2619 = arith.constant 0 : i32
      %get3A_2620 = tpu.memref_slice %get3A_2618[%get3A_2614, %get3A_2619] : memref<4x128xi32, #tpu.memory_space<vmem>> -> memref<1x128xi32, #tpu.memory_space<vmem>>
      %get3A_2621 = tpu.memref_squeeze %get3A_2620 : memref<1x128xi32, #tpu.memory_space<vmem>> -> memref<128xi32, #tpu.memory_space<vmem>>
      %get3A_2622 = arith.constant 96 : index
      %get3A_2623 = tpu.vector_load %get3A_2621[%get3A_2622] {strides = array<i32>} : memref<128xi32, #tpu.memory_space<vmem>>, vector<16xi32>,
      %get3A_2624 = vector.shape_cast %get3A_2623 : vector<16xi32> to vector<16xi32>
      %add3A_2625 = vector.broadcast %mul3A_13 : i32 to vector<16xi32>
      %add3A_2626 = arith.addi %get3A_2624, %add3A_2625 : vector<16xi32>
      %swap3A_2627 = arith.constant 0 : i32
      %swap3A_2628 = arith.constant 0 : i32
      %swap3A_2629 = arith.constant 0 : i32
      %swap3A_2630 = arith.constant 0 : i32
      %swap3A_2631 = tpu.memref_slice %arg5[%swap3A_2627, %swap3A_2629, %swap3A_2630] : memref<2x4x128xi32, #tpu.memory_space<vmem>> -> memref<1x4x128xi32, #tpu.memory_space<vmem>>
      %swap3A_2632 = tpu.memref_squeeze %swap3A_2631 : memref<1x4x128xi32, #tpu.memory_space<vmem>> -> memref<4x128xi32, #tpu.memory_space<vmem>>
      %swap3A_2633 = arith.constant 0 : i32
      %swap3A_2634 = tpu.memref_slice %swap3A_2632[%swap3A_2628, %swap3A_2633] : memref<4x128xi32, #tpu.memory_space<vmem>> -> memref<1x128xi32, #tpu.memory_space<vmem>>
      %swap3A_2635 = tpu.memref_squeeze %swap3A_2634 : memref<1x128xi32, #tpu.memory_space<vmem>> -> memref<128xi32, #tpu.memory_space<vmem>>
      %swap3A_2636 = arith.constant 96 : index
      %swap3A_2637 = tpu.vector_load %swap3A_2635[%swap3A_2636] {strides = array<i32>} : memref<128xi32, #tpu.memory_space<vmem>>, vector<16xi32>,
      %swap3A_2638 = vector.shape_cast %swap3A_2637 : vector<16xi32> to vector<16xi32>
      %swap3A_2639 = vector.shape_cast %add3A_2626 : vector<16xi32> to vector<16xi32>
      tpu.vector_store %swap3A_2635[%swap3A_2636], %swap3A_2639 {strides = array<i32>} : memref<128xi32, #tpu.memory_space<vmem>>, vector<16xi32>,
      %get3A_2640 = arith.constant 0 : i32
      %get3A_2641 = arith.constant 0 : i32
      %get3A_2642 = arith.constant 0 : i32
      %get3A_2643 = arith.constant 0 : i32
      %get3A_2644 = tpu.memref_slice %arg5[%get3A_2640, %get3A_2642, %get3A_2643] : memref<2x4x128xi32, #tpu.memory_space<vmem>> -> memref<1x4x128xi32, #tpu.memory_space<vmem>>
      %get3A_2645 = tpu.memref_squeeze %get3A_2644 : memref<1x4x128xi32, #tpu.memory_space<vmem>> -> memref<4x128xi32, #tpu.memory_space<vmem>>
      %get3A_2646 = arith.constant 0 : i32
      %get3A_2647 = tpu.memref_slice %get3A_2645[%get3A_2641, %get3A_2646] : memref<4x128xi32, #tpu.memory_space<vmem>> -> memref<1x128xi32, #tpu.memory_space<vmem>>
      %get3A_2648 = tpu.memref_squeeze %get3A_2647 : memref<1x128xi32, #tpu.memory_space<vmem>> -> memref<128xi32, #tpu.memory_space<vmem>>
      %get3A_2649 = arith.constant 112 : index
      %get3A_2650 = tpu.vector_load %get3A_2648[%get3A_2649] {strides = array<i32>} : memref<128xi32, #tpu.memory_space<vmem>>, vector<16xi32>,
      %get3A_2651 = vector.shape_cast %get3A_2650 : vector<16xi32> to vector<16xi32>
      %add3A_2652 = vector.broadcast %mul3A_13 : i32 to vector<16xi32>
      %add3A_2653 = arith.addi %get3A_2651, %add3A_2652 : vector<16xi32>
      %swap3A_2654 = arith.constant 0 : i32
      %swap3A_2655 = arith.constant 0 : i32
      %swap3A_2656 = arith.constant 0 : i32
      %swap3A_2657 = arith.constant 0 : i32
      %swap3A_2658 = tpu.memref_slice %arg5[%swap3A_2654, %swap3A_2656, %swap3A_2657] : memref<2x4x128xi32, #tpu.memory_space<vmem>> -> memref<1x4x128xi32, #tpu.memory_space<vmem>>
      %swap3A_2659 = tpu.memref_squeeze %swap3A_2658 : memref<1x4x128xi32, #tpu.memory_space<vmem>> -> memref<4x128xi32, #tpu.memory_space<vmem>>
      %swap3A_2660 = arith.constant 0 : i32
      %swap3A_2661 = tpu.memref_slice %swap3A_2659[%swap3A_2655, %swap3A_2660] : memref<4x128xi32, #tpu.memory_space<vmem>> -> memref<1x128xi32, #tpu.memory_space<vmem>>
      %swap3A_2662 = tpu.memref_squeeze %swap3A_2661 : memref<1x128xi32, #tpu.memory_space<vmem>> -> memref<128xi32, #tpu.memory_space<vmem>>
      %swap3A_2663 = arith.constant 112 : index
      %swap3A_2664 = tpu.vector_load %swap3A_2662[%swap3A_2663] {strides = array<i32>} : memref<128xi32, #tpu.memory_space<vmem>>, vector<16xi32>,
      %swap3A_2665 = vector.shape_cast %swap3A_2664 : vector<16xi32> to vector<16xi32>
      %swap3A_2666 = vector.shape_cast %add3A_2653 : vector<16xi32> to vector<16xi32>
      tpu.vector_store %swap3A_2662[%swap3A_2663], %swap3A_2666 {strides = array<i32>} : memref<128xi32, #tpu.memory_space<vmem>>, vector<16xi32>,
      %get3A_2667 = arith.constant 0 : i32
      %get3A_2668 = arith.constant 1 : i32
      %get3A_2669 = arith.constant 0 : i32
      %get3A_2670 = arith.constant 0 : i32
      %get3A_2671 = tpu.memref_slice %arg5[%get3A_2667, %get3A_2669, %get3A_2670] : memref<2x4x128xi32, #tpu.memory_space<vmem>> -> memref<1x4x128xi32, #tpu.memory_space<vmem>>
      %get3A_2672 = tpu.memref_squeeze %get3A_2671 : memref<1x4x128xi32, #tpu.memory_space<vmem>> -> memref<4x128xi32, #tpu.memory_space<vmem>>
      %get3A_2673 = arith.constant 0 : i32
      %get3A_2674 = tpu.memref_slice %get3A_2672[%get3A_2668, %get3A_2673] : memref<4x128xi32, #tpu.memory_space<vmem>> -> memref<1x128xi32, #tpu.memory_space<vmem>>
      %get3A_2675 = tpu.memref_squeeze %get3A_2674 : memref<1x128xi32, #tpu.memory_space<vmem>> -> memref<128xi32, #tpu.memory_space<vmem>>
      %get3A_2676 = arith.constant 0 : index
      %get3A_2677 = tpu.vector_load %get3A_2675[%get3A_2676] {strides = array<i32>} : memref<128xi32, #tpu.memory_space<vmem>>, vector<16xi32>,
      %get3A_2678 = vector.shape_cast %get3A_2677 : vector<16xi32> to vector<16xi32>
      %add3A_2679 = vector.broadcast %mul3A_13 : i32 to vector<16xi32>
      %add3A_2680 = arith.addi %get3A_2678, %add3A_2679 : vector<16xi32>
      %swap3A_2681 = arith.constant 0 : i32
      %swap3A_2682 = arith.constant 1 : i32
      %swap3A_2683 = arith.constant 0 : i32
      %swap3A_2684 = arith.constant 0 : i32
      %swap3A_2685 = tpu.memref_slice %arg5[%swap3A_2681, %swap3A_2683, %swap3A_2684] : memref<2x4x128xi32, #tpu.memory_space<vmem>> -> memref<1x4x128xi32, #tpu.memory_space<vmem>>
      %swap3A_2686 = tpu.memref_squeeze %swap3A_2685 : memref<1x4x128xi32, #tpu.memory_space<vmem>> -> memref<4x128xi32, #tpu.memory_space<vmem>>
      %swap3A_2687 = arith.constant 0 : i32
      %swap3A_2688 = tpu.memref_slice %swap3A_2686[%swap3A_2682, %swap3A_2687] : memref<4x128xi32, #tpu.memory_space<vmem>> -> memref<1x128xi32, #tpu.memory_space<vmem>>
      %swap3A_2689 = tpu.memref_squeeze %swap3A_2688 : memref<1x128xi32, #tpu.memory_space<vmem>> -> memref<128xi32, #tpu.memory_space<vmem>>
      %swap3A_2690 = arith.constant 0 : index
      %swap3A_2691 = tpu.vector_load %swap3A_2689[%swap3A_2690] {strides = array<i32>} : memref<128xi32, #tpu.memory_space<vmem>>, vector<16xi32>,
      %swap3A_2692 = vector.shape_cast %swap3A_2691 : vector<16xi32> to vector<16xi32>
      %swap3A_2693 = vector.shape_cast %add3A_2680 : vector<16xi32> to vector<16xi32>
      tpu.vector_store %swap3A_2689[%swap3A_2690], %swap3A_2693 {strides = array<i32>} : memref<128xi32, #tpu.memory_space<vmem>>, vector<16xi32>,
      %get3A_2694 = arith.constant 0 : i32
      %get3A_2695 = arith.constant 1 : i32
      %get3A_2696 = arith.constant 0 : i32
      %get3A_2697 = arith.constant 0 : i32
      %get3A_2698 = tpu.memref_slice %arg5[%get3A_2694, %get3A_2696, %get3A_2697] : memref<2x4x128xi32, #tpu.memory_space<vmem>> -> memref<1x4x128xi32, #tpu.memory_space<vmem>>
      %get3A_2699 = tpu.memref_squeeze %get3A_2698 : memref<1x4x128xi32, #tpu.memory_space<vmem>> -> memref<4x128xi32, #tpu.memory_space<vmem>>
      %get3A_2700 = arith.constant 0 : i32
      %get3A_2701 = tpu.memref_slice %get3A_2699[%get3A_2695, %get3A_2700] : memref<4x128xi32, #tpu.memory_space<vmem>> -> memref<1x128xi32, #tpu.memory_space<vmem>>
      %get3A_2702 = tpu.memref_squeeze %get3A_2701 : memref<1x128xi32, #tpu.memory_space<vmem>> -> memref<128xi32, #tpu.memory_space<vmem>>
      %get3A_2703 = arith.constant 16 : index
      %get3A_2704 = tpu.vector_load %get3A_2702[%get3A_2703] {strides = array<i32>} : memref<128xi32, #tpu.memory_space<vmem>>, vector<16xi32>,
      %get3A_2705 = vector.shape_cast %get3A_2704 : vector<16xi32> to vector<16xi32>
      %add3A_2706 = vector.broadcast %mul3A_13 : i32 to vector<16xi32>
      %add3A_2707 = arith.addi %get3A_2705, %add3A_2706 : vector<16xi32>
      %swap3A_2708 = arith.constant 0 : i32
      %swap3A_2709 = arith.constant 1 : i32
      %swap3A_2710 = arith.constant 0 : i32
      %swap3A_2711 = arith.constant 0 : i32
      %swap3A_2712 = tpu.memref_slice %arg5[%swap3A_2708, %swap3A_2710, %swap3A_2711] : memref<2x4x128xi32, #tpu.memory_space<vmem>> -> memref<1x4x128xi32, #tpu.memory_space<vmem>>
      %swap3A_2713 = tpu.memref_squeeze %swap3A_2712 : memref<1x4x128xi32, #tpu.memory_space<vmem>> -> memref<4x128xi32, #tpu.memory_space<vmem>>
      %swap3A_2714 = arith.constant 0 : i32
      %swap3A_2715 = tpu.memref_slice %swap3A_2713[%swap3A_2709, %swap3A_2714] : memref<4x128xi32, #tpu.memory_space<vmem>> -> memref<1x128xi32, #tpu.memory_space<vmem>>
      %swap3A_2716 = tpu.memref_squeeze %swap3A_2715 : memref<1x128xi32, #tpu.memory_space<vmem>> -> memref<128xi32, #tpu.memory_space<vmem>>
      %swap3A_2717 = arith.constant 16 : index
      %swap3A_2718 = tpu.vector_load %swap3A_2716[%swap3A_2717] {strides = array<i32>} : memref<128xi32, #tpu.memory_space<vmem>>, vector<16xi32>,
      %swap3A_2719 = vector.shape_cast %swap3A_2718 : vector<16xi32> to vector<16xi32>
      %swap3A_2720 = vector.shape_cast %add3A_2707 : vector<16xi32> to vector<16xi32>
      tpu.vector_store %swap3A_2716[%swap3A_2717], %swap3A_2720 {strides = array<i32>} : memref<128xi32, #tpu.memory_space<vmem>>, vector<16xi32>,
      %get3A_2721 = arith.constant 0 : i32
      %get3A_2722 = arith.constant 1 : i32
      %get3A_2723 = arith.constant 0 : i32
      %get3A_2724 = arith.constant 0 : i32
      %get3A_2725 = tpu.memref_slice %arg5[%get3A_2721, %get3A_2723, %get3A_2724] : memref<2x4x128xi32, #tpu.memory_space<vmem>> -> memref<1x4x128xi32, #tpu.memory_space<vmem>>
      %get3A_2726 = tpu.memref_squeeze %get3A_2725 : memref<1x4x128xi32, #tpu.memory_space<vmem>> -> memref<4x128xi32, #tpu.memory_space<vmem>>
      %get3A_2727 = arith.constant 0 : i32
      %get3A_2728 = tpu.memref_slice %get3A_2726[%get3A_2722, %get3A_2727] : memref<4x128xi32, #tpu.memory_space<vmem>> -> memref<1x128xi32, #tpu.memory_space<vmem>>
      %get3A_2729 = tpu.memref_squeeze %get3A_2728 : memref<1x128xi32, #tpu.memory_space<vmem>> -> memref<128xi32, #tpu.memory_space<vmem>>
      %get3A_2730 = arith.constant 32 : index
      %get3A_2731 = tpu.vector_load %get3A_2729[%get3A_2730] {strides = array<i32>} : memref<128xi32, #tpu.memory_space<vmem>>, vector<16xi32>,
      %get3A_2732 = vector.shape_cast %get3A_2731 : vector<16xi32> to vector<16xi32>
      %add3A_2733 = vector.broadcast %mul3A_13 : i32 to vector<16xi32>
      %add3A_2734 = arith.addi %get3A_2732, %add3A_2733 : vector<16xi32>
      %swap3A_2735 = arith.constant 0 : i32
      %swap3A_2736 = arith.constant 1 : i32
      %swap3A_2737 = arith.constant 0 : i32
      %swap3A_2738 = arith.constant 0 : i32
      %swap3A_2739 = tpu.memref_slice %arg5[%swap3A_2735, %swap3A_2737, %swap3A_2738] : memref<2x4x128xi32, #tpu.memory_space<vmem>> -> memref<1x4x128xi32, #tpu.memory_space<vmem>>
      %swap3A_2740 = tpu.memref_squeeze %swap3A_2739 : memref<1x4x128xi32, #tpu.memory_space<vmem>> -> memref<4x128xi32, #tpu.memory_space<vmem>>
      %swap3A_2741 = arith.constant 0 : i32
      %swap3A_2742 = tpu.memref_slice %swap3A_2740[%swap3A_2736, %swap3A_2741] : memref<4x128xi32, #tpu.memory_space<vmem>> -> memref<1x128xi32, #tpu.memory_space<vmem>>
      %swap3A_2743 = tpu.memref_squeeze %swap3A_2742 : memref<1x128xi32, #tpu.memory_space<vmem>> -> memref<128xi32, #tpu.memory_space<vmem>>
      %swap3A_2744 = arith.constant 32 : index
      %swap3A_2745 = tpu.vector_load %swap3A_2743[%swap3A_2744] {strides = array<i32>} : memref<128xi32, #tpu.memory_space<vmem>>, vector<16xi32>,
      %swap3A_2746 = vector.shape_cast %swap3A_2745 : vector<16xi32> to vector<16xi32>
      %swap3A_2747 = vector.shape_cast %add3A_2734 : vector<16xi32> to vector<16xi32>
      tpu.vector_store %swap3A_2743[%swap3A_2744], %swap3A_2747 {strides = array<i32>} : memref<128xi32, #tpu.memory_space<vmem>>, vector<16xi32>,
      %get3A_2748 = arith.constant 0 : i32
      %get3A_2749 = arith.constant 1 : i32
      %get3A_2750 = arith.constant 0 : i32
      %get3A_2751 = arith.constant 0 : i32
      %get3A_2752 = tpu.memref_slice %arg5[%get3A_2748, %get3A_2750, %get3A_2751] : memref<2x4x128xi32, #tpu.memory_space<vmem>> -> memref<1x4x128xi32, #tpu.memory_space<vmem>>
      %get3A_2753 = tpu.memref_squeeze %get3A_2752 : memref<1x4x128xi32, #tpu.memory_space<vmem>> -> memref<4x128xi32, #tpu.memory_space<vmem>>
      %get3A_2754 = arith.constant 0 : i32
      %get3A_2755 = tpu.memref_slice %get3A_2753[%get3A_2749, %get3A_2754] : memref<4x128xi32, #tpu.memory_space<vmem>> -> memref<1x128xi32, #tpu.memory_space<vmem>>
      %get3A_2756 = tpu.memref_squeeze %get3A_2755 : memref<1x128xi32, #tpu.memory_space<vmem>> -> memref<128xi32, #tpu.memory_space<vmem>>
      %get3A_2757 = arith.constant 48 : index
      %get3A_2758 = tpu.vector_load %get3A_2756[%get3A_2757] {strides = array<i32>} : memref<128xi32, #tpu.memory_space<vmem>>, vector<16xi32>,
      %get3A_2759 = vector.shape_cast %get3A_2758 : vector<16xi32> to vector<16xi32>
      %add3A_2760 = vector.broadcast %mul3A_13 : i32 to vector<16xi32>
      %add3A_2761 = arith.addi %get3A_2759, %add3A_2760 : vector<16xi32>
      %swap3A_2762 = arith.constant 0 : i32
      %swap3A_2763 = arith.constant 1 : i32
      %swap3A_2764 = arith.constant 0 : i32
      %swap3A_2765 = arith.constant 0 : i32
      %swap3A_2766 = tpu.memref_slice %arg5[%swap3A_2762, %swap3A_2764, %swap3A_2765] : memref<2x4x128xi32, #tpu.memory_space<vmem>> -> memref<1x4x128xi32, #tpu.memory_space<vmem>>
      %swap3A_2767 = tpu.memref_squeeze %swap3A_2766 : memref<1x4x128xi32, #tpu.memory_space<vmem>> -> memref<4x128xi32, #tpu.memory_space<vmem>>
      %swap3A_2768 = arith.constant 0 : i32
      %swap3A_2769 = tpu.memref_slice %swap3A_2767[%swap3A_2763, %swap3A_2768] : memref<4x128xi32, #tpu.memory_space<vmem>> -> memref<1x128xi32, #tpu.memory_space<vmem>>
      %swap3A_2770 = tpu.memref_squeeze %swap3A_2769 : memref<1x128xi32, #tpu.memory_space<vmem>> -> memref<128xi32, #tpu.memory_space<vmem>>
      %swap3A_2771 = arith.constant 48 : index
      %swap3A_2772 = tpu.vector_load %swap3A_2770[%swap3A_2771] {strides = array<i32>} : memref<128xi32, #tpu.memory_space<vmem>>, vector<16xi32>,
      %swap3A_2773 = vector.shape_cast %swap3A_2772 : vector<16xi32> to vector<16xi32>
      %swap3A_2774 = vector.shape_cast %add3A_2761 : vector<16xi32> to vector<16xi32>
      tpu.vector_store %swap3A_2770[%swap3A_2771], %swap3A_2774 {strides = array<i32>} : memref<128xi32, #tpu.memory_space<vmem>>, vector<16xi32>,
      %get3A_2775 = arith.constant 0 : i32
      %get3A_2776 = arith.constant 1 : i32
      %get3A_2777 = arith.constant 0 : i32
      %get3A_2778 = arith.constant 0 : i32
      %get3A_2779 = tpu.memref_slice %arg5[%get3A_2775, %get3A_2777, %get3A_2778] : memref<2x4x128xi32, #tpu.memory_space<vmem>> -> memref<1x4x128xi32, #tpu.memory_space<vmem>>
      %get3A_2780 = tpu.memref_squeeze %get3A_2779 : memref<1x4x128xi32, #tpu.memory_space<vmem>> -> memref<4x128xi32, #tpu.memory_space<vmem>>
      %get3A_2781 = arith.constant 0 : i32
      %get3A_2782 = tpu.memref_slice %get3A_2780[%get3A_2776, %get3A_2781] : memref<4x128xi32, #tpu.memory_space<vmem>> -> memref<1x128xi32, #tpu.memory_space<vmem>>
      %get3A_2783 = tpu.memref_squeeze %get3A_2782 : memref<1x128xi32, #tpu.memory_space<vmem>> -> memref<128xi32, #tpu.memory_space<vmem>>
      %get3A_2784 = arith.constant 64 : index
      %get3A_2785 = tpu.vector_load %get3A_2783[%get3A_2784] {strides = array<i32>} : memref<128xi32, #tpu.memory_space<vmem>>, vector<16xi32>,
      %get3A_2786 = vector.shape_cast %get3A_2785 : vector<16xi32> to vector<16xi32>
      %add3A_2787 = vector.broadcast %mul3A_13 : i32 to vector<16xi32>
      %add3A_2788 = arith.addi %get3A_2786, %add3A_2787 : vector<16xi32>
      %swap3A_2789 = arith.constant 0 : i32
      %swap3A_2790 = arith.constant 1 : i32
      %swap3A_2791 = arith.constant 0 : i32
      %swap3A_2792 = arith.constant 0 : i32
      %swap3A_2793 = tpu.memref_slice %arg5[%swap3A_2789, %swap3A_2791, %swap3A_2792] : memref<2x4x128xi32, #tpu.memory_space<vmem>> -> memref<1x4x128xi32, #tpu.memory_space<vmem>>
      %swap3A_2794 = tpu.memref_squeeze %swap3A_2793 : memref<1x4x128xi32, #tpu.memory_space<vmem>> -> memref<4x128xi32, #tpu.memory_space<vmem>>
      %swap3A_2795 = arith.constant 0 : i32
      %swap3A_2796 = tpu.memref_slice %swap3A_2794[%swap3A_2790, %swap3A_2795] : memref<4x128xi32, #tpu.memory_space<vmem>> -> memref<1x128xi32, #tpu.memory_space<vmem>>
      %swap3A_2797 = tpu.memref_squeeze %swap3A_2796 : memref<1x128xi32, #tpu.memory_space<vmem>> -> memref<128xi32, #tpu.memory_space<vmem>>
      %swap3A_2798 = arith.constant 64 : index
      %swap3A_2799 = tpu.vector_load %swap3A_2797[%swap3A_2798] {strides = array<i32>} : memref<128xi32, #tpu.memory_space<vmem>>, vector<16xi32>,
      %swap3A_2800 = vector.shape_cast %swap3A_2799 : vector<16xi32> to vector<16xi32>
      %swap3A_2801 = vector.shape_cast %add3A_2788 : vector<16xi32> to vector<16xi32>
      tpu.vector_store %swap3A_2797[%swap3A_2798], %swap3A_2801 {strides = array<i32>} : memref<128xi32, #tpu.memory_space<vmem>>, vector<16xi32>,
      %get3A_2802 = arith.constant 0 : i32
      %get3A_2803 = arith.constant 1 : i32
      %get3A_2804 = arith.constant 0 : i32
      %get3A_2805 = arith.constant 0 : i32
      %get3A_2806 = tpu.memref_slice %arg5[%get3A_2802, %get3A_2804, %get3A_2805] : memref<2x4x128xi32, #tpu.memory_space<vmem>> -> memref<1x4x128xi32, #tpu.memory_space<vmem>>
      %get3A_2807 = tpu.memref_squeeze %get3A_2806 : memref<1x4x128xi32, #tpu.memory_space<vmem>> -> memref<4x128xi32, #tpu.memory_space<vmem>>
      %get3A_2808 = arith.constant 0 : i32
      %get3A_2809 = tpu.memref_slice %get3A_2807[%get3A_2803, %get3A_2808] : memref<4x128xi32, #tpu.memory_space<vmem>> -> memref<1x128xi32, #tpu.memory_space<vmem>>
      %get3A_2810 = tpu.memref_squeeze %get3A_2809 : memref<1x128xi32, #tpu.memory_space<vmem>> -> memref<128xi32, #tpu.memory_space<vmem>>
      %get3A_2811 = arith.constant 80 : index
      %get3A_2812 = tpu.vector_load %get3A_2810[%get3A_2811] {strides = array<i32>} : memref<128xi32, #tpu.memory_space<vmem>>, vector<16xi32>,
      %get3A_2813 = vector.shape_cast %get3A_2812 : vector<16xi32> to vector<16xi32>
      %add3A_2814 = vector.broadcast %mul3A_13 : i32 to vector<16xi32>
      %add3A_2815 = arith.addi %get3A_2813, %add3A_2814 : vector<16xi32>
      %swap3A_2816 = arith.constant 0 : i32
      %swap3A_2817 = arith.constant 1 : i32
      %swap3A_2818 = arith.constant 0 : i32
      %swap3A_2819 = arith.constant 0 : i32
      %swap3A_2820 = tpu.memref_slice %arg5[%swap3A_2816, %swap3A_2818, %swap3A_2819] : memref<2x4x128xi32, #tpu.memory_space<vmem>> -> memref<1x4x128xi32, #tpu.memory_space<vmem>>
      %swap3A_2821 = tpu.memref_squeeze %swap3A_2820 : memref<1x4x128xi32, #tpu.memory_space<vmem>> -> memref<4x128xi32, #tpu.memory_space<vmem>>
      %swap3A_2822 = arith.constant 0 : i32
      %swap3A_2823 = tpu.memref_slice %swap3A_2821[%swap3A_2817, %swap3A_2822] : memref<4x128xi32, #tpu.memory_space<vmem>> -> memref<1x128xi32, #tpu.memory_space<vmem>>
      %swap3A_2824 = tpu.memref_squeeze %swap3A_2823 : memref<1x128xi32, #tpu.memory_space<vmem>> -> memref<128xi32, #tpu.memory_space<vmem>>
      %swap3A_2825 = arith.constant 80 : index
      %swap3A_2826 = tpu.vector_load %swap3A_2824[%swap3A_2825] {strides = array<i32>} : memref<128xi32, #tpu.memory_space<vmem>>, vector<16xi32>,
      %swap3A_2827 = vector.shape_cast %swap3A_2826 : vector<16xi32> to vector<16xi32>
      %swap3A_2828 = vector.shape_cast %add3A_2815 : vector<16xi32> to vector<16xi32>
      tpu.vector_store %swap3A_2824[%swap3A_2825], %swap3A_2828 {strides = array<i32>} : memref<128xi32, #tpu.memory_space<vmem>>, vector<16xi32>,
      %get3A_2829 = arith.constant 0 : i32
      %get3A_2830 = arith.constant 1 : i32
      %get3A_2831 = arith.constant 0 : i32
      %get3A_2832 = arith.constant 0 : i32
      %get3A_2833 = tpu.memref_slice %arg5[%get3A_2829, %get3A_2831, %get3A_2832] : memref<2x4x128xi32, #tpu.memory_space<vmem>> -> memref<1x4x128xi32, #tpu.memory_space<vmem>>
      %get3A_2834 = tpu.memref_squeeze %get3A_2833 : memref<1x4x128xi32, #tpu.memory_space<vmem>> -> memref<4x128xi32, #tpu.memory_space<vmem>>
      %get3A_2835 = arith.constant 0 : i32
      %get3A_2836 = tpu.memref_slice %get3A_2834[%get3A_2830, %get3A_2835] : memref<4x128xi32, #tpu.memory_space<vmem>> -> memref<1x128xi32, #tpu.memory_space<vmem>>
      %get3A_2837 = tpu.memref_squeeze %get3A_2836 : memref<1x128xi32, #tpu.memory_space<vmem>> -> memref<128xi32, #tpu.memory_space<vmem>>
      %get3A_2838 = arith.constant 96 : index
      %get3A_2839 = tpu.vector_load %get3A_2837[%get3A_2838] {strides = array<i32>} : memref<128xi32, #tpu.memory_space<vmem>>, vector<16xi32>,
      %get3A_2840 = vector.shape_cast %get3A_2839 : vector<16xi32> to vector<16xi32>
      %add3A_2841 = vector.broadcast %mul3A_13 : i32 to vector<16xi32>
      %add3A_2842 = arith.addi %get3A_2840, %add3A_2841 : vector<16xi32>
      %swap3A_2843 = arith.constant 0 : i32
      %swap3A_2844 = arith.constant 1 : i32
      %swap3A_2845 = arith.constant 0 : i32
      %swap3A_2846 = arith.constant 0 : i32
      %swap3A_2847 = tpu.memref_slice %arg5[%swap3A_2843, %swap3A_2845, %swap3A_2846] : memref<2x4x128xi32, #tpu.memory_space<vmem>> -> memref<1x4x128xi32, #tpu.memory_space<vmem>>
      %swap3A_2848 = tpu.memref_squeeze %swap3A_2847 : memref<1x4x128xi32, #tpu.memory_space<vmem>> -> memref<4x128xi32, #tpu.memory_space<vmem>>
      %swap3A_2849 = arith.constant 0 : i32
      %swap3A_2850 = tpu.memref_slice %swap3A_2848[%swap3A_2844, %swap3A_2849] : memref<4x128xi32, #tpu.memory_space<vmem>> -> memref<1x128xi32, #tpu.memory_space<vmem>>
      %swap3A_2851 = tpu.memref_squeeze %swap3A_2850 : memref<1x128xi32, #tpu.memory_space<vmem>> -> memref<128xi32, #tpu.memory_space<vmem>>
      %swap3A_2852 = arith.constant 96 : index
      %swap3A_2853 = tpu.vector_load %swap3A_2851[%swap3A_2852] {strides = array<i32>} : memref<128xi32, #tpu.memory_space<vmem>>, vector<16xi32>,
      %swap3A_2854 = vector.shape_cast %swap3A_2853 : vector<16xi32> to vector<16xi32>
      %swap3A_2855 = vector.shape_cast %add3A_2842 : vector<16xi32> to vector<16xi32>
      tpu.vector_store %swap3A_2851[%swap3A_2852], %swap3A_2855 {strides = array<i32>} : memref<128xi32, #tpu.memory_space<vmem>>, vector<16xi32>,
      %get3A_2856 = arith.constant 0 : i32
      %get3A_2857 = arith.constant 1 : i32
      %get3A_2858 = arith.constant 0 : i32
      %get3A_2859 = arith.constant 0 : i32
      %get3A_2860 = tpu.memref_slice %arg5[%get3A_2856, %get3A_2858, %get3A_2859] : memref<2x4x128xi32, #tpu.memory_space<vmem>> -> memref<1x4x128xi32, #tpu.memory_space<vmem>>
      %get3A_2861 = tpu.memref_squeeze %get3A_2860 : memref<1x4x128xi32, #tpu.memory_space<vmem>> -> memref<4x128xi32, #tpu.memory_space<vmem>>
      %get3A_2862 = arith.constant 0 : i32
      %get3A_2863 = tpu.memref_slice %get3A_2861[%get3A_2857, %get3A_2862] : memref<4x128xi32, #tpu.memory_space<vmem>> -> memref<1x128xi32, #tpu.memory_space<vmem>>
      %get3A_2864 = tpu.memref_squeeze %get3A_2863 : memref<1x128xi32, #tpu.memory_space<vmem>> -> memref<128xi32, #tpu.memory_space<vmem>>
      %get3A_2865 = arith.constant 112 : index
      %get3A_2866 = tpu.vector_load %get3A_2864[%get3A_2865] {strides = array<i32>} : memref<128xi32, #tpu.memory_space<vmem>>, vector<16xi32>,
      %get3A_2867 = vector.shape_cast %get3A_2866 : vector<16xi32> to vector<16xi32>
      %add3A_2868 = vector.broadcast %mul3A_13 : i32 to vector<16xi32>
      %add3A_2869 = arith.addi %get3A_2867, %add3A_2868 : vector<16xi32>
      %swap3A_2870 = arith.constant 0 : i32
      %swap3A_2871 = arith.constant 1 : i32
      %swap3A_2872 = arith.constant 0 : i32
      %swap3A_2873 = arith.constant 0 : i32
      %swap3A_2874 = tpu.memref_slice %arg5[%swap3A_2870, %swap3A_2872, %swap3A_2873] : memref<2x4x128xi32, #tpu.memory_space<vmem>> -> memref<1x4x128xi32, #tpu.memory_space<vmem>>
      %swap3A_2875 = tpu.memref_squeeze %swap3A_2874 : memref<1x4x128xi32, #tpu.memory_space<vmem>> -> memref<4x128xi32, #tpu.memory_space<vmem>>
      %swap3A_2876 = arith.constant 0 : i32
      %swap3A_2877 = tpu.memref_slice %swap3A_2875[%swap3A_2871, %swap3A_2876] : memref<4x128xi32, #tpu.memory_space<vmem>> -> memref<1x128xi32, #tpu.memory_space<vmem>>
      %swap3A_2878 = tpu.memref_squeeze %swap3A_2877 : memref<1x128xi32, #tpu.memory_space<vmem>> -> memref<128xi32, #tpu.memory_space<vmem>>
      %swap3A_2879 = arith.constant 112 : index
      %swap3A_2880 = tpu.vector_load %swap3A_2878[%swap3A_2879] {strides = array<i32>} : memref<128xi32, #tpu.memory_space<vmem>>, vector<16xi32>,
      %swap3A_2881 = vector.shape_cast %swap3A_2880 : vector<16xi32> to vector<16xi32>
      %swap3A_2882 = vector.shape_cast %add3A_2869 : vector<16xi32> to vector<16xi32>
      tpu.vector_store %swap3A_2878[%swap3A_2879], %swap3A_2882 {strides = array<i32>} : memref<128xi32, #tpu.memory_space<vmem>>, vector<16xi32>,
      %get3A_2883 = arith.constant 0 : i32
      %get3A_2884 = arith.constant 2 : i32
      %get3A_2885 = arith.constant 0 : i32
      %get3A_2886 = arith.constant 0 : i32
      %get3A_2887 = tpu.memref_slice %arg5[%get3A_2883, %get3A_2885, %get3A_2886] : memref<2x4x128xi32, #tpu.memory_space<vmem>> -> memref<1x4x128xi32, #tpu.memory_space<vmem>>
      %get3A_2888 = tpu.memref_squeeze %get3A_2887 : memref<1x4x128xi32, #tpu.memory_space<vmem>> -> memref<4x128xi32, #tpu.memory_space<vmem>>
      %get3A_2889 = arith.constant 0 : i32
      %get3A_2890 = tpu.memref_slice %get3A_2888[%get3A_2884, %get3A_2889] : memref<4x128xi32, #tpu.memory_space<vmem>> -> memref<1x128xi32, #tpu.memory_space<vmem>>
      %get3A_2891 = tpu.memref_squeeze %get3A_2890 : memref<1x128xi32, #tpu.memory_space<vmem>> -> memref<128xi32, #tpu.memory_space<vmem>>
      %get3A_2892 = arith.constant 0 : index
      %get3A_2893 = tpu.vector_load %get3A_2891[%get3A_2892] {strides = array<i32>} : memref<128xi32, #tpu.memory_space<vmem>>, vector<16xi32>,
      %get3A_2894 = vector.shape_cast %get3A_2893 : vector<16xi32> to vector<16xi32>
      %add3A_2895 = vector.broadcast %mul3A_13 : i32 to vector<16xi32>
      %add3A_2896 = arith.addi %get3A_2894, %add3A_2895 : vector<16xi32>
      %swap3A_2897 = arith.constant 0 : i32
      %swap3A_2898 = arith.constant 2 : i32
      %swap3A_2899 = arith.constant 0 : i32
      %swap3A_2900 = arith.constant 0 : i32
      %swap3A_2901 = tpu.memref_slice %arg5[%swap3A_2897, %swap3A_2899, %swap3A_2900] : memref<2x4x128xi32, #tpu.memory_space<vmem>> -> memref<1x4x128xi32, #tpu.memory_space<vmem>>
      %swap3A_2902 = tpu.memref_squeeze %swap3A_2901 : memref<1x4x128xi32, #tpu.memory_space<vmem>> -> memref<4x128xi32, #tpu.memory_space<vmem>>
      %swap3A_2903 = arith.constant 0 : i32
      %swap3A_2904 = tpu.memref_slice %swap3A_2902[%swap3A_2898, %swap3A_2903] : memref<4x128xi32, #tpu.memory_space<vmem>> -> memref<1x128xi32, #tpu.memory_space<vmem>>
      %swap3A_2905 = tpu.memref_squeeze %swap3A_2904 : memref<1x128xi32, #tpu.memory_space<vmem>> -> memref<128xi32, #tpu.memory_space<vmem>>
      %swap3A_2906 = arith.constant 0 : index
      %swap3A_2907 = tpu.vector_load %swap3A_2905[%swap3A_2906] {strides = array<i32>} : memref<128xi32, #tpu.memory_space<vmem>>, vector<16xi32>,
      %swap3A_2908 = vector.shape_cast %swap3A_2907 : vector<16xi32> to vector<16xi32>
      %swap3A_2909 = vector.shape_cast %add3A_2896 : vector<16xi32> to vector<16xi32>
      tpu.vector_store %swap3A_2905[%swap3A_2906], %swap3A_2909 {strides = array<i32>} : memref<128xi32, #tpu.memory_space<vmem>>, vector<16xi32>,
      %get3A_2910 = arith.constant 0 : i32
      %get3A_2911 = arith.constant 2 : i32
      %get3A_2912 = arith.constant 0 : i32
      %get3A_2913 = arith.constant 0 : i32
      %get3A_2914 = tpu.memref_slice %arg5[%get3A_2910, %get3A_2912, %get3A_2913] : memref<2x4x128xi32, #tpu.memory_space<vmem>> -> memref<1x4x128xi32, #tpu.memory_space<vmem>>
      %get3A_2915 = tpu.memref_squeeze %get3A_2914 : memref<1x4x128xi32, #tpu.memory_space<vmem>> -> memref<4x128xi32, #tpu.memory_space<vmem>>
      %get3A_2916 = arith.constant 0 : i32
      %get3A_2917 = tpu.memref_slice %get3A_2915[%get3A_2911, %get3A_2916] : memref<4x128xi32, #tpu.memory_space<vmem>> -> memref<1x128xi32, #tpu.memory_space<vmem>>
      %get3A_2918 = tpu.memref_squeeze %get3A_2917 : memref<1x128xi32, #tpu.memory_space<vmem>> -> memref<128xi32, #tpu.memory_space<vmem>>
      %get3A_2919 = arith.constant 16 : index
      %get3A_2920 = tpu.vector_load %get3A_2918[%get3A_2919] {strides = array<i32>} : memref<128xi32, #tpu.memory_space<vmem>>, vector<16xi32>,
      %get3A_2921 = vector.shape_cast %get3A_2920 : vector<16xi32> to vector<16xi32>
      %add3A_2922 = vector.broadcast %mul3A_13 : i32 to vector<16xi32>
      %add3A_2923 = arith.addi %get3A_2921, %add3A_2922 : vector<16xi32>
      %swap3A_2924 = arith.constant 0 : i32
      %swap3A_2925 = arith.constant 2 : i32
      %swap3A_2926 = arith.constant 0 : i32
      %swap3A_2927 = arith.constant 0 : i32
      %swap3A_2928 = tpu.memref_slice %arg5[%swap3A_2924, %swap3A_2926, %swap3A_2927] : memref<2x4x128xi32, #tpu.memory_space<vmem>> -> memref<1x4x128xi32, #tpu.memory_space<vmem>>
      %swap3A_2929 = tpu.memref_squeeze %swap3A_2928 : memref<1x4x128xi32, #tpu.memory_space<vmem>> -> memref<4x128xi32, #tpu.memory_space<vmem>>
      %swap3A_2930 = arith.constant 0 : i32
      %swap3A_2931 = tpu.memref_slice %swap3A_2929[%swap3A_2925, %swap3A_2930] : memref<4x128xi32, #tpu.memory_space<vmem>> -> memref<1x128xi32, #tpu.memory_space<vmem>>
      %swap3A_2932 = tpu.memref_squeeze %swap3A_2931 : memref<1x128xi32, #tpu.memory_space<vmem>> -> memref<128xi32, #tpu.memory_space<vmem>>
      %swap3A_2933 = arith.constant 16 : index
      %swap3A_2934 = tpu.vector_load %swap3A_2932[%swap3A_2933] {strides = array<i32>} : memref<128xi32, #tpu.memory_space<vmem>>, vector<16xi32>,
      %swap3A_2935 = vector.shape_cast %swap3A_2934 : vector<16xi32> to vector<16xi32>
      %swap3A_2936 = vector.shape_cast %add3A_2923 : vector<16xi32> to vector<16xi32>
      tpu.vector_store %swap3A_2932[%swap3A_2933], %swap3A_2936 {strides = array<i32>} : memref<128xi32, #tpu.memory_space<vmem>>, vector<16xi32>,
      %get3A_2937 = arith.constant 0 : i32
      %get3A_2938 = arith.constant 2 : i32
      %get3A_2939 = arith.constant 0 : i32
      %get3A_2940 = arith.constant 0 : i32
      %get3A_2941 = tpu.memref_slice %arg5[%get3A_2937, %get3A_2939, %get3A_2940] : memref<2x4x128xi32, #tpu.memory_space<vmem>> -> memref<1x4x128xi32, #tpu.memory_space<vmem>>
      %get3A_2942 = tpu.memref_squeeze %get3A_2941 : memref<1x4x128xi32, #tpu.memory_space<vmem>> -> memref<4x128xi32, #tpu.memory_space<vmem>>
      %get3A_2943 = arith.constant 0 : i32
      %get3A_2944 = tpu.memref_slice %get3A_2942[%get3A_2938, %get3A_2943] : memref<4x128xi32, #tpu.memory_space<vmem>> -> memref<1x128xi32, #tpu.memory_space<vmem>>
      %get3A_2945 = tpu.memref_squeeze %get3A_2944 : memref<1x128xi32, #tpu.memory_space<vmem>> -> memref<128xi32, #tpu.memory_space<vmem>>
      %get3A_2946 = arith.constant 32 : index
      %get3A_2947 = tpu.vector_load %get3A_2945[%get3A_2946] {strides = array<i32>} : memref<128xi32, #tpu.memory_space<vmem>>, vector<16xi32>,
      %get3A_2948 = vector.shape_cast %get3A_2947 : vector<16xi32> to vector<16xi32>
      %add3A_2949 = vector.broadcast %mul3A_13 : i32 to vector<16xi32>
      %add3A_2950 = arith.addi %get3A_2948, %add3A_2949 : vector<16xi32>
      %swap3A_2951 = arith.constant 0 : i32
      %swap3A_2952 = arith.constant 2 : i32
      %swap3A_2953 = arith.constant 0 : i32
      %swap3A_2954 = arith.constant 0 : i32
      %swap3A_2955 = tpu.memref_slice %arg5[%swap3A_2951, %swap3A_2953, %swap3A_2954] : memref<2x4x128xi32, #tpu.memory_space<vmem>> -> memref<1x4x128xi32, #tpu.memory_space<vmem>>
      %swap3A_2956 = tpu.memref_squeeze %swap3A_2955 : memref<1x4x128xi32, #tpu.memory_space<vmem>> -> memref<4x128xi32, #tpu.memory_space<vmem>>
      %swap3A_2957 = arith.constant 0 : i32
      %swap3A_2958 = tpu.memref_slice %swap3A_2956[%swap3A_2952, %swap3A_2957] : memref<4x128xi32, #tpu.memory_space<vmem>> -> memref<1x128xi32, #tpu.memory_space<vmem>>
      %swap3A_2959 = tpu.memref_squeeze %swap3A_2958 : memref<1x128xi32, #tpu.memory_space<vmem>> -> memref<128xi32, #tpu.memory_space<vmem>>
      %swap3A_2960 = arith.constant 32 : index
      %swap3A_2961 = tpu.vector_load %swap3A_2959[%swap3A_2960] {strides = array<i32>} : memref<128xi32, #tpu.memory_space<vmem>>, vector<16xi32>,
      %swap3A_2962 = vector.shape_cast %swap3A_2961 : vector<16xi32> to vector<16xi32>
      %swap3A_2963 = vector.shape_cast %add3A_2950 : vector<16xi32> to vector<16xi32>
      tpu.vector_store %swap3A_2959[%swap3A_2960], %swap3A_2963 {strides = array<i32>} : memref<128xi32, #tpu.memory_space<vmem>>, vector<16xi32>,
      %get3A_2964 = arith.constant 0 : i32
      %get3A_2965 = arith.constant 2 : i32
      %get3A_2966 = arith.constant 0 : i32
      %get3A_2967 = arith.constant 0 : i32
      %get3A_2968 = tpu.memref_slice %arg5[%get3A_2964, %get3A_2966, %get3A_2967] : memref<2x4x128xi32, #tpu.memory_space<vmem>> -> memref<1x4x128xi32, #tpu.memory_space<vmem>>
      %get3A_2969 = tpu.memref_squeeze %get3A_2968 : memref<1x4x128xi32, #tpu.memory_space<vmem>> -> memref<4x128xi32, #tpu.memory_space<vmem>>
      %get3A_2970 = arith.constant 0 : i32
      %get3A_2971 = tpu.memref_slice %get3A_2969[%get3A_2965, %get3A_2970] : memref<4x128xi32, #tpu.memory_space<vmem>> -> memref<1x128xi32, #tpu.memory_space<vmem>>
      %get3A_2972 = tpu.memref_squeeze %get3A_2971 : memref<1x128xi32, #tpu.memory_space<vmem>> -> memref<128xi32, #tpu.memory_space<vmem>>
      %get3A_2973 = arith.constant 48 : index
      %get3A_2974 = tpu.vector_load %get3A_2972[%get3A_2973] {strides = array<i32>} : memref<128xi32, #tpu.memory_space<vmem>>, vector<16xi32>,
      %get3A_2975 = vector.shape_cast %get3A_2974 : vector<16xi32> to vector<16xi32>
      %add3A_2976 = vector.broadcast %mul3A_13 : i32 to vector<16xi32>
      %add3A_2977 = arith.addi %get3A_2975, %add3A_2976 : vector<16xi32>
      %swap3A_2978 = arith.constant 0 : i32
      %swap3A_2979 = arith.constant 2 : i32
      %swap3A_2980 = arith.constant 0 : i32
      %swap3A_2981 = arith.constant 0 : i32
      %swap3A_2982 = tpu.memref_slice %arg5[%swap3A_2978, %swap3A_2980, %swap3A_2981] : memref<2x4x128xi32, #tpu.memory_space<vmem>> -> memref<1x4x128xi32, #tpu.memory_space<vmem>>
      %swap3A_2983 = tpu.memref_squeeze %swap3A_2982 : memref<1x4x128xi32, #tpu.memory_space<vmem>> -> memref<4x128xi32, #tpu.memory_space<vmem>>
      %swap3A_2984 = arith.constant 0 : i32
      %swap3A_2985 = tpu.memref_slice %swap3A_2983[%swap3A_2979, %swap3A_2984] : memref<4x128xi32, #tpu.memory_space<vmem>> -> memref<1x128xi32, #tpu.memory_space<vmem>>
      %swap3A_2986 = tpu.memref_squeeze %swap3A_2985 : memref<1x128xi32, #tpu.memory_space<vmem>> -> memref<128xi32, #tpu.memory_space<vmem>>
      %swap3A_2987 = arith.constant 48 : index
      %swap3A_2988 = tpu.vector_load %swap3A_2986[%swap3A_2987] {strides = array<i32>} : memref<128xi32, #tpu.memory_space<vmem>>, vector<16xi32>,
      %swap3A_2989 = vector.shape_cast %swap3A_2988 : vector<16xi32> to vector<16xi32>
      %swap3A_2990 = vector.shape_cast %add3A_2977 : vector<16xi32> to vector<16xi32>
      tpu.vector_store %swap3A_2986[%swap3A_2987], %swap3A_2990 {strides = array<i32>} : memref<128xi32, #tpu.memory_space<vmem>>, vector<16xi32>,
      %get3A_2991 = arith.constant 0 : i32
      %get3A_2992 = arith.constant 2 : i32
      %get3A_2993 = arith.constant 0 : i32
      %get3A_2994 = arith.constant 0 : i32
      %get3A_2995 = tpu.memref_slice %arg5[%get3A_2991, %get3A_2993, %get3A_2994] : memref<2x4x128xi32, #tpu.memory_space<vmem>> -> memref<1x4x128xi32, #tpu.memory_space<vmem>>
      %get3A_2996 = tpu.memref_squeeze %get3A_2995 : memref<1x4x128xi32, #tpu.memory_space<vmem>> -> memref<4x128xi32, #tpu.memory_space<vmem>>
      %get3A_2997 = arith.constant 0 : i32
      %get3A_2998 = tpu.memref_slice %get3A_2996[%get3A_2992, %get3A_2997] : memref<4x128xi32, #tpu.memory_space<vmem>> -> memref<1x128xi32, #tpu.memory_space<vmem>>
      %get3A_2999 = tpu.memref_squeeze %get3A_2998 : memref<1x128xi32, #tpu.memory_space<vmem>> -> memref<128xi32, #tpu.memory_space<vmem>>
      %get3A_3000 = arith.constant 64 : index
      %get3A_3001 = tpu.vector_load %get3A_2999[%get3A_3000] {strides = array<i32>} : memref<128xi32, #tpu.memory_space<vmem>>, vector<16xi32>,
      %get3A_3002 = vector.shape_cast %get3A_3001 : vector<16xi32> to vector<16xi32>
      %add3A_3003 = vector.broadcast %mul3A_13 : i32 to vector<16xi32>
      %add3A_3004 = arith.addi %get3A_3002, %add3A_3003 : vector<16xi32>
      %swap3A_3005 = arith.constant 0 : i32
      %swap3A_3006 = arith.constant 2 : i32
      %swap3A_3007 = arith.constant 0 : i32
      %swap3A_3008 = arith.constant 0 : i32
      %swap3A_3009 = tpu.memref_slice %arg5[%swap3A_3005, %swap3A_3007, %swap3A_3008] : memref<2x4x128xi32, #tpu.memory_space<vmem>> -> memref<1x4x128xi32, #tpu.memory_space<vmem>>
      %swap3A_3010 = tpu.memref_squeeze %swap3A_3009 : memref<1x4x128xi32, #tpu.memory_space<vmem>> -> memref<4x128xi32, #tpu.memory_space<vmem>>
      %swap3A_3011 = arith.constant 0 : i32
      %swap3A_3012 = tpu.memref_slice %swap3A_3010[%swap3A_3006, %swap3A_3011] : memref<4x128xi32, #tpu.memory_space<vmem>> -> memref<1x128xi32, #tpu.memory_space<vmem>>
      %swap3A_3013 = tpu.memref_squeeze %swap3A_3012 : memref<1x128xi32, #tpu.memory_space<vmem>> -> memref<128xi32, #tpu.memory_space<vmem>>
      %swap3A_3014 = arith.constant 64 : index
      %swap3A_3015 = tpu.vector_load %swap3A_3013[%swap3A_3014] {strides = array<i32>} : memref<128xi32, #tpu.memory_space<vmem>>, vector<16xi32>,
      %swap3A_3016 = vector.shape_cast %swap3A_3015 : vector<16xi32> to vector<16xi32>
      %swap3A_3017 = vector.shape_cast %add3A_3004 : vector<16xi32> to vector<16xi32>
      tpu.vector_store %swap3A_3013[%swap3A_3014], %swap3A_3017 {strides = array<i32>} : memref<128xi32, #tpu.memory_space<vmem>>, vector<16xi32>,
      %get3A_3018 = arith.constant 0 : i32
      %get3A_3019 = arith.constant 2 : i32
      %get3A_3020 = arith.constant 0 : i32
      %get3A_3021 = arith.constant 0 : i32
      %get3A_3022 = tpu.memref_slice %arg5[%get3A_3018, %get3A_3020, %get3A_3021] : memref<2x4x128xi32, #tpu.memory_space<vmem>> -> memref<1x4x128xi32, #tpu.memory_space<vmem>>
      %get3A_3023 = tpu.memref_squeeze %get3A_3022 : memref<1x4x128xi32, #tpu.memory_space<vmem>> -> memref<4x128xi32, #tpu.memory_space<vmem>>
      %get3A_3024 = arith.constant 0 : i32
      %get3A_3025 = tpu.memref_slice %get3A_3023[%get3A_3019, %get3A_3024] : memref<4x128xi32, #tpu.memory_space<vmem>> -> memref<1x128xi32, #tpu.memory_space<vmem>>
      %get3A_3026 = tpu.memref_squeeze %get3A_3025 : memref<1x128xi32, #tpu.memory_space<vmem>> -> memref<128xi32, #tpu.memory_space<vmem>>
      %get3A_3027 = arith.constant 80 : index
      %get3A_3028 = tpu.vector_load %get3A_3026[%get3A_3027] {strides = array<i32>} : memref<128xi32, #tpu.memory_space<vmem>>, vector<16xi32>,
      %get3A_3029 = vector.shape_cast %get3A_3028 : vector<16xi32> to vector<16xi32>
      %add3A_3030 = vector.broadcast %mul3A_13 : i32 to vector<16xi32>
      %add3A_3031 = arith.addi %get3A_3029, %add3A_3030 : vector<16xi32>
      %swap3A_3032 = arith.constant 0 : i32
      %swap3A_3033 = arith.constant 2 : i32
      %swap3A_3034 = arith.constant 0 : i32
      %swap3A_3035 = arith.constant 0 : i32
      %swap3A_3036 = tpu.memref_slice %arg5[%swap3A_3032, %swap3A_3034, %swap3A_3035] : memref<2x4x128xi32, #tpu.memory_space<vmem>> -> memref<1x4x128xi32, #tpu.memory_space<vmem>>
      %swap3A_3037 = tpu.memref_squeeze %swap3A_3036 : memref<1x4x128xi32, #tpu.memory_space<vmem>> -> memref<4x128xi32, #tpu.memory_space<vmem>>
      %swap3A_3038 = arith.constant 0 : i32
      %swap3A_3039 = tpu.memref_slice %swap3A_3037[%swap3A_3033, %swap3A_3038] : memref<4x128xi32, #tpu.memory_space<vmem>> -> memref<1x128xi32, #tpu.memory_space<vmem>>
      %swap3A_3040 = tpu.memref_squeeze %swap3A_3039 : memref<1x128xi32, #tpu.memory_space<vmem>> -> memref<128xi32, #tpu.memory_space<vmem>>
      %swap3A_3041 = arith.constant 80 : index
      %swap3A_3042 = tpu.vector_load %swap3A_3040[%swap3A_3041] {strides = array<i32>} : memref<128xi32, #tpu.memory_space<vmem>>, vector<16xi32>,
      %swap3A_3043 = vector.shape_cast %swap3A_3042 : vector<16xi32> to vector<16xi32>
      %swap3A_3044 = vector.shape_cast %add3A_3031 : vector<16xi32> to vector<16xi32>
      tpu.vector_store %swap3A_3040[%swap3A_3041], %swap3A_3044 {strides = array<i32>} : memref<128xi32, #tpu.memory_space<vmem>>, vector<16xi32>,
      %get3A_3045 = arith.constant 0 : i32
      %get3A_3046 = arith.constant 2 : i32
      %get3A_3047 = arith.constant 0 : i32
      %get3A_3048 = arith.constant 0 : i32
      %get3A_3049 = tpu.memref_slice %arg5[%get3A_3045, %get3A_3047, %get3A_3048] : memref<2x4x128xi32, #tpu.memory_space<vmem>> -> memref<1x4x128xi32, #tpu.memory_space<vmem>>
      %get3A_3050 = tpu.memref_squeeze %get3A_3049 : memref<1x4x128xi32, #tpu.memory_space<vmem>> -> memref<4x128xi32, #tpu.memory_space<vmem>>
      %get3A_3051 = arith.constant 0 : i32
      %get3A_3052 = tpu.memref_slice %get3A_3050[%get3A_3046, %get3A_3051] : memref<4x128xi32, #tpu.memory_space<vmem>> -> memref<1x128xi32, #tpu.memory_space<vmem>>
      %get3A_3053 = tpu.memref_squeeze %get3A_3052 : memref<1x128xi32, #tpu.memory_space<vmem>> -> memref<128xi32, #tpu.memory_space<vmem>>
      %get3A_3054 = arith.constant 96 : index
      %get3A_3055 = tpu.vector_load %get3A_3053[%get3A_3054] {strides = array<i32>} : memref<128xi32, #tpu.memory_space<vmem>>, vector<16xi32>,
      %get3A_3056 = vector.shape_cast %get3A_3055 : vector<16xi32> to vector<16xi32>
      %add3A_3057 = vector.broadcast %mul3A_13 : i32 to vector<16xi32>
      %add3A_3058 = arith.addi %get3A_3056, %add3A_3057 : vector<16xi32>
      %swap3A_3059 = arith.constant 0 : i32
      %swap3A_3060 = arith.constant 2 : i32
      %swap3A_3061 = arith.constant 0 : i32
      %swap3A_3062 = arith.constant 0 : i32
      %swap3A_3063 = tpu.memref_slice %arg5[%swap3A_3059, %swap3A_3061, %swap3A_3062] : memref<2x4x128xi32, #tpu.memory_space<vmem>> -> memref<1x4x128xi32, #tpu.memory_space<vmem>>
      %swap3A_3064 = tpu.memref_squeeze %swap3A_3063 : memref<1x4x128xi32, #tpu.memory_space<vmem>> -> memref<4x128xi32, #tpu.memory_space<vmem>>
      %swap3A_3065 = arith.constant 0 : i32
      %swap3A_3066 = tpu.memref_slice %swap3A_3064[%swap3A_3060, %swap3A_3065] : memref<4x128xi32, #tpu.memory_space<vmem>> -> memref<1x128xi32, #tpu.memory_space<vmem>>
      %swap3A_3067 = tpu.memref_squeeze %swap3A_3066 : memref<1x128xi32, #tpu.memory_space<vmem>> -> memref<128xi32, #tpu.memory_space<vmem>>
      %swap3A_3068 = arith.constant 96 : index
      %swap3A_3069 = tpu.vector_load %swap3A_3067[%swap3A_3068] {strides = array<i32>} : memref<128xi32, #tpu.memory_space<vmem>>, vector<16xi32>,
      %swap3A_3070 = vector.shape_cast %swap3A_3069 : vector<16xi32> to vector<16xi32>
      %swap3A_3071 = vector.shape_cast %add3A_3058 : vector<16xi32> to vector<16xi32>
      tpu.vector_store %swap3A_3067[%swap3A_3068], %swap3A_3071 {strides = array<i32>} : memref<128xi32, #tpu.memory_space<vmem>>, vector<16xi32>,
      %get3A_3072 = arith.constant 0 : i32
      %get3A_3073 = arith.constant 2 : i32
      %get3A_3074 = arith.constant 0 : i32
      %get3A_3075 = arith.constant 0 : i32
      %get3A_3076 = tpu.memref_slice %arg5[%get3A_3072, %get3A_3074, %get3A_3075] : memref<2x4x128xi32, #tpu.memory_space<vmem>> -> memref<1x4x128xi32, #tpu.memory_space<vmem>>
      %get3A_3077 = tpu.memref_squeeze %get3A_3076 : memref<1x4x128xi32, #tpu.memory_space<vmem>> -> memref<4x128xi32, #tpu.memory_space<vmem>>
      %get3A_3078 = arith.constant 0 : i32
      %get3A_3079 = tpu.memref_slice %get3A_3077[%get3A_3073, %get3A_3078] : memref<4x128xi32, #tpu.memory_space<vmem>> -> memref<1x128xi32, #tpu.memory_space<vmem>>
      %get3A_3080 = tpu.memref_squeeze %get3A_3079 : memref<1x128xi32, #tpu.memory_space<vmem>> -> memref<128xi32, #tpu.memory_space<vmem>>
      %get3A_3081 = arith.constant 112 : index
      %get3A_3082 = tpu.vector_load %get3A_3080[%get3A_3081] {strides = array<i32>} : memref<128xi32, #tpu.memory_space<vmem>>, vector<16xi32>,
      %get3A_3083 = vector.shape_cast %get3A_3082 : vector<16xi32> to vector<16xi32>
      %add3A_3084 = vector.broadcast %mul3A_13 : i32 to vector<16xi32>
      %add3A_3085 = arith.addi %get3A_3083, %add3A_3084 : vector<16xi32>
      %swap3A_3086 = arith.constant 0 : i32
      %swap3A_3087 = arith.constant 2 : i32
      %swap3A_3088 = arith.constant 0 : i32
      %swap3A_3089 = arith.constant 0 : i32
      %swap3A_3090 = tpu.memref_slice %arg5[%swap3A_3086, %swap3A_3088, %swap3A_3089] : memref<2x4x128xi32, #tpu.memory_space<vmem>> -> memref<1x4x128xi32, #tpu.memory_space<vmem>>
      %swap3A_3091 = tpu.memref_squeeze %swap3A_3090 : memref<1x4x128xi32, #tpu.memory_space<vmem>> -> memref<4x128xi32, #tpu.memory_space<vmem>>
      %swap3A_3092 = arith.constant 0 : i32
      %swap3A_3093 = tpu.memref_slice %swap3A_3091[%swap3A_3087, %swap3A_3092] : memref<4x128xi32, #tpu.memory_space<vmem>> -> memref<1x128xi32, #tpu.memory_space<vmem>>
      %swap3A_3094 = tpu.memref_squeeze %swap3A_3093 : memref<1x128xi32, #tpu.memory_space<vmem>> -> memref<128xi32, #tpu.memory_space<vmem>>
      %swap3A_3095 = arith.constant 112 : index
      %swap3A_3096 = tpu.vector_load %swap3A_3094[%swap3A_3095] {strides = array<i32>} : memref<128xi32, #tpu.memory_space<vmem>>, vector<16xi32>,
      %swap3A_3097 = vector.shape_cast %swap3A_3096 : vector<16xi32> to vector<16xi32>
      %swap3A_3098 = vector.shape_cast %add3A_3085 : vector<16xi32> to vector<16xi32>
      tpu.vector_store %swap3A_3094[%swap3A_3095], %swap3A_3098 {strides = array<i32>} : memref<128xi32, #tpu.memory_space<vmem>>, vector<16xi32>,
      %get3A_3099 = arith.constant 0 : i32
      %get3A_3100 = arith.constant 3 : i32
      %get3A_3101 = arith.constant 0 : i32
      %get3A_3102 = arith.constant 0 : i32
      %get3A_3103 = tpu.memref_slice %arg5[%get3A_3099, %get3A_3101, %get3A_3102] : memref<2x4x128xi32, #tpu.memory_space<vmem>> -> memref<1x4x128xi32, #tpu.memory_space<vmem>>
      %get3A_3104 = tpu.memref_squeeze %get3A_3103 : memref<1x4x128xi32, #tpu.memory_space<vmem>> -> memref<4x128xi32, #tpu.memory_space<vmem>>
      %get3A_3105 = arith.constant 0 : i32
      %get3A_3106 = tpu.memref_slice %get3A_3104[%get3A_3100, %get3A_3105] : memref<4x128xi32, #tpu.memory_space<vmem>> -> memref<1x128xi32, #tpu.memory_space<vmem>>
      %get3A_3107 = tpu.memref_squeeze %get3A_3106 : memref<1x128xi32, #tpu.memory_space<vmem>> -> memref<128xi32, #tpu.memory_space<vmem>>
      %get3A_3108 = arith.constant 0 : index
      %get3A_3109 = tpu.vector_load %get3A_3107[%get3A_3108] {strides = array<i32>} : memref<128xi32, #tpu.memory_space<vmem>>, vector<16xi32>,
      %get3A_3110 = vector.shape_cast %get3A_3109 : vector<16xi32> to vector<16xi32>
      %add3A_3111 = vector.broadcast %mul3A_13 : i32 to vector<16xi32>
      %add3A_3112 = arith.addi %get3A_3110, %add3A_3111 : vector<16xi32>
      %swap3A_3113 = arith.constant 0 : i32
      %swap3A_3114 = arith.constant 3 : i32
      %swap3A_3115 = arith.constant 0 : i32
      %swap3A_3116 = arith.constant 0 : i32
      %swap3A_3117 = tpu.memref_slice %arg5[%swap3A_3113, %swap3A_3115, %swap3A_3116] : memref<2x4x128xi32, #tpu.memory_space<vmem>> -> memref<1x4x128xi32, #tpu.memory_space<vmem>>
      %swap3A_3118 = tpu.memref_squeeze %swap3A_3117 : memref<1x4x128xi32, #tpu.memory_space<vmem>> -> memref<4x128xi32, #tpu.memory_space<vmem>>
      %swap3A_3119 = arith.constant 0 : i32
      %swap3A_3120 = tpu.memref_slice %swap3A_3118[%swap3A_3114, %swap3A_3119] : memref<4x128xi32, #tpu.memory_space<vmem>> -> memref<1x128xi32, #tpu.memory_space<vmem>>
      %swap3A_3121 = tpu.memref_squeeze %swap3A_3120 : memref<1x128xi32, #tpu.memory_space<vmem>> -> memref<128xi32, #tpu.memory_space<vmem>>
      %swap3A_3122 = arith.constant 0 : index
      %swap3A_3123 = tpu.vector_load %swap3A_3121[%swap3A_3122] {strides = array<i32>} : memref<128xi32, #tpu.memory_space<vmem>>, vector<16xi32>,
      %swap3A_3124 = vector.shape_cast %swap3A_3123 : vector<16xi32> to vector<16xi32>
      %swap3A_3125 = vector.shape_cast %add3A_3112 : vector<16xi32> to vector<16xi32>
      tpu.vector_store %swap3A_3121[%swap3A_3122], %swap3A_3125 {strides = array<i32>} : memref<128xi32, #tpu.memory_space<vmem>>, vector<16xi32>,
      %get3A_3126 = arith.constant 0 : i32
      %get3A_3127 = arith.constant 3 : i32
      %get3A_3128 = arith.constant 0 : i32
      %get3A_3129 = arith.constant 0 : i32
      %get3A_3130 = tpu.memref_slice %arg5[%get3A_3126, %get3A_3128, %get3A_3129] : memref<2x4x128xi32, #tpu.memory_space<vmem>> -> memref<1x4x128xi32, #tpu.memory_space<vmem>>
      %get3A_3131 = tpu.memref_squeeze %get3A_3130 : memref<1x4x128xi32, #tpu.memory_space<vmem>> -> memref<4x128xi32, #tpu.memory_space<vmem>>
      %get3A_3132 = arith.constant 0 : i32
      %get3A_3133 = tpu.memref_slice %get3A_3131[%get3A_3127, %get3A_3132] : memref<4x128xi32, #tpu.memory_space<vmem>> -> memref<1x128xi32, #tpu.memory_space<vmem>>
      %get3A_3134 = tpu.memref_squeeze %get3A_3133 : memref<1x128xi32, #tpu.memory_space<vmem>> -> memref<128xi32, #tpu.memory_space<vmem>>
      %get3A_3135 = arith.constant 16 : index
      %get3A_3136 = tpu.vector_load %get3A_3134[%get3A_3135] {strides = array<i32>} : memref<128xi32, #tpu.memory_space<vmem>>, vector<16xi32>,
      %get3A_3137 = vector.shape_cast %get3A_3136 : vector<16xi32> to vector<16xi32>
      %add3A_3138 = vector.broadcast %mul3A_13 : i32 to vector<16xi32>
      %add3A_3139 = arith.addi %get3A_3137, %add3A_3138 : vector<16xi32>
      %swap3A_3140 = arith.constant 0 : i32
      %swap3A_3141 = arith.constant 3 : i32
      %swap3A_3142 = arith.constant 0 : i32
      %swap3A_3143 = arith.constant 0 : i32
      %swap3A_3144 = tpu.memref_slice %arg5[%swap3A_3140, %swap3A_3142, %swap3A_3143] : memref<2x4x128xi32, #tpu.memory_space<vmem>> -> memref<1x4x128xi32, #tpu.memory_space<vmem>>
      %swap3A_3145 = tpu.memref_squeeze %swap3A_3144 : memref<1x4x128xi32, #tpu.memory_space<vmem>> -> memref<4x128xi32, #tpu.memory_space<vmem>>
      %swap3A_3146 = arith.constant 0 : i32
      %swap3A_3147 = tpu.memref_slice %swap3A_3145[%swap3A_3141, %swap3A_3146] : memref<4x128xi32, #tpu.memory_space<vmem>> -> memref<1x128xi32, #tpu.memory_space<vmem>>
      %swap3A_3148 = tpu.memref_squeeze %swap3A_3147 : memref<1x128xi32, #tpu.memory_space<vmem>> -> memref<128xi32, #tpu.memory_space<vmem>>
      %swap3A_3149 = arith.constant 16 : index
      %swap3A_3150 = tpu.vector_load %swap3A_3148[%swap3A_3149] {strides = array<i32>} : memref<128xi32, #tpu.memory_space<vmem>>, vector<16xi32>,
      %swap3A_3151 = vector.shape_cast %swap3A_3150 : vector<16xi32> to vector<16xi32>
      %swap3A_3152 = vector.shape_cast %add3A_3139 : vector<16xi32> to vector<16xi32>
      tpu.vector_store %swap3A_3148[%swap3A_3149], %swap3A_3152 {strides = array<i32>} : memref<128xi32, #tpu.memory_space<vmem>>, vector<16xi32>,
      %get3A_3153 = arith.constant 0 : i32
      %get3A_3154 = arith.constant 3 : i32
      %get3A_3155 = arith.constant 0 : i32
      %get3A_3156 = arith.constant 0 : i32
      %get3A_3157 = tpu.memref_slice %arg5[%get3A_3153, %get3A_3155, %get3A_3156] : memref<2x4x128xi32, #tpu.memory_space<vmem>> -> memref<1x4x128xi32, #tpu.memory_space<vmem>>
      %get3A_3158 = tpu.memref_squeeze %get3A_3157 : memref<1x4x128xi32, #tpu.memory_space<vmem>> -> memref<4x128xi32, #tpu.memory_space<vmem>>
      %get3A_3159 = arith.constant 0 : i32
      %get3A_3160 = tpu.memref_slice %get3A_3158[%get3A_3154, %get3A_3159] : memref<4x128xi32, #tpu.memory_space<vmem>> -> memref<1x128xi32, #tpu.memory_space<vmem>>
      %get3A_3161 = tpu.memref_squeeze %get3A_3160 : memref<1x128xi32, #tpu.memory_space<vmem>> -> memref<128xi32, #tpu.memory_space<vmem>>
      %get3A_3162 = arith.constant 32 : index
      %get3A_3163 = tpu.vector_load %get3A_3161[%get3A_3162] {strides = array<i32>} : memref<128xi32, #tpu.memory_space<vmem>>, vector<16xi32>,
      %get3A_3164 = vector.shape_cast %get3A_3163 : vector<16xi32> to vector<16xi32>
      %add3A_3165 = vector.broadcast %mul3A_13 : i32 to vector<16xi32>
      %add3A_3166 = arith.addi %get3A_3164, %add3A_3165 : vector<16xi32>
      %swap3A_3167 = arith.constant 0 : i32
      %swap3A_3168 = arith.constant 3 : i32
      %swap3A_3169 = arith.constant 0 : i32
      %swap3A_3170 = arith.constant 0 : i32
      %swap3A_3171 = tpu.memref_slice %arg5[%swap3A_3167, %swap3A_3169, %swap3A_3170] : memref<2x4x128xi32, #tpu.memory_space<vmem>> -> memref<1x4x128xi32, #tpu.memory_space<vmem>>
      %swap3A_3172 = tpu.memref_squeeze %swap3A_3171 : memref<1x4x128xi32, #tpu.memory_space<vmem>> -> memref<4x128xi32, #tpu.memory_space<vmem>>
      %swap3A_3173 = arith.constant 0 : i32
      %swap3A_3174 = tpu.memref_slice %swap3A_3172[%swap3A_3168, %swap3A_3173] : memref<4x128xi32, #tpu.memory_space<vmem>> -> memref<1x128xi32, #tpu.memory_space<vmem>>
      %swap3A_3175 = tpu.memref_squeeze %swap3A_3174 : memref<1x128xi32, #tpu.memory_space<vmem>> -> memref<128xi32, #tpu.memory_space<vmem>>
      %swap3A_3176 = arith.constant 32 : index
      %swap3A_3177 = tpu.vector_load %swap3A_3175[%swap3A_3176] {strides = array<i32>} : memref<128xi32, #tpu.memory_space<vmem>>, vector<16xi32>,
      %swap3A_3178 = vector.shape_cast %swap3A_3177 : vector<16xi32> to vector<16xi32>
      %swap3A_3179 = vector.shape_cast %add3A_3166 : vector<16xi32> to vector<16xi32>
      tpu.vector_store %swap3A_3175[%swap3A_3176], %swap3A_3179 {strides = array<i32>} : memref<128xi32, #tpu.memory_space<vmem>>, vector<16xi32>,
      %get3A_3180 = arith.constant 0 : i32
      %get3A_3181 = arith.constant 3 : i32
      %get3A_3182 = arith.constant 0 : i32
      %get3A_3183 = arith.constant 0 : i32
      %get3A_3184 = tpu.memref_slice %arg5[%get3A_3180, %get3A_3182, %get3A_3183] : memref<2x4x128xi32, #tpu.memory_space<vmem>> -> memref<1x4x128xi32, #tpu.memory_space<vmem>>
      %get3A_3185 = tpu.memref_squeeze %get3A_3184 : memref<1x4x128xi32, #tpu.memory_space<vmem>> -> memref<4x128xi32, #tpu.memory_space<vmem>>
      %get3A_3186 = arith.constant 0 : i32
      %get3A_3187 = tpu.memref_slice %get3A_3185[%get3A_3181, %get3A_3186] : memref<4x128xi32, #tpu.memory_space<vmem>> -> memref<1x128xi32, #tpu.memory_space<vmem>>
      %get3A_3188 = tpu.memref_squeeze %get3A_3187 : memref<1x128xi32, #tpu.memory_space<vmem>> -> memref<128xi32, #tpu.memory_space<vmem>>
      %get3A_3189 = arith.constant 48 : index
      %get3A_3190 = tpu.vector_load %get3A_3188[%get3A_3189] {strides = array<i32>} : memref<128xi32, #tpu.memory_space<vmem>>, vector<16xi32>,
      %get3A_3191 = vector.shape_cast %get3A_3190 : vector<16xi32> to vector<16xi32>
      %add3A_3192 = vector.broadcast %mul3A_13 : i32 to vector<16xi32>
      %add3A_3193 = arith.addi %get3A_3191, %add3A_3192 : vector<16xi32>
      %swap3A_3194 = arith.constant 0 : i32
      %swap3A_3195 = arith.constant 3 : i32
      %swap3A_3196 = arith.constant 0 : i32
      %swap3A_3197 = arith.constant 0 : i32
      %swap3A_3198 = tpu.memref_slice %arg5[%swap3A_3194, %swap3A_3196, %swap3A_3197] : memref<2x4x128xi32, #tpu.memory_space<vmem>> -> memref<1x4x128xi32, #tpu.memory_space<vmem>>
      %swap3A_3199 = tpu.memref_squeeze %swap3A_3198 : memref<1x4x128xi32, #tpu.memory_space<vmem>> -> memref<4x128xi32, #tpu.memory_space<vmem>>
      %swap3A_3200 = arith.constant 0 : i32
      %swap3A_3201 = tpu.memref_slice %swap3A_3199[%swap3A_3195, %swap3A_3200] : memref<4x128xi32, #tpu.memory_space<vmem>> -> memref<1x128xi32, #tpu.memory_space<vmem>>
      %swap3A_3202 = tpu.memref_squeeze %swap3A_3201 : memref<1x128xi32, #tpu.memory_space<vmem>> -> memref<128xi32, #tpu.memory_space<vmem>>
      %swap3A_3203 = arith.constant 48 : index
      %swap3A_3204 = tpu.vector_load %swap3A_3202[%swap3A_3203] {strides = array<i32>} : memref<128xi32, #tpu.memory_space<vmem>>, vector<16xi32>,
      %swap3A_3205 = vector.shape_cast %swap3A_3204 : vector<16xi32> to vector<16xi32>
      %swap3A_3206 = vector.shape_cast %add3A_3193 : vector<16xi32> to vector<16xi32>
      tpu.vector_store %swap3A_3202[%swap3A_3203], %swap3A_3206 {strides = array<i32>} : memref<128xi32, #tpu.memory_space<vmem>>, vector<16xi32>,
      %get3A_3207 = arith.constant 0 : i32
      %get3A_3208 = arith.constant 3 : i32
      %get3A_3209 = arith.constant 0 : i32
      %get3A_3210 = arith.constant 0 : i32
      %get3A_3211 = tpu.memref_slice %arg5[%get3A_3207, %get3A_3209, %get3A_3210] : memref<2x4x128xi32, #tpu.memory_space<vmem>> -> memref<1x4x128xi32, #tpu.memory_space<vmem>>
      %get3A_3212 = tpu.memref_squeeze %get3A_3211 : memref<1x4x128xi32, #tpu.memory_space<vmem>> -> memref<4x128xi32, #tpu.memory_space<vmem>>
      %get3A_3213 = arith.constant 0 : i32
      %get3A_3214 = tpu.memref_slice %get3A_3212[%get3A_3208, %get3A_3213] : memref<4x128xi32, #tpu.memory_space<vmem>> -> memref<1x128xi32, #tpu.memory_space<vmem>>
      %get3A_3215 = tpu.memref_squeeze %get3A_3214 : memref<1x128xi32, #tpu.memory_space<vmem>> -> memref<128xi32, #tpu.memory_space<vmem>>
      %get3A_3216 = arith.constant 64 : index
      %get3A_3217 = tpu.vector_load %get3A_3215[%get3A_3216] {strides = array<i32>} : memref<128xi32, #tpu.memory_space<vmem>>, vector<16xi32>,
      %get3A_3218 = vector.shape_cast %get3A_3217 : vector<16xi32> to vector<16xi32>
      %add3A_3219 = vector.broadcast %mul3A_13 : i32 to vector<16xi32>
      %add3A_3220 = arith.addi %get3A_3218, %add3A_3219 : vector<16xi32>
      %swap3A_3221 = arith.constant 0 : i32
      %swap3A_3222 = arith.constant 3 : i32
      %swap3A_3223 = arith.constant 0 : i32
      %swap3A_3224 = arith.constant 0 : i32
      %swap3A_3225 = tpu.memref_slice %arg5[%swap3A_3221, %swap3A_3223, %swap3A_3224] : memref<2x4x128xi32, #tpu.memory_space<vmem>> -> memref<1x4x128xi32, #tpu.memory_space<vmem>>
      %swap3A_3226 = tpu.memref_squeeze %swap3A_3225 : memref<1x4x128xi32, #tpu.memory_space<vmem>> -> memref<4x128xi32, #tpu.memory_space<vmem>>
      %swap3A_3227 = arith.constant 0 : i32
      %swap3A_3228 = tpu.memref_slice %swap3A_3226[%swap3A_3222, %swap3A_3227] : memref<4x128xi32, #tpu.memory_space<vmem>> -> memref<1x128xi32, #tpu.memory_space<vmem>>
      %swap3A_3229 = tpu.memref_squeeze %swap3A_3228 : memref<1x128xi32, #tpu.memory_space<vmem>> -> memref<128xi32, #tpu.memory_space<vmem>>
      %swap3A_3230 = arith.constant 64 : index
      %swap3A_3231 = tpu.vector_load %swap3A_3229[%swap3A_3230] {strides = array<i32>} : memref<128xi32, #tpu.memory_space<vmem>>, vector<16xi32>,
      %swap3A_3232 = vector.shape_cast %swap3A_3231 : vector<16xi32> to vector<16xi32>
      %swap3A_3233 = vector.shape_cast %add3A_3220 : vector<16xi32> to vector<16xi32>
      tpu.vector_store %swap3A_3229[%swap3A_3230], %swap3A_3233 {strides = array<i32>} : memref<128xi32, #tpu.memory_space<vmem>>, vector<16xi32>,
      %get3A_3234 = arith.constant 0 : i32
      %get3A_3235 = arith.constant 3 : i32
      %get3A_3236 = arith.constant 0 : i32
      %get3A_3237 = arith.constant 0 : i32
      %get3A_3238 = tpu.memref_slice %arg5[%get3A_3234, %get3A_3236, %get3A_3237] : memref<2x4x128xi32, #tpu.memory_space<vmem>> -> memref<1x4x128xi32, #tpu.memory_space<vmem>>
      %get3A_3239 = tpu.memref_squeeze %get3A_3238 : memref<1x4x128xi32, #tpu.memory_space<vmem>> -> memref<4x128xi32, #tpu.memory_space<vmem>>
      %get3A_3240 = arith.constant 0 : i32
      %get3A_3241 = tpu.memref_slice %get3A_3239[%get3A_3235, %get3A_3240] : memref<4x128xi32, #tpu.memory_space<vmem>> -> memref<1x128xi32, #tpu.memory_space<vmem>>
      %get3A_3242 = tpu.memref_squeeze %get3A_3241 : memref<1x128xi32, #tpu.memory_space<vmem>> -> memref<128xi32, #tpu.memory_space<vmem>>
      %get3A_3243 = arith.constant 80 : index
      %get3A_3244 = tpu.vector_load %get3A_3242[%get3A_3243] {strides = array<i32>} : memref<128xi32, #tpu.memory_space<vmem>>, vector<16xi32>,
      %get3A_3245 = vector.shape_cast %get3A_3244 : vector<16xi32> to vector<16xi32>
      %add3A_3246 = vector.broadcast %mul3A_13 : i32 to vector<16xi32>
      %add3A_3247 = arith.addi %get3A_3245, %add3A_3246 : vector<16xi32>
      %swap3A_3248 = arith.constant 0 : i32
      %swap3A_3249 = arith.constant 3 : i32
      %swap3A_3250 = arith.constant 0 : i32
      %swap3A_3251 = arith.constant 0 : i32
      %swap3A_3252 = tpu.memref_slice %arg5[%swap3A_3248, %swap3A_3250, %swap3A_3251] : memref<2x4x128xi32, #tpu.memory_space<vmem>> -> memref<1x4x128xi32, #tpu.memory_space<vmem>>
      %swap3A_3253 = tpu.memref_squeeze %swap3A_3252 : memref<1x4x128xi32, #tpu.memory_space<vmem>> -> memref<4x128xi32, #tpu.memory_space<vmem>>
      %swap3A_3254 = arith.constant 0 : i32
      %swap3A_3255 = tpu.memref_slice %swap3A_3253[%swap3A_3249, %swap3A_3254] : memref<4x128xi32, #tpu.memory_space<vmem>> -> memref<1x128xi32, #tpu.memory_space<vmem>>
      %swap3A_3256 = tpu.memref_squeeze %swap3A_3255 : memref<1x128xi32, #tpu.memory_space<vmem>> -> memref<128xi32, #tpu.memory_space<vmem>>
      %swap3A_3257 = arith.constant 80 : index
      %swap3A_3258 = tpu.vector_load %swap3A_3256[%swap3A_3257] {strides = array<i32>} : memref<128xi32, #tpu.memory_space<vmem>>, vector<16xi32>,
      %swap3A_3259 = vector.shape_cast %swap3A_3258 : vector<16xi32> to vector<16xi32>
      %swap3A_3260 = vector.shape_cast %add3A_3247 : vector<16xi32> to vector<16xi32>
      tpu.vector_store %swap3A_3256[%swap3A_3257], %swap3A_3260 {strides = array<i32>} : memref<128xi32, #tpu.memory_space<vmem>>, vector<16xi32>,
      %get3A_3261 = arith.constant 0 : i32
      %get3A_3262 = arith.constant 3 : i32
      %get3A_3263 = arith.constant 0 : i32
      %get3A_3264 = arith.constant 0 : i32
      %get3A_3265 = tpu.memref_slice %arg5[%get3A_3261, %get3A_3263, %get3A_3264] : memref<2x4x128xi32, #tpu.memory_space<vmem>> -> memref<1x4x128xi32, #tpu.memory_space<vmem>>
      %get3A_3266 = tpu.memref_squeeze %get3A_3265 : memref<1x4x128xi32, #tpu.memory_space<vmem>> -> memref<4x128xi32, #tpu.memory_space<vmem>>
      %get3A_3267 = arith.constant 0 : i32
      %get3A_3268 = tpu.memref_slice %get3A_3266[%get3A_3262, %get3A_3267] : memref<4x128xi32, #tpu.memory_space<vmem>> -> memref<1x128xi32, #tpu.memory_space<vmem>>
      %get3A_3269 = tpu.memref_squeeze %get3A_3268 : memref<1x128xi32, #tpu.memory_space<vmem>> -> memref<128xi32, #tpu.memory_space<vmem>>
      %get3A_3270 = arith.constant 96 : index
      %get3A_3271 = tpu.vector_load %get3A_3269[%get3A_3270] {strides = array<i32>} : memref<128xi32, #tpu.memory_space<vmem>>, vector<16xi32>,
      %get3A_3272 = vector.shape_cast %get3A_3271 : vector<16xi32> to vector<16xi32>
      %add3A_3273 = vector.broadcast %mul3A_13 : i32 to vector<16xi32>
      %add3A_3274 = arith.addi %get3A_3272, %add3A_3273 : vector<16xi32>
      %swap3A_3275 = arith.constant 0 : i32
      %swap3A_3276 = arith.constant 3 : i32
      %swap3A_3277 = arith.constant 0 : i32
      %swap3A_3278 = arith.constant 0 : i32
      %swap3A_3279 = tpu.memref_slice %arg5[%swap3A_3275, %swap3A_3277, %swap3A_3278] : memref<2x4x128xi32, #tpu.memory_space<vmem>> -> memref<1x4x128xi32, #tpu.memory_space<vmem>>
      %swap3A_3280 = tpu.memref_squeeze %swap3A_3279 : memref<1x4x128xi32, #tpu.memory_space<vmem>> -> memref<4x128xi32, #tpu.memory_space<vmem>>
      %swap3A_3281 = arith.constant 0 : i32
      %swap3A_3282 = tpu.memref_slice %swap3A_3280[%swap3A_3276, %swap3A_3281] : memref<4x128xi32, #tpu.memory_space<vmem>> -> memref<1x128xi32, #tpu.memory_space<vmem>>
      %swap3A_3283 = tpu.memref_squeeze %swap3A_3282 : memref<1x128xi32, #tpu.memory_space<vmem>> -> memref<128xi32, #tpu.memory_space<vmem>>
      %swap3A_3284 = arith.constant 96 : index
      %swap3A_3285 = tpu.vector_load %swap3A_3283[%swap3A_3284] {strides = array<i32>} : memref<128xi32, #tpu.memory_space<vmem>>, vector<16xi32>,
      %swap3A_3286 = vector.shape_cast %swap3A_3285 : vector<16xi32> to vector<16xi32>
      %swap3A_3287 = vector.shape_cast %add3A_3274 : vector<16xi32> to vector<16xi32>
      tpu.vector_store %swap3A_3283[%swap3A_3284], %swap3A_3287 {strides = array<i32>} : memref<128xi32, #tpu.memory_space<vmem>>, vector<16xi32>,
      %get3A_3288 = arith.constant 0 : i32
      %get3A_3289 = arith.constant 3 : i32
      %get3A_3290 = arith.constant 0 : i32
      %get3A_3291 = arith.constant 0 : i32
      %get3A_3292 = tpu.memref_slice %arg5[%get3A_3288, %get3A_3290, %get3A_3291] : memref<2x4x128xi32, #tpu.memory_space<vmem>> -> memref<1x4x128xi32, #tpu.memory_space<vmem>>
      %get3A_3293 = tpu.memref_squeeze %get3A_3292 : memref<1x4x128xi32, #tpu.memory_space<vmem>> -> memref<4x128xi32, #tpu.memory_space<vmem>>
      %get3A_3294 = arith.constant 0 : i32
      %get3A_3295 = tpu.memref_slice %get3A_3293[%get3A_3289, %get3A_3294] : memref<4x128xi32, #tpu.memory_space<vmem>> -> memref<1x128xi32, #tpu.memory_space<vmem>>
      %get3A_3296 = tpu.memref_squeeze %get3A_3295 : memref<1x128xi32, #tpu.memory_space<vmem>> -> memref<128xi32, #tpu.memory_space<vmem>>
      %get3A_3297 = arith.constant 112 : index
      %get3A_3298 = tpu.vector_load %get3A_3296[%get3A_3297] {strides = array<i32>} : memref<128xi32, #tpu.memory_space<vmem>>, vector<16xi32>,
      %get3A_3299 = vector.shape_cast %get3A_3298 : vector<16xi32> to vector<16xi32>
      %add3A_3300 = vector.broadcast %mul3A_13 : i32 to vector<16xi32>
      %add3A_3301 = arith.addi %get3A_3299, %add3A_3300 : vector<16xi32>
      %swap3A_3302 = arith.constant 0 : i32
      %swap3A_3303 = arith.constant 3 : i32
      %swap3A_3304 = arith.constant 0 : i32
      %swap3A_3305 = arith.constant 0 : i32
      %swap3A_3306 = tpu.memref_slice %arg5[%swap3A_3302, %swap3A_3304, %swap3A_3305] : memref<2x4x128xi32, #tpu.memory_space<vmem>> -> memref<1x4x128xi32, #tpu.memory_space<vmem>>
      %swap3A_3307 = tpu.memref_squeeze %swap3A_3306 : memref<1x4x128xi32, #tpu.memory_space<vmem>> -> memref<4x128xi32, #tpu.memory_space<vmem>>
      %swap3A_3308 = arith.constant 0 : i32
      %swap3A_3309 = tpu.memref_slice %swap3A_3307[%swap3A_3303, %swap3A_3308] : memref<4x128xi32, #tpu.memory_space<vmem>> -> memref<1x128xi32, #tpu.memory_space<vmem>>
      %swap3A_3310 = tpu.memref_squeeze %swap3A_3309 : memref<1x128xi32, #tpu.memory_space<vmem>> -> memref<128xi32, #tpu.memory_space<vmem>>
      %swap3A_3311 = arith.constant 112 : index
      %swap3A_3312 = tpu.vector_load %swap3A_3310[%swap3A_3311] {strides = array<i32>} : memref<128xi32, #tpu.memory_space<vmem>>, vector<16xi32>,
      %swap3A_3313 = vector.shape_cast %swap3A_3312 : vector<16xi32> to vector<16xi32>
      %swap3A_3314 = vector.shape_cast %add3A_3301 : vector<16xi32> to vector<16xi32>
      tpu.vector_store %swap3A_3310[%swap3A_3311], %swap3A_3314 {strides = array<i32>} : memref<128xi32, #tpu.memory_space<vmem>>, vector<16xi32>,
      %add3A_3315 = arith.constant 0 : i32
      %add3A_3316 = arith.addi %add3A_2437, %add3A_3315 : i32
      %mul3A_3317 = arith.constant 128 : i32
      %mul3A_3318 = arith.muli %add3A_3316, %mul3A_3317 : i32
      %dma_wait3A_3319 = arith.constant 0 : i32
      %dma_wait3A_3320 = arith.constant 0 : i32
      %dma_wait3A_3321 = arith.constant 0 : i32
      %dma_wait3A_3322 = tpu.memref_slice %arg6[%dma_wait3A_3319, %dma_wait3A_3320, %dma_wait3A_3321] : memref<4x128x128xf32, #tpu.memory_space<vmem>> -> memref<1x128x128xf32, #tpu.memory_space<vmem>>
      %dma_wait3A_3323 = tpu.memref_squeeze %dma_wait3A_3322 : memref<1x128x128xf32, #tpu.memory_space<vmem>> -> memref<128x128xf32, #tpu.memory_space<vmem>>
      %dma_wait3A_3324 = arith.constant 0 : i32
      %dma_wait3A_3325 = tpu.memref_slice %arg4[%mul3A_3318, %dma_wait3A_3324] : memref<1048576x128xf32, #tpu.memory_space<hbm>> -> memref<128x128xf32, #tpu.memory_space<hbm>>
      %dma_wait3A_3326 = arith.constant 0 : i32
      %dma_wait3A_3327 = tpu.memref_slice %arg4[%mul3A_3318, %dma_wait3A_3326] : memref<1048576x128xf32, #tpu.memory_space<hbm>> -> memref<128x128xf32, #tpu.memory_space<hbm>>
      %dma_wait3A_3328 = arith.constant 0 : i32
      %dma_wait3A_3329 = arith.constant 0 : i32
      %dma_wait3A_3330 = tpu.memref_slice %arg6[%dma_wait3A_3319, %dma_wait3A_3328, %dma_wait3A_3329] : memref<4x128x128xf32, #tpu.memory_space<vmem>> -> memref<1x128x128xf32, #tpu.memory_space<vmem>>
      %dma_wait3A_3331 = tpu.memref_squeeze %dma_wait3A_3330 : memref<1x128x128xf32, #tpu.memory_space<vmem>> -> memref<128x128xf32, #tpu.memory_space<vmem>>
      tpu.wait_dma2 semaphore(%arg11 : memref<!tpu.dma_semaphore, #tpu.memory_space<semaphore_mem>>) src(%dma_wait3A_3331 : memref<128x128xf32, #tpu.memory_space<vmem>>) dst(%dma_wait3A_3327 : memref<128x128xf32, #tpu.memory_space<hbm>>)
      %dma_start3A_3332 = arith.constant 0 : i32
      %dma_start3A_3333 = arith.constant 0 : i32
      %dma_start3A_3334 = arith.constant 0 : i32
      %dma_start3A_3335 = arith.constant 0 : i32
      %dma_start3A_3336 = arith.constant 0 : i32
      %dma_start3A_3337 = tpu.memref_slice %arg6[%dma_start3A_3334, %dma_start3A_3335, %dma_start3A_3336] : memref<4x128x128xf32, #tpu.memory_space<vmem>> -> memref<1x128x128xf32, #tpu.memory_space<vmem>>
      %dma_start3A_3338 = tpu.memref_squeeze %dma_start3A_3337 : memref<1x128x128xf32, #tpu.memory_space<vmem>> -> memref<128x128xf32, #tpu.memory_space<vmem>>
      %dma_start3A_3339 = arith.constant 0 : i32
      %dma_start3A_3340 = arith.constant 0 : i32
      %dma_start3A_3341 = tpu.memref_slice %arg5[%dma_start3A_3332, %dma_start3A_3339, %dma_start3A_3340] : memref<2x4x128xi32, #tpu.memory_space<vmem>> -> memref<1x4x128xi32, #tpu.memory_space<vmem>>
      %dma_start3A_3342 = tpu.memref_squeeze %dma_start3A_3341 : memref<1x4x128xi32, #tpu.memory_space<vmem>> -> memref<4x128xi32, #tpu.memory_space<vmem>>
      %dma_start3A_3343 = arith.constant 0 : i32
      %dma_start3A_3344 = tpu.memref_slice %dma_start3A_3342[%dma_start3A_3333, %dma_start3A_3343] : memref<4x128xi32, #tpu.memory_space<vmem>> -> memref<1x128xi32, #tpu.memory_space<vmem>>
      %dma_start3A_3345 = tpu.memref_squeeze %dma_start3A_3344 : memref<1x128xi32, #tpu.memory_space<vmem>> -> memref<128xi32, #tpu.memory_space<vmem>>
      %dma_start3A_3346 = arith.constant 0 : i32
      %dma_start3A_3347 = arith.constant 0 : i32
      %dma_start3A_3348 = tpu.memref_slice %arg3[%dma_start3A_3346, %dma_start3A_3347] : memref<32000x128xf32, #tpu.memory_space<hbm>> -> memref<32000x128xf32, #tpu.memory_space<hbm>>
      tpu.enqueue_indirect_dma source(%dma_start3A_3348 : memref<32000x128xf32, #tpu.memory_space<hbm>>) target(%dma_start3A_3338 : memref<128x128xf32, #tpu.memory_space<vmem>>) offsets(%dma_start3A_3345 : memref<128xi32, #tpu.memory_space<vmem>>) semaphore(%arg7 : memref<!tpu.dma_semaphore, #tpu.memory_space<semaphore_mem>>)
      %add3A_3349 = arith.constant 1 : i32
      %add3A_3350 = arith.addi %add3A_2437, %add3A_3349 : i32
      %mul3A_3351 = arith.constant 128 : i32
      %mul3A_3352 = arith.muli %add3A_3350, %mul3A_3351 : i32
      %dma_wait3A_3353 = arith.constant 1 : i32
      %dma_wait3A_3354 = arith.constant 0 : i32
      %dma_wait3A_3355 = arith.constant 0 : i32
      %dma_wait3A_3356 = tpu.memref_slice %arg6[%dma_wait3A_3353, %dma_wait3A_3354, %dma_wait3A_3355] : memref<4x128x128xf32, #tpu.memory_space<vmem>> -> memref<1x128x128xf32, #tpu.memory_space<vmem>>
      %dma_wait3A_3357 = tpu.memref_squeeze %dma_wait3A_3356 : memref<1x128x128xf32, #tpu.memory_space<vmem>> -> memref<128x128xf32, #tpu.memory_space<vmem>>
      %dma_wait3A_3358 = arith.constant 0 : i32
      %dma_wait3A_3359 = tpu.memref_slice %arg4[%mul3A_3352, %dma_wait3A_3358] : memref<1048576x128xf32, #tpu.memory_space<hbm>> -> memref<128x128xf32, #tpu.memory_space<hbm>>
      %dma_wait3A_3360 = arith.constant 0 : i32
      %dma_wait3A_3361 = tpu.memref_slice %arg4[%mul3A_3352, %dma_wait3A_3360] : memref<1048576x128xf32, #tpu.memory_space<hbm>> -> memref<128x128xf32, #tpu.memory_space<hbm>>
      %dma_wait3A_3362 = arith.constant 0 : i32
      %dma_wait3A_3363 = arith.constant 0 : i32
      %dma_wait3A_3364 = tpu.memref_slice %arg6[%dma_wait3A_3353, %dma_wait3A_3362, %dma_wait3A_3363] : memref<4x128x128xf32, #tpu.memory_space<vmem>> -> memref<1x128x128xf32, #tpu.memory_space<vmem>>
      %dma_wait3A_3365 = tpu.memref_squeeze %dma_wait3A_3364 : memref<1x128x128xf32, #tpu.memory_space<vmem>> -> memref<128x128xf32, #tpu.memory_space<vmem>>
      tpu.wait_dma2 semaphore(%arg12 : memref<!tpu.dma_semaphore, #tpu.memory_space<semaphore_mem>>) src(%dma_wait3A_3365 : memref<128x128xf32, #tpu.memory_space<vmem>>) dst(%dma_wait3A_3361 : memref<128x128xf32, #tpu.memory_space<hbm>>)
      %dma_start3A_3366 = arith.constant 0 : i32
      %dma_start3A_3367 = arith.constant 1 : i32
      %dma_start3A_3368 = arith.constant 1 : i32
      %dma_start3A_3369 = arith.constant 0 : i32
      %dma_start3A_3370 = arith.constant 0 : i32
      %dma_start3A_3371 = tpu.memref_slice %arg6[%dma_start3A_3368, %dma_start3A_3369, %dma_start3A_3370] : memref<4x128x128xf32, #tpu.memory_space<vmem>> -> memref<1x128x128xf32, #tpu.memory_space<vmem>>
      %dma_start3A_3372 = tpu.memref_squeeze %dma_start3A_3371 : memref<1x128x128xf32, #tpu.memory_space<vmem>> -> memref<128x128xf32, #tpu.memory_space<vmem>>
      %dma_start3A_3373 = arith.constant 0 : i32
      %dma_start3A_3374 = arith.constant 0 : i32
      %dma_start3A_3375 = tpu.memref_slice %arg5[%dma_start3A_3366, %dma_start3A_3373, %dma_start3A_3374] : memref<2x4x128xi32, #tpu.memory_space<vmem>> -> memref<1x4x128xi32, #tpu.memory_space<vmem>>
      %dma_start3A_3376 = tpu.memref_squeeze %dma_start3A_3375 : memref<1x4x128xi32, #tpu.memory_space<vmem>> -> memref<4x128xi32, #tpu.memory_space<vmem>>
      %dma_start3A_3377 = arith.constant 0 : i32
      %dma_start3A_3378 = tpu.memref_slice %dma_start3A_3376[%dma_start3A_3367, %dma_start3A_3377] : memref<4x128xi32, #tpu.memory_space<vmem>> -> memref<1x128xi32, #tpu.memory_space<vmem>>
      %dma_start3A_3379 = tpu.memref_squeeze %dma_start3A_3378 : memref<1x128xi32, #tpu.memory_space<vmem>> -> memref<128xi32, #tpu.memory_space<vmem>>
      %dma_start3A_3380 = arith.constant 0 : i32
      %dma_start3A_3381 = arith.constant 0 : i32
      %dma_start3A_3382 = tpu.memref_slice %arg3[%dma_start3A_3380, %dma_start3A_3381] : memref<32000x128xf32, #tpu.memory_space<hbm>> -> memref<32000x128xf32, #tpu.memory_space<hbm>>
      tpu.enqueue_indirect_dma source(%dma_start3A_3382 : memref<32000x128xf32, #tpu.memory_space<hbm>>) target(%dma_start3A_3372 : memref<128x128xf32, #tpu.memory_space<vmem>>) offsets(%dma_start3A_3379 : memref<128xi32, #tpu.memory_space<vmem>>) semaphore(%arg8 : memref<!tpu.dma_semaphore, #tpu.memory_space<semaphore_mem>>)
      %add3A_3383 = arith.constant 2 : i32
      %add3A_3384 = arith.addi %add3A_2437, %add3A_3383 : i32
      %mul3A_3385 = arith.constant 128 : i32
      %mul3A_3386 = arith.muli %add3A_3384, %mul3A_3385 : i32
      %dma_wait3A_3387 = arith.constant 2 : i32
      %dma_wait3A_3388 = arith.constant 0 : i32
      %dma_wait3A_3389 = arith.constant 0 : i32
      %dma_wait3A_3390 = tpu.memref_slice %arg6[%dma_wait3A_3387, %dma_wait3A_3388, %dma_wait3A_3389] : memref<4x128x128xf32, #tpu.memory_space<vmem>> -> memref<1x128x128xf32, #tpu.memory_space<vmem>>
      %dma_wait3A_3391 = tpu.memref_squeeze %dma_wait3A_3390 : memref<1x128x128xf32, #tpu.memory_space<vmem>> -> memref<128x128xf32, #tpu.memory_space<vmem>>
      %dma_wait3A_3392 = arith.constant 0 : i32
      %dma_wait3A_3393 = tpu.memref_slice %arg4[%mul3A_3386, %dma_wait3A_3392] : memref<1048576x128xf32, #tpu.memory_space<hbm>> -> memref<128x128xf32, #tpu.memory_space<hbm>>
      %dma_wait3A_3394 = arith.constant 0 : i32
      %dma_wait3A_3395 = tpu.memref_slice %arg4[%mul3A_3386, %dma_wait3A_3394] : memref<1048576x128xf32, #tpu.memory_space<hbm>> -> memref<128x128xf32, #tpu.memory_space<hbm>>
      %dma_wait3A_3396 = arith.constant 0 : i32
      %dma_wait3A_3397 = arith.constant 0 : i32
      %dma_wait3A_3398 = tpu.memref_slice %arg6[%dma_wait3A_3387, %dma_wait3A_3396, %dma_wait3A_3397] : memref<4x128x128xf32, #tpu.memory_space<vmem>> -> memref<1x128x128xf32, #tpu.memory_space<vmem>>
      %dma_wait3A_3399 = tpu.memref_squeeze %dma_wait3A_3398 : memref<1x128x128xf32, #tpu.memory_space<vmem>> -> memref<128x128xf32, #tpu.memory_space<vmem>>
      tpu.wait_dma2 semaphore(%arg13 : memref<!tpu.dma_semaphore, #tpu.memory_space<semaphore_mem>>) src(%dma_wait3A_3399 : memref<128x128xf32, #tpu.memory_space<vmem>>) dst(%dma_wait3A_3395 : memref<128x128xf32, #tpu.memory_space<hbm>>)
      %dma_start3A_3400 = arith.constant 0 : i32
      %dma_start3A_3401 = arith.constant 2 : i32
      %dma_start3A_3402 = arith.constant 2 : i32
      %dma_start3A_3403 = arith.constant 0 : i32
      %dma_start3A_3404 = arith.constant 0 : i32
      %dma_start3A_3405 = tpu.memref_slice %arg6[%dma_start3A_3402, %dma_start3A_3403, %dma_start3A_3404] : memref<4x128x128xf32, #tpu.memory_space<vmem>> -> memref<1x128x128xf32, #tpu.memory_space<vmem>>
      %dma_start3A_3406 = tpu.memref_squeeze %dma_start3A_3405 : memref<1x128x128xf32, #tpu.memory_space<vmem>> -> memref<128x128xf32, #tpu.memory_space<vmem>>
      %dma_start3A_3407 = arith.constant 0 : i32
      %dma_start3A_3408 = arith.constant 0 : i32
      %dma_start3A_3409 = tpu.memref_slice %arg5[%dma_start3A_3400, %dma_start3A_3407, %dma_start3A_3408] : memref<2x4x128xi32, #tpu.memory_space<vmem>> -> memref<1x4x128xi32, #tpu.memory_space<vmem>>
      %dma_start3A_3410 = tpu.memref_squeeze %dma_start3A_3409 : memref<1x4x128xi32, #tpu.memory_space<vmem>> -> memref<4x128xi32, #tpu.memory_space<vmem>>
      %dma_start3A_3411 = arith.constant 0 : i32
      %dma_start3A_3412 = tpu.memref_slice %dma_start3A_3410[%dma_start3A_3401, %dma_start3A_3411] : memref<4x128xi32, #tpu.memory_space<vmem>> -> memref<1x128xi32, #tpu.memory_space<vmem>>
      %dma_start3A_3413 = tpu.memref_squeeze %dma_start3A_3412 : memref<1x128xi32, #tpu.memory_space<vmem>> -> memref<128xi32, #tpu.memory_space<vmem>>
      %dma_start3A_3414 = arith.constant 0 : i32
      %dma_start3A_3415 = arith.constant 0 : i32
      %dma_start3A_3416 = tpu.memref_slice %arg3[%dma_start3A_3414, %dma_start3A_3415] : memref<32000x128xf32, #tpu.memory_space<hbm>> -> memref<32000x128xf32, #tpu.memory_space<hbm>>
      tpu.enqueue_indirect_dma source(%dma_start3A_3416 : memref<32000x128xf32, #tpu.memory_space<hbm>>) target(%dma_start3A_3406 : memref<128x128xf32, #tpu.memory_space<vmem>>) offsets(%dma_start3A_3413 : memref<128xi32, #tpu.memory_space<vmem>>) semaphore(%arg9 : memref<!tpu.dma_semaphore, #tpu.memory_space<semaphore_mem>>)
      %add3A_3417 = arith.constant 3 : i32
      %add3A_3418 = arith.addi %add3A_2437, %add3A_3417 : i32
      %mul3A_3419 = arith.constant 128 : i32
      %mul3A_3420 = arith.muli %add3A_3418, %mul3A_3419 : i32
      %dma_wait3A_3421 = arith.constant 3 : i32
      %dma_wait3A_3422 = arith.constant 0 : i32
      %dma_wait3A_3423 = arith.constant 0 : i32
      %dma_wait3A_3424 = tpu.memref_slice %arg6[%dma_wait3A_3421, %dma_wait3A_3422, %dma_wait3A_3423] : memref<4x128x128xf32, #tpu.memory_space<vmem>> -> memref<1x128x128xf32, #tpu.memory_space<vmem>>
      %dma_wait3A_3425 = tpu.memref_squeeze %dma_wait3A_3424 : memref<1x128x128xf32, #tpu.memory_space<vmem>> -> memref<128x128xf32, #tpu.memory_space<vmem>>
      %dma_wait3A_3426 = arith.constant 0 : i32
      %dma_wait3A_3427 = tpu.memref_slice %arg4[%mul3A_3420, %dma_wait3A_3426] : memref<1048576x128xf32, #tpu.memory_space<hbm>> -> memref<128x128xf32, #tpu.memory_space<hbm>>
      %dma_wait3A_3428 = arith.constant 0 : i32
      %dma_wait3A_3429 = tpu.memref_slice %arg4[%mul3A_3420, %dma_wait3A_3428] : memref<1048576x128xf32, #tpu.memory_space<hbm>> -> memref<128x128xf32, #tpu.memory_space<hbm>>
      %dma_wait3A_3430 = arith.constant 0 : i32
      %dma_wait3A_3431 = arith.constant 0 : i32
      %dma_wait3A_3432 = tpu.memref_slice %arg6[%dma_wait3A_3421, %dma_wait3A_3430, %dma_wait3A_3431] : memref<4x128x128xf32, #tpu.memory_space<vmem>> -> memref<1x128x128xf32, #tpu.memory_space<vmem>>
      %dma_wait3A_3433 = tpu.memref_squeeze %dma_wait3A_3432 : memref<1x128x128xf32, #tpu.memory_space<vmem>> -> memref<128x128xf32, #tpu.memory_space<vmem>>
      tpu.wait_dma2 semaphore(%arg14 : memref<!tpu.dma_semaphore, #tpu.memory_space<semaphore_mem>>) src(%dma_wait3A_3433 : memref<128x128xf32, #tpu.memory_space<vmem>>) dst(%dma_wait3A_3429 : memref<128x128xf32, #tpu.memory_space<hbm>>)
      %dma_start3A_3434 = arith.constant 0 : i32
      %dma_start3A_3435 = arith.constant 3 : i32
      %dma_start3A_3436 = arith.constant 3 : i32
      %dma_start3A_3437 = arith.constant 0 : i32
      %dma_start3A_3438 = arith.constant 0 : i32
      %dma_start3A_3439 = tpu.memref_slice %arg6[%dma_start3A_3436, %dma_start3A_3437, %dma_start3A_3438] : memref<4x128x128xf32, #tpu.memory_space<vmem>> -> memref<1x128x128xf32, #tpu.memory_space<vmem>>
      %dma_start3A_3440 = tpu.memref_squeeze %dma_start3A_3439 : memref<1x128x128xf32, #tpu.memory_space<vmem>> -> memref<128x128xf32, #tpu.memory_space<vmem>>
      %dma_start3A_3441 = arith.constant 0 : i32
      %dma_start3A_3442 = arith.constant 0 : i32
      %dma_start3A_3443 = tpu.memref_slice %arg5[%dma_start3A_3434, %dma_start3A_3441, %dma_start3A_3442] : memref<2x4x128xi32, #tpu.memory_space<vmem>> -> memref<1x4x128xi32, #tpu.memory_space<vmem>>
      %dma_start3A_3444 = tpu.memref_squeeze %dma_start3A_3443 : memref<1x4x128xi32, #tpu.memory_space<vmem>> -> memref<4x128xi32, #tpu.memory_space<vmem>>
      %dma_start3A_3445 = arith.constant 0 : i32
      %dma_start3A_3446 = tpu.memref_slice %dma_start3A_3444[%dma_start3A_3435, %dma_start3A_3445] : memref<4x128xi32, #tpu.memory_space<vmem>> -> memref<1x128xi32, #tpu.memory_space<vmem>>
      %dma_start3A_3447 = tpu.memref_squeeze %dma_start3A_3446 : memref<1x128xi32, #tpu.memory_space<vmem>> -> memref<128xi32, #tpu.memory_space<vmem>>
      %dma_start3A_3448 = arith.constant 0 : i32
      %dma_start3A_3449 = arith.constant 0 : i32
      %dma_start3A_3450 = tpu.memref_slice %arg3[%dma_start3A_3448, %dma_start3A_3449] : memref<32000x128xf32, #tpu.memory_space<hbm>> -> memref<32000x128xf32, #tpu.memory_space<hbm>>
      tpu.enqueue_indirect_dma source(%dma_start3A_3450 : memref<32000x128xf32, #tpu.memory_space<hbm>>) target(%dma_start3A_3440 : memref<128x128xf32, #tpu.memory_space<vmem>>) offsets(%dma_start3A_3447 : memref<128xi32, #tpu.memory_space<vmem>>) semaphore(%arg10 : memref<!tpu.dma_semaphore, #tpu.memory_space<semaphore_mem>>)
      %dma_wait3A_3451 = arith.constant 0 : i32
      %dma_wait3A_3452 = arith.constant 0 : i32
      %dma_wait3A_3453 = arith.constant 0 : i32
      %dma_wait3A_3454 = arith.constant 0 : i32
      %dma_wait3A_3455 = arith.constant 0 : i32
      %dma_wait3A_3456 = tpu.memref_slice %arg6[%dma_wait3A_3453, %dma_wait3A_3454, %dma_wait3A_3455] : memref<4x128x128xf32, #tpu.memory_space<vmem>> -> memref<1x128x128xf32, #tpu.memory_space<vmem>>
      %dma_wait3A_3457 = tpu.memref_squeeze %dma_wait3A_3456 : memref<1x128x128xf32, #tpu.memory_space<vmem>> -> memref<128x128xf32, #tpu.memory_space<vmem>>
      %dma_wait3A_3458 = arith.constant 0 : i32
      %dma_wait3A_3459 = arith.constant 0 : i32
      %dma_wait3A_3460 = tpu.memref_slice %arg5[%dma_wait3A_3451, %dma_wait3A_3458, %dma_wait3A_3459] : memref<2x4x128xi32, #tpu.memory_space<vmem>> -> memref<1x4x128xi32, #tpu.memory_space<vmem>>
      %dma_wait3A_3461 = tpu.memref_squeeze %dma_wait3A_3460 : memref<1x4x128xi32, #tpu.memory_space<vmem>> -> memref<4x128xi32, #tpu.memory_space<vmem>>
      %dma_wait3A_3462 = arith.constant 0 : i32
      %dma_wait3A_3463 = tpu.memref_slice %dma_wait3A_3461[%dma_wait3A_3452, %dma_wait3A_3462] : memref<4x128xi32, #tpu.memory_space<vmem>> -> memref<1x128xi32, #tpu.memory_space<vmem>>
      %dma_wait3A_3464 = tpu.memref_squeeze %dma_wait3A_3463 : memref<1x128xi32, #tpu.memory_space<vmem>> -> memref<128xi32, #tpu.memory_space<vmem>>
      %dma_wait3A_3465 = arith.constant 0 : i32
      %dma_wait3A_3466 = arith.constant 0 : i32
      %dma_wait3A_3467 = tpu.memref_slice %arg3[%dma_wait3A_3465, %dma_wait3A_3466] : memref<32000x128xf32, #tpu.memory_space<hbm>> -> memref<32000x128xf32, #tpu.memory_space<hbm>>
      tpu.wait_indirect_dma semaphore(%arg7 : memref<!tpu.dma_semaphore, #tpu.memory_space<semaphore_mem>>) src(%dma_wait3A_3467 : memref<32000x128xf32, #tpu.memory_space<hbm>>) dst(%dma_wait3A_3457 : memref<128x128xf32, #tpu.memory_space<vmem>>)
      %add3A_3468 = arith.constant 0 : i32
      %add3A_3469 = arith.addi %add3A_2437, %add3A_3468 : i32
      %mul3A_3470 = arith.constant 128 : i32
      %mul3A_3471 = arith.muli %add3A_3469, %mul3A_3470 : i32
      %dma_start3A_3472 = arith.constant 0 : i32
      %dma_start3A_3473 = arith.constant 0 : i32
      %dma_start3A_3474 = arith.constant 0 : i32
      %dma_start3A_3475 = tpu.memref_slice %arg6[%dma_start3A_3472, %dma_start3A_3473, %dma_start3A_3474] : memref<4x128x128xf32, #tpu.memory_space<vmem>> -> memref<1x128x128xf32, #tpu.memory_space<vmem>>
      %dma_start3A_3476 = tpu.memref_squeeze %dma_start3A_3475 : memref<1x128x128xf32, #tpu.memory_space<vmem>> -> memref<128x128xf32, #tpu.memory_space<vmem>>
      %dma_start3A_3477 = arith.constant 0 : i32
      %dma_start3A_3478 = tpu.memref_slice %arg4[%mul3A_3471, %dma_start3A_3477] : memref<1048576x128xf32, #tpu.memory_space<hbm>> -> memref<128x128xf32, #tpu.memory_space<hbm>>
      %dma_start3A_3479 = arith.constant 0 : i32
      %dma_start3A_3480 = tpu.memref_slice %arg4[%mul3A_3471, %dma_start3A_3479] : memref<1048576x128xf32, #tpu.memory_space<hbm>> -> memref<128x128xf32, #tpu.memory_space<hbm>>
      %dma_start3A_3481 = arith.constant 0 : i32
      %dma_start3A_3482 = arith.constant 0 : i32
      %dma_start3A_3483 = tpu.memref_slice %arg6[%dma_start3A_3472, %dma_start3A_3481, %dma_start3A_3482] : memref<4x128x128xf32, #tpu.memory_space<vmem>> -> memref<1x128x128xf32, #tpu.memory_space<vmem>>
      %dma_start3A_3484 = tpu.memref_squeeze %dma_start3A_3483 : memref<1x128x128xf32, #tpu.memory_space<vmem>> -> memref<128x128xf32, #tpu.memory_space<vmem>>
      tpu.enqueue_dma source(%dma_start3A_3484 : memref<128x128xf32, #tpu.memory_space<vmem>>) target(%dma_start3A_3480 : memref<128x128xf32, #tpu.memory_space<hbm>>) target_semaphore(%arg11 : memref<!tpu.dma_semaphore, #tpu.memory_space<semaphore_mem>>)
      %dma_wait3A_3485 = arith.constant 0 : i32
      %dma_wait3A_3486 = arith.constant 1 : i32
      %dma_wait3A_3487 = arith.constant 1 : i32
      %dma_wait3A_3488 = arith.constant 0 : i32
      %dma_wait3A_3489 = arith.constant 0 : i32
      %dma_wait3A_3490 = tpu.memref_slice %arg6[%dma_wait3A_3487, %dma_wait3A_3488, %dma_wait3A_3489] : memref<4x128x128xf32, #tpu.memory_space<vmem>> -> memref<1x128x128xf32, #tpu.memory_space<vmem>>
      %dma_wait3A_3491 = tpu.memref_squeeze %dma_wait3A_3490 : memref<1x128x128xf32, #tpu.memory_space<vmem>> -> memref<128x128xf32, #tpu.memory_space<vmem>>
      %dma_wait3A_3492 = arith.constant 0 : i32
      %dma_wait3A_3493 = arith.constant 0 : i32
      %dma_wait3A_3494 = tpu.memref_slice %arg5[%dma_wait3A_3485, %dma_wait3A_3492, %dma_wait3A_3493] : memref<2x4x128xi32, #tpu.memory_space<vmem>> -> memref<1x4x128xi32, #tpu.memory_space<vmem>>
      %dma_wait3A_3495 = tpu.memref_squeeze %dma_wait3A_3494 : memref<1x4x128xi32, #tpu.memory_space<vmem>> -> memref<4x128xi32, #tpu.memory_space<vmem>>
      %dma_wait3A_3496 = arith.constant 0 : i32
      %dma_wait3A_3497 = tpu.memref_slice %dma_wait3A_3495[%dma_wait3A_3486, %dma_wait3A_3496] : memref<4x128xi32, #tpu.memory_space<vmem>> -> memref<1x128xi32, #tpu.memory_space<vmem>>
      %dma_wait3A_3498 = tpu.memref_squeeze %dma_wait3A_3497 : memref<1x128xi32, #tpu.memory_space<vmem>> -> memref<128xi32, #tpu.memory_space<vmem>>
      %dma_wait3A_3499 = arith.constant 0 : i32
      %dma_wait3A_3500 = arith.constant 0 : i32
      %dma_wait3A_3501 = tpu.memref_slice %arg3[%dma_wait3A_3499, %dma_wait3A_3500] : memref<32000x128xf32, #tpu.memory_space<hbm>> -> memref<32000x128xf32, #tpu.memory_space<hbm>>
      tpu.wait_indirect_dma semaphore(%arg8 : memref<!tpu.dma_semaphore, #tpu.memory_space<semaphore_mem>>) src(%dma_wait3A_3501 : memref<32000x128xf32, #tpu.memory_space<hbm>>) dst(%dma_wait3A_3491 : memref<128x128xf32, #tpu.memory_space<vmem>>)
      %add3A_3502 = arith.constant 1 : i32
      %add3A_3503 = arith.addi %add3A_2437, %add3A_3502 : i32
      %mul3A_3504 = arith.constant 128 : i32
      %mul3A_3505 = arith.muli %add3A_3503, %mul3A_3504 : i32
      %dma_start3A_3506 = arith.constant 1 : i32
      %dma_start3A_3507 = arith.constant 0 : i32
      %dma_start3A_3508 = arith.constant 0 : i32
      %dma_start3A_3509 = tpu.memref_slice %arg6[%dma_start3A_3506, %dma_start3A_3507, %dma_start3A_3508] : memref<4x128x128xf32, #tpu.memory_space<vmem>> -> memref<1x128x128xf32, #tpu.memory_space<vmem>>
      %dma_start3A_3510 = tpu.memref_squeeze %dma_start3A_3509 : memref<1x128x128xf32, #tpu.memory_space<vmem>> -> memref<128x128xf32, #tpu.memory_space<vmem>>
      %dma_start3A_3511 = arith.constant 0 : i32
      %dma_start3A_3512 = tpu.memref_slice %arg4[%mul3A_3505, %dma_start3A_3511] : memref<1048576x128xf32, #tpu.memory_space<hbm>> -> memref<128x128xf32, #tpu.memory_space<hbm>>
      %dma_start3A_3513 = arith.constant 0 : i32
      %dma_start3A_3514 = tpu.memref_slice %arg4[%mul3A_3505, %dma_start3A_3513] : memref<1048576x128xf32, #tpu.memory_space<hbm>> -> memref<128x128xf32, #tpu.memory_space<hbm>>
      %dma_start3A_3515 = arith.constant 0 : i32
      %dma_start3A_3516 = arith.constant 0 : i32
      %dma_start3A_3517 = tpu.memref_slice %arg6[%dma_start3A_3506, %dma_start3A_3515, %dma_start3A_3516] : memref<4x128x128xf32, #tpu.memory_space<vmem>> -> memref<1x128x128xf32, #tpu.memory_space<vmem>>
      %dma_start3A_3518 = tpu.memref_squeeze %dma_start3A_3517 : memref<1x128x128xf32, #tpu.memory_space<vmem>> -> memref<128x128xf32, #tpu.memory_space<vmem>>
      tpu.enqueue_dma source(%dma_start3A_3518 : memref<128x128xf32, #tpu.memory_space<vmem>>) target(%dma_start3A_3514 : memref<128x128xf32, #tpu.memory_space<hbm>>) target_semaphore(%arg12 : memref<!tpu.dma_semaphore, #tpu.memory_space<semaphore_mem>>)
      %dma_wait3A_3519 = arith.constant 0 : i32
      %dma_wait3A_3520 = arith.constant 2 : i32
      %dma_wait3A_3521 = arith.constant 2 : i32
      %dma_wait3A_3522 = arith.constant 0 : i32
      %dma_wait3A_3523 = arith.constant 0 : i32
      %dma_wait3A_3524 = tpu.memref_slice %arg6[%dma_wait3A_3521, %dma_wait3A_3522, %dma_wait3A_3523] : memref<4x128x128xf32, #tpu.memory_space<vmem>> -> memref<1x128x128xf32, #tpu.memory_space<vmem>>
      %dma_wait3A_3525 = tpu.memref_squeeze %dma_wait3A_3524 : memref<1x128x128xf32, #tpu.memory_space<vmem>> -> memref<128x128xf32, #tpu.memory_space<vmem>>
      %dma_wait3A_3526 = arith.constant 0 : i32
      %dma_wait3A_3527 = arith.constant 0 : i32
      %dma_wait3A_3528 = tpu.memref_slice %arg5[%dma_wait3A_3519, %dma_wait3A_3526, %dma_wait3A_3527] : memref<2x4x128xi32, #tpu.memory_space<vmem>> -> memref<1x4x128xi32, #tpu.memory_space<vmem>>
      %dma_wait3A_3529 = tpu.memref_squeeze %dma_wait3A_3528 : memref<1x4x128xi32, #tpu.memory_space<vmem>> -> memref<4x128xi32, #tpu.memory_space<vmem>>
      %dma_wait3A_3530 = arith.constant 0 : i32
      %dma_wait3A_3531 = tpu.memref_slice %dma_wait3A_3529[%dma_wait3A_3520, %dma_wait3A_3530] : memref<4x128xi32, #tpu.memory_space<vmem>> -> memref<1x128xi32, #tpu.memory_space<vmem>>
      %dma_wait3A_3532 = tpu.memref_squeeze %dma_wait3A_3531 : memref<1x128xi32, #tpu.memory_space<vmem>> -> memref<128xi32, #tpu.memory_space<vmem>>
      %dma_wait3A_3533 = arith.constant 0 : i32
      %dma_wait3A_3534 = arith.constant 0 : i32
      %dma_wait3A_3535 = tpu.memref_slice %arg3[%dma_wait3A_3533, %dma_wait3A_3534] : memref<32000x128xf32, #tpu.memory_space<hbm>> -> memref<32000x128xf32, #tpu.memory_space<hbm>>
      tpu.wait_indirect_dma semaphore(%arg9 : memref<!tpu.dma_semaphore, #tpu.memory_space<semaphore_mem>>) src(%dma_wait3A_3535 : memref<32000x128xf32, #tpu.memory_space<hbm>>) dst(%dma_wait3A_3525 : memref<128x128xf32, #tpu.memory_space<vmem>>)
      %add3A_3536 = arith.constant 2 : i32
      %add3A_3537 = arith.addi %add3A_2437, %add3A_3536 : i32
      %mul3A_3538 = arith.constant 128 : i32
      %mul3A_3539 = arith.muli %add3A_3537, %mul3A_3538 : i32
      %dma_start3A_3540 = arith.constant 2 : i32
      %dma_start3A_3541 = arith.constant 0 : i32
      %dma_start3A_3542 = arith.constant 0 : i32
      %dma_start3A_3543 = tpu.memref_slice %arg6[%dma_start3A_3540, %dma_start3A_3541, %dma_start3A_3542] : memref<4x128x128xf32, #tpu.memory_space<vmem>> -> memref<1x128x128xf32, #tpu.memory_space<vmem>>
      %dma_start3A_3544 = tpu.memref_squeeze %dma_start3A_3543 : memref<1x128x128xf32, #tpu.memory_space<vmem>> -> memref<128x128xf32, #tpu.memory_space<vmem>>
      %dma_start3A_3545 = arith.constant 0 : i32
      %dma_start3A_3546 = tpu.memref_slice %arg4[%mul3A_3539, %dma_start3A_3545] : memref<1048576x128xf32, #tpu.memory_space<hbm>> -> memref<128x128xf32, #tpu.memory_space<hbm>>
      %dma_start3A_3547 = arith.constant 0 : i32
      %dma_start3A_3548 = tpu.memref_slice %arg4[%mul3A_3539, %dma_start3A_3547] : memref<1048576x128xf32, #tpu.memory_space<hbm>> -> memref<128x128xf32, #tpu.memory_space<hbm>>
      %dma_start3A_3549 = arith.constant 0 : i32
      %dma_start3A_3550 = arith.constant 0 : i32
      %dma_start3A_3551 = tpu.memref_slice %arg6[%dma_start3A_3540, %dma_start3A_3549, %dma_start3A_3550] : memref<4x128x128xf32, #tpu.memory_space<vmem>> -> memref<1x128x128xf32, #tpu.memory_space<vmem>>
      %dma_start3A_3552 = tpu.memref_squeeze %dma_start3A_3551 : memref<1x128x128xf32, #tpu.memory_space<vmem>> -> memref<128x128xf32, #tpu.memory_space<vmem>>
      tpu.enqueue_dma source(%dma_start3A_3552 : memref<128x128xf32, #tpu.memory_space<vmem>>) target(%dma_start3A_3548 : memref<128x128xf32, #tpu.memory_space<hbm>>) target_semaphore(%arg13 : memref<!tpu.dma_semaphore, #tpu.memory_space<semaphore_mem>>)
      %dma_wait3A_3553 = arith.constant 0 : i32
      %dma_wait3A_3554 = arith.constant 3 : i32
      %dma_wait3A_3555 = arith.constant 3 : i32
      %dma_wait3A_3556 = arith.constant 0 : i32
      %dma_wait3A_3557 = arith.constant 0 : i32
      %dma_wait3A_3558 = tpu.memref_slice %arg6[%dma_wait3A_3555, %dma_wait3A_3556, %dma_wait3A_3557] : memref<4x128x128xf32, #tpu.memory_space<vmem>> -> memref<1x128x128xf32, #tpu.memory_space<vmem>>
      %dma_wait3A_3559 = tpu.memref_squeeze %dma_wait3A_3558 : memref<1x128x128xf32, #tpu.memory_space<vmem>> -> memref<128x128xf32, #tpu.memory_space<vmem>>
      %dma_wait3A_3560 = arith.constant 0 : i32
      %dma_wait3A_3561 = arith.constant 0 : i32
      %dma_wait3A_3562 = tpu.memref_slice %arg5[%dma_wait3A_3553, %dma_wait3A_3560, %dma_wait3A_3561] : memref<2x4x128xi32, #tpu.memory_space<vmem>> -> memref<1x4x128xi32, #tpu.memory_space<vmem>>
      %dma_wait3A_3563 = tpu.memref_squeeze %dma_wait3A_3562 : memref<1x4x128xi32, #tpu.memory_space<vmem>> -> memref<4x128xi32, #tpu.memory_space<vmem>>
      %dma_wait3A_3564 = arith.constant 0 : i32
      %dma_wait3A_3565 = tpu.memref_slice %dma_wait3A_3563[%dma_wait3A_3554, %dma_wait3A_3564] : memref<4x128xi32, #tpu.memory_space<vmem>> -> memref<1x128xi32, #tpu.memory_space<vmem>>
      %dma_wait3A_3566 = tpu.memref_squeeze %dma_wait3A_3565 : memref<1x128xi32, #tpu.memory_space<vmem>> -> memref<128xi32, #tpu.memory_space<vmem>>
      %dma_wait3A_3567 = arith.constant 0 : i32
      %dma_wait3A_3568 = arith.constant 0 : i32
      %dma_wait3A_3569 = tpu.memref_slice %arg3[%dma_wait3A_3567, %dma_wait3A_3568] : memref<32000x128xf32, #tpu.memory_space<hbm>> -> memref<32000x128xf32, #tpu.memory_space<hbm>>
      tpu.wait_indirect_dma semaphore(%arg10 : memref<!tpu.dma_semaphore, #tpu.memory_space<semaphore_mem>>) src(%dma_wait3A_3569 : memref<32000x128xf32, #tpu.memory_space<hbm>>) dst(%dma_wait3A_3559 : memref<128x128xf32, #tpu.memory_space<vmem>>)
      %add3A_3570 = arith.constant 3 : i32
      %add3A_3571 = arith.addi %add3A_2437, %add3A_3570 : i32
      %mul3A_3572 = arith.constant 128 : i32
      %mul3A_3573 = arith.muli %add3A_3571, %mul3A_3572 : i32
      %dma_start3A_3574 = arith.constant 3 : i32
      %dma_start3A_3575 = arith.constant 0 : i32
      %dma_start3A_3576 = arith.constant 0 : i32
      %dma_start3A_3577 = tpu.memref_slice %arg6[%dma_start3A_3574, %dma_start3A_3575, %dma_start3A_3576] : memref<4x128x128xf32, #tpu.memory_space<vmem>> -> memref<1x128x128xf32, #tpu.memory_space<vmem>>
      %dma_start3A_3578 = tpu.memref_squeeze %dma_start3A_3577 : memref<1x128x128xf32, #tpu.memory_space<vmem>> -> memref<128x128xf32, #tpu.memory_space<vmem>>
      %dma_start3A_3579 = arith.constant 0 : i32
      %dma_start3A_3580 = tpu.memref_slice %arg4[%mul3A_3573, %dma_start3A_3579] : memref<1048576x128xf32, #tpu.memory_space<hbm>> -> memref<128x128xf32, #tpu.memory_space<hbm>>
      %dma_start3A_3581 = arith.constant 0 : i32
      %dma_start3A_3582 = tpu.memref_slice %arg4[%mul3A_3573, %dma_start3A_3581] : memref<1048576x128xf32, #tpu.memory_space<hbm>> -> memref<128x128xf32, #tpu.memory_space<hbm>>
      %dma_start3A_3583 = arith.constant 0 : i32
      %dma_start3A_3584 = arith.constant 0 : i32
      %dma_start3A_3585 = tpu.memref_slice %arg6[%dma_start3A_3574, %dma_start3A_3583, %dma_start3A_3584] : memref<4x128x128xf32, #tpu.memory_space<vmem>> -> memref<1x128x128xf32, #tpu.memory_space<vmem>>
      %dma_start3A_3586 = tpu.memref_squeeze %dma_start3A_3585 : memref<1x128x128xf32, #tpu.memory_space<vmem>> -> memref<128x128xf32, #tpu.memory_space<vmem>>
      tpu.enqueue_dma source(%dma_start3A_3586 : memref<128x128xf32, #tpu.memory_space<vmem>>) target(%dma_start3A_3582 : memref<128x128xf32, #tpu.memory_space<hbm>>) target_semaphore(%arg14 : memref<!tpu.dma_semaphore, #tpu.memory_space<semaphore_mem>>)
      %add3A_3587 = arith.constant 2 : i32
      %add3A_3588 = arith.addi %mul3A_2434, %add3A_3587 : i32
      %mul3A_3589 = arith.constant 4 : i32
      %mul3A_3590 = arith.muli %add3A_3588, %mul3A_3589 : i32
      %min3A_3591 = arith.constant 252 : i32
      %min3A_3592 = arith.minsi %mul3A_3590, %min3A_3591 : i32
      %add3A_3593 = arith.addi %mul3A_2, %min3A_3592 : i32
      %dma_start3A_3594 = arith.constant 0 : i32
      %dma_start3A_3595 = arith.constant 0 : i32
      %dma_start3A_3596 = arith.constant 0 : i32
      %dma_start3A_3597 = tpu.memref_slice %arg5[%dma_start3A_3594, %dma_start3A_3595, %dma_start3A_3596] : memref<2x4x128xi32, #tpu.memory_space<vmem>> -> memref<1x4x128xi32, #tpu.memory_space<vmem>>
      %dma_start3A_3598 = tpu.memref_squeeze %dma_start3A_3597 : memref<1x4x128xi32, #tpu.memory_space<vmem>> -> memref<4x128xi32, #tpu.memory_space<vmem>>
      %dma_start3A_3599 = arith.constant 0 : i32
      %dma_start3A_3600 = tpu.memref_slice %arg2[%add3A_3593, %dma_start3A_3599] : memref<8192x128xi32, #tpu.memory_space<hbm>> -> memref<4x128xi32, #tpu.memory_space<hbm>>
      %dma_start3A_3601 = arith.constant 0 : i32
      %dma_start3A_3602 = arith.constant 0 : i32
      %dma_start3A_3603 = tpu.memref_slice %arg5[%dma_start3A_3594, %dma_start3A_3601, %dma_start3A_3602] : memref<2x4x128xi32, #tpu.memory_space<vmem>> -> memref<1x4x128xi32, #tpu.memory_space<vmem>>
      %dma_start3A_3604 = tpu.memref_squeeze %dma_start3A_3603 : memref<1x4x128xi32, #tpu.memory_space<vmem>> -> memref<4x128xi32, #tpu.memory_space<vmem>>
      %dma_start3A_3605 = arith.constant 0 : i32
      %dma_start3A_3606 = tpu.memref_slice %arg2[%add3A_3593, %dma_start3A_3605] : memref<8192x128xi32, #tpu.memory_space<hbm>> -> memref<4x128xi32, #tpu.memory_space<hbm>>
      tpu.enqueue_dma source(%dma_start3A_3606 : memref<4x128xi32, #tpu.memory_space<hbm>>) target(%dma_start3A_3604 : memref<4x128xi32, #tpu.memory_space<vmem>>) target_semaphore(%arg15 : memref<!tpu.dma_semaphore, #tpu.memory_space<semaphore_mem>>)
      %mul3A_3607 = arith.constant 2 : i32
      %mul3A_3608 = arith.muli %mul3A_3607, %scan3A_2432 : i32
      %add3A_3609 = arith.constant 1 : i32
      %add3A_3610 = arith.addi %mul3A_3608, %add3A_3609 : i32
      %mul3A_3611 = arith.constant 4 : i32
      %mul3A_3612 = arith.muli %add3A_3610, %mul3A_3611 : i32
      %add3A_3613 = arith.addi %mul3A_2, %mul3A_3612 : i32
      %dma_wait3A_3614 = arith.constant 1 : i32
      %dma_wait3A_3615 = arith.constant 0 : i32
      %dma_wait3A_3616 = arith.constant 0 : i32
      %dma_wait3A_3617 = tpu.memref_slice %arg5[%dma_wait3A_3614, %dma_wait3A_3615, %dma_wait3A_3616] : memref<2x4x128xi32, #tpu.memory_space<vmem>> -> memref<1x4x128xi32, #tpu.memory_space<vmem>>
      %dma_wait3A_3618 = tpu.memref_squeeze %dma_wait3A_3617 : memref<1x4x128xi32, #tpu.memory_space<vmem>> -> memref<4x128xi32, #tpu.memory_space<vmem>>
      %dma_wait3A_3619 = arith.constant 0 : i32
      %dma_wait3A_3620 = tpu.memref_slice %arg2[%add3A_3613, %dma_wait3A_3619] : memref<8192x128xi32, #tpu.memory_space<hbm>> -> memref<4x128xi32, #tpu.memory_space<hbm>>
      %dma_wait3A_3621 = arith.constant 0 : i32
      %dma_wait3A_3622 = arith.constant 0 : i32
      %dma_wait3A_3623 = tpu.memref_slice %arg5[%dma_wait3A_3614, %dma_wait3A_3621, %dma_wait3A_3622] : memref<2x4x128xi32, #tpu.memory_space<vmem>> -> memref<1x4x128xi32, #tpu.memory_space<vmem>>
      %dma_wait3A_3624 = tpu.memref_squeeze %dma_wait3A_3623 : memref<1x4x128xi32, #tpu.memory_space<vmem>> -> memref<4x128xi32, #tpu.memory_space<vmem>>
      %dma_wait3A_3625 = arith.constant 0 : i32
      %dma_wait3A_3626 = tpu.memref_slice %arg2[%add3A_3613, %dma_wait3A_3625] : memref<8192x128xi32, #tpu.memory_space<hbm>> -> memref<4x128xi32, #tpu.memory_space<hbm>>
      tpu.wait_dma2 semaphore(%arg16 : memref<!tpu.dma_semaphore, #tpu.memory_space<semaphore_mem>>) src(%dma_wait3A_3626 : memref<4x128xi32, #tpu.memory_space<hbm>>) dst(%dma_wait3A_3624 : memref<4x128xi32, #tpu.memory_space<vmem>>)
      %get3A_3627 = arith.constant 1 : i32
      %get3A_3628 = arith.constant 0 : i32
      %get3A_3629 = arith.constant 0 : i32
      %get3A_3630 = arith.constant 0 : i32
      %get3A_3631 = tpu.memref_slice %arg5[%get3A_3627, %get3A_3629, %get3A_3630] : memref<2x4x128xi32, #tpu.memory_space<vmem>> -> memref<1x4x128xi32, #tpu.memory_space<vmem>>
      %get3A_3632 = tpu.memref_squeeze %get3A_3631 : memref<1x4x128xi32, #tpu.memory_space<vmem>> -> memref<4x128xi32, #tpu.memory_space<vmem>>
      %get3A_3633 = arith.constant 0 : i32
      %get3A_3634 = tpu.memref_slice %get3A_3632[%get3A_3628, %get3A_3633] : memref<4x128xi32, #tpu.memory_space<vmem>> -> memref<1x128xi32, #tpu.memory_space<vmem>>
      %get3A_3635 = tpu.memref_squeeze %get3A_3634 : memref<1x128xi32, #tpu.memory_space<vmem>> -> memref<128xi32, #tpu.memory_space<vmem>>
      %get3A_3636 = arith.constant 0 : index
      %get3A_3637 = tpu.vector_load %get3A_3635[%get3A_3636] {strides = array<i32>} : memref<128xi32, #tpu.memory_space<vmem>>, vector<16xi32>,
      %get3A_3638 = vector.shape_cast %get3A_3637 : vector<16xi32> to vector<16xi32>
      %add3A_3639 = vector.broadcast %mul3A_13 : i32 to vector<16xi32>
      %add3A_3640 = arith.addi %get3A_3638, %add3A_3639 : vector<16xi32>
      %swap3A_3641 = arith.constant 1 : i32
      %swap3A_3642 = arith.constant 0 : i32
      %swap3A_3643 = arith.constant 0 : i32
      %swap3A_3644 = arith.constant 0 : i32
      %swap3A_3645 = tpu.memref_slice %arg5[%swap3A_3641, %swap3A_3643, %swap3A_3644] : memref<2x4x128xi32, #tpu.memory_space<vmem>> -> memref<1x4x128xi32, #tpu.memory_space<vmem>>
      %swap3A_3646 = tpu.memref_squeeze %swap3A_3645 : memref<1x4x128xi32, #tpu.memory_space<vmem>> -> memref<4x128xi32, #tpu.memory_space<vmem>>
      %swap3A_3647 = arith.constant 0 : i32
      %swap3A_3648 = tpu.memref_slice %swap3A_3646[%swap3A_3642, %swap3A_3647] : memref<4x128xi32, #tpu.memory_space<vmem>> -> memref<1x128xi32, #tpu.memory_space<vmem>>
      %swap3A_3649 = tpu.memref_squeeze %swap3A_3648 : memref<1x128xi32, #tpu.memory_space<vmem>> -> memref<128xi32, #tpu.memory_space<vmem>>
      %swap3A_3650 = arith.constant 0 : index
      %swap3A_3651 = tpu.vector_load %swap3A_3649[%swap3A_3650] {strides = array<i32>} : memref<128xi32, #tpu.memory_space<vmem>>, vector<16xi32>,
      %swap3A_3652 = vector.shape_cast %swap3A_3651 : vector<16xi32> to vector<16xi32>
      %swap3A_3653 = vector.shape_cast %add3A_3640 : vector<16xi32> to vector<16xi32>
      tpu.vector_store %swap3A_3649[%swap3A_3650], %swap3A_3653 {strides = array<i32>} : memref<128xi32, #tpu.memory_space<vmem>>, vector<16xi32>,
      %get3A_3654 = arith.constant 1 : i32
      %get3A_3655 = arith.constant 0 : i32
      %get3A_3656 = arith.constant 0 : i32
      %get3A_3657 = arith.constant 0 : i32
      %get3A_3658 = tpu.memref_slice %arg5[%get3A_3654, %get3A_3656, %get3A_3657] : memref<2x4x128xi32, #tpu.memory_space<vmem>> -> memref<1x4x128xi32, #tpu.memory_space<vmem>>
      %get3A_3659 = tpu.memref_squeeze %get3A_3658 : memref<1x4x128xi32, #tpu.memory_space<vmem>> -> memref<4x128xi32, #tpu.memory_space<vmem>>
      %get3A_3660 = arith.constant 0 : i32
      %get3A_3661 = tpu.memref_slice %get3A_3659[%get3A_3655, %get3A_3660] : memref<4x128xi32, #tpu.memory_space<vmem>> -> memref<1x128xi32, #tpu.memory_space<vmem>>
      %get3A_3662 = tpu.memref_squeeze %get3A_3661 : memref<1x128xi32, #tpu.memory_space<vmem>> -> memref<128xi32, #tpu.memory_space<vmem>>
      %get3A_3663 = arith.constant 16 : index
      %get3A_3664 = tpu.vector_load %get3A_3662[%get3A_3663] {strides = array<i32>} : memref<128xi32, #tpu.memory_space<vmem>>, vector<16xi32>,
      %get3A_3665 = vector.shape_cast %get3A_3664 : vector<16xi32> to vector<16xi32>
      %add3A_3666 = vector.broadcast %mul3A_13 : i32 to vector<16xi32>
      %add3A_3667 = arith.addi %get3A_3665, %add3A_3666 : vector<16xi32>
      %swap3A_3668 = arith.constant 1 : i32
      %swap3A_3669 = arith.constant 0 : i32
      %swap3A_3670 = arith.constant 0 : i32
      %swap3A_3671 = arith.constant 0 : i32
      %swap3A_3672 = tpu.memref_slice %arg5[%swap3A_3668, %swap3A_3670, %swap3A_3671] : memref<2x4x128xi32, #tpu.memory_space<vmem>> -> memref<1x4x128xi32, #tpu.memory_space<vmem>>
      %swap3A_3673 = tpu.memref_squeeze %swap3A_3672 : memref<1x4x128xi32, #tpu.memory_space<vmem>> -> memref<4x128xi32, #tpu.memory_space<vmem>>
      %swap3A_3674 = arith.constant 0 : i32
      %swap3A_3675 = tpu.memref_slice %swap3A_3673[%swap3A_3669, %swap3A_3674] : memref<4x128xi32, #tpu.memory_space<vmem>> -> memref<1x128xi32, #tpu.memory_space<vmem>>
      %swap3A_3676 = tpu.memref_squeeze %swap3A_3675 : memref<1x128xi32, #tpu.memory_space<vmem>> -> memref<128xi32, #tpu.memory_space<vmem>>
      %swap3A_3677 = arith.constant 16 : index
      %swap3A_3678 = tpu.vector_load %swap3A_3676[%swap3A_3677] {strides = array<i32>} : memref<128xi32, #tpu.memory_space<vmem>>, vector<16xi32>,
      %swap3A_3679 = vector.shape_cast %swap3A_3678 : vector<16xi32> to vector<16xi32>
      %swap3A_3680 = vector.shape_cast %add3A_3667 : vector<16xi32> to vector<16xi32>
      tpu.vector_store %swap3A_3676[%swap3A_3677], %swap3A_3680 {strides = array<i32>} : memref<128xi32, #tpu.memory_space<vmem>>, vector<16xi32>,
      %get3A_3681 = arith.constant 1 : i32
      %get3A_3682 = arith.constant 0 : i32
      %get3A_3683 = arith.constant 0 : i32
      %get3A_3684 = arith.constant 0 : i32
      %get3A_3685 = tpu.memref_slice %arg5[%get3A_3681, %get3A_3683, %get3A_3684] : memref<2x4x128xi32, #tpu.memory_space<vmem>> -> memref<1x4x128xi32, #tpu.memory_space<vmem>>
      %get3A_3686 = tpu.memref_squeeze %get3A_3685 : memref<1x4x128xi32, #tpu.memory_space<vmem>> -> memref<4x128xi32, #tpu.memory_space<vmem>>
      %get3A_3687 = arith.constant 0 : i32
      %get3A_3688 = tpu.memref_slice %get3A_3686[%get3A_3682, %get3A_3687] : memref<4x128xi32, #tpu.memory_space<vmem>> -> memref<1x128xi32, #tpu.memory_space<vmem>>
      %get3A_3689 = tpu.memref_squeeze %get3A_3688 : memref<1x128xi32, #tpu.memory_space<vmem>> -> memref<128xi32, #tpu.memory_space<vmem>>
      %get3A_3690 = arith.constant 32 : index
      %get3A_3691 = tpu.vector_load %get3A_3689[%get3A_3690] {strides = array<i32>} : memref<128xi32, #tpu.memory_space<vmem>>, vector<16xi32>,
      %get3A_3692 = vector.shape_cast %get3A_3691 : vector<16xi32> to vector<16xi32>
      %add3A_3693 = vector.broadcast %mul3A_13 : i32 to vector<16xi32>
      %add3A_3694 = arith.addi %get3A_3692, %add3A_3693 : vector<16xi32>
      %swap3A_3695 = arith.constant 1 : i32
      %swap3A_3696 = arith.constant 0 : i32
      %swap3A_3697 = arith.constant 0 : i32
      %swap3A_3698 = arith.constant 0 : i32
      %swap3A_3699 = tpu.memref_slice %arg5[%swap3A_3695, %swap3A_3697, %swap3A_3698] : memref<2x4x128xi32, #tpu.memory_space<vmem>> -> memref<1x4x128xi32, #tpu.memory_space<vmem>>
      %swap3A_3700 = tpu.memref_squeeze %swap3A_3699 : memref<1x4x128xi32, #tpu.memory_space<vmem>> -> memref<4x128xi32, #tpu.memory_space<vmem>>
      %swap3A_3701 = arith.constant 0 : i32
      %swap3A_3702 = tpu.memref_slice %swap3A_3700[%swap3A_3696, %swap3A_3701] : memref<4x128xi32, #tpu.memory_space<vmem>> -> memref<1x128xi32, #tpu.memory_space<vmem>>
      %swap3A_3703 = tpu.memref_squeeze %swap3A_3702 : memref<1x128xi32, #tpu.memory_space<vmem>> -> memref<128xi32, #tpu.memory_space<vmem>>
      %swap3A_3704 = arith.constant 32 : index
      %swap3A_3705 = tpu.vector_load %swap3A_3703[%swap3A_3704] {strides = array<i32>} : memref<128xi32, #tpu.memory_space<vmem>>, vector<16xi32>,
      %swap3A_3706 = vector.shape_cast %swap3A_3705 : vector<16xi32> to vector<16xi32>
      %swap3A_3707 = vector.shape_cast %add3A_3694 : vector<16xi32> to vector<16xi32>
      tpu.vector_store %swap3A_3703[%swap3A_3704], %swap3A_3707 {strides = array<i32>} : memref<128xi32, #tpu.memory_space<vmem>>, vector<16xi32>,
      %get3A_3708 = arith.constant 1 : i32
      %get3A_3709 = arith.constant 0 : i32
      %get3A_3710 = arith.constant 0 : i32
      %get3A_3711 = arith.constant 0 : i32
      %get3A_3712 = tpu.memref_slice %arg5[%get3A_3708, %get3A_3710, %get3A_3711] : memref<2x4x128xi32, #tpu.memory_space<vmem>> -> memref<1x4x128xi32, #tpu.memory_space<vmem>>
      %get3A_3713 = tpu.memref_squeeze %get3A_3712 : memref<1x4x128xi32, #tpu.memory_space<vmem>> -> memref<4x128xi32, #tpu.memory_space<vmem>>
      %get3A_3714 = arith.constant 0 : i32
      %get3A_3715 = tpu.memref_slice %get3A_3713[%get3A_3709, %get3A_3714] : memref<4x128xi32, #tpu.memory_space<vmem>> -> memref<1x128xi32, #tpu.memory_space<vmem>>
      %get3A_3716 = tpu.memref_squeeze %get3A_3715 : memref<1x128xi32, #tpu.memory_space<vmem>> -> memref<128xi32, #tpu.memory_space<vmem>>
      %get3A_3717 = arith.constant 48 : index
      %get3A_3718 = tpu.vector_load %get3A_3716[%get3A_3717] {strides = array<i32>} : memref<128xi32, #tpu.memory_space<vmem>>, vector<16xi32>,
      %get3A_3719 = vector.shape_cast %get3A_3718 : vector<16xi32> to vector<16xi32>
      %add3A_3720 = vector.broadcast %mul3A_13 : i32 to vector<16xi32>
      %add3A_3721 = arith.addi %get3A_3719, %add3A_3720 : vector<16xi32>
      %swap3A_3722 = arith.constant 1 : i32
      %swap3A_3723 = arith.constant 0 : i32
      %swap3A_3724 = arith.constant 0 : i32
      %swap3A_3725 = arith.constant 0 : i32
      %swap3A_3726 = tpu.memref_slice %arg5[%swap3A_3722, %swap3A_3724, %swap3A_3725] : memref<2x4x128xi32, #tpu.memory_space<vmem>> -> memref<1x4x128xi32, #tpu.memory_space<vmem>>
      %swap3A_3727 = tpu.memref_squeeze %swap3A_3726 : memref<1x4x128xi32, #tpu.memory_space<vmem>> -> memref<4x128xi32, #tpu.memory_space<vmem>>
      %swap3A_3728 = arith.constant 0 : i32
      %swap3A_3729 = tpu.memref_slice %swap3A_3727[%swap3A_3723, %swap3A_3728] : memref<4x128xi32, #tpu.memory_space<vmem>> -> memref<1x128xi32, #tpu.memory_space<vmem>>
      %swap3A_3730 = tpu.memref_squeeze %swap3A_3729 : memref<1x128xi32, #tpu.memory_space<vmem>> -> memref<128xi32, #tpu.memory_space<vmem>>
      %swap3A_3731 = arith.constant 48 : index
      %swap3A_3732 = tpu.vector_load %swap3A_3730[%swap3A_3731] {strides = array<i32>} : memref<128xi32, #tpu.memory_space<vmem>>, vector<16xi32>,
      %swap3A_3733 = vector.shape_cast %swap3A_3732 : vector<16xi32> to vector<16xi32>
      %swap3A_3734 = vector.shape_cast %add3A_3721 : vector<16xi32> to vector<16xi32>
      tpu.vector_store %swap3A_3730[%swap3A_3731], %swap3A_3734 {strides = array<i32>} : memref<128xi32, #tpu.memory_space<vmem>>, vector<16xi32>,
      %get3A_3735 = arith.constant 1 : i32
      %get3A_3736 = arith.constant 0 : i32
      %get3A_3737 = arith.constant 0 : i32
      %get3A_3738 = arith.constant 0 : i32
      %get3A_3739 = tpu.memref_slice %arg5[%get3A_3735, %get3A_3737, %get3A_3738] : memref<2x4x128xi32, #tpu.memory_space<vmem>> -> memref<1x4x128xi32, #tpu.memory_space<vmem>>
      %get3A_3740 = tpu.memref_squeeze %get3A_3739 : memref<1x4x128xi32, #tpu.memory_space<vmem>> -> memref<4x128xi32, #tpu.memory_space<vmem>>
      %get3A_3741 = arith.constant 0 : i32
      %get3A_3742 = tpu.memref_slice %get3A_3740[%get3A_3736, %get3A_3741] : memref<4x128xi32, #tpu.memory_space<vmem>> -> memref<1x128xi32, #tpu.memory_space<vmem>>
      %get3A_3743 = tpu.memref_squeeze %get3A_3742 : memref<1x128xi32, #tpu.memory_space<vmem>> -> memref<128xi32, #tpu.memory_space<vmem>>
      %get3A_3744 = arith.constant 64 : index
      %get3A_3745 = tpu.vector_load %get3A_3743[%get3A_3744] {strides = array<i32>} : memref<128xi32, #tpu.memory_space<vmem>>, vector<16xi32>,
      %get3A_3746 = vector.shape_cast %get3A_3745 : vector<16xi32> to vector<16xi32>
      %add3A_3747 = vector.broadcast %mul3A_13 : i32 to vector<16xi32>
      %add3A_3748 = arith.addi %get3A_3746, %add3A_3747 : vector<16xi32>
      %swap3A_3749 = arith.constant 1 : i32
      %swap3A_3750 = arith.constant 0 : i32
      %swap3A_3751 = arith.constant 0 : i32
      %swap3A_3752 = arith.constant 0 : i32
      %swap3A_3753 = tpu.memref_slice %arg5[%swap3A_3749, %swap3A_3751, %swap3A_3752] : memref<2x4x128xi32, #tpu.memory_space<vmem>> -> memref<1x4x128xi32, #tpu.memory_space<vmem>>
      %swap3A_3754 = tpu.memref_squeeze %swap3A_3753 : memref<1x4x128xi32, #tpu.memory_space<vmem>> -> memref<4x128xi32, #tpu.memory_space<vmem>>
      %swap3A_3755 = arith.constant 0 : i32
      %swap3A_3756 = tpu.memref_slice %swap3A_3754[%swap3A_3750, %swap3A_3755] : memref<4x128xi32, #tpu.memory_space<vmem>> -> memref<1x128xi32, #tpu.memory_space<vmem>>
      %swap3A_3757 = tpu.memref_squeeze %swap3A_3756 : memref<1x128xi32, #tpu.memory_space<vmem>> -> memref<128xi32, #tpu.memory_space<vmem>>
      %swap3A_3758 = arith.constant 64 : index
      %swap3A_3759 = tpu.vector_load %swap3A_3757[%swap3A_3758] {strides = array<i32>} : memref<128xi32, #tpu.memory_space<vmem>>, vector<16xi32>,
      %swap3A_3760 = vector.shape_cast %swap3A_3759 : vector<16xi32> to vector<16xi32>
      %swap3A_3761 = vector.shape_cast %add3A_3748 : vector<16xi32> to vector<16xi32>
      tpu.vector_store %swap3A_3757[%swap3A_3758], %swap3A_3761 {strides = array<i32>} : memref<128xi32, #tpu.memory_space<vmem>>, vector<16xi32>,
      %get3A_3762 = arith.constant 1 : i32
      %get3A_3763 = arith.constant 0 : i32
      %get3A_3764 = arith.constant 0 : i32
      %get3A_3765 = arith.constant 0 : i32
      %get3A_3766 = tpu.memref_slice %arg5[%get3A_3762, %get3A_3764, %get3A_3765] : memref<2x4x128xi32, #tpu.memory_space<vmem>> -> memref<1x4x128xi32, #tpu.memory_space<vmem>>
      %get3A_3767 = tpu.memref_squeeze %get3A_3766 : memref<1x4x128xi32, #tpu.memory_space<vmem>> -> memref<4x128xi32, #tpu.memory_space<vmem>>
      %get3A_3768 = arith.constant 0 : i32
      %get3A_3769 = tpu.memref_slice %get3A_3767[%get3A_3763, %get3A_3768] : memref<4x128xi32, #tpu.memory_space<vmem>> -> memref<1x128xi32, #tpu.memory_space<vmem>>
      %get3A_3770 = tpu.memref_squeeze %get3A_3769 : memref<1x128xi32, #tpu.memory_space<vmem>> -> memref<128xi32, #tpu.memory_space<vmem>>
      %get3A_3771 = arith.constant 80 : index
      %get3A_3772 = tpu.vector_load %get3A_3770[%get3A_3771] {strides = array<i32>} : memref<128xi32, #tpu.memory_space<vmem>>, vector<16xi32>,
      %get3A_3773 = vector.shape_cast %get3A_3772 : vector<16xi32> to vector<16xi32>
      %add3A_3774 = vector.broadcast %mul3A_13 : i32 to vector<16xi32>
      %add3A_3775 = arith.addi %get3A_3773, %add3A_3774 : vector<16xi32>
      %swap3A_3776 = arith.constant 1 : i32
      %swap3A_3777 = arith.constant 0 : i32
      %swap3A_3778 = arith.constant 0 : i32
      %swap3A_3779 = arith.constant 0 : i32
      %swap3A_3780 = tpu.memref_slice %arg5[%swap3A_3776, %swap3A_3778, %swap3A_3779] : memref<2x4x128xi32, #tpu.memory_space<vmem>> -> memref<1x4x128xi32, #tpu.memory_space<vmem>>
      %swap3A_3781 = tpu.memref_squeeze %swap3A_3780 : memref<1x4x128xi32, #tpu.memory_space<vmem>> -> memref<4x128xi32, #tpu.memory_space<vmem>>
      %swap3A_3782 = arith.constant 0 : i32
      %swap3A_3783 = tpu.memref_slice %swap3A_3781[%swap3A_3777, %swap3A_3782] : memref<4x128xi32, #tpu.memory_space<vmem>> -> memref<1x128xi32, #tpu.memory_space<vmem>>
      %swap3A_3784 = tpu.memref_squeeze %swap3A_3783 : memref<1x128xi32, #tpu.memory_space<vmem>> -> memref<128xi32, #tpu.memory_space<vmem>>
      %swap3A_3785 = arith.constant 80 : index
      %swap3A_3786 = tpu.vector_load %swap3A_3784[%swap3A_3785] {strides = array<i32>} : memref<128xi32, #tpu.memory_space<vmem>>, vector<16xi32>,
      %swap3A_3787 = vector.shape_cast %swap3A_3786 : vector<16xi32> to vector<16xi32>
      %swap3A_3788 = vector.shape_cast %add3A_3775 : vector<16xi32> to vector<16xi32>
      tpu.vector_store %swap3A_3784[%swap3A_3785], %swap3A_3788 {strides = array<i32>} : memref<128xi32, #tpu.memory_space<vmem>>, vector<16xi32>,
      %get3A_3789 = arith.constant 1 : i32
      %get3A_3790 = arith.constant 0 : i32
      %get3A_3791 = arith.constant 0 : i32
      %get3A_3792 = arith.constant 0 : i32
      %get3A_3793 = tpu.memref_slice %arg5[%get3A_3789, %get3A_3791, %get3A_3792] : memref<2x4x128xi32, #tpu.memory_space<vmem>> -> memref<1x4x128xi32, #tpu.memory_space<vmem>>
      %get3A_3794 = tpu.memref_squeeze %get3A_3793 : memref<1x4x128xi32, #tpu.memory_space<vmem>> -> memref<4x128xi32, #tpu.memory_space<vmem>>
      %get3A_3795 = arith.constant 0 : i32
      %get3A_3796 = tpu.memref_slice %get3A_3794[%get3A_3790, %get3A_3795] : memref<4x128xi32, #tpu.memory_space<vmem>> -> memref<1x128xi32, #tpu.memory_space<vmem>>
      %get3A_3797 = tpu.memref_squeeze %get3A_3796 : memref<1x128xi32, #tpu.memory_space<vmem>> -> memref<128xi32, #tpu.memory_space<vmem>>
      %get3A_3798 = arith.constant 96 : index
      %get3A_3799 = tpu.vector_load %get3A_3797[%get3A_3798] {strides = array<i32>} : memref<128xi32, #tpu.memory_space<vmem>>, vector<16xi32>,
      %get3A_3800 = vector.shape_cast %get3A_3799 : vector<16xi32> to vector<16xi32>
      %add3A_3801 = vector.broadcast %mul3A_13 : i32 to vector<16xi32>
      %add3A_3802 = arith.addi %get3A_3800, %add3A_3801 : vector<16xi32>
      %swap3A_3803 = arith.constant 1 : i32
      %swap3A_3804 = arith.constant 0 : i32
      %swap3A_3805 = arith.constant 0 : i32
      %swap3A_3806 = arith.constant 0 : i32
      %swap3A_3807 = tpu.memref_slice %arg5[%swap3A_3803, %swap3A_3805, %swap3A_3806] : memref<2x4x128xi32, #tpu.memory_space<vmem>> -> memref<1x4x128xi32, #tpu.memory_space<vmem>>
      %swap3A_3808 = tpu.memref_squeeze %swap3A_3807 : memref<1x4x128xi32, #tpu.memory_space<vmem>> -> memref<4x128xi32, #tpu.memory_space<vmem>>
      %swap3A_3809 = arith.constant 0 : i32
      %swap3A_3810 = tpu.memref_slice %swap3A_3808[%swap3A_3804, %swap3A_3809] : memref<4x128xi32, #tpu.memory_space<vmem>> -> memref<1x128xi32, #tpu.memory_space<vmem>>
      %swap3A_3811 = tpu.memref_squeeze %swap3A_3810 : memref<1x128xi32, #tpu.memory_space<vmem>> -> memref<128xi32, #tpu.memory_space<vmem>>
      %swap3A_3812 = arith.constant 96 : index
      %swap3A_3813 = tpu.vector_load %swap3A_3811[%swap3A_3812] {strides = array<i32>} : memref<128xi32, #tpu.memory_space<vmem>>, vector<16xi32>,
      %swap3A_3814 = vector.shape_cast %swap3A_3813 : vector<16xi32> to vector<16xi32>
      %swap3A_3815 = vector.shape_cast %add3A_3802 : vector<16xi32> to vector<16xi32>
      tpu.vector_store %swap3A_3811[%swap3A_3812], %swap3A_3815 {strides = array<i32>} : memref<128xi32, #tpu.memory_space<vmem>>, vector<16xi32>,
      %get3A_3816 = arith.constant 1 : i32
      %get3A_3817 = arith.constant 0 : i32
      %get3A_3818 = arith.constant 0 : i32
      %get3A_3819 = arith.constant 0 : i32
      %get3A_3820 = tpu.memref_slice %arg5[%get3A_3816, %get3A_3818, %get3A_3819] : memref<2x4x128xi32, #tpu.memory_space<vmem>> -> memref<1x4x128xi32, #tpu.memory_space<vmem>>
      %get3A_3821 = tpu.memref_squeeze %get3A_3820 : memref<1x4x128xi32, #tpu.memory_space<vmem>> -> memref<4x128xi32, #tpu.memory_space<vmem>>
      %get3A_3822 = arith.constant 0 : i32
      %get3A_3823 = tpu.memref_slice %get3A_3821[%get3A_3817, %get3A_3822] : memref<4x128xi32, #tpu.memory_space<vmem>> -> memref<1x128xi32, #tpu.memory_space<vmem>>
      %get3A_3824 = tpu.memref_squeeze %get3A_3823 : memref<1x128xi32, #tpu.memory_space<vmem>> -> memref<128xi32, #tpu.memory_space<vmem>>
      %get3A_3825 = arith.constant 112 : index
      %get3A_3826 = tpu.vector_load %get3A_3824[%get3A_3825] {strides = array<i32>} : memref<128xi32, #tpu.memory_space<vmem>>, vector<16xi32>,
      %get3A_3827 = vector.shape_cast %get3A_3826 : vector<16xi32> to vector<16xi32>
      %add3A_3828 = vector.broadcast %mul3A_13 : i32 to vector<16xi32>
      %add3A_3829 = arith.addi %get3A_3827, %add3A_3828 : vector<16xi32>
      %swap3A_3830 = arith.constant 1 : i32
      %swap3A_3831 = arith.constant 0 : i32
      %swap3A_3832 = arith.constant 0 : i32
      %swap3A_3833 = arith.constant 0 : i32
      %swap3A_3834 = tpu.memref_slice %arg5[%swap3A_3830, %swap3A_3832, %swap3A_3833] : memref<2x4x128xi32, #tpu.memory_space<vmem>> -> memref<1x4x128xi32, #tpu.memory_space<vmem>>
      %swap3A_3835 = tpu.memref_squeeze %swap3A_3834 : memref<1x4x128xi32, #tpu.memory_space<vmem>> -> memref<4x128xi32, #tpu.memory_space<vmem>>
      %swap3A_3836 = arith.constant 0 : i32
      %swap3A_3837 = tpu.memref_slice %swap3A_3835[%swap3A_3831, %swap3A_3836] : memref<4x128xi32, #tpu.memory_space<vmem>> -> memref<1x128xi32, #tpu.memory_space<vmem>>
      %swap3A_3838 = tpu.memref_squeeze %swap3A_3837 : memref<1x128xi32, #tpu.memory_space<vmem>> -> memref<128xi32, #tpu.memory_space<vmem>>
      %swap3A_3839 = arith.constant 112 : index
      %swap3A_3840 = tpu.vector_load %swap3A_3838[%swap3A_3839] {strides = array<i32>} : memref<128xi32, #tpu.memory_space<vmem>>, vector<16xi32>,
      %swap3A_3841 = vector.shape_cast %swap3A_3840 : vector<16xi32> to vector<16xi32>
      %swap3A_3842 = vector.shape_cast %add3A_3829 : vector<16xi32> to vector<16xi32>
      tpu.vector_store %swap3A_3838[%swap3A_3839], %swap3A_3842 {strides = array<i32>} : memref<128xi32, #tpu.memory_space<vmem>>, vector<16xi32>,
      %get3A_3843 = arith.constant 1 : i32
      %get3A_3844 = arith.constant 1 : i32
      %get3A_3845 = arith.constant 0 : i32
      %get3A_3846 = arith.constant 0 : i32
      %get3A_3847 = tpu.memref_slice %arg5[%get3A_3843, %get3A_3845, %get3A_3846] : memref<2x4x128xi32, #tpu.memory_space<vmem>> -> memref<1x4x128xi32, #tpu.memory_space<vmem>>
      %get3A_3848 = tpu.memref_squeeze %get3A_3847 : memref<1x4x128xi32, #tpu.memory_space<vmem>> -> memref<4x128xi32, #tpu.memory_space<vmem>>
      %get3A_3849 = arith.constant 0 : i32
      %get3A_3850 = tpu.memref_slice %get3A_3848[%get3A_3844, %get3A_3849] : memref<4x128xi32, #tpu.memory_space<vmem>> -> memref<1x128xi32, #tpu.memory_space<vmem>>
      %get3A_3851 = tpu.memref_squeeze %get3A_3850 : memref<1x128xi32, #tpu.memory_space<vmem>> -> memref<128xi32, #tpu.memory_space<vmem>>
      %get3A_3852 = arith.constant 0 : index
      %get3A_3853 = tpu.vector_load %get3A_3851[%get3A_3852] {strides = array<i32>} : memref<128xi32, #tpu.memory_space<vmem>>, vector<16xi32>,
      %get3A_3854 = vector.shape_cast %get3A_3853 : vector<16xi32> to vector<16xi32>
      %add3A_3855 = vector.broadcast %mul3A_13 : i32 to vector<16xi32>
      %add3A_3856 = arith.addi %get3A_3854, %add3A_3855 : vector<16xi32>
      %swap3A_3857 = arith.constant 1 : i32
      %swap3A_3858 = arith.constant 1 : i32
      %swap3A_3859 = arith.constant 0 : i32
      %swap3A_3860 = arith.constant 0 : i32
      %swap3A_3861 = tpu.memref_slice %arg5[%swap3A_3857, %swap3A_3859, %swap3A_3860] : memref<2x4x128xi32, #tpu.memory_space<vmem>> -> memref<1x4x128xi32, #tpu.memory_space<vmem>>
      %swap3A_3862 = tpu.memref_squeeze %swap3A_3861 : memref<1x4x128xi32, #tpu.memory_space<vmem>> -> memref<4x128xi32, #tpu.memory_space<vmem>>
      %swap3A_3863 = arith.constant 0 : i32
      %swap3A_3864 = tpu.memref_slice %swap3A_3862[%swap3A_3858, %swap3A_3863] : memref<4x128xi32, #tpu.memory_space<vmem>> -> memref<1x128xi32, #tpu.memory_space<vmem>>
      %swap3A_3865 = tpu.memref_squeeze %swap3A_3864 : memref<1x128xi32, #tpu.memory_space<vmem>> -> memref<128xi32, #tpu.memory_space<vmem>>
      %swap3A_3866 = arith.constant 0 : index
      %swap3A_3867 = tpu.vector_load %swap3A_3865[%swap3A_3866] {strides = array<i32>} : memref<128xi32, #tpu.memory_space<vmem>>, vector<16xi32>,
      %swap3A_3868 = vector.shape_cast %swap3A_3867 : vector<16xi32> to vector<16xi32>
      %swap3A_3869 = vector.shape_cast %add3A_3856 : vector<16xi32> to vector<16xi32>
      tpu.vector_store %swap3A_3865[%swap3A_3866], %swap3A_3869 {strides = array<i32>} : memref<128xi32, #tpu.memory_space<vmem>>, vector<16xi32>,
      %get3A_3870 = arith.constant 1 : i32
      %get3A_3871 = arith.constant 1 : i32
      %get3A_3872 = arith.constant 0 : i32
      %get3A_3873 = arith.constant 0 : i32
      %get3A_3874 = tpu.memref_slice %arg5[%get3A_3870, %get3A_3872, %get3A_3873] : memref<2x4x128xi32, #tpu.memory_space<vmem>> -> memref<1x4x128xi32, #tpu.memory_space<vmem>>
      %get3A_3875 = tpu.memref_squeeze %get3A_3874 : memref<1x4x128xi32, #tpu.memory_space<vmem>> -> memref<4x128xi32, #tpu.memory_space<vmem>>
      %get3A_3876 = arith.constant 0 : i32
      %get3A_3877 = tpu.memref_slice %get3A_3875[%get3A_3871, %get3A_3876] : memref<4x128xi32, #tpu.memory_space<vmem>> -> memref<1x128xi32, #tpu.memory_space<vmem>>
      %get3A_3878 = tpu.memref_squeeze %get3A_3877 : memref<1x128xi32, #tpu.memory_space<vmem>> -> memref<128xi32, #tpu.memory_space<vmem>>
      %get3A_3879 = arith.constant 16 : index
      %get3A_3880 = tpu.vector_load %get3A_3878[%get3A_3879] {strides = array<i32>} : memref<128xi32, #tpu.memory_space<vmem>>, vector<16xi32>,
      %get3A_3881 = vector.shape_cast %get3A_3880 : vector<16xi32> to vector<16xi32>
      %add3A_3882 = vector.broadcast %mul3A_13 : i32 to vector<16xi32>
      %add3A_3883 = arith.addi %get3A_3881, %add3A_3882 : vector<16xi32>
      %swap3A_3884 = arith.constant 1 : i32
      %swap3A_3885 = arith.constant 1 : i32
      %swap3A_3886 = arith.constant 0 : i32
      %swap3A_3887 = arith.constant 0 : i32
      %swap3A_3888 = tpu.memref_slice %arg5[%swap3A_3884, %swap3A_3886, %swap3A_3887] : memref<2x4x128xi32, #tpu.memory_space<vmem>> -> memref<1x4x128xi32, #tpu.memory_space<vmem>>
      %swap3A_3889 = tpu.memref_squeeze %swap3A_3888 : memref<1x4x128xi32, #tpu.memory_space<vmem>> -> memref<4x128xi32, #tpu.memory_space<vmem>>
      %swap3A_3890 = arith.constant 0 : i32
      %swap3A_3891 = tpu.memref_slice %swap3A_3889[%swap3A_3885, %swap3A_3890] : memref<4x128xi32, #tpu.memory_space<vmem>> -> memref<1x128xi32, #tpu.memory_space<vmem>>
      %swap3A_3892 = tpu.memref_squeeze %swap3A_3891 : memref<1x128xi32, #tpu.memory_space<vmem>> -> memref<128xi32, #tpu.memory_space<vmem>>
      %swap3A_3893 = arith.constant 16 : index
      %swap3A_3894 = tpu.vector_load %swap3A_3892[%swap3A_3893] {strides = array<i32>} : memref<128xi32, #tpu.memory_space<vmem>>, vector<16xi32>,
      %swap3A_3895 = vector.shape_cast %swap3A_3894 : vector<16xi32> to vector<16xi32>
      %swap3A_3896 = vector.shape_cast %add3A_3883 : vector<16xi32> to vector<16xi32>
      tpu.vector_store %swap3A_3892[%swap3A_3893], %swap3A_3896 {strides = array<i32>} : memref<128xi32, #tpu.memory_space<vmem>>, vector<16xi32>,
      %get3A_3897 = arith.constant 1 : i32
      %get3A_3898 = arith.constant 1 : i32
      %get3A_3899 = arith.constant 0 : i32
      %get3A_3900 = arith.constant 0 : i32
      %get3A_3901 = tpu.memref_slice %arg5[%get3A_3897, %get3A_3899, %get3A_3900] : memref<2x4x128xi32, #tpu.memory_space<vmem>> -> memref<1x4x128xi32, #tpu.memory_space<vmem>>
      %get3A_3902 = tpu.memref_squeeze %get3A_3901 : memref<1x4x128xi32, #tpu.memory_space<vmem>> -> memref<4x128xi32, #tpu.memory_space<vmem>>
      %get3A_3903 = arith.constant 0 : i32
      %get3A_3904 = tpu.memref_slice %get3A_3902[%get3A_3898, %get3A_3903] : memref<4x128xi32, #tpu.memory_space<vmem>> -> memref<1x128xi32, #tpu.memory_space<vmem>>
      %get3A_3905 = tpu.memref_squeeze %get3A_3904 : memref<1x128xi32, #tpu.memory_space<vmem>> -> memref<128xi32, #tpu.memory_space<vmem>>
      %get3A_3906 = arith.constant 32 : index
      %get3A_3907 = tpu.vector_load %get3A_3905[%get3A_3906] {strides = array<i32>} : memref<128xi32, #tpu.memory_space<vmem>>, vector<16xi32>,
      %get3A_3908 = vector.shape_cast %get3A_3907 : vector<16xi32> to vector<16xi32>
      %add3A_3909 = vector.broadcast %mul3A_13 : i32 to vector<16xi32>
      %add3A_3910 = arith.addi %get3A_3908, %add3A_3909 : vector<16xi32>
      %swap3A_3911 = arith.constant 1 : i32
      %swap3A_3912 = arith.constant 1 : i32
      %swap3A_3913 = arith.constant 0 : i32
      %swap3A_3914 = arith.constant 0 : i32
      %swap3A_3915 = tpu.memref_slice %arg5[%swap3A_3911, %swap3A_3913, %swap3A_3914] : memref<2x4x128xi32, #tpu.memory_space<vmem>> -> memref<1x4x128xi32, #tpu.memory_space<vmem>>
      %swap3A_3916 = tpu.memref_squeeze %swap3A_3915 : memref<1x4x128xi32, #tpu.memory_space<vmem>> -> memref<4x128xi32, #tpu.memory_space<vmem>>
      %swap3A_3917 = arith.constant 0 : i32
      %swap3A_3918 = tpu.memref_slice %swap3A_3916[%swap3A_3912, %swap3A_3917] : memref<4x128xi32, #tpu.memory_space<vmem>> -> memref<1x128xi32, #tpu.memory_space<vmem>>
      %swap3A_3919 = tpu.memref_squeeze %swap3A_3918 : memref<1x128xi32, #tpu.memory_space<vmem>> -> memref<128xi32, #tpu.memory_space<vmem>>
      %swap3A_3920 = arith.constant 32 : index
      %swap3A_3921 = tpu.vector_load %swap3A_3919[%swap3A_3920] {strides = array<i32>} : memref<128xi32, #tpu.memory_space<vmem>>, vector<16xi32>,
      %swap3A_3922 = vector.shape_cast %swap3A_3921 : vector<16xi32> to vector<16xi32>
      %swap3A_3923 = vector.shape_cast %add3A_3910 : vector<16xi32> to vector<16xi32>
      tpu.vector_store %swap3A_3919[%swap3A_3920], %swap3A_3923 {strides = array<i32>} : memref<128xi32, #tpu.memory_space<vmem>>, vector<16xi32>,
      %get3A_3924 = arith.constant 1 : i32
      %get3A_3925 = arith.constant 1 : i32
      %get3A_3926 = arith.constant 0 : i32
      %get3A_3927 = arith.constant 0 : i32
      %get3A_3928 = tpu.memref_slice %arg5[%get3A_3924, %get3A_3926, %get3A_3927] : memref<2x4x128xi32, #tpu.memory_space<vmem>> -> memref<1x4x128xi32, #tpu.memory_space<vmem>>
      %get3A_3929 = tpu.memref_squeeze %get3A_3928 : memref<1x4x128xi32, #tpu.memory_space<vmem>> -> memref<4x128xi32, #tpu.memory_space<vmem>>
      %get3A_3930 = arith.constant 0 : i32
      %get3A_3931 = tpu.memref_slice %get3A_3929[%get3A_3925, %get3A_3930] : memref<4x128xi32, #tpu.memory_space<vmem>> -> memref<1x128xi32, #tpu.memory_space<vmem>>
      %get3A_3932 = tpu.memref_squeeze %get3A_3931 : memref<1x128xi32, #tpu.memory_space<vmem>> -> memref<128xi32, #tpu.memory_space<vmem>>
      %get3A_3933 = arith.constant 48 : index
      %get3A_3934 = tpu.vector_load %get3A_3932[%get3A_3933] {strides = array<i32>} : memref<128xi32, #tpu.memory_space<vmem>>, vector<16xi32>,
      %get3A_3935 = vector.shape_cast %get3A_3934 : vector<16xi32> to vector<16xi32>
      %add3A_3936 = vector.broadcast %mul3A_13 : i32 to vector<16xi32>
      %add3A_3937 = arith.addi %get3A_3935, %add3A_3936 : vector<16xi32>
      %swap3A_3938 = arith.constant 1 : i32
      %swap3A_3939 = arith.constant 1 : i32
      %swap3A_3940 = arith.constant 0 : i32
      %swap3A_3941 = arith.constant 0 : i32
      %swap3A_3942 = tpu.memref_slice %arg5[%swap3A_3938, %swap3A_3940, %swap3A_3941] : memref<2x4x128xi32, #tpu.memory_space<vmem>> -> memref<1x4x128xi32, #tpu.memory_space<vmem>>
      %swap3A_3943 = tpu.memref_squeeze %swap3A_3942 : memref<1x4x128xi32, #tpu.memory_space<vmem>> -> memref<4x128xi32, #tpu.memory_space<vmem>>
      %swap3A_3944 = arith.constant 0 : i32
      %swap3A_3945 = tpu.memref_slice %swap3A_3943[%swap3A_3939, %swap3A_3944] : memref<4x128xi32, #tpu.memory_space<vmem>> -> memref<1x128xi32, #tpu.memory_space<vmem>>
      %swap3A_3946 = tpu.memref_squeeze %swap3A_3945 : memref<1x128xi32, #tpu.memory_space<vmem>> -> memref<128xi32, #tpu.memory_space<vmem>>
      %swap3A_3947 = arith.constant 48 : index
      %swap3A_3948 = tpu.vector_load %swap3A_3946[%swap3A_3947] {strides = array<i32>} : memref<128xi32, #tpu.memory_space<vmem>>, vector<16xi32>,
      %swap3A_3949 = vector.shape_cast %swap3A_3948 : vector<16xi32> to vector<16xi32>
      %swap3A_3950 = vector.shape_cast %add3A_3937 : vector<16xi32> to vector<16xi32>
      tpu.vector_store %swap3A_3946[%swap3A_3947], %swap3A_3950 {strides = array<i32>} : memref<128xi32, #tpu.memory_space<vmem>>, vector<16xi32>,
      %get3A_3951 = arith.constant 1 : i32
      %get3A_3952 = arith.constant 1 : i32
      %get3A_3953 = arith.constant 0 : i32
      %get3A_3954 = arith.constant 0 : i32
      %get3A_3955 = tpu.memref_slice %arg5[%get3A_3951, %get3A_3953, %get3A_3954] : memref<2x4x128xi32, #tpu.memory_space<vmem>> -> memref<1x4x128xi32, #tpu.memory_space<vmem>>
      %get3A_3956 = tpu.memref_squeeze %get3A_3955 : memref<1x4x128xi32, #tpu.memory_space<vmem>> -> memref<4x128xi32, #tpu.memory_space<vmem>>
      %get3A_3957 = arith.constant 0 : i32
      %get3A_3958 = tpu.memref_slice %get3A_3956[%get3A_3952, %get3A_3957] : memref<4x128xi32, #tpu.memory_space<vmem>> -> memref<1x128xi32, #tpu.memory_space<vmem>>
      %get3A_3959 = tpu.memref_squeeze %get3A_3958 : memref<1x128xi32, #tpu.memory_space<vmem>> -> memref<128xi32, #tpu.memory_space<vmem>>
      %get3A_3960 = arith.constant 64 : index
      %get3A_3961 = tpu.vector_load %get3A_3959[%get3A_3960] {strides = array<i32>} : memref<128xi32, #tpu.memory_space<vmem>>, vector<16xi32>,
      %get3A_3962 = vector.shape_cast %get3A_3961 : vector<16xi32> to vector<16xi32>
      %add3A_3963 = vector.broadcast %mul3A_13 : i32 to vector<16xi32>
      %add3A_3964 = arith.addi %get3A_3962, %add3A_3963 : vector<16xi32>
      %swap3A_3965 = arith.constant 1 : i32
      %swap3A_3966 = arith.constant 1 : i32
      %swap3A_3967 = arith.constant 0 : i32
      %swap3A_3968 = arith.constant 0 : i32
      %swap3A_3969 = tpu.memref_slice %arg5[%swap3A_3965, %swap3A_3967, %swap3A_3968] : memref<2x4x128xi32, #tpu.memory_space<vmem>> -> memref<1x4x128xi32, #tpu.memory_space<vmem>>
      %swap3A_3970 = tpu.memref_squeeze %swap3A_3969 : memref<1x4x128xi32, #tpu.memory_space<vmem>> -> memref<4x128xi32, #tpu.memory_space<vmem>>
      %swap3A_3971 = arith.constant 0 : i32
      %swap3A_3972 = tpu.memref_slice %swap3A_3970[%swap3A_3966, %swap3A_3971] : memref<4x128xi32, #tpu.memory_space<vmem>> -> memref<1x128xi32, #tpu.memory_space<vmem>>
      %swap3A_3973 = tpu.memref_squeeze %swap3A_3972 : memref<1x128xi32, #tpu.memory_space<vmem>> -> memref<128xi32, #tpu.memory_space<vmem>>
      %swap3A_3974 = arith.constant 64 : index
      %swap3A_3975 = tpu.vector_load %swap3A_3973[%swap3A_3974] {strides = array<i32>} : memref<128xi32, #tpu.memory_space<vmem>>, vector<16xi32>,
      %swap3A_3976 = vector.shape_cast %swap3A_3975 : vector<16xi32> to vector<16xi32>
      %swap3A_3977 = vector.shape_cast %add3A_3964 : vector<16xi32> to vector<16xi32>
      tpu.vector_store %swap3A_3973[%swap3A_3974], %swap3A_3977 {strides = array<i32>} : memref<128xi32, #tpu.memory_space<vmem>>, vector<16xi32>,
      %get3A_3978 = arith.constant 1 : i32
      %get3A_3979 = arith.constant 1 : i32
      %get3A_3980 = arith.constant 0 : i32
      %get3A_3981 = arith.constant 0 : i32
      %get3A_3982 = tpu.memref_slice %arg5[%get3A_3978, %get3A_3980, %get3A_3981] : memref<2x4x128xi32, #tpu.memory_space<vmem>> -> memref<1x4x128xi32, #tpu.memory_space<vmem>>
      %get3A_3983 = tpu.memref_squeeze %get3A_3982 : memref<1x4x128xi32, #tpu.memory_space<vmem>> -> memref<4x128xi32, #tpu.memory_space<vmem>>
      %get3A_3984 = arith.constant 0 : i32
      %get3A_3985 = tpu.memref_slice %get3A_3983[%get3A_3979, %get3A_3984] : memref<4x128xi32, #tpu.memory_space<vmem>> -> memref<1x128xi32, #tpu.memory_space<vmem>>
      %get3A_3986 = tpu.memref_squeeze %get3A_3985 : memref<1x128xi32, #tpu.memory_space<vmem>> -> memref<128xi32, #tpu.memory_space<vmem>>
      %get3A_3987 = arith.constant 80 : index
      %get3A_3988 = tpu.vector_load %get3A_3986[%get3A_3987] {strides = array<i32>} : memref<128xi32, #tpu.memory_space<vmem>>, vector<16xi32>,
      %get3A_3989 = vector.shape_cast %get3A_3988 : vector<16xi32> to vector<16xi32>
      %add3A_3990 = vector.broadcast %mul3A_13 : i32 to vector<16xi32>
      %add3A_3991 = arith.addi %get3A_3989, %add3A_3990 : vector<16xi32>
      %swap3A_3992 = arith.constant 1 : i32
      %swap3A_3993 = arith.constant 1 : i32
      %swap3A_3994 = arith.constant 0 : i32
      %swap3A_3995 = arith.constant 0 : i32
      %swap3A_3996 = tpu.memref_slice %arg5[%swap3A_3992, %swap3A_3994, %swap3A_3995] : memref<2x4x128xi32, #tpu.memory_space<vmem>> -> memref<1x4x128xi32, #tpu.memory_space<vmem>>
      %swap3A_3997 = tpu.memref_squeeze %swap3A_3996 : memref<1x4x128xi32, #tpu.memory_space<vmem>> -> memref<4x128xi32, #tpu.memory_space<vmem>>
      %swap3A_3998 = arith.constant 0 : i32
      %swap3A_3999 = tpu.memref_slice %swap3A_3997[%swap3A_3993, %swap3A_3998] : memref<4x128xi32, #tpu.memory_space<vmem>> -> memref<1x128xi32, #tpu.memory_space<vmem>>
      %swap3A_4000 = tpu.memref_squeeze %swap3A_3999 : memref<1x128xi32, #tpu.memory_space<vmem>> -> memref<128xi32, #tpu.memory_space<vmem>>
      %swap3A_4001 = arith.constant 80 : index
      %swap3A_4002 = tpu.vector_load %swap3A_4000[%swap3A_4001] {strides = array<i32>} : memref<128xi32, #tpu.memory_space<vmem>>, vector<16xi32>,
      %swap3A_4003 = vector.shape_cast %swap3A_4002 : vector<16xi32> to vector<16xi32>
      %swap3A_4004 = vector.shape_cast %add3A_3991 : vector<16xi32> to vector<16xi32>
      tpu.vector_store %swap3A_4000[%swap3A_4001], %swap3A_4004 {strides = array<i32>} : memref<128xi32, #tpu.memory_space<vmem>>, vector<16xi32>,
      %get3A_4005 = arith.constant 1 : i32
      %get3A_4006 = arith.constant 1 : i32
      %get3A_4007 = arith.constant 0 : i32
      %get3A_4008 = arith.constant 0 : i32
      %get3A_4009 = tpu.memref_slice %arg5[%get3A_4005, %get3A_4007, %get3A_4008] : memref<2x4x128xi32, #tpu.memory_space<vmem>> -> memref<1x4x128xi32, #tpu.memory_space<vmem>>
      %get3A_4010 = tpu.memref_squeeze %get3A_4009 : memref<1x4x128xi32, #tpu.memory_space<vmem>> -> memref<4x128xi32, #tpu.memory_space<vmem>>
      %get3A_4011 = arith.constant 0 : i32
      %get3A_4012 = tpu.memref_slice %get3A_4010[%get3A_4006, %get3A_4011] : memref<4x128xi32, #tpu.memory_space<vmem>> -> memref<1x128xi32, #tpu.memory_space<vmem>>
      %get3A_4013 = tpu.memref_squeeze %get3A_4012 : memref<1x128xi32, #tpu.memory_space<vmem>> -> memref<128xi32, #tpu.memory_space<vmem>>
      %get3A_4014 = arith.constant 96 : index
      %get3A_4015 = tpu.vector_load %get3A_4013[%get3A_4014] {strides = array<i32>} : memref<128xi32, #tpu.memory_space<vmem>>, vector<16xi32>,
      %get3A_4016 = vector.shape_cast %get3A_4015 : vector<16xi32> to vector<16xi32>
      %add3A_4017 = vector.broadcast %mul3A_13 : i32 to vector<16xi32>
      %add3A_4018 = arith.addi %get3A_4016, %add3A_4017 : vector<16xi32>
      %swap3A_4019 = arith.constant 1 : i32
      %swap3A_4020 = arith.constant 1 : i32
      %swap3A_4021 = arith.constant 0 : i32
      %swap3A_4022 = arith.constant 0 : i32
      %swap3A_4023 = tpu.memref_slice %arg5[%swap3A_4019, %swap3A_4021, %swap3A_4022] : memref<2x4x128xi32, #tpu.memory_space<vmem>> -> memref<1x4x128xi32, #tpu.memory_space<vmem>>
      %swap3A_4024 = tpu.memref_squeeze %swap3A_4023 : memref<1x4x128xi32, #tpu.memory_space<vmem>> -> memref<4x128xi32, #tpu.memory_space<vmem>>
      %swap3A_4025 = arith.constant 0 : i32
      %swap3A_4026 = tpu.memref_slice %swap3A_4024[%swap3A_4020, %swap3A_4025] : memref<4x128xi32, #tpu.memory_space<vmem>> -> memref<1x128xi32, #tpu.memory_space<vmem>>
      %swap3A_4027 = tpu.memref_squeeze %swap3A_4026 : memref<1x128xi32, #tpu.memory_space<vmem>> -> memref<128xi32, #tpu.memory_space<vmem>>
      %swap3A_4028 = arith.constant 96 : index
      %swap3A_4029 = tpu.vector_load %swap3A_4027[%swap3A_4028] {strides = array<i32>} : memref<128xi32, #tpu.memory_space<vmem>>, vector<16xi32>,
      %swap3A_4030 = vector.shape_cast %swap3A_4029 : vector<16xi32> to vector<16xi32>
      %swap3A_4031 = vector.shape_cast %add3A_4018 : vector<16xi32> to vector<16xi32>
      tpu.vector_store %swap3A_4027[%swap3A_4028], %swap3A_4031 {strides = array<i32>} : memref<128xi32, #tpu.memory_space<vmem>>, vector<16xi32>,
      %get3A_4032 = arith.constant 1 : i32
      %get3A_4033 = arith.constant 1 : i32
      %get3A_4034 = arith.constant 0 : i32
      %get3A_4035 = arith.constant 0 : i32
      %get3A_4036 = tpu.memref_slice %arg5[%get3A_4032, %get3A_4034, %get3A_4035] : memref<2x4x128xi32, #tpu.memory_space<vmem>> -> memref<1x4x128xi32, #tpu.memory_space<vmem>>
      %get3A_4037 = tpu.memref_squeeze %get3A_4036 : memref<1x4x128xi32, #tpu.memory_space<vmem>> -> memref<4x128xi32, #tpu.memory_space<vmem>>
      %get3A_4038 = arith.constant 0 : i32
      %get3A_4039 = tpu.memref_slice %get3A_4037[%get3A_4033, %get3A_4038] : memref<4x128xi32, #tpu.memory_space<vmem>> -> memref<1x128xi32, #tpu.memory_space<vmem>>
      %get3A_4040 = tpu.memref_squeeze %get3A_4039 : memref<1x128xi32, #tpu.memory_space<vmem>> -> memref<128xi32, #tpu.memory_space<vmem>>
      %get3A_4041 = arith.constant 112 : index
      %get3A_4042 = tpu.vector_load %get3A_4040[%get3A_4041] {strides = array<i32>} : memref<128xi32, #tpu.memory_space<vmem>>, vector<16xi32>,
      %get3A_4043 = vector.shape_cast %get3A_4042 : vector<16xi32> to vector<16xi32>
      %add3A_4044 = vector.broadcast %mul3A_13 : i32 to vector<16xi32>
      %add3A_4045 = arith.addi %get3A_4043, %add3A_4044 : vector<16xi32>
      %swap3A_4046 = arith.constant 1 : i32
      %swap3A_4047 = arith.constant 1 : i32
      %swap3A_4048 = arith.constant 0 : i32
      %swap3A_4049 = arith.constant 0 : i32
      %swap3A_4050 = tpu.memref_slice %arg5[%swap3A_4046, %swap3A_4048, %swap3A_4049] : memref<2x4x128xi32, #tpu.memory_space<vmem>> -> memref<1x4x128xi32, #tpu.memory_space<vmem>>
      %swap3A_4051 = tpu.memref_squeeze %swap3A_4050 : memref<1x4x128xi32, #tpu.memory_space<vmem>> -> memref<4x128xi32, #tpu.memory_space<vmem>>
      %swap3A_4052 = arith.constant 0 : i32
      %swap3A_4053 = tpu.memref_slice %swap3A_4051[%swap3A_4047, %swap3A_4052] : memref<4x128xi32, #tpu.memory_space<vmem>> -> memref<1x128xi32, #tpu.memory_space<vmem>>
      %swap3A_4054 = tpu.memref_squeeze %swap3A_4053 : memref<1x128xi32, #tpu.memory_space<vmem>> -> memref<128xi32, #tpu.memory_space<vmem>>
      %swap3A_4055 = arith.constant 112 : index
      %swap3A_4056 = tpu.vector_load %swap3A_4054[%swap3A_4055] {strides = array<i32>} : memref<128xi32, #tpu.memory_space<vmem>>, vector<16xi32>,
      %swap3A_4057 = vector.shape_cast %swap3A_4056 : vector<16xi32> to vector<16xi32>
      %swap3A_4058 = vector.shape_cast %add3A_4045 : vector<16xi32> to vector<16xi32>
      tpu.vector_store %swap3A_4054[%swap3A_4055], %swap3A_4058 {strides = array<i32>} : memref<128xi32, #tpu.memory_space<vmem>>, vector<16xi32>,
      %get3A_4059 = arith.constant 1 : i32
      %get3A_4060 = arith.constant 2 : i32
      %get3A_4061 = arith.constant 0 : i32
      %get3A_4062 = arith.constant 0 : i32
      %get3A_4063 = tpu.memref_slice %arg5[%get3A_4059, %get3A_4061, %get3A_4062] : memref<2x4x128xi32, #tpu.memory_space<vmem>> -> memref<1x4x128xi32, #tpu.memory_space<vmem>>
      %get3A_4064 = tpu.memref_squeeze %get3A_4063 : memref<1x4x128xi32, #tpu.memory_space<vmem>> -> memref<4x128xi32, #tpu.memory_space<vmem>>
      %get3A_4065 = arith.constant 0 : i32
      %get3A_4066 = tpu.memref_slice %get3A_4064[%get3A_4060, %get3A_4065] : memref<4x128xi32, #tpu.memory_space<vmem>> -> memref<1x128xi32, #tpu.memory_space<vmem>>
      %get3A_4067 = tpu.memref_squeeze %get3A_4066 : memref<1x128xi32, #tpu.memory_space<vmem>> -> memref<128xi32, #tpu.memory_space<vmem>>
      %get3A_4068 = arith.constant 0 : index
      %get3A_4069 = tpu.vector_load %get3A_4067[%get3A_4068] {strides = array<i32>} : memref<128xi32, #tpu.memory_space<vmem>>, vector<16xi32>,
      %get3A_4070 = vector.shape_cast %get3A_4069 : vector<16xi32> to vector<16xi32>
      %add3A_4071 = vector.broadcast %mul3A_13 : i32 to vector<16xi32>
      %add3A_4072 = arith.addi %get3A_4070, %add3A_4071 : vector<16xi32>
      %swap3A_4073 = arith.constant 1 : i32
      %swap3A_4074 = arith.constant 2 : i32
      %swap3A_4075 = arith.constant 0 : i32
      %swap3A_4076 = arith.constant 0 : i32
      %swap3A_4077 = tpu.memref_slice %arg5[%swap3A_4073, %swap3A_4075, %swap3A_4076] : memref<2x4x128xi32, #tpu.memory_space<vmem>> -> memref<1x4x128xi32, #tpu.memory_space<vmem>>
      %swap3A_4078 = tpu.memref_squeeze %swap3A_4077 : memref<1x4x128xi32, #tpu.memory_space<vmem>> -> memref<4x128xi32, #tpu.memory_space<vmem>>
      %swap3A_4079 = arith.constant 0 : i32
      %swap3A_4080 = tpu.memref_slice %swap3A_4078[%swap3A_4074, %swap3A_4079] : memref<4x128xi32, #tpu.memory_space<vmem>> -> memref<1x128xi32, #tpu.memory_space<vmem>>
      %swap3A_4081 = tpu.memref_squeeze %swap3A_4080 : memref<1x128xi32, #tpu.memory_space<vmem>> -> memref<128xi32, #tpu.memory_space<vmem>>
      %swap3A_4082 = arith.constant 0 : index
      %swap3A_4083 = tpu.vector_load %swap3A_4081[%swap3A_4082] {strides = array<i32>} : memref<128xi32, #tpu.memory_space<vmem>>, vector<16xi32>,
      %swap3A_4084 = vector.shape_cast %swap3A_4083 : vector<16xi32> to vector<16xi32>
      %swap3A_4085 = vector.shape_cast %add3A_4072 : vector<16xi32> to vector<16xi32>
      tpu.vector_store %swap3A_4081[%swap3A_4082], %swap3A_4085 {strides = array<i32>} : memref<128xi32, #tpu.memory_space<vmem>>, vector<16xi32>,
      %get3A_4086 = arith.constant 1 : i32
      %get3A_4087 = arith.constant 2 : i32
      %get3A_4088 = arith.constant 0 : i32
      %get3A_4089 = arith.constant 0 : i32
      %get3A_4090 = tpu.memref_slice %arg5[%get3A_4086, %get3A_4088, %get3A_4089] : memref<2x4x128xi32, #tpu.memory_space<vmem>> -> memref<1x4x128xi32, #tpu.memory_space<vmem>>
      %get3A_4091 = tpu.memref_squeeze %get3A_4090 : memref<1x4x128xi32, #tpu.memory_space<vmem>> -> memref<4x128xi32, #tpu.memory_space<vmem>>
      %get3A_4092 = arith.constant 0 : i32
      %get3A_4093 = tpu.memref_slice %get3A_4091[%get3A_4087, %get3A_4092] : memref<4x128xi32, #tpu.memory_space<vmem>> -> memref<1x128xi32, #tpu.memory_space<vmem>>
      %get3A_4094 = tpu.memref_squeeze %get3A_4093 : memref<1x128xi32, #tpu.memory_space<vmem>> -> memref<128xi32, #tpu.memory_space<vmem>>
      %get3A_4095 = arith.constant 16 : index
      %get3A_4096 = tpu.vector_load %get3A_4094[%get3A_4095] {strides = array<i32>} : memref<128xi32, #tpu.memory_space<vmem>>, vector<16xi32>,
      %get3A_4097 = vector.shape_cast %get3A_4096 : vector<16xi32> to vector<16xi32>
      %add3A_4098 = vector.broadcast %mul3A_13 : i32 to vector<16xi32>
      %add3A_4099 = arith.addi %get3A_4097, %add3A_4098 : vector<16xi32>
      %swap3A_4100 = arith.constant 1 : i32
      %swap3A_4101 = arith.constant 2 : i32
      %swap3A_4102 = arith.constant 0 : i32
      %swap3A_4103 = arith.constant 0 : i32
      %swap3A_4104 = tpu.memref_slice %arg5[%swap3A_4100, %swap3A_4102, %swap3A_4103] : memref<2x4x128xi32, #tpu.memory_space<vmem>> -> memref<1x4x128xi32, #tpu.memory_space<vmem>>
      %swap3A_4105 = tpu.memref_squeeze %swap3A_4104 : memref<1x4x128xi32, #tpu.memory_space<vmem>> -> memref<4x128xi32, #tpu.memory_space<vmem>>
      %swap3A_4106 = arith.constant 0 : i32
      %swap3A_4107 = tpu.memref_slice %swap3A_4105[%swap3A_4101, %swap3A_4106] : memref<4x128xi32, #tpu.memory_space<vmem>> -> memref<1x128xi32, #tpu.memory_space<vmem>>
      %swap3A_4108 = tpu.memref_squeeze %swap3A_4107 : memref<1x128xi32, #tpu.memory_space<vmem>> -> memref<128xi32, #tpu.memory_space<vmem>>
      %swap3A_4109 = arith.constant 16 : index
      %swap3A_4110 = tpu.vector_load %swap3A_4108[%swap3A_4109] {strides = array<i32>} : memref<128xi32, #tpu.memory_space<vmem>>, vector<16xi32>,
      %swap3A_4111 = vector.shape_cast %swap3A_4110 : vector<16xi32> to vector<16xi32>
      %swap3A_4112 = vector.shape_cast %add3A_4099 : vector<16xi32> to vector<16xi32>
      tpu.vector_store %swap3A_4108[%swap3A_4109], %swap3A_4112 {strides = array<i32>} : memref<128xi32, #tpu.memory_space<vmem>>, vector<16xi32>,
      %get3A_4113 = arith.constant 1 : i32
      %get3A_4114 = arith.constant 2 : i32
      %get3A_4115 = arith.constant 0 : i32
      %get3A_4116 = arith.constant 0 : i32
      %get3A_4117 = tpu.memref_slice %arg5[%get3A_4113, %get3A_4115, %get3A_4116] : memref<2x4x128xi32, #tpu.memory_space<vmem>> -> memref<1x4x128xi32, #tpu.memory_space<vmem>>
      %get3A_4118 = tpu.memref_squeeze %get3A_4117 : memref<1x4x128xi32, #tpu.memory_space<vmem>> -> memref<4x128xi32, #tpu.memory_space<vmem>>
      %get3A_4119 = arith.constant 0 : i32
      %get3A_4120 = tpu.memref_slice %get3A_4118[%get3A_4114, %get3A_4119] : memref<4x128xi32, #tpu.memory_space<vmem>> -> memref<1x128xi32, #tpu.memory_space<vmem>>
      %get3A_4121 = tpu.memref_squeeze %get3A_4120 : memref<1x128xi32, #tpu.memory_space<vmem>> -> memref<128xi32, #tpu.memory_space<vmem>>
      %get3A_4122 = arith.constant 32 : index
      %get3A_4123 = tpu.vector_load %get3A_4121[%get3A_4122] {strides = array<i32>} : memref<128xi32, #tpu.memory_space<vmem>>, vector<16xi32>,
      %get3A_4124 = vector.shape_cast %get3A_4123 : vector<16xi32> to vector<16xi32>
      %add3A_4125 = vector.broadcast %mul3A_13 : i32 to vector<16xi32>
      %add3A_4126 = arith.addi %get3A_4124, %add3A_4125 : vector<16xi32>
      %swap3A_4127 = arith.constant 1 : i32
      %swap3A_4128 = arith.constant 2 : i32
      %swap3A_4129 = arith.constant 0 : i32
      %swap3A_4130 = arith.constant 0 : i32
      %swap3A_4131 = tpu.memref_slice %arg5[%swap3A_4127, %swap3A_4129, %swap3A_4130] : memref<2x4x128xi32, #tpu.memory_space<vmem>> -> memref<1x4x128xi32, #tpu.memory_space<vmem>>
      %swap3A_4132 = tpu.memref_squeeze %swap3A_4131 : memref<1x4x128xi32, #tpu.memory_space<vmem>> -> memref<4x128xi32, #tpu.memory_space<vmem>>
      %swap3A_4133 = arith.constant 0 : i32
      %swap3A_4134 = tpu.memref_slice %swap3A_4132[%swap3A_4128, %swap3A_4133] : memref<4x128xi32, #tpu.memory_space<vmem>> -> memref<1x128xi32, #tpu.memory_space<vmem>>
      %swap3A_4135 = tpu.memref_squeeze %swap3A_4134 : memref<1x128xi32, #tpu.memory_space<vmem>> -> memref<128xi32, #tpu.memory_space<vmem>>
      %swap3A_4136 = arith.constant 32 : index
      %swap3A_4137 = tpu.vector_load %swap3A_4135[%swap3A_4136] {strides = array<i32>} : memref<128xi32, #tpu.memory_space<vmem>>, vector<16xi32>,
      %swap3A_4138 = vector.shape_cast %swap3A_4137 : vector<16xi32> to vector<16xi32>
      %swap3A_4139 = vector.shape_cast %add3A_4126 : vector<16xi32> to vector<16xi32>
      tpu.vector_store %swap3A_4135[%swap3A_4136], %swap3A_4139 {strides = array<i32>} : memref<128xi32, #tpu.memory_space<vmem>>, vector<16xi32>,
      %get3A_4140 = arith.constant 1 : i32
      %get3A_4141 = arith.constant 2 : i32
      %get3A_4142 = arith.constant 0 : i32
      %get3A_4143 = arith.constant 0 : i32
      %get3A_4144 = tpu.memref_slice %arg5[%get3A_4140, %get3A_4142, %get3A_4143] : memref<2x4x128xi32, #tpu.memory_space<vmem>> -> memref<1x4x128xi32, #tpu.memory_space<vmem>>
      %get3A_4145 = tpu.memref_squeeze %get3A_4144 : memref<1x4x128xi32, #tpu.memory_space<vmem>> -> memref<4x128xi32, #tpu.memory_space<vmem>>
      %get3A_4146 = arith.constant 0 : i32
      %get3A_4147 = tpu.memref_slice %get3A_4145[%get3A_4141, %get3A_4146] : memref<4x128xi32, #tpu.memory_space<vmem>> -> memref<1x128xi32, #tpu.memory_space<vmem>>
      %get3A_4148 = tpu.memref_squeeze %get3A_4147 : memref<1x128xi32, #tpu.memory_space<vmem>> -> memref<128xi32, #tpu.memory_space<vmem>>
      %get3A_4149 = arith.constant 48 : index
      %get3A_4150 = tpu.vector_load %get3A_4148[%get3A_4149] {strides = array<i32>} : memref<128xi32, #tpu.memory_space<vmem>>, vector<16xi32>,
      %get3A_4151 = vector.shape_cast %get3A_4150 : vector<16xi32> to vector<16xi32>
      %add3A_4152 = vector.broadcast %mul3A_13 : i32 to vector<16xi32>
      %add3A_4153 = arith.addi %get3A_4151, %add3A_4152 : vector<16xi32>
      %swap3A_4154 = arith.constant 1 : i32
      %swap3A_4155 = arith.constant 2 : i32
      %swap3A_4156 = arith.constant 0 : i32
      %swap3A_4157 = arith.constant 0 : i32
      %swap3A_4158 = tpu.memref_slice %arg5[%swap3A_4154, %swap3A_4156, %swap3A_4157] : memref<2x4x128xi32, #tpu.memory_space<vmem>> -> memref<1x4x128xi32, #tpu.memory_space<vmem>>
      %swap3A_4159 = tpu.memref_squeeze %swap3A_4158 : memref<1x4x128xi32, #tpu.memory_space<vmem>> -> memref<4x128xi32, #tpu.memory_space<vmem>>
      %swap3A_4160 = arith.constant 0 : i32
      %swap3A_4161 = tpu.memref_slice %swap3A_4159[%swap3A_4155, %swap3A_4160] : memref<4x128xi32, #tpu.memory_space<vmem>> -> memref<1x128xi32, #tpu.memory_space<vmem>>
      %swap3A_4162 = tpu.memref_squeeze %swap3A_4161 : memref<1x128xi32, #tpu.memory_space<vmem>> -> memref<128xi32, #tpu.memory_space<vmem>>
      %swap3A_4163 = arith.constant 48 : index
      %swap3A_4164 = tpu.vector_load %swap3A_4162[%swap3A_4163] {strides = array<i32>} : memref<128xi32, #tpu.memory_space<vmem>>, vector<16xi32>,
      %swap3A_4165 = vector.shape_cast %swap3A_4164 : vector<16xi32> to vector<16xi32>
      %swap3A_4166 = vector.shape_cast %add3A_4153 : vector<16xi32> to vector<16xi32>
      tpu.vector_store %swap3A_4162[%swap3A_4163], %swap3A_4166 {strides = array<i32>} : memref<128xi32, #tpu.memory_space<vmem>>, vector<16xi32>,
      %get3A_4167 = arith.constant 1 : i32
      %get3A_4168 = arith.constant 2 : i32
      %get3A_4169 = arith.constant 0 : i32
      %get3A_4170 = arith.constant 0 : i32
      %get3A_4171 = tpu.memref_slice %arg5[%get3A_4167, %get3A_4169, %get3A_4170] : memref<2x4x128xi32, #tpu.memory_space<vmem>> -> memref<1x4x128xi32, #tpu.memory_space<vmem>>
      %get3A_4172 = tpu.memref_squeeze %get3A_4171 : memref<1x4x128xi32, #tpu.memory_space<vmem>> -> memref<4x128xi32, #tpu.memory_space<vmem>>
      %get3A_4173 = arith.constant 0 : i32
      %get3A_4174 = tpu.memref_slice %get3A_4172[%get3A_4168, %get3A_4173] : memref<4x128xi32, #tpu.memory_space<vmem>> -> memref<1x128xi32, #tpu.memory_space<vmem>>
      %get3A_4175 = tpu.memref_squeeze %get3A_4174 : memref<1x128xi32, #tpu.memory_space<vmem>> -> memref<128xi32, #tpu.memory_space<vmem>>
      %get3A_4176 = arith.constant 64 : index
      %get3A_4177 = tpu.vector_load %get3A_4175[%get3A_4176] {strides = array<i32>} : memref<128xi32, #tpu.memory_space<vmem>>, vector<16xi32>,
      %get3A_4178 = vector.shape_cast %get3A_4177 : vector<16xi32> to vector<16xi32>
      %add3A_4179 = vector.broadcast %mul3A_13 : i32 to vector<16xi32>
      %add3A_4180 = arith.addi %get3A_4178, %add3A_4179 : vector<16xi32>
      %swap3A_4181 = arith.constant 1 : i32
      %swap3A_4182 = arith.constant 2 : i32
      %swap3A_4183 = arith.constant 0 : i32
      %swap3A_4184 = arith.constant 0 : i32
      %swap3A_4185 = tpu.memref_slice %arg5[%swap3A_4181, %swap3A_4183, %swap3A_4184] : memref<2x4x128xi32, #tpu.memory_space<vmem>> -> memref<1x4x128xi32, #tpu.memory_space<vmem>>
      %swap3A_4186 = tpu.memref_squeeze %swap3A_4185 : memref<1x4x128xi32, #tpu.memory_space<vmem>> -> memref<4x128xi32, #tpu.memory_space<vmem>>
      %swap3A_4187 = arith.constant 0 : i32
      %swap3A_4188 = tpu.memref_slice %swap3A_4186[%swap3A_4182, %swap3A_4187] : memref<4x128xi32, #tpu.memory_space<vmem>> -> memref<1x128xi32, #tpu.memory_space<vmem>>
      %swap3A_4189 = tpu.memref_squeeze %swap3A_4188 : memref<1x128xi32, #tpu.memory_space<vmem>> -> memref<128xi32, #tpu.memory_space<vmem>>
      %swap3A_4190 = arith.constant 64 : index
      %swap3A_4191 = tpu.vector_load %swap3A_4189[%swap3A_4190] {strides = array<i32>} : memref<128xi32, #tpu.memory_space<vmem>>, vector<16xi32>,
      %swap3A_4192 = vector.shape_cast %swap3A_4191 : vector<16xi32> to vector<16xi32>
      %swap3A_4193 = vector.shape_cast %add3A_4180 : vector<16xi32> to vector<16xi32>
      tpu.vector_store %swap3A_4189[%swap3A_4190], %swap3A_4193 {strides = array<i32>} : memref<128xi32, #tpu.memory_space<vmem>>, vector<16xi32>,
      %get3A_4194 = arith.constant 1 : i32
      %get3A_4195 = arith.constant 2 : i32
      %get3A_4196 = arith.constant 0 : i32
      %get3A_4197 = arith.constant 0 : i32
      %get3A_4198 = tpu.memref_slice %arg5[%get3A_4194, %get3A_4196, %get3A_4197] : memref<2x4x128xi32, #tpu.memory_space<vmem>> -> memref<1x4x128xi32, #tpu.memory_space<vmem>>
      %get3A_4199 = tpu.memref_squeeze %get3A_4198 : memref<1x4x128xi32, #tpu.memory_space<vmem>> -> memref<4x128xi32, #tpu.memory_space<vmem>>
      %get3A_4200 = arith.constant 0 : i32
      %get3A_4201 = tpu.memref_slice %get3A_4199[%get3A_4195, %get3A_4200] : memref<4x128xi32, #tpu.memory_space<vmem>> -> memref<1x128xi32, #tpu.memory_space<vmem>>
      %get3A_4202 = tpu.memref_squeeze %get3A_4201 : memref<1x128xi32, #tpu.memory_space<vmem>> -> memref<128xi32, #tpu.memory_space<vmem>>
      %get3A_4203 = arith.constant 80 : index
      %get3A_4204 = tpu.vector_load %get3A_4202[%get3A_4203] {strides = array<i32>} : memref<128xi32, #tpu.memory_space<vmem>>, vector<16xi32>,
      %get3A_4205 = vector.shape_cast %get3A_4204 : vector<16xi32> to vector<16xi32>
      %add3A_4206 = vector.broadcast %mul3A_13 : i32 to vector<16xi32>
      %add3A_4207 = arith.addi %get3A_4205, %add3A_4206 : vector<16xi32>
      %swap3A_4208 = arith.constant 1 : i32
      %swap3A_4209 = arith.constant 2 : i32
      %swap3A_4210 = arith.constant 0 : i32
      %swap3A_4211 = arith.constant 0 : i32
      %swap3A_4212 = tpu.memref_slice %arg5[%swap3A_4208, %swap3A_4210, %swap3A_4211] : memref<2x4x128xi32, #tpu.memory_space<vmem>> -> memref<1x4x128xi32, #tpu.memory_space<vmem>>
      %swap3A_4213 = tpu.memref_squeeze %swap3A_4212 : memref<1x4x128xi32, #tpu.memory_space<vmem>> -> memref<4x128xi32, #tpu.memory_space<vmem>>
      %swap3A_4214 = arith.constant 0 : i32
      %swap3A_4215 = tpu.memref_slice %swap3A_4213[%swap3A_4209, %swap3A_4214] : memref<4x128xi32, #tpu.memory_space<vmem>> -> memref<1x128xi32, #tpu.memory_space<vmem>>
      %swap3A_4216 = tpu.memref_squeeze %swap3A_4215 : memref<1x128xi32, #tpu.memory_space<vmem>> -> memref<128xi32, #tpu.memory_space<vmem>>
      %swap3A_4217 = arith.constant 80 : index
      %swap3A_4218 = tpu.vector_load %swap3A_4216[%swap3A_4217] {strides = array<i32>} : memref<128xi32, #tpu.memory_space<vmem>>, vector<16xi32>,
      %swap3A_4219 = vector.shape_cast %swap3A_4218 : vector<16xi32> to vector<16xi32>
      %swap3A_4220 = vector.shape_cast %add3A_4207 : vector<16xi32> to vector<16xi32>
      tpu.vector_store %swap3A_4216[%swap3A_4217], %swap3A_4220 {strides = array<i32>} : memref<128xi32, #tpu.memory_space<vmem>>, vector<16xi32>,
      %get3A_4221 = arith.constant 1 : i32
      %get3A_4222 = arith.constant 2 : i32
      %get3A_4223 = arith.constant 0 : i32
      %get3A_4224 = arith.constant 0 : i32
      %get3A_4225 = tpu.memref_slice %arg5[%get3A_4221, %get3A_4223, %get3A_4224] : memref<2x4x128xi32, #tpu.memory_space<vmem>> -> memref<1x4x128xi32, #tpu.memory_space<vmem>>
      %get3A_4226 = tpu.memref_squeeze %get3A_4225 : memref<1x4x128xi32, #tpu.memory_space<vmem>> -> memref<4x128xi32, #tpu.memory_space<vmem>>
      %get3A_4227 = arith.constant 0 : i32
      %get3A_4228 = tpu.memref_slice %get3A_4226[%get3A_4222, %get3A_4227] : memref<4x128xi32, #tpu.memory_space<vmem>> -> memref<1x128xi32, #tpu.memory_space<vmem>>
      %get3A_4229 = tpu.memref_squeeze %get3A_4228 : memref<1x128xi32, #tpu.memory_space<vmem>> -> memref<128xi32, #tpu.memory_space<vmem>>
      %get3A_4230 = arith.constant 96 : index
      %get3A_4231 = tpu.vector_load %get3A_4229[%get3A_4230] {strides = array<i32>} : memref<128xi32, #tpu.memory_space<vmem>>, vector<16xi32>,
      %get3A_4232 = vector.shape_cast %get3A_4231 : vector<16xi32> to vector<16xi32>
      %add3A_4233 = vector.broadcast %mul3A_13 : i32 to vector<16xi32>
      %add3A_4234 = arith.addi %get3A_4232, %add3A_4233 : vector<16xi32>
      %swap3A_4235 = arith.constant 1 : i32
      %swap3A_4236 = arith.constant 2 : i32
      %swap3A_4237 = arith.constant 0 : i32
      %swap3A_4238 = arith.constant 0 : i32
      %swap3A_4239 = tpu.memref_slice %arg5[%swap3A_4235, %swap3A_4237, %swap3A_4238] : memref<2x4x128xi32, #tpu.memory_space<vmem>> -> memref<1x4x128xi32, #tpu.memory_space<vmem>>
      %swap3A_4240 = tpu.memref_squeeze %swap3A_4239 : memref<1x4x128xi32, #tpu.memory_space<vmem>> -> memref<4x128xi32, #tpu.memory_space<vmem>>
      %swap3A_4241 = arith.constant 0 : i32
      %swap3A_4242 = tpu.memref_slice %swap3A_4240[%swap3A_4236, %swap3A_4241] : memref<4x128xi32, #tpu.memory_space<vmem>> -> memref<1x128xi32, #tpu.memory_space<vmem>>
      %swap3A_4243 = tpu.memref_squeeze %swap3A_4242 : memref<1x128xi32, #tpu.memory_space<vmem>> -> memref<128xi32, #tpu.memory_space<vmem>>
      %swap3A_4244 = arith.constant 96 : index
      %swap3A_4245 = tpu.vector_load %swap3A_4243[%swap3A_4244] {strides = array<i32>} : memref<128xi32, #tpu.memory_space<vmem>>, vector<16xi32>,
      %swap3A_4246 = vector.shape_cast %swap3A_4245 : vector<16xi32> to vector<16xi32>
      %swap3A_4247 = vector.shape_cast %add3A_4234 : vector<16xi32> to vector<16xi32>
      tpu.vector_store %swap3A_4243[%swap3A_4244], %swap3A_4247 {strides = array<i32>} : memref<128xi32, #tpu.memory_space<vmem>>, vector<16xi32>,
      %get3A_4248 = arith.constant 1 : i32
      %get3A_4249 = arith.constant 2 : i32
      %get3A_4250 = arith.constant 0 : i32
      %get3A_4251 = arith.constant 0 : i32
      %get3A_4252 = tpu.memref_slice %arg5[%get3A_4248, %get3A_4250, %get3A_4251] : memref<2x4x128xi32, #tpu.memory_space<vmem>> -> memref<1x4x128xi32, #tpu.memory_space<vmem>>
      %get3A_4253 = tpu.memref_squeeze %get3A_4252 : memref<1x4x128xi32, #tpu.memory_space<vmem>> -> memref<4x128xi32, #tpu.memory_space<vmem>>
      %get3A_4254 = arith.constant 0 : i32
      %get3A_4255 = tpu.memref_slice %get3A_4253[%get3A_4249, %get3A_4254] : memref<4x128xi32, #tpu.memory_space<vmem>> -> memref<1x128xi32, #tpu.memory_space<vmem>>
      %get3A_4256 = tpu.memref_squeeze %get3A_4255 : memref<1x128xi32, #tpu.memory_space<vmem>> -> memref<128xi32, #tpu.memory_space<vmem>>
      %get3A_4257 = arith.constant 112 : index
      %get3A_4258 = tpu.vector_load %get3A_4256[%get3A_4257] {strides = array<i32>} : memref<128xi32, #tpu.memory_space<vmem>>, vector<16xi32>,
      %get3A_4259 = vector.shape_cast %get3A_4258 : vector<16xi32> to vector<16xi32>
      %add3A_4260 = vector.broadcast %mul3A_13 : i32 to vector<16xi32>
      %add3A_4261 = arith.addi %get3A_4259, %add3A_4260 : vector<16xi32>
      %swap3A_4262 = arith.constant 1 : i32
      %swap3A_4263 = arith.constant 2 : i32
      %swap3A_4264 = arith.constant 0 : i32
      %swap3A_4265 = arith.constant 0 : i32
      %swap3A_4266 = tpu.memref_slice %arg5[%swap3A_4262, %swap3A_4264, %swap3A_4265] : memref<2x4x128xi32, #tpu.memory_space<vmem>> -> memref<1x4x128xi32, #tpu.memory_space<vmem>>
      %swap3A_4267 = tpu.memref_squeeze %swap3A_4266 : memref<1x4x128xi32, #tpu.memory_space<vmem>> -> memref<4x128xi32, #tpu.memory_space<vmem>>
      %swap3A_4268 = arith.constant 0 : i32
      %swap3A_4269 = tpu.memref_slice %swap3A_4267[%swap3A_4263, %swap3A_4268] : memref<4x128xi32, #tpu.memory_space<vmem>> -> memref<1x128xi32, #tpu.memory_space<vmem>>
      %swap3A_4270 = tpu.memref_squeeze %swap3A_4269 : memref<1x128xi32, #tpu.memory_space<vmem>> -> memref<128xi32, #tpu.memory_space<vmem>>
      %swap3A_4271 = arith.constant 112 : index
      %swap3A_4272 = tpu.vector_load %swap3A_4270[%swap3A_4271] {strides = array<i32>} : memref<128xi32, #tpu.memory_space<vmem>>, vector<16xi32>,
      %swap3A_4273 = vector.shape_cast %swap3A_4272 : vector<16xi32> to vector<16xi32>
      %swap3A_4274 = vector.shape_cast %add3A_4261 : vector<16xi32> to vector<16xi32>
      tpu.vector_store %swap3A_4270[%swap3A_4271], %swap3A_4274 {strides = array<i32>} : memref<128xi32, #tpu.memory_space<vmem>>, vector<16xi32>,
      %get3A_4275 = arith.constant 1 : i32
      %get3A_4276 = arith.constant 3 : i32
      %get3A_4277 = arith.constant 0 : i32
      %get3A_4278 = arith.constant 0 : i32
      %get3A_4279 = tpu.memref_slice %arg5[%get3A_4275, %get3A_4277, %get3A_4278] : memref<2x4x128xi32, #tpu.memory_space<vmem>> -> memref<1x4x128xi32, #tpu.memory_space<vmem>>
      %get3A_4280 = tpu.memref_squeeze %get3A_4279 : memref<1x4x128xi32, #tpu.memory_space<vmem>> -> memref<4x128xi32, #tpu.memory_space<vmem>>
      %get3A_4281 = arith.constant 0 : i32
      %get3A_4282 = tpu.memref_slice %get3A_4280[%get3A_4276, %get3A_4281] : memref<4x128xi32, #tpu.memory_space<vmem>> -> memref<1x128xi32, #tpu.memory_space<vmem>>
      %get3A_4283 = tpu.memref_squeeze %get3A_4282 : memref<1x128xi32, #tpu.memory_space<vmem>> -> memref<128xi32, #tpu.memory_space<vmem>>
      %get3A_4284 = arith.constant 0 : index
      %get3A_4285 = tpu.vector_load %get3A_4283[%get3A_4284] {strides = array<i32>} : memref<128xi32, #tpu.memory_space<vmem>>, vector<16xi32>,
      %get3A_4286 = vector.shape_cast %get3A_4285 : vector<16xi32> to vector<16xi32>
      %add3A_4287 = vector.broadcast %mul3A_13 : i32 to vector<16xi32>
      %add3A_4288 = arith.addi %get3A_4286, %add3A_4287 : vector<16xi32>
      %swap3A_4289 = arith.constant 1 : i32
      %swap3A_4290 = arith.constant 3 : i32
      %swap3A_4291 = arith.constant 0 : i32
      %swap3A_4292 = arith.constant 0 : i32
      %swap3A_4293 = tpu.memref_slice %arg5[%swap3A_4289, %swap3A_4291, %swap3A_4292] : memref<2x4x128xi32, #tpu.memory_space<vmem>> -> memref<1x4x128xi32, #tpu.memory_space<vmem>>
      %swap3A_4294 = tpu.memref_squeeze %swap3A_4293 : memref<1x4x128xi32, #tpu.memory_space<vmem>> -> memref<4x128xi32, #tpu.memory_space<vmem>>
      %swap3A_4295 = arith.constant 0 : i32
      %swap3A_4296 = tpu.memref_slice %swap3A_4294[%swap3A_4290, %swap3A_4295] : memref<4x128xi32, #tpu.memory_space<vmem>> -> memref<1x128xi32, #tpu.memory_space<vmem>>
      %swap3A_4297 = tpu.memref_squeeze %swap3A_4296 : memref<1x128xi32, #tpu.memory_space<vmem>> -> memref<128xi32, #tpu.memory_space<vmem>>
      %swap3A_4298 = arith.constant 0 : index
      %swap3A_4299 = tpu.vector_load %swap3A_4297[%swap3A_4298] {strides = array<i32>} : memref<128xi32, #tpu.memory_space<vmem>>, vector<16xi32>,
      %swap3A_4300 = vector.shape_cast %swap3A_4299 : vector<16xi32> to vector<16xi32>
      %swap3A_4301 = vector.shape_cast %add3A_4288 : vector<16xi32> to vector<16xi32>
      tpu.vector_store %swap3A_4297[%swap3A_4298], %swap3A_4301 {strides = array<i32>} : memref<128xi32, #tpu.memory_space<vmem>>, vector<16xi32>,
      %get3A_4302 = arith.constant 1 : i32
      %get3A_4303 = arith.constant 3 : i32
      %get3A_4304 = arith.constant 0 : i32
      %get3A_4305 = arith.constant 0 : i32
      %get3A_4306 = tpu.memref_slice %arg5[%get3A_4302, %get3A_4304, %get3A_4305] : memref<2x4x128xi32, #tpu.memory_space<vmem>> -> memref<1x4x128xi32, #tpu.memory_space<vmem>>
      %get3A_4307 = tpu.memref_squeeze %get3A_4306 : memref<1x4x128xi32, #tpu.memory_space<vmem>> -> memref<4x128xi32, #tpu.memory_space<vmem>>
      %get3A_4308 = arith.constant 0 : i32
      %get3A_4309 = tpu.memref_slice %get3A_4307[%get3A_4303, %get3A_4308] : memref<4x128xi32, #tpu.memory_space<vmem>> -> memref<1x128xi32, #tpu.memory_space<vmem>>
      %get3A_4310 = tpu.memref_squeeze %get3A_4309 : memref<1x128xi32, #tpu.memory_space<vmem>> -> memref<128xi32, #tpu.memory_space<vmem>>
      %get3A_4311 = arith.constant 16 : index
      %get3A_4312 = tpu.vector_load %get3A_4310[%get3A_4311] {strides = array<i32>} : memref<128xi32, #tpu.memory_space<vmem>>, vector<16xi32>,
      %get3A_4313 = vector.shape_cast %get3A_4312 : vector<16xi32> to vector<16xi32>
      %add3A_4314 = vector.broadcast %mul3A_13 : i32 to vector<16xi32>
      %add3A_4315 = arith.addi %get3A_4313, %add3A_4314 : vector<16xi32>
      %swap3A_4316 = arith.constant 1 : i32
      %swap3A_4317 = arith.constant 3 : i32
      %swap3A_4318 = arith.constant 0 : i32
      %swap3A_4319 = arith.constant 0 : i32
      %swap3A_4320 = tpu.memref_slice %arg5[%swap3A_4316, %swap3A_4318, %swap3A_4319] : memref<2x4x128xi32, #tpu.memory_space<vmem>> -> memref<1x4x128xi32, #tpu.memory_space<vmem>>
      %swap3A_4321 = tpu.memref_squeeze %swap3A_4320 : memref<1x4x128xi32, #tpu.memory_space<vmem>> -> memref<4x128xi32, #tpu.memory_space<vmem>>
      %swap3A_4322 = arith.constant 0 : i32
      %swap3A_4323 = tpu.memref_slice %swap3A_4321[%swap3A_4317, %swap3A_4322] : memref<4x128xi32, #tpu.memory_space<vmem>> -> memref<1x128xi32, #tpu.memory_space<vmem>>
      %swap3A_4324 = tpu.memref_squeeze %swap3A_4323 : memref<1x128xi32, #tpu.memory_space<vmem>> -> memref<128xi32, #tpu.memory_space<vmem>>
      %swap3A_4325 = arith.constant 16 : index
      %swap3A_4326 = tpu.vector_load %swap3A_4324[%swap3A_4325] {strides = array<i32>} : memref<128xi32, #tpu.memory_space<vmem>>, vector<16xi32>,
      %swap3A_4327 = vector.shape_cast %swap3A_4326 : vector<16xi32> to vector<16xi32>
      %swap3A_4328 = vector.shape_cast %add3A_4315 : vector<16xi32> to vector<16xi32>
      tpu.vector_store %swap3A_4324[%swap3A_4325], %swap3A_4328 {strides = array<i32>} : memref<128xi32, #tpu.memory_space<vmem>>, vector<16xi32>,
      %get3A_4329 = arith.constant 1 : i32
      %get3A_4330 = arith.constant 3 : i32
      %get3A_4331 = arith.constant 0 : i32
      %get3A_4332 = arith.constant 0 : i32
      %get3A_4333 = tpu.memref_slice %arg5[%get3A_4329, %get3A_4331, %get3A_4332] : memref<2x4x128xi32, #tpu.memory_space<vmem>> -> memref<1x4x128xi32, #tpu.memory_space<vmem>>
      %get3A_4334 = tpu.memref_squeeze %get3A_4333 : memref<1x4x128xi32, #tpu.memory_space<vmem>> -> memref<4x128xi32, #tpu.memory_space<vmem>>
      %get3A_4335 = arith.constant 0 : i32
      %get3A_4336 = tpu.memref_slice %get3A_4334[%get3A_4330, %get3A_4335] : memref<4x128xi32, #tpu.memory_space<vmem>> -> memref<1x128xi32, #tpu.memory_space<vmem>>
      %get3A_4337 = tpu.memref_squeeze %get3A_4336 : memref<1x128xi32, #tpu.memory_space<vmem>> -> memref<128xi32, #tpu.memory_space<vmem>>
      %get3A_4338 = arith.constant 32 : index
      %get3A_4339 = tpu.vector_load %get3A_4337[%get3A_4338] {strides = array<i32>} : memref<128xi32, #tpu.memory_space<vmem>>, vector<16xi32>,
      %get3A_4340 = vector.shape_cast %get3A_4339 : vector<16xi32> to vector<16xi32>
      %add3A_4341 = vector.broadcast %mul3A_13 : i32 to vector<16xi32>
      %add3A_4342 = arith.addi %get3A_4340, %add3A_4341 : vector<16xi32>
      %swap3A_4343 = arith.constant 1 : i32
      %swap3A_4344 = arith.constant 3 : i32
      %swap3A_4345 = arith.constant 0 : i32
      %swap3A_4346 = arith.constant 0 : i32
      %swap3A_4347 = tpu.memref_slice %arg5[%swap3A_4343, %swap3A_4345, %swap3A_4346] : memref<2x4x128xi32, #tpu.memory_space<vmem>> -> memref<1x4x128xi32, #tpu.memory_space<vmem>>
      %swap3A_4348 = tpu.memref_squeeze %swap3A_4347 : memref<1x4x128xi32, #tpu.memory_space<vmem>> -> memref<4x128xi32, #tpu.memory_space<vmem>>
      %swap3A_4349 = arith.constant 0 : i32
      %swap3A_4350 = tpu.memref_slice %swap3A_4348[%swap3A_4344, %swap3A_4349] : memref<4x128xi32, #tpu.memory_space<vmem>> -> memref<1x128xi32, #tpu.memory_space<vmem>>
      %swap3A_4351 = tpu.memref_squeeze %swap3A_4350 : memref<1x128xi32, #tpu.memory_space<vmem>> -> memref<128xi32, #tpu.memory_space<vmem>>
      %swap3A_4352 = arith.constant 32 : index
      %swap3A_4353 = tpu.vector_load %swap3A_4351[%swap3A_4352] {strides = array<i32>} : memref<128xi32, #tpu.memory_space<vmem>>, vector<16xi32>,
      %swap3A_4354 = vector.shape_cast %swap3A_4353 : vector<16xi32> to vector<16xi32>
      %swap3A_4355 = vector.shape_cast %add3A_4342 : vector<16xi32> to vector<16xi32>
      tpu.vector_store %swap3A_4351[%swap3A_4352], %swap3A_4355 {strides = array<i32>} : memref<128xi32, #tpu.memory_space<vmem>>, vector<16xi32>,
      %get3A_4356 = arith.constant 1 : i32
      %get3A_4357 = arith.constant 3 : i32
      %get3A_4358 = arith.constant 0 : i32
      %get3A_4359 = arith.constant 0 : i32
      %get3A_4360 = tpu.memref_slice %arg5[%get3A_4356, %get3A_4358, %get3A_4359] : memref<2x4x128xi32, #tpu.memory_space<vmem>> -> memref<1x4x128xi32, #tpu.memory_space<vmem>>
      %get3A_4361 = tpu.memref_squeeze %get3A_4360 : memref<1x4x128xi32, #tpu.memory_space<vmem>> -> memref<4x128xi32, #tpu.memory_space<vmem>>
      %get3A_4362 = arith.constant 0 : i32
      %get3A_4363 = tpu.memref_slice %get3A_4361[%get3A_4357, %get3A_4362] : memref<4x128xi32, #tpu.memory_space<vmem>> -> memref<1x128xi32, #tpu.memory_space<vmem>>
      %get3A_4364 = tpu.memref_squeeze %get3A_4363 : memref<1x128xi32, #tpu.memory_space<vmem>> -> memref<128xi32, #tpu.memory_space<vmem>>
      %get3A_4365 = arith.constant 48 : index
      %get3A_4366 = tpu.vector_load %get3A_4364[%get3A_4365] {strides = array<i32>} : memref<128xi32, #tpu.memory_space<vmem>>, vector<16xi32>,
      %get3A_4367 = vector.shape_cast %get3A_4366 : vector<16xi32> to vector<16xi32>
      %add3A_4368 = vector.broadcast %mul3A_13 : i32 to vector<16xi32>
      %add3A_4369 = arith.addi %get3A_4367, %add3A_4368 : vector<16xi32>
      %swap3A_4370 = arith.constant 1 : i32
      %swap3A_4371 = arith.constant 3 : i32
      %swap3A_4372 = arith.constant 0 : i32
      %swap3A_4373 = arith.constant 0 : i32
      %swap3A_4374 = tpu.memref_slice %arg5[%swap3A_4370, %swap3A_4372, %swap3A_4373] : memref<2x4x128xi32, #tpu.memory_space<vmem>> -> memref<1x4x128xi32, #tpu.memory_space<vmem>>
      %swap3A_4375 = tpu.memref_squeeze %swap3A_4374 : memref<1x4x128xi32, #tpu.memory_space<vmem>> -> memref<4x128xi32, #tpu.memory_space<vmem>>
      %swap3A_4376 = arith.constant 0 : i32
      %swap3A_4377 = tpu.memref_slice %swap3A_4375[%swap3A_4371, %swap3A_4376] : memref<4x128xi32, #tpu.memory_space<vmem>> -> memref<1x128xi32, #tpu.memory_space<vmem>>
      %swap3A_4378 = tpu.memref_squeeze %swap3A_4377 : memref<1x128xi32, #tpu.memory_space<vmem>> -> memref<128xi32, #tpu.memory_space<vmem>>
      %swap3A_4379 = arith.constant 48 : index
      %swap3A_4380 = tpu.vector_load %swap3A_4378[%swap3A_4379] {strides = array<i32>} : memref<128xi32, #tpu.memory_space<vmem>>, vector<16xi32>,
      %swap3A_4381 = vector.shape_cast %swap3A_4380 : vector<16xi32> to vector<16xi32>
      %swap3A_4382 = vector.shape_cast %add3A_4369 : vector<16xi32> to vector<16xi32>
      tpu.vector_store %swap3A_4378[%swap3A_4379], %swap3A_4382 {strides = array<i32>} : memref<128xi32, #tpu.memory_space<vmem>>, vector<16xi32>,
      %get3A_4383 = arith.constant 1 : i32
      %get3A_4384 = arith.constant 3 : i32
      %get3A_4385 = arith.constant 0 : i32
      %get3A_4386 = arith.constant 0 : i32
      %get3A_4387 = tpu.memref_slice %arg5[%get3A_4383, %get3A_4385, %get3A_4386] : memref<2x4x128xi32, #tpu.memory_space<vmem>> -> memref<1x4x128xi32, #tpu.memory_space<vmem>>
      %get3A_4388 = tpu.memref_squeeze %get3A_4387 : memref<1x4x128xi32, #tpu.memory_space<vmem>> -> memref<4x128xi32, #tpu.memory_space<vmem>>
      %get3A_4389 = arith.constant 0 : i32
      %get3A_4390 = tpu.memref_slice %get3A_4388[%get3A_4384, %get3A_4389] : memref<4x128xi32, #tpu.memory_space<vmem>> -> memref<1x128xi32, #tpu.memory_space<vmem>>
      %get3A_4391 = tpu.memref_squeeze %get3A_4390 : memref<1x128xi32, #tpu.memory_space<vmem>> -> memref<128xi32, #tpu.memory_space<vmem>>
      %get3A_4392 = arith.constant 64 : index
      %get3A_4393 = tpu.vector_load %get3A_4391[%get3A_4392] {strides = array<i32>} : memref<128xi32, #tpu.memory_space<vmem>>, vector<16xi32>,
      %get3A_4394 = vector.shape_cast %get3A_4393 : vector<16xi32> to vector<16xi32>
      %add3A_4395 = vector.broadcast %mul3A_13 : i32 to vector<16xi32>
      %add3A_4396 = arith.addi %get3A_4394, %add3A_4395 : vector<16xi32>
      %swap3A_4397 = arith.constant 1 : i32
      %swap3A_4398 = arith.constant 3 : i32
      %swap3A_4399 = arith.constant 0 : i32
      %swap3A_4400 = arith.constant 0 : i32
      %swap3A_4401 = tpu.memref_slice %arg5[%swap3A_4397, %swap3A_4399, %swap3A_4400] : memref<2x4x128xi32, #tpu.memory_space<vmem>> -> memref<1x4x128xi32, #tpu.memory_space<vmem>>
      %swap3A_4402 = tpu.memref_squeeze %swap3A_4401 : memref<1x4x128xi32, #tpu.memory_space<vmem>> -> memref<4x128xi32, #tpu.memory_space<vmem>>
      %swap3A_4403 = arith.constant 0 : i32
      %swap3A_4404 = tpu.memref_slice %swap3A_4402[%swap3A_4398, %swap3A_4403] : memref<4x128xi32, #tpu.memory_space<vmem>> -> memref<1x128xi32, #tpu.memory_space<vmem>>
      %swap3A_4405 = tpu.memref_squeeze %swap3A_4404 : memref<1x128xi32, #tpu.memory_space<vmem>> -> memref<128xi32, #tpu.memory_space<vmem>>
      %swap3A_4406 = arith.constant 64 : index
      %swap3A_4407 = tpu.vector_load %swap3A_4405[%swap3A_4406] {strides = array<i32>} : memref<128xi32, #tpu.memory_space<vmem>>, vector<16xi32>,
      %swap3A_4408 = vector.shape_cast %swap3A_4407 : vector<16xi32> to vector<16xi32>
      %swap3A_4409 = vector.shape_cast %add3A_4396 : vector<16xi32> to vector<16xi32>
      tpu.vector_store %swap3A_4405[%swap3A_4406], %swap3A_4409 {strides = array<i32>} : memref<128xi32, #tpu.memory_space<vmem>>, vector<16xi32>,
      %get3A_4410 = arith.constant 1 : i32
      %get3A_4411 = arith.constant 3 : i32
      %get3A_4412 = arith.constant 0 : i32
      %get3A_4413 = arith.constant 0 : i32
      %get3A_4414 = tpu.memref_slice %arg5[%get3A_4410, %get3A_4412, %get3A_4413] : memref<2x4x128xi32, #tpu.memory_space<vmem>> -> memref<1x4x128xi32, #tpu.memory_space<vmem>>
      %get3A_4415 = tpu.memref_squeeze %get3A_4414 : memref<1x4x128xi32, #tpu.memory_space<vmem>> -> memref<4x128xi32, #tpu.memory_space<vmem>>
      %get3A_4416 = arith.constant 0 : i32
      %get3A_4417 = tpu.memref_slice %get3A_4415[%get3A_4411, %get3A_4416] : memref<4x128xi32, #tpu.memory_space<vmem>> -> memref<1x128xi32, #tpu.memory_space<vmem>>
      %get3A_4418 = tpu.memref_squeeze %get3A_4417 : memref<1x128xi32, #tpu.memory_space<vmem>> -> memref<128xi32, #tpu.memory_space<vmem>>
      %get3A_4419 = arith.constant 80 : index
      %get3A_4420 = tpu.vector_load %get3A_4418[%get3A_4419] {strides = array<i32>} : memref<128xi32, #tpu.memory_space<vmem>>, vector<16xi32>,
      %get3A_4421 = vector.shape_cast %get3A_4420 : vector<16xi32> to vector<16xi32>
      %add3A_4422 = vector.broadcast %mul3A_13 : i32 to vector<16xi32>
      %add3A_4423 = arith.addi %get3A_4421, %add3A_4422 : vector<16xi32>
      %swap3A_4424 = arith.constant 1 : i32
      %swap3A_4425 = arith.constant 3 : i32
      %swap3A_4426 = arith.constant 0 : i32
      %swap3A_4427 = arith.constant 0 : i32
      %swap3A_4428 = tpu.memref_slice %arg5[%swap3A_4424, %swap3A_4426, %swap3A_4427] : memref<2x4x128xi32, #tpu.memory_space<vmem>> -> memref<1x4x128xi32, #tpu.memory_space<vmem>>
      %swap3A_4429 = tpu.memref_squeeze %swap3A_4428 : memref<1x4x128xi32, #tpu.memory_space<vmem>> -> memref<4x128xi32, #tpu.memory_space<vmem>>
      %swap3A_4430 = arith.constant 0 : i32
      %swap3A_4431 = tpu.memref_slice %swap3A_4429[%swap3A_4425, %swap3A_4430] : memref<4x128xi32, #tpu.memory_space<vmem>> -> memref<1x128xi32, #tpu.memory_space<vmem>>
      %swap3A_4432 = tpu.memref_squeeze %swap3A_4431 : memref<1x128xi32, #tpu.memory_space<vmem>> -> memref<128xi32, #tpu.memory_space<vmem>>
      %swap3A_4433 = arith.constant 80 : index
      %swap3A_4434 = tpu.vector_load %swap3A_4432[%swap3A_4433] {strides = array<i32>} : memref<128xi32, #tpu.memory_space<vmem>>, vector<16xi32>,
      %swap3A_4435 = vector.shape_cast %swap3A_4434 : vector<16xi32> to vector<16xi32>
      %swap3A_4436 = vector.shape_cast %add3A_4423 : vector<16xi32> to vector<16xi32>
      tpu.vector_store %swap3A_4432[%swap3A_4433], %swap3A_4436 {strides = array<i32>} : memref<128xi32, #tpu.memory_space<vmem>>, vector<16xi32>,
      %get3A_4437 = arith.constant 1 : i32
      %get3A_4438 = arith.constant 3 : i32
      %get3A_4439 = arith.constant 0 : i32
      %get3A_4440 = arith.constant 0 : i32
      %get3A_4441 = tpu.memref_slice %arg5[%get3A_4437, %get3A_4439, %get3A_4440] : memref<2x4x128xi32, #tpu.memory_space<vmem>> -> memref<1x4x128xi32, #tpu.memory_space<vmem>>
      %get3A_4442 = tpu.memref_squeeze %get3A_4441 : memref<1x4x128xi32, #tpu.memory_space<vmem>> -> memref<4x128xi32, #tpu.memory_space<vmem>>
      %get3A_4443 = arith.constant 0 : i32
      %get3A_4444 = tpu.memref_slice %get3A_4442[%get3A_4438, %get3A_4443] : memref<4x128xi32, #tpu.memory_space<vmem>> -> memref<1x128xi32, #tpu.memory_space<vmem>>
      %get3A_4445 = tpu.memref_squeeze %get3A_4444 : memref<1x128xi32, #tpu.memory_space<vmem>> -> memref<128xi32, #tpu.memory_space<vmem>>
      %get3A_4446 = arith.constant 96 : index
      %get3A_4447 = tpu.vector_load %get3A_4445[%get3A_4446] {strides = array<i32>} : memref<128xi32, #tpu.memory_space<vmem>>, vector<16xi32>,
      %get3A_4448 = vector.shape_cast %get3A_4447 : vector<16xi32> to vector<16xi32>
      %add3A_4449 = vector.broadcast %mul3A_13 : i32 to vector<16xi32>
      %add3A_4450 = arith.addi %get3A_4448, %add3A_4449 : vector<16xi32>
      %swap3A_4451 = arith.constant 1 : i32
      %swap3A_4452 = arith.constant 3 : i32
      %swap3A_4453 = arith.constant 0 : i32
      %swap3A_4454 = arith.constant 0 : i32
      %swap3A_4455 = tpu.memref_slice %arg5[%swap3A_4451, %swap3A_4453, %swap3A_4454] : memref<2x4x128xi32, #tpu.memory_space<vmem>> -> memref<1x4x128xi32, #tpu.memory_space<vmem>>
      %swap3A_4456 = tpu.memref_squeeze %swap3A_4455 : memref<1x4x128xi32, #tpu.memory_space<vmem>> -> memref<4x128xi32, #tpu.memory_space<vmem>>
      %swap3A_4457 = arith.constant 0 : i32
      %swap3A_4458 = tpu.memref_slice %swap3A_4456[%swap3A_4452, %swap3A_4457] : memref<4x128xi32, #tpu.memory_space<vmem>> -> memref<1x128xi32, #tpu.memory_space<vmem>>
      %swap3A_4459 = tpu.memref_squeeze %swap3A_4458 : memref<1x128xi32, #tpu.memory_space<vmem>> -> memref<128xi32, #tpu.memory_space<vmem>>
      %swap3A_4460 = arith.constant 96 : index
      %swap3A_4461 = tpu.vector_load %swap3A_4459[%swap3A_4460] {strides = array<i32>} : memref<128xi32, #tpu.memory_space<vmem>>, vector<16xi32>,
      %swap3A_4462 = vector.shape_cast %swap3A_4461 : vector<16xi32> to vector<16xi32>
      %swap3A_4463 = vector.shape_cast %add3A_4450 : vector<16xi32> to vector<16xi32>
      tpu.vector_store %swap3A_4459[%swap3A_4460], %swap3A_4463 {strides = array<i32>} : memref<128xi32, #tpu.memory_space<vmem>>, vector<16xi32>,
      %get3A_4464 = arith.constant 1 : i32
      %get3A_4465 = arith.constant 3 : i32
      %get3A_4466 = arith.constant 0 : i32
      %get3A_4467 = arith.constant 0 : i32
      %get3A_4468 = tpu.memref_slice %arg5[%get3A_4464, %get3A_4466, %get3A_4467] : memref<2x4x128xi32, #tpu.memory_space<vmem>> -> memref<1x4x128xi32, #tpu.memory_space<vmem>>
      %get3A_4469 = tpu.memref_squeeze %get3A_4468 : memref<1x4x128xi32, #tpu.memory_space<vmem>> -> memref<4x128xi32, #tpu.memory_space<vmem>>
      %get3A_4470 = arith.constant 0 : i32
      %get3A_4471 = tpu.memref_slice %get3A_4469[%get3A_4465, %get3A_4470] : memref<4x128xi32, #tpu.memory_space<vmem>> -> memref<1x128xi32, #tpu.memory_space<vmem>>
      %get3A_4472 = tpu.memref_squeeze %get3A_4471 : memref<1x128xi32, #tpu.memory_space<vmem>> -> memref<128xi32, #tpu.memory_space<vmem>>
      %get3A_4473 = arith.constant 112 : index
      %get3A_4474 = tpu.vector_load %get3A_4472[%get3A_4473] {strides = array<i32>} : memref<128xi32, #tpu.memory_space<vmem>>, vector<16xi32>,
      %get3A_4475 = vector.shape_cast %get3A_4474 : vector<16xi32> to vector<16xi32>
      %add3A_4476 = vector.broadcast %mul3A_13 : i32 to vector<16xi32>
      %add3A_4477 = arith.addi %get3A_4475, %add3A_4476 : vector<16xi32>
      %swap3A_4478 = arith.constant 1 : i32
      %swap3A_4479 = arith.constant 3 : i32
      %swap3A_4480 = arith.constant 0 : i32
      %swap3A_4481 = arith.constant 0 : i32
      %swap3A_4482 = tpu.memref_slice %arg5[%swap3A_4478, %swap3A_4480, %swap3A_4481] : memref<2x4x128xi32, #tpu.memory_space<vmem>> -> memref<1x4x128xi32, #tpu.memory_space<vmem>>
      %swap3A_4483 = tpu.memref_squeeze %swap3A_4482 : memref<1x4x128xi32, #tpu.memory_space<vmem>> -> memref<4x128xi32, #tpu.memory_space<vmem>>
      %swap3A_4484 = arith.constant 0 : i32
      %swap3A_4485 = tpu.memref_slice %swap3A_4483[%swap3A_4479, %swap3A_4484] : memref<4x128xi32, #tpu.memory_space<vmem>> -> memref<1x128xi32, #tpu.memory_space<vmem>>
      %swap3A_4486 = tpu.memref_squeeze %swap3A_4485 : memref<1x128xi32, #tpu.memory_space<vmem>> -> memref<128xi32, #tpu.memory_space<vmem>>
      %swap3A_4487 = arith.constant 112 : index
      %swap3A_4488 = tpu.vector_load %swap3A_4486[%swap3A_4487] {strides = array<i32>} : memref<128xi32, #tpu.memory_space<vmem>>, vector<16xi32>,
      %swap3A_4489 = vector.shape_cast %swap3A_4488 : vector<16xi32> to vector<16xi32>
      %swap3A_4490 = vector.shape_cast %add3A_4477 : vector<16xi32> to vector<16xi32>
      tpu.vector_store %swap3A_4486[%swap3A_4487], %swap3A_4490 {strides = array<i32>} : memref<128xi32, #tpu.memory_space<vmem>>, vector<16xi32>,
      %add3A_4491 = arith.constant 0 : i32
      %add3A_4492 = arith.addi %add3A_3613, %add3A_4491 : i32
      %mul3A_4493 = arith.constant 128 : i32
      %mul3A_4494 = arith.muli %add3A_4492, %mul3A_4493 : i32
      %dma_wait3A_4495 = arith.constant 0 : i32
      %dma_wait3A_4496 = arith.constant 0 : i32
      %dma_wait3A_4497 = arith.constant 0 : i32
      %dma_wait3A_4498 = tpu.memref_slice %arg6[%dma_wait3A_4495, %dma_wait3A_4496, %dma_wait3A_4497] : memref<4x128x128xf32, #tpu.memory_space<vmem>> -> memref<1x128x128xf32, #tpu.memory_space<vmem>>
      %dma_wait3A_4499 = tpu.memref_squeeze %dma_wait3A_4498 : memref<1x128x128xf32, #tpu.memory_space<vmem>> -> memref<128x128xf32, #tpu.memory_space<vmem>>
      %dma_wait3A_4500 = arith.constant 0 : i32
      %dma_wait3A_4501 = tpu.memref_slice %arg4[%mul3A_4494, %dma_wait3A_4500] : memref<1048576x128xf32, #tpu.memory_space<hbm>> -> memref<128x128xf32, #tpu.memory_space<hbm>>
      %dma_wait3A_4502 = arith.constant 0 : i32
      %dma_wait3A_4503 = tpu.memref_slice %arg4[%mul3A_4494, %dma_wait3A_4502] : memref<1048576x128xf32, #tpu.memory_space<hbm>> -> memref<128x128xf32, #tpu.memory_space<hbm>>
      %dma_wait3A_4504 = arith.constant 0 : i32
      %dma_wait3A_4505 = arith.constant 0 : i32
      %dma_wait3A_4506 = tpu.memref_slice %arg6[%dma_wait3A_4495, %dma_wait3A_4504, %dma_wait3A_4505] : memref<4x128x128xf32, #tpu.memory_space<vmem>> -> memref<1x128x128xf32, #tpu.memory_space<vmem>>
      %dma_wait3A_4507 = tpu.memref_squeeze %dma_wait3A_4506 : memref<1x128x128xf32, #tpu.memory_space<vmem>> -> memref<128x128xf32, #tpu.memory_space<vmem>>
      tpu.wait_dma2 semaphore(%arg11 : memref<!tpu.dma_semaphore, #tpu.memory_space<semaphore_mem>>) src(%dma_wait3A_4507 : memref<128x128xf32, #tpu.memory_space<vmem>>) dst(%dma_wait3A_4503 : memref<128x128xf32, #tpu.memory_space<hbm>>)
      %dma_start3A_4508 = arith.constant 1 : i32
      %dma_start3A_4509 = arith.constant 0 : i32
      %dma_start3A_4510 = arith.constant 0 : i32
      %dma_start3A_4511 = arith.constant 0 : i32
      %dma_start3A_4512 = arith.constant 0 : i32
      %dma_start3A_4513 = tpu.memref_slice %arg6[%dma_start3A_4510, %dma_start3A_4511, %dma_start3A_4512] : memref<4x128x128xf32, #tpu.memory_space<vmem>> -> memref<1x128x128xf32, #tpu.memory_space<vmem>>
      %dma_start3A_4514 = tpu.memref_squeeze %dma_start3A_4513 : memref<1x128x128xf32, #tpu.memory_space<vmem>> -> memref<128x128xf32, #tpu.memory_space<vmem>>
      %dma_start3A_4515 = arith.constant 0 : i32
      %dma_start3A_4516 = arith.constant 0 : i32
      %dma_start3A_4517 = tpu.memref_slice %arg5[%dma_start3A_4508, %dma_start3A_4515, %dma_start3A_4516] : memref<2x4x128xi32, #tpu.memory_space<vmem>> -> memref<1x4x128xi32, #tpu.memory_space<vmem>>
      %dma_start3A_4518 = tpu.memref_squeeze %dma_start3A_4517 : memref<1x4x128xi32, #tpu.memory_space<vmem>> -> memref<4x128xi32, #tpu.memory_space<vmem>>
      %dma_start3A_4519 = arith.constant 0 : i32
      %dma_start3A_4520 = tpu.memref_slice %dma_start3A_4518[%dma_start3A_4509, %dma_start3A_4519] : memref<4x128xi32, #tpu.memory_space<vmem>> -> memref<1x128xi32, #tpu.memory_space<vmem>>
      %dma_start3A_4521 = tpu.memref_squeeze %dma_start3A_4520 : memref<1x128xi32, #tpu.memory_space<vmem>> -> memref<128xi32, #tpu.memory_space<vmem>>
      %dma_start3A_4522 = arith.constant 0 : i32
      %dma_start3A_4523 = arith.constant 0 : i32
      %dma_start3A_4524 = tpu.memref_slice %arg3[%dma_start3A_4522, %dma_start3A_4523] : memref<32000x128xf32, #tpu.memory_space<hbm>> -> memref<32000x128xf32, #tpu.memory_space<hbm>>
      tpu.enqueue_indirect_dma source(%dma_start3A_4524 : memref<32000x128xf32, #tpu.memory_space<hbm>>) target(%dma_start3A_4514 : memref<128x128xf32, #tpu.memory_space<vmem>>) offsets(%dma_start3A_4521 : memref<128xi32, #tpu.memory_space<vmem>>) semaphore(%arg7 : memref<!tpu.dma_semaphore, #tpu.memory_space<semaphore_mem>>)
      %add3A_4525 = arith.constant 1 : i32
      %add3A_4526 = arith.addi %add3A_3613, %add3A_4525 : i32
      %mul3A_4527 = arith.constant 128 : i32
      %mul3A_4528 = arith.muli %add3A_4526, %mul3A_4527 : i32
      %dma_wait3A_4529 = arith.constant 1 : i32
      %dma_wait3A_4530 = arith.constant 0 : i32
      %dma_wait3A_4531 = arith.constant 0 : i32
      %dma_wait3A_4532 = tpu.memref_slice %arg6[%dma_wait3A_4529, %dma_wait3A_4530, %dma_wait3A_4531] : memref<4x128x128xf32, #tpu.memory_space<vmem>> -> memref<1x128x128xf32, #tpu.memory_space<vmem>>
      %dma_wait3A_4533 = tpu.memref_squeeze %dma_wait3A_4532 : memref<1x128x128xf32, #tpu.memory_space<vmem>> -> memref<128x128xf32, #tpu.memory_space<vmem>>
      %dma_wait3A_4534 = arith.constant 0 : i32
      %dma_wait3A_4535 = tpu.memref_slice %arg4[%mul3A_4528, %dma_wait3A_4534] : memref<1048576x128xf32, #tpu.memory_space<hbm>> -> memref<128x128xf32, #tpu.memory_space<hbm>>
      %dma_wait3A_4536 = arith.constant 0 : i32
      %dma_wait3A_4537 = tpu.memref_slice %arg4[%mul3A_4528, %dma_wait3A_4536] : memref<1048576x128xf32, #tpu.memory_space<hbm>> -> memref<128x128xf32, #tpu.memory_space<hbm>>
      %dma_wait3A_4538 = arith.constant 0 : i32
      %dma_wait3A_4539 = arith.constant 0 : i32
      %dma_wait3A_4540 = tpu.memref_slice %arg6[%dma_wait3A_4529, %dma_wait3A_4538, %dma_wait3A_4539] : memref<4x128x128xf32, #tpu.memory_space<vmem>> -> memref<1x128x128xf32, #tpu.memory_space<vmem>>
      %dma_wait3A_4541 = tpu.memref_squeeze %dma_wait3A_4540 : memref<1x128x128xf32, #tpu.memory_space<vmem>> -> memref<128x128xf32, #tpu.memory_space<vmem>>
      tpu.wait_dma2 semaphore(%arg12 : memref<!tpu.dma_semaphore, #tpu.memory_space<semaphore_mem>>) src(%dma_wait3A_4541 : memref<128x128xf32, #tpu.memory_space<vmem>>) dst(%dma_wait3A_4537 : memref<128x128xf32, #tpu.memory_space<hbm>>)
      %dma_start3A_4542 = arith.constant 1 : i32
      %dma_start3A_4543 = arith.constant 1 : i32
      %dma_start3A_4544 = arith.constant 1 : i32
      %dma_start3A_4545 = arith.constant 0 : i32
      %dma_start3A_4546 = arith.constant 0 : i32
      %dma_start3A_4547 = tpu.memref_slice %arg6[%dma_start3A_4544, %dma_start3A_4545, %dma_start3A_4546] : memref<4x128x128xf32, #tpu.memory_space<vmem>> -> memref<1x128x128xf32, #tpu.memory_space<vmem>>
      %dma_start3A_4548 = tpu.memref_squeeze %dma_start3A_4547 : memref<1x128x128xf32, #tpu.memory_space<vmem>> -> memref<128x128xf32, #tpu.memory_space<vmem>>
      %dma_start3A_4549 = arith.constant 0 : i32
      %dma_start3A_4550 = arith.constant 0 : i32
      %dma_start3A_4551 = tpu.memref_slice %arg5[%dma_start3A_4542, %dma_start3A_4549, %dma_start3A_4550] : memref<2x4x128xi32, #tpu.memory_space<vmem>> -> memref<1x4x128xi32, #tpu.memory_space<vmem>>
      %dma_start3A_4552 = tpu.memref_squeeze %dma_start3A_4551 : memref<1x4x128xi32, #tpu.memory_space<vmem>> -> memref<4x128xi32, #tpu.memory_space<vmem>>
      %dma_start3A_4553 = arith.constant 0 : i32
      %dma_start3A_4554 = tpu.memref_slice %dma_start3A_4552[%dma_start3A_4543, %dma_start3A_4553] : memref<4x128xi32, #tpu.memory_space<vmem>> -> memref<1x128xi32, #tpu.memory_space<vmem>>
      %dma_start3A_4555 = tpu.memref_squeeze %dma_start3A_4554 : memref<1x128xi32, #tpu.memory_space<vmem>> -> memref<128xi32, #tpu.memory_space<vmem>>
      %dma_start3A_4556 = arith.constant 0 : i32
      %dma_start3A_4557 = arith.constant 0 : i32
      %dma_start3A_4558 = tpu.memref_slice %arg3[%dma_start3A_4556, %dma_start3A_4557] : memref<32000x128xf32, #tpu.memory_space<hbm>> -> memref<32000x128xf32, #tpu.memory_space<hbm>>
      tpu.enqueue_indirect_dma source(%dma_start3A_4558 : memref<32000x128xf32, #tpu.memory_space<hbm>>) target(%dma_start3A_4548 : memref<128x128xf32, #tpu.memory_space<vmem>>) offsets(%dma_start3A_4555 : memref<128xi32, #tpu.memory_space<vmem>>) semaphore(%arg8 : memref<!tpu.dma_semaphore, #tpu.memory_space<semaphore_mem>>)
      %add3A_4559 = arith.constant 2 : i32
      %add3A_4560 = arith.addi %add3A_3613, %add3A_4559 : i32
      %mul3A_4561 = arith.constant 128 : i32
      %mul3A_4562 = arith.muli %add3A_4560, %mul3A_4561 : i32
      %dma_wait3A_4563 = arith.constant 2 : i32
      %dma_wait3A_4564 = arith.constant 0 : i32
      %dma_wait3A_4565 = arith.constant 0 : i32
      %dma_wait3A_4566 = tpu.memref_slice %arg6[%dma_wait3A_4563, %dma_wait3A_4564, %dma_wait3A_4565] : memref<4x128x128xf32, #tpu.memory_space<vmem>> -> memref<1x128x128xf32, #tpu.memory_space<vmem>>
      %dma_wait3A_4567 = tpu.memref_squeeze %dma_wait3A_4566 : memref<1x128x128xf32, #tpu.memory_space<vmem>> -> memref<128x128xf32, #tpu.memory_space<vmem>>
      %dma_wait3A_4568 = arith.constant 0 : i32
      %dma_wait3A_4569 = tpu.memref_slice %arg4[%mul3A_4562, %dma_wait3A_4568] : memref<1048576x128xf32, #tpu.memory_space<hbm>> -> memref<128x128xf32, #tpu.memory_space<hbm>>
      %dma_wait3A_4570 = arith.constant 0 : i32
      %dma_wait3A_4571 = tpu.memref_slice %arg4[%mul3A_4562, %dma_wait3A_4570] : memref<1048576x128xf32, #tpu.memory_space<hbm>> -> memref<128x128xf32, #tpu.memory_space<hbm>>
      %dma_wait3A_4572 = arith.constant 0 : i32
      %dma_wait3A_4573 = arith.constant 0 : i32
      %dma_wait3A_4574 = tpu.memref_slice %arg6[%dma_wait3A_4563, %dma_wait3A_4572, %dma_wait3A_4573] : memref<4x128x128xf32, #tpu.memory_space<vmem>> -> memref<1x128x128xf32, #tpu.memory_space<vmem>>
      %dma_wait3A_4575 = tpu.memref_squeeze %dma_wait3A_4574 : memref<1x128x128xf32, #tpu.memory_space<vmem>> -> memref<128x128xf32, #tpu.memory_space<vmem>>
      tpu.wait_dma2 semaphore(%arg13 : memref<!tpu.dma_semaphore, #tpu.memory_space<semaphore_mem>>) src(%dma_wait3A_4575 : memref<128x128xf32, #tpu.memory_space<vmem>>) dst(%dma_wait3A_4571 : memref<128x128xf32, #tpu.memory_space<hbm>>)
      %dma_start3A_4576 = arith.constant 1 : i32
      %dma_start3A_4577 = arith.constant 2 : i32
      %dma_start3A_4578 = arith.constant 2 : i32
      %dma_start3A_4579 = arith.constant 0 : i32
      %dma_start3A_4580 = arith.constant 0 : i32
      %dma_start3A_4581 = tpu.memref_slice %arg6[%dma_start3A_4578, %dma_start3A_4579, %dma_start3A_4580] : memref<4x128x128xf32, #tpu.memory_space<vmem>> -> memref<1x128x128xf32, #tpu.memory_space<vmem>>
      %dma_start3A_4582 = tpu.memref_squeeze %dma_start3A_4581 : memref<1x128x128xf32, #tpu.memory_space<vmem>> -> memref<128x128xf32, #tpu.memory_space<vmem>>
      %dma_start3A_4583 = arith.constant 0 : i32
      %dma_start3A_4584 = arith.constant 0 : i32
      %dma_start3A_4585 = tpu.memref_slice %arg5[%dma_start3A_4576, %dma_start3A_4583, %dma_start3A_4584] : memref<2x4x128xi32, #tpu.memory_space<vmem>> -> memref<1x4x128xi32, #tpu.memory_space<vmem>>
      %dma_start3A_4586 = tpu.memref_squeeze %dma_start3A_4585 : memref<1x4x128xi32, #tpu.memory_space<vmem>> -> memref<4x128xi32, #tpu.memory_space<vmem>>
      %dma_start3A_4587 = arith.constant 0 : i32
      %dma_start3A_4588 = tpu.memref_slice %dma_start3A_4586[%dma_start3A_4577, %dma_start3A_4587] : memref<4x128xi32, #tpu.memory_space<vmem>> -> memref<1x128xi32, #tpu.memory_space<vmem>>
      %dma_start3A_4589 = tpu.memref_squeeze %dma_start3A_4588 : memref<1x128xi32, #tpu.memory_space<vmem>> -> memref<128xi32, #tpu.memory_space<vmem>>
      %dma_start3A_4590 = arith.constant 0 : i32
      %dma_start3A_4591 = arith.constant 0 : i32
      %dma_start3A_4592 = tpu.memref_slice %arg3[%dma_start3A_4590, %dma_start3A_4591] : memref<32000x128xf32, #tpu.memory_space<hbm>> -> memref<32000x128xf32, #tpu.memory_space<hbm>>
      tpu.enqueue_indirect_dma source(%dma_start3A_4592 : memref<32000x128xf32, #tpu.memory_space<hbm>>) target(%dma_start3A_4582 : memref<128x128xf32, #tpu.memory_space<vmem>>) offsets(%dma_start3A_4589 : memref<128xi32, #tpu.memory_space<vmem>>) semaphore(%arg9 : memref<!tpu.dma_semaphore, #tpu.memory_space<semaphore_mem>>)
      %add3A_4593 = arith.constant 3 : i32
      %add3A_4594 = arith.addi %add3A_3613, %add3A_4593 : i32
      %mul3A_4595 = arith.constant 128 : i32
      %mul3A_4596 = arith.muli %add3A_4594, %mul3A_4595 : i32
      %dma_wait3A_4597 = arith.constant 3 : i32
      %dma_wait3A_4598 = arith.constant 0 : i32
      %dma_wait3A_4599 = arith.constant 0 : i32
      %dma_wait3A_4600 = tpu.memref_slice %arg6[%dma_wait3A_4597, %dma_wait3A_4598, %dma_wait3A_4599] : memref<4x128x128xf32, #tpu.memory_space<vmem>> -> memref<1x128x128xf32, #tpu.memory_space<vmem>>
      %dma_wait3A_4601 = tpu.memref_squeeze %dma_wait3A_4600 : memref<1x128x128xf32, #tpu.memory_space<vmem>> -> memref<128x128xf32, #tpu.memory_space<vmem>>
      %dma_wait3A_4602 = arith.constant 0 : i32
      %dma_wait3A_4603 = tpu.memref_slice %arg4[%mul3A_4596, %dma_wait3A_4602] : memref<1048576x128xf32, #tpu.memory_space<hbm>> -> memref<128x128xf32, #tpu.memory_space<hbm>>
      %dma_wait3A_4604 = arith.constant 0 : i32
      %dma_wait3A_4605 = tpu.memref_slice %arg4[%mul3A_4596, %dma_wait3A_4604] : memref<1048576x128xf32, #tpu.memory_space<hbm>> -> memref<128x128xf32, #tpu.memory_space<hbm>>
      %dma_wait3A_4606 = arith.constant 0 : i32
      %dma_wait3A_4607 = arith.constant 0 : i32
      %dma_wait3A_4608 = tpu.memref_slice %arg6[%dma_wait3A_4597, %dma_wait3A_4606, %dma_wait3A_4607] : memref<4x128x128xf32, #tpu.memory_space<vmem>> -> memref<1x128x128xf32, #tpu.memory_space<vmem>>
      %dma_wait3A_4609 = tpu.memref_squeeze %dma_wait3A_4608 : memref<1x128x128xf32, #tpu.memory_space<vmem>> -> memref<128x128xf32, #tpu.memory_space<vmem>>
      tpu.wait_dma2 semaphore(%arg14 : memref<!tpu.dma_semaphore, #tpu.memory_space<semaphore_mem>>) src(%dma_wait3A_4609 : memref<128x128xf32, #tpu.memory_space<vmem>>) dst(%dma_wait3A_4605 : memref<128x128xf32, #tpu.memory_space<hbm>>)
      %dma_start3A_4610 = arith.constant 1 : i32
      %dma_start3A_4611 = arith.constant 3 : i32
      %dma_start3A_4612 = arith.constant 3 : i32
      %dma_start3A_4613 = arith.constant 0 : i32
      %dma_start3A_4614 = arith.constant 0 : i32
      %dma_start3A_4615 = tpu.memref_slice %arg6[%dma_start3A_4612, %dma_start3A_4613, %dma_start3A_4614] : memref<4x128x128xf32, #tpu.memory_space<vmem>> -> memref<1x128x128xf32, #tpu.memory_space<vmem>>
      %dma_start3A_4616 = tpu.memref_squeeze %dma_start3A_4615 : memref<1x128x128xf32, #tpu.memory_space<vmem>> -> memref<128x128xf32, #tpu.memory_space<vmem>>
      %dma_start3A_4617 = arith.constant 0 : i32
      %dma_start3A_4618 = arith.constant 0 : i32
      %dma_start3A_4619 = tpu.memref_slice %arg5[%dma_start3A_4610, %dma_start3A_4617, %dma_start3A_4618] : memref<2x4x128xi32, #tpu.memory_space<vmem>> -> memref<1x4x128xi32, #tpu.memory_space<vmem>>
      %dma_start3A_4620 = tpu.memref_squeeze %dma_start3A_4619 : memref<1x4x128xi32, #tpu.memory_space<vmem>> -> memref<4x128xi32, #tpu.memory_space<vmem>>
      %dma_start3A_4621 = arith.constant 0 : i32
      %dma_start3A_4622 = tpu.memref_slice %dma_start3A_4620[%dma_start3A_4611, %dma_start3A_4621] : memref<4x128xi32, #tpu.memory_space<vmem>> -> memref<1x128xi32, #tpu.memory_space<vmem>>
      %dma_start3A_4623 = tpu.memref_squeeze %dma_start3A_4622 : memref<1x128xi32, #tpu.memory_space<vmem>> -> memref<128xi32, #tpu.memory_space<vmem>>
      %dma_start3A_4624 = arith.constant 0 : i32
      %dma_start3A_4625 = arith.constant 0 : i32
      %dma_start3A_4626 = tpu.memref_slice %arg3[%dma_start3A_4624, %dma_start3A_4625] : memref<32000x128xf32, #tpu.memory_space<hbm>> -> memref<32000x128xf32, #tpu.memory_space<hbm>>
      tpu.enqueue_indirect_dma source(%dma_start3A_4626 : memref<32000x128xf32, #tpu.memory_space<hbm>>) target(%dma_start3A_4616 : memref<128x128xf32, #tpu.memory_space<vmem>>) offsets(%dma_start3A_4623 : memref<128xi32, #tpu.memory_space<vmem>>) semaphore(%arg10 : memref<!tpu.dma_semaphore, #tpu.memory_space<semaphore_mem>>)
      %dma_wait3A_4627 = arith.constant 1 : i32
      %dma_wait3A_4628 = arith.constant 0 : i32
      %dma_wait3A_4629 = arith.constant 0 : i32
      %dma_wait3A_4630 = arith.constant 0 : i32
      %dma_wait3A_4631 = arith.constant 0 : i32
      %dma_wait3A_4632 = tpu.memref_slice %arg6[%dma_wait3A_4629, %dma_wait3A_4630, %dma_wait3A_4631] : memref<4x128x128xf32, #tpu.memory_space<vmem>> -> memref<1x128x128xf32, #tpu.memory_space<vmem>>
      %dma_wait3A_4633 = tpu.memref_squeeze %dma_wait3A_4632 : memref<1x128x128xf32, #tpu.memory_space<vmem>> -> memref<128x128xf32, #tpu.memory_space<vmem>>
      %dma_wait3A_4634 = arith.constant 0 : i32
      %dma_wait3A_4635 = arith.constant 0 : i32
      %dma_wait3A_4636 = tpu.memref_slice %arg5[%dma_wait3A_4627, %dma_wait3A_4634, %dma_wait3A_4635] : memref<2x4x128xi32, #tpu.memory_space<vmem>> -> memref<1x4x128xi32, #tpu.memory_space<vmem>>
      %dma_wait3A_4637 = tpu.memref_squeeze %dma_wait3A_4636 : memref<1x4x128xi32, #tpu.memory_space<vmem>> -> memref<4x128xi32, #tpu.memory_space<vmem>>
      %dma_wait3A_4638 = arith.constant 0 : i32
      %dma_wait3A_4639 = tpu.memref_slice %dma_wait3A_4637[%dma_wait3A_4628, %dma_wait3A_4638] : memref<4x128xi32, #tpu.memory_space<vmem>> -> memref<1x128xi32, #tpu.memory_space<vmem>>
      %dma_wait3A_4640 = tpu.memref_squeeze %dma_wait3A_4639 : memref<1x128xi32, #tpu.memory_space<vmem>> -> memref<128xi32, #tpu.memory_space<vmem>>
      %dma_wait3A_4641 = arith.constant 0 : i32
      %dma_wait3A_4642 = arith.constant 0 : i32
      %dma_wait3A_4643 = tpu.memref_slice %arg3[%dma_wait3A_4641, %dma_wait3A_4642] : memref<32000x128xf32, #tpu.memory_space<hbm>> -> memref<32000x128xf32, #tpu.memory_space<hbm>>
      tpu.wait_indirect_dma semaphore(%arg7 : memref<!tpu.dma_semaphore, #tpu.memory_space<semaphore_mem>>) src(%dma_wait3A_4643 : memref<32000x128xf32, #tpu.memory_space<hbm>>) dst(%dma_wait3A_4633 : memref<128x128xf32, #tpu.memory_space<vmem>>)
      %add3A_4644 = arith.constant 0 : i32
      %add3A_4645 = arith.addi %add3A_3613, %add3A_4644 : i32
      %mul3A_4646 = arith.constant 128 : i32
      %mul3A_4647 = arith.muli %add3A_4645, %mul3A_4646 : i32
      %dma_start3A_4648 = arith.constant 0 : i32
      %dma_start3A_4649 = arith.constant 0 : i32
      %dma_start3A_4650 = arith.constant 0 : i32
      %dma_start3A_4651 = tpu.memref_slice %arg6[%dma_start3A_4648, %dma_start3A_4649, %dma_start3A_4650] : memref<4x128x128xf32, #tpu.memory_space<vmem>> -> memref<1x128x128xf32, #tpu.memory_space<vmem>>
      %dma_start3A_4652 = tpu.memref_squeeze %dma_start3A_4651 : memref<1x128x128xf32, #tpu.memory_space<vmem>> -> memref<128x128xf32, #tpu.memory_space<vmem>>
      %dma_start3A_4653 = arith.constant 0 : i32
      %dma_start3A_4654 = tpu.memref_slice %arg4[%mul3A_4647, %dma_start3A_4653] : memref<1048576x128xf32, #tpu.memory_space<hbm>> -> memref<128x128xf32, #tpu.memory_space<hbm>>
      %dma_start3A_4655 = arith.constant 0 : i32
      %dma_start3A_4656 = tpu.memref_slice %arg4[%mul3A_4647, %dma_start3A_4655] : memref<1048576x128xf32, #tpu.memory_space<hbm>> -> memref<128x128xf32, #tpu.memory_space<hbm>>
      %dma_start3A_4657 = arith.constant 0 : i32
      %dma_start3A_4658 = arith.constant 0 : i32
      %dma_start3A_4659 = tpu.memref_slice %arg6[%dma_start3A_4648, %dma_start3A_4657, %dma_start3A_4658] : memref<4x128x128xf32, #tpu.memory_space<vmem>> -> memref<1x128x128xf32, #tpu.memory_space<vmem>>
      %dma_start3A_4660 = tpu.memref_squeeze %dma_start3A_4659 : memref<1x128x128xf32, #tpu.memory_space<vmem>> -> memref<128x128xf32, #tpu.memory_space<vmem>>
      tpu.enqueue_dma source(%dma_start3A_4660 : memref<128x128xf32, #tpu.memory_space<vmem>>) target(%dma_start3A_4656 : memref<128x128xf32, #tpu.memory_space<hbm>>) target_semaphore(%arg11 : memref<!tpu.dma_semaphore, #tpu.memory_space<semaphore_mem>>)
      %dma_wait3A_4661 = arith.constant 1 : i32
      %dma_wait3A_4662 = arith.constant 1 : i32
      %dma_wait3A_4663 = arith.constant 1 : i32
      %dma_wait3A_4664 = arith.constant 0 : i32
      %dma_wait3A_4665 = arith.constant 0 : i32
      %dma_wait3A_4666 = tpu.memref_slice %arg6[%dma_wait3A_4663, %dma_wait3A_4664, %dma_wait3A_4665] : memref<4x128x128xf32, #tpu.memory_space<vmem>> -> memref<1x128x128xf32, #tpu.memory_space<vmem>>
      %dma_wait3A_4667 = tpu.memref_squeeze %dma_wait3A_4666 : memref<1x128x128xf32, #tpu.memory_space<vmem>> -> memref<128x128xf32, #tpu.memory_space<vmem>>
      %dma_wait3A_4668 = arith.constant 0 : i32
      %dma_wait3A_4669 = arith.constant 0 : i32
      %dma_wait3A_4670 = tpu.memref_slice %arg5[%dma_wait3A_4661, %dma_wait3A_4668, %dma_wait3A_4669] : memref<2x4x128xi32, #tpu.memory_space<vmem>> -> memref<1x4x128xi32, #tpu.memory_space<vmem>>
      %dma_wait3A_4671 = tpu.memref_squeeze %dma_wait3A_4670 : memref<1x4x128xi32, #tpu.memory_space<vmem>> -> memref<4x128xi32, #tpu.memory_space<vmem>>
      %dma_wait3A_4672 = arith.constant 0 : i32
      %dma_wait3A_4673 = tpu.memref_slice %dma_wait3A_4671[%dma_wait3A_4662, %dma_wait3A_4672] : memref<4x128xi32, #tpu.memory_space<vmem>> -> memref<1x128xi32, #tpu.memory_space<vmem>>
      %dma_wait3A_4674 = tpu.memref_squeeze %dma_wait3A_4673 : memref<1x128xi32, #tpu.memory_space<vmem>> -> memref<128xi32, #tpu.memory_space<vmem>>
      %dma_wait3A_4675 = arith.constant 0 : i32
      %dma_wait3A_4676 = arith.constant 0 : i32
      %dma_wait3A_4677 = tpu.memref_slice %arg3[%dma_wait3A_4675, %dma_wait3A_4676] : memref<32000x128xf32, #tpu.memory_space<hbm>> -> memref<32000x128xf32, #tpu.memory_space<hbm>>
      tpu.wait_indirect_dma semaphore(%arg8 : memref<!tpu.dma_semaphore, #tpu.memory_space<semaphore_mem>>) src(%dma_wait3A_4677 : memref<32000x128xf32, #tpu.memory_space<hbm>>) dst(%dma_wait3A_4667 : memref<128x128xf32, #tpu.memory_space<vmem>>)
      %add3A_4678 = arith.constant 1 : i32
      %add3A_4679 = arith.addi %add3A_3613, %add3A_4678 : i32
      %mul3A_4680 = arith.constant 128 : i32
      %mul3A_4681 = arith.muli %add3A_4679, %mul3A_4680 : i32
      %dma_start3A_4682 = arith.constant 1 : i32
      %dma_start3A_4683 = arith.constant 0 : i32
      %dma_start3A_4684 = arith.constant 0 : i32
      %dma_start3A_4685 = tpu.memref_slice %arg6[%dma_start3A_4682, %dma_start3A_4683, %dma_start3A_4684] : memref<4x128x128xf32, #tpu.memory_space<vmem>> -> memref<1x128x128xf32, #tpu.memory_space<vmem>>
      %dma_start3A_4686 = tpu.memref_squeeze %dma_start3A_4685 : memref<1x128x128xf32, #tpu.memory_space<vmem>> -> memref<128x128xf32, #tpu.memory_space<vmem>>
      %dma_start3A_4687 = arith.constant 0 : i32
      %dma_start3A_4688 = tpu.memref_slice %arg4[%mul3A_4681, %dma_start3A_4687] : memref<1048576x128xf32, #tpu.memory_space<hbm>> -> memref<128x128xf32, #tpu.memory_space<hbm>>
      %dma_start3A_4689 = arith.constant 0 : i32
      %dma_start3A_4690 = tpu.memref_slice %arg4[%mul3A_4681, %dma_start3A_4689] : memref<1048576x128xf32, #tpu.memory_space<hbm>> -> memref<128x128xf32, #tpu.memory_space<hbm>>
      %dma_start3A_4691 = arith.constant 0 : i32
      %dma_start3A_4692 = arith.constant 0 : i32
      %dma_start3A_4693 = tpu.memref_slice %arg6[%dma_start3A_4682, %dma_start3A_4691, %dma_start3A_4692] : memref<4x128x128xf32, #tpu.memory_space<vmem>> -> memref<1x128x128xf32, #tpu.memory_space<vmem>>
      %dma_start3A_4694 = tpu.memref_squeeze %dma_start3A_4693 : memref<1x128x128xf32, #tpu.memory_space<vmem>> -> memref<128x128xf32, #tpu.memory_space<vmem>>
      tpu.enqueue_dma source(%dma_start3A_4694 : memref<128x128xf32, #tpu.memory_space<vmem>>) target(%dma_start3A_4690 : memref<128x128xf32, #tpu.memory_space<hbm>>) target_semaphore(%arg12 : memref<!tpu.dma_semaphore, #tpu.memory_space<semaphore_mem>>)
      %dma_wait3A_4695 = arith.constant 1 : i32
      %dma_wait3A_4696 = arith.constant 2 : i32
      %dma_wait3A_4697 = arith.constant 2 : i32
      %dma_wait3A_4698 = arith.constant 0 : i32
      %dma_wait3A_4699 = arith.constant 0 : i32
      %dma_wait3A_4700 = tpu.memref_slice %arg6[%dma_wait3A_4697, %dma_wait3A_4698, %dma_wait3A_4699] : memref<4x128x128xf32, #tpu.memory_space<vmem>> -> memref<1x128x128xf32, #tpu.memory_space<vmem>>
      %dma_wait3A_4701 = tpu.memref_squeeze %dma_wait3A_4700 : memref<1x128x128xf32, #tpu.memory_space<vmem>> -> memref<128x128xf32, #tpu.memory_space<vmem>>
      %dma_wait3A_4702 = arith.constant 0 : i32
      %dma_wait3A_4703 = arith.constant 0 : i32
      %dma_wait3A_4704 = tpu.memref_slice %arg5[%dma_wait3A_4695, %dma_wait3A_4702, %dma_wait3A_4703] : memref<2x4x128xi32, #tpu.memory_space<vmem>> -> memref<1x4x128xi32, #tpu.memory_space<vmem>>
      %dma_wait3A_4705 = tpu.memref_squeeze %dma_wait3A_4704 : memref<1x4x128xi32, #tpu.memory_space<vmem>> -> memref<4x128xi32, #tpu.memory_space<vmem>>
      %dma_wait3A_4706 = arith.constant 0 : i32
      %dma_wait3A_4707 = tpu.memref_slice %dma_wait3A_4705[%dma_wait3A_4696, %dma_wait3A_4706] : memref<4x128xi32, #tpu.memory_space<vmem>> -> memref<1x128xi32, #tpu.memory_space<vmem>>
      %dma_wait3A_4708 = tpu.memref_squeeze %dma_wait3A_4707 : memref<1x128xi32, #tpu.memory_space<vmem>> -> memref<128xi32, #tpu.memory_space<vmem>>
      %dma_wait3A_4709 = arith.constant 0 : i32
      %dma_wait3A_4710 = arith.constant 0 : i32
      %dma_wait3A_4711 = tpu.memref_slice %arg3[%dma_wait3A_4709, %dma_wait3A_4710] : memref<32000x128xf32, #tpu.memory_space<hbm>> -> memref<32000x128xf32, #tpu.memory_space<hbm>>
      tpu.wait_indirect_dma semaphore(%arg9 : memref<!tpu.dma_semaphore, #tpu.memory_space<semaphore_mem>>) src(%dma_wait3A_4711 : memref<32000x128xf32, #tpu.memory_space<hbm>>) dst(%dma_wait3A_4701 : memref<128x128xf32, #tpu.memory_space<vmem>>)
      %add3A_4712 = arith.constant 2 : i32
      %add3A_4713 = arith.addi %add3A_3613, %add3A_4712 : i32
      %mul3A_4714 = arith.constant 128 : i32
      %mul3A_4715 = arith.muli %add3A_4713, %mul3A_4714 : i32
      %dma_start3A_4716 = arith.constant 2 : i32
      %dma_start3A_4717 = arith.constant 0 : i32
      %dma_start3A_4718 = arith.constant 0 : i32
      %dma_start3A_4719 = tpu.memref_slice %arg6[%dma_start3A_4716, %dma_start3A_4717, %dma_start3A_4718] : memref<4x128x128xf32, #tpu.memory_space<vmem>> -> memref<1x128x128xf32, #tpu.memory_space<vmem>>
      %dma_start3A_4720 = tpu.memref_squeeze %dma_start3A_4719 : memref<1x128x128xf32, #tpu.memory_space<vmem>> -> memref<128x128xf32, #tpu.memory_space<vmem>>
      %dma_start3A_4721 = arith.constant 0 : i32
      %dma_start3A_4722 = tpu.memref_slice %arg4[%mul3A_4715, %dma_start3A_4721] : memref<1048576x128xf32, #tpu.memory_space<hbm>> -> memref<128x128xf32, #tpu.memory_space<hbm>>
      %dma_start3A_4723 = arith.constant 0 : i32
      %dma_start3A_4724 = tpu.memref_slice %arg4[%mul3A_4715, %dma_start3A_4723] : memref<1048576x128xf32, #tpu.memory_space<hbm>> -> memref<128x128xf32, #tpu.memory_space<hbm>>
      %dma_start3A_4725 = arith.constant 0 : i32
      %dma_start3A_4726 = arith.constant 0 : i32
      %dma_start3A_4727 = tpu.memref_slice %arg6[%dma_start3A_4716, %dma_start3A_4725, %dma_start3A_4726] : memref<4x128x128xf32, #tpu.memory_space<vmem>> -> memref<1x128x128xf32, #tpu.memory_space<vmem>>
      %dma_start3A_4728 = tpu.memref_squeeze %dma_start3A_4727 : memref<1x128x128xf32, #tpu.memory_space<vmem>> -> memref<128x128xf32, #tpu.memory_space<vmem>>
      tpu.enqueue_dma source(%dma_start3A_4728 : memref<128x128xf32, #tpu.memory_space<vmem>>) target(%dma_start3A_4724 : memref<128x128xf32, #tpu.memory_space<hbm>>) target_semaphore(%arg13 : memref<!tpu.dma_semaphore, #tpu.memory_space<semaphore_mem>>)
      %dma_wait3A_4729 = arith.constant 1 : i32
      %dma_wait3A_4730 = arith.constant 3 : i32
      %dma_wait3A_4731 = arith.constant 3 : i32
      %dma_wait3A_4732 = arith.constant 0 : i32
      %dma_wait3A_4733 = arith.constant 0 : i32
      %dma_wait3A_4734 = tpu.memref_slice %arg6[%dma_wait3A_4731, %dma_wait3A_4732, %dma_wait3A_4733] : memref<4x128x128xf32, #tpu.memory_space<vmem>> -> memref<1x128x128xf32, #tpu.memory_space<vmem>>
      %dma_wait3A_4735 = tpu.memref_squeeze %dma_wait3A_4734 : memref<1x128x128xf32, #tpu.memory_space<vmem>> -> memref<128x128xf32, #tpu.memory_space<vmem>>
      %dma_wait3A_4736 = arith.constant 0 : i32
      %dma_wait3A_4737 = arith.constant 0 : i32
      %dma_wait3A_4738 = tpu.memref_slice %arg5[%dma_wait3A_4729, %dma_wait3A_4736, %dma_wait3A_4737] : memref<2x4x128xi32, #tpu.memory_space<vmem>> -> memref<1x4x128xi32, #tpu.memory_space<vmem>>
      %dma_wait3A_4739 = tpu.memref_squeeze %dma_wait3A_4738 : memref<1x4x128xi32, #tpu.memory_space<vmem>> -> memref<4x128xi32, #tpu.memory_space<vmem>>
      %dma_wait3A_4740 = arith.constant 0 : i32
      %dma_wait3A_4741 = tpu.memref_slice %dma_wait3A_4739[%dma_wait3A_4730, %dma_wait3A_4740] : memref<4x128xi32, #tpu.memory_space<vmem>> -> memref<1x128xi32, #tpu.memory_space<vmem>>
      %dma_wait3A_4742 = tpu.memref_squeeze %dma_wait3A_4741 : memref<1x128xi32, #tpu.memory_space<vmem>> -> memref<128xi32, #tpu.memory_space<vmem>>
      %dma_wait3A_4743 = arith.constant 0 : i32
      %dma_wait3A_4744 = arith.constant 0 : i32
      %dma_wait3A_4745 = tpu.memref_slice %arg3[%dma_wait3A_4743, %dma_wait3A_4744] : memref<32000x128xf32, #tpu.memory_space<hbm>> -> memref<32000x128xf32, #tpu.memory_space<hbm>>
      tpu.wait_indirect_dma semaphore(%arg10 : memref<!tpu.dma_semaphore, #tpu.memory_space<semaphore_mem>>) src(%dma_wait3A_4745 : memref<32000x128xf32, #tpu.memory_space<hbm>>) dst(%dma_wait3A_4735 : memref<128x128xf32, #tpu.memory_space<vmem>>)
      %add3A_4746 = arith.constant 3 : i32
      %add3A_4747 = arith.addi %add3A_3613, %add3A_4746 : i32
      %mul3A_4748 = arith.constant 128 : i32
      %mul3A_4749 = arith.muli %add3A_4747, %mul3A_4748 : i32
      %dma_start3A_4750 = arith.constant 3 : i32
      %dma_start3A_4751 = arith.constant 0 : i32
      %dma_start3A_4752 = arith.constant 0 : i32
      %dma_start3A_4753 = tpu.memref_slice %arg6[%dma_start3A_4750, %dma_start3A_4751, %dma_start3A_4752] : memref<4x128x128xf32, #tpu.memory_space<vmem>> -> memref<1x128x128xf32, #tpu.memory_space<vmem>>
      %dma_start3A_4754 = tpu.memref_squeeze %dma_start3A_4753 : memref<1x128x128xf32, #tpu.memory_space<vmem>> -> memref<128x128xf32, #tpu.memory_space<vmem>>
      %dma_start3A_4755 = arith.constant 0 : i32
      %dma_start3A_4756 = tpu.memref_slice %arg4[%mul3A_4749, %dma_start3A_4755] : memref<1048576x128xf32, #tpu.memory_space<hbm>> -> memref<128x128xf32, #tpu.memory_space<hbm>>
      %dma_start3A_4757 = arith.constant 0 : i32
      %dma_start3A_4758 = tpu.memref_slice %arg4[%mul3A_4749, %dma_start3A_4757] : memref<1048576x128xf32, #tpu.memory_space<hbm>> -> memref<128x128xf32, #tpu.memory_space<hbm>>
      %dma_start3A_4759 = arith.constant 0 : i32
      %dma_start3A_4760 = arith.constant 0 : i32
      %dma_start3A_4761 = tpu.memref_slice %arg6[%dma_start3A_4750, %dma_start3A_4759, %dma_start3A_4760] : memref<4x128x128xf32, #tpu.memory_space<vmem>> -> memref<1x128x128xf32, #tpu.memory_space<vmem>>
      %dma_start3A_4762 = tpu.memref_squeeze %dma_start3A_4761 : memref<1x128x128xf32, #tpu.memory_space<vmem>> -> memref<128x128xf32, #tpu.memory_space<vmem>>
      tpu.enqueue_dma source(%dma_start3A_4762 : memref<128x128xf32, #tpu.memory_space<vmem>>) target(%dma_start3A_4758 : memref<128x128xf32, #tpu.memory_space<hbm>>) target_semaphore(%arg14 : memref<!tpu.dma_semaphore, #tpu.memory_space<semaphore_mem>>)
      %add3A_4763 = arith.constant 2 : i32
      %add3A_4764 = arith.addi %add3A_3610, %add3A_4763 : i32
      %mul3A_4765 = arith.constant 4 : i32
      %mul3A_4766 = arith.muli %add3A_4764, %mul3A_4765 : i32
      %min3A_4767 = arith.constant 252 : i32
      %min3A_4768 = arith.minsi %mul3A_4766, %min3A_4767 : i32
      %add3A_4769 = arith.addi %mul3A_2, %min3A_4768 : i32
      %dma_start3A_4770 = arith.constant 1 : i32
      %dma_start3A_4771 = arith.constant 0 : i32
      %dma_start3A_4772 = arith.constant 0 : i32
      %dma_start3A_4773 = tpu.memref_slice %arg5[%dma_start3A_4770, %dma_start3A_4771, %dma_start3A_4772] : memref<2x4x128xi32, #tpu.memory_space<vmem>> -> memref<1x4x128xi32, #tpu.memory_space<vmem>>
      %dma_start3A_4774 = tpu.memref_squeeze %dma_start3A_4773 : memref<1x4x128xi32, #tpu.memory_space<vmem>> -> memref<4x128xi32, #tpu.memory_space<vmem>>
      %dma_start3A_4775 = arith.constant 0 : i32
      %dma_start3A_4776 = tpu.memref_slice %arg2[%add3A_4769, %dma_start3A_4775] : memref<8192x128xi32, #tpu.memory_space<hbm>> -> memref<4x128xi32, #tpu.memory_space<hbm>>
      %dma_start3A_4777 = arith.constant 0 : i32
      %dma_start3A_4778 = arith.constant 0 : i32
      %dma_start3A_4779 = tpu.memref_slice %arg5[%dma_start3A_4770, %dma_start3A_4777, %dma_start3A_4778] : memref<2x4x128xi32, #tpu.memory_space<vmem>> -> memref<1x4x128xi32, #tpu.memory_space<vmem>>
      %dma_start3A_4780 = tpu.memref_squeeze %dma_start3A_4779 : memref<1x4x128xi32, #tpu.memory_space<vmem>> -> memref<4x128xi32, #tpu.memory_space<vmem>>
      %dma_start3A_4781 = arith.constant 0 : i32
      %dma_start3A_4782 = tpu.memref_slice %arg2[%add3A_4769, %dma_start3A_4781] : memref<8192x128xi32, #tpu.memory_space<hbm>> -> memref<4x128xi32, #tpu.memory_space<hbm>>
      tpu.enqueue_dma source(%dma_start3A_4782 : memref<4x128xi32, #tpu.memory_space<hbm>>) target(%dma_start3A_4780 : memref<4x128xi32, #tpu.memory_space<vmem>>) target_semaphore(%arg16 : memref<!tpu.dma_semaphore, #tpu.memory_space<semaphore_mem>>)
    }
    %scan3A_2331 = arith.constant 31 : i32
    %add3A_2332 = arith.constant 252 : i32
    %add3A_2333 = arith.addi %mul3A_2, %add3A_2332 : i32
    %add3A_2334 = arith.constant 0 : i32
    %add3A_2335 = arith.addi %add3A_2333, %add3A_2334 : i32
    %mul3A_2336 = arith.constant 128 : i32
    %mul3A_2337 = arith.muli %add3A_2335, %mul3A_2336 : i32
    %dma_wait3A_2338 = arith.constant 0 : i32
    %dma_wait3A_2339 = arith.constant 0 : i32
    %dma_wait3A_2340 = arith.constant 0 : i32
    %dma_wait3A_2341 = tpu.memref_slice %arg6[%dma_wait3A_2338, %dma_wait3A_2339, %dma_wait3A_2340] : memref<4x128x128xf32, #tpu.memory_space<vmem>> -> memref<1x128x128xf32, #tpu.memory_space<vmem>>
    %dma_wait3A_2342 = tpu.memref_squeeze %dma_wait3A_2341 : memref<1x128x128xf32, #tpu.memory_space<vmem>> -> memref<128x128xf32, #tpu.memory_space<vmem>>
    %dma_wait3A_2343 = arith.constant 0 : i32
    %dma_wait3A_2344 = tpu.memref_slice %arg4[%mul3A_2337, %dma_wait3A_2343] : memref<1048576x128xf32, #tpu.memory_space<hbm>> -> memref<128x128xf32, #tpu.memory_space<hbm>>
    %dma_wait3A_2345 = arith.constant 0 : i32
    %dma_wait3A_2346 = tpu.memref_slice %arg4[%mul3A_2337, %dma_wait3A_2345] : memref<1048576x128xf32, #tpu.memory_space<hbm>> -> memref<128x128xf32, #tpu.memory_space<hbm>>
    %dma_wait3A_2347 = arith.constant 0 : i32
    %dma_wait3A_2348 = arith.constant 0 : i32
    %dma_wait3A_2349 = tpu.memref_slice %arg6[%dma_wait3A_2338, %dma_wait3A_2347, %dma_wait3A_2348] : memref<4x128x128xf32, #tpu.memory_space<vmem>> -> memref<1x128x128xf32, #tpu.memory_space<vmem>>
    %dma_wait3A_2350 = tpu.memref_squeeze %dma_wait3A_2349 : memref<1x128x128xf32, #tpu.memory_space<vmem>> -> memref<128x128xf32, #tpu.memory_space<vmem>>
    tpu.wait_dma2 semaphore(%arg11 : memref<!tpu.dma_semaphore, #tpu.memory_space<semaphore_mem>>) src(%dma_wait3A_2350 : memref<128x128xf32, #tpu.memory_space<vmem>>) dst(%dma_wait3A_2346 : memref<128x128xf32, #tpu.memory_space<hbm>>)
    %add3A_2351 = arith.constant 1 : i32
    %add3A_2352 = arith.addi %add3A_2333, %add3A_2351 : i32
    %mul3A_2353 = arith.constant 128 : i32
    %mul3A_2354 = arith.muli %add3A_2352, %mul3A_2353 : i32
    %dma_wait3A_2355 = arith.constant 1 : i32
    %dma_wait3A_2356 = arith.constant 0 : i32
    %dma_wait3A_2357 = arith.constant 0 : i32
    %dma_wait3A_2358 = tpu.memref_slice %arg6[%dma_wait3A_2355, %dma_wait3A_2356, %dma_wait3A_2357] : memref<4x128x128xf32, #tpu.memory_space<vmem>> -> memref<1x128x128xf32, #tpu.memory_space<vmem>>
    %dma_wait3A_2359 = tpu.memref_squeeze %dma_wait3A_2358 : memref<1x128x128xf32, #tpu.memory_space<vmem>> -> memref<128x128xf32, #tpu.memory_space<vmem>>
    %dma_wait3A_2360 = arith.constant 0 : i32
    %dma_wait3A_2361 = tpu.memref_slice %arg4[%mul3A_2354, %dma_wait3A_2360] : memref<1048576x128xf32, #tpu.memory_space<hbm>> -> memref<128x128xf32, #tpu.memory_space<hbm>>
    %dma_wait3A_2362 = arith.constant 0 : i32
    %dma_wait3A_2363 = tpu.memref_slice %arg4[%mul3A_2354, %dma_wait3A_2362] : memref<1048576x128xf32, #tpu.memory_space<hbm>> -> memref<128x128xf32, #tpu.memory_space<hbm>>
    %dma_wait3A_2364 = arith.constant 0 : i32
    %dma_wait3A_2365 = arith.constant 0 : i32
    %dma_wait3A_2366 = tpu.memref_slice %arg6[%dma_wait3A_2355, %dma_wait3A_2364, %dma_wait3A_2365] : memref<4x128x128xf32, #tpu.memory_space<vmem>> -> memref<1x128x128xf32, #tpu.memory_space<vmem>>
    %dma_wait3A_2367 = tpu.memref_squeeze %dma_wait3A_2366 : memref<1x128x128xf32, #tpu.memory_space<vmem>> -> memref<128x128xf32, #tpu.memory_space<vmem>>
    tpu.wait_dma2 semaphore(%arg12 : memref<!tpu.dma_semaphore, #tpu.memory_space<semaphore_mem>>) src(%dma_wait3A_2367 : memref<128x128xf32, #tpu.memory_space<vmem>>) dst(%dma_wait3A_2363 : memref<128x128xf32, #tpu.memory_space<hbm>>)
    %add3A_2368 = arith.constant 2 : i32
    %add3A_2369 = arith.addi %add3A_2333, %add3A_2368 : i32
    %mul3A_2370 = arith.constant 128 : i32
    %mul3A_2371 = arith.muli %add3A_2369, %mul3A_2370 : i32
    %dma_wait3A_2372 = arith.constant 2 : i32
    %dma_wait3A_2373 = arith.constant 0 : i32
    %dma_wait3A_2374 = arith.constant 0 : i32
    %dma_wait3A_2375 = tpu.memref_slice %arg6[%dma_wait3A_2372, %dma_wait3A_2373, %dma_wait3A_2374] : memref<4x128x128xf32, #tpu.memory_space<vmem>> -> memref<1x128x128xf32, #tpu.memory_space<vmem>>
    %dma_wait3A_2376 = tpu.memref_squeeze %dma_wait3A_2375 : memref<1x128x128xf32, #tpu.memory_space<vmem>> -> memref<128x128xf32, #tpu.memory_space<vmem>>
    %dma_wait3A_2377 = arith.constant 0 : i32
    %dma_wait3A_2378 = tpu.memref_slice %arg4[%mul3A_2371, %dma_wait3A_2377] : memref<1048576x128xf32, #tpu.memory_space<hbm>> -> memref<128x128xf32, #tpu.memory_space<hbm>>
    %dma_wait3A_2379 = arith.constant 0 : i32
    %dma_wait3A_2380 = tpu.memref_slice %arg4[%mul3A_2371, %dma_wait3A_2379] : memref<1048576x128xf32, #tpu.memory_space<hbm>> -> memref<128x128xf32, #tpu.memory_space<hbm>>
    %dma_wait3A_2381 = arith.constant 0 : i32
    %dma_wait3A_2382 = arith.constant 0 : i32
    %dma_wait3A_2383 = tpu.memref_slice %arg6[%dma_wait3A_2372, %dma_wait3A_2381, %dma_wait3A_2382] : memref<4x128x128xf32, #tpu.memory_space<vmem>> -> memref<1x128x128xf32, #tpu.memory_space<vmem>>
    %dma_wait3A_2384 = tpu.memref_squeeze %dma_wait3A_2383 : memref<1x128x128xf32, #tpu.memory_space<vmem>> -> memref<128x128xf32, #tpu.memory_space<vmem>>
    tpu.wait_dma2 semaphore(%arg13 : memref<!tpu.dma_semaphore, #tpu.memory_space<semaphore_mem>>) src(%dma_wait3A_2384 : memref<128x128xf32, #tpu.memory_space<vmem>>) dst(%dma_wait3A_2380 : memref<128x128xf32, #tpu.memory_space<hbm>>)
    %add3A_2385 = arith.constant 3 : i32
    %add3A_2386 = arith.addi %add3A_2333, %add3A_2385 : i32
    %mul3A_2387 = arith.constant 128 : i32
    %mul3A_2388 = arith.muli %add3A_2386, %mul3A_2387 : i32
    %dma_wait3A_2389 = arith.constant 3 : i32
    %dma_wait3A_2390 = arith.constant 0 : i32
    %dma_wait3A_2391 = arith.constant 0 : i32
    %dma_wait3A_2392 = tpu.memref_slice %arg6[%dma_wait3A_2389, %dma_wait3A_2390, %dma_wait3A_2391] : memref<4x128x128xf32, #tpu.memory_space<vmem>> -> memref<1x128x128xf32, #tpu.memory_space<vmem>>
    %dma_wait3A_2393 = tpu.memref_squeeze %dma_wait3A_2392 : memref<1x128x128xf32, #tpu.memory_space<vmem>> -> memref<128x128xf32, #tpu.memory_space<vmem>>
    %dma_wait3A_2394 = arith.constant 0 : i32
    %dma_wait3A_2395 = tpu.memref_slice %arg4[%mul3A_2388, %dma_wait3A_2394] : memref<1048576x128xf32, #tpu.memory_space<hbm>> -> memref<128x128xf32, #tpu.memory_space<hbm>>
    %dma_wait3A_2396 = arith.constant 0 : i32
    %dma_wait3A_2397 = tpu.memref_slice %arg4[%mul3A_2388, %dma_wait3A_2396] : memref<1048576x128xf32, #tpu.memory_space<hbm>> -> memref<128x128xf32, #tpu.memory_space<hbm>>
    %dma_wait3A_2398 = arith.constant 0 : i32
    %dma_wait3A_2399 = arith.constant 0 : i32
    %dma_wait3A_2400 = tpu.memref_slice %arg6[%dma_wait3A_2389, %dma_wait3A_2398, %dma_wait3A_2399] : memref<4x128x128xf32, #tpu.memory_space<vmem>> -> memref<1x128x128xf32, #tpu.memory_space<vmem>>
    %dma_wait3A_2401 = tpu.memref_squeeze %dma_wait3A_2400 : memref<1x128x128xf32, #tpu.memory_space<vmem>> -> memref<128x128xf32, #tpu.memory_space<vmem>>
    tpu.wait_dma2 semaphore(%arg14 : memref<!tpu.dma_semaphore, #tpu.memory_space<semaphore_mem>>) src(%dma_wait3A_2401 : memref<128x128xf32, #tpu.memory_space<vmem>>) dst(%dma_wait3A_2397 : memref<128x128xf32, #tpu.memory_space<hbm>>)
    %add3A_2402 = arith.constant 252 : i32
    %add3A_2403 = arith.addi %mul3A_2, %add3A_2402 : i32
    %dma_wait3A_2404 = arith.constant 0 : i32
    %dma_wait3A_2405 = arith.constant 0 : i32
    %dma_wait3A_2406 = arith.constant 0 : i32
    %dma_wait3A_2407 = tpu.memref_slice %arg5[%dma_wait3A_2404, %dma_wait3A_2405, %dma_wait3A_2406] : memref<2x4x128xi32, #tpu.memory_space<vmem>> -> memref<1x4x128xi32, #tpu.memory_space<vmem>>
    %dma_wait3A_2408 = tpu.memref_squeeze %dma_wait3A_2407 : memref<1x4x128xi32, #tpu.memory_space<vmem>> -> memref<4x128xi32, #tpu.memory_space<vmem>>
    %dma_wait3A_2409 = arith.constant 0 : i32
    %dma_wait3A_2410 = tpu.memref_slice %arg2[%add3A_2403, %dma_wait3A_2409] : memref<8192x128xi32, #tpu.memory_space<hbm>> -> memref<4x128xi32, #tpu.memory_space<hbm>>
    %dma_wait3A_2411 = arith.constant 0 : i32
    %dma_wait3A_2412 = arith.constant 0 : i32
    %dma_wait3A_2413 = tpu.memref_slice %arg5[%dma_wait3A_2404, %dma_wait3A_2411, %dma_wait3A_2412] : memref<2x4x128xi32, #tpu.memory_space<vmem>> -> memref<1x4x128xi32, #tpu.memory_space<vmem>>
    %dma_wait3A_2414 = tpu.memref_squeeze %dma_wait3A_2413 : memref<1x4x128xi32, #tpu.memory_space<vmem>> -> memref<4x128xi32, #tpu.memory_space<vmem>>
    %dma_wait3A_2415 = arith.constant 0 : i32
    %dma_wait3A_2416 = tpu.memref_slice %arg2[%add3A_2403, %dma_wait3A_2415] : memref<8192x128xi32, #tpu.memory_space<hbm>> -> memref<4x128xi32, #tpu.memory_space<hbm>>
    tpu.wait_dma2 semaphore(%arg15 : memref<!tpu.dma_semaphore, #tpu.memory_space<semaphore_mem>>) src(%dma_wait3A_2416 : memref<4x128xi32, #tpu.memory_space<hbm>>) dst(%dma_wait3A_2414 : memref<4x128xi32, #tpu.memory_space<vmem>>)
    %add3A_2417 = arith.constant 252 : i32
    %add3A_2418 = arith.addi %mul3A_2, %add3A_2417 : i32
    %dma_wait3A_2419 = arith.constant 1 : i32
    %dma_wait3A_2420 = arith.constant 0 : i32
    %dma_wait3A_2421 = arith.constant 0 : i32
    %dma_wait3A_2422 = tpu.memref_slice %arg5[%dma_wait3A_2419, %dma_wait3A_2420, %dma_wait3A_2421] : memref<2x4x128xi32, #tpu.memory_space<vmem>> -> memref<1x4x128xi32, #tpu.memory_space<vmem>>
    %dma_wait3A_2423 = tpu.memref_squeeze %dma_wait3A_2422 : memref<1x4x128xi32, #tpu.memory_space<vmem>> -> memref<4x128xi32, #tpu.memory_space<vmem>>
    %dma_wait3A_2424 = arith.constant 0 : i32
    %dma_wait3A_2425 = tpu.memref_slice %arg2[%add3A_2418, %dma_wait3A_2424] : memref<8192x128xi32, #tpu.memory_space<hbm>> -> memref<4x128xi32, #tpu.memory_space<hbm>>
    %dma_wait3A_2426 = arith.constant 0 : i32
    %dma_wait3A_2427 = arith.constant 0 : i32
    %dma_wait3A_2428 = tpu.memref_slice %arg5[%dma_wait3A_2419, %dma_wait3A_2426, %dma_wait3A_2427] : memref<2x4x128xi32, #tpu.memory_space<vmem>> -> memref<1x4x128xi32, #tpu.memory_space<vmem>>
    %dma_wait3A_2429 = tpu.memref_squeeze %dma_wait3A_2428 : memref<1x4x128xi32, #tpu.memory_space<vmem>> -> memref<4x128xi32, #tpu.memory_space<vmem>>
    %dma_wait3A_2430 = arith.constant 0 : i32
    %dma_wait3A_2431 = tpu.memref_slice %arg2[%add3A_2418, %dma_wait3A_2430] : memref<8192x128xi32, #tpu.memory_space<hbm>> -> memref<4x128xi32, #tpu.memory_space<hbm>>
    tpu.wait_dma2 semaphore(%arg16 : memref<!tpu.dma_semaphore, #tpu.memory_space<semaphore_mem>>) src(%dma_wait3A_2431 : memref<4x128xi32, #tpu.memory_space<hbm>>) dst(%dma_wait3A_2429 : memref<4x128xi32, #tpu.memory_space<vmem>>)
    return
  }
}

</mosaic_0001>

<sc_bundles>
// kernel: kernel.3.cloned.1.call-start
scs
__scs_entry_jumppad:
0x0: {  	(pc) =	sbr.rel $0x88, $3  }
0x1: {  	(tag) =	ssettag $0x0;
	lr =	simm.s32 $0x1  }
0x2: {  	[smem:$0x3F9F] =	sst lr;
	_ =	strace $0xD0000000  }
0x3: {  	_ = 	snop  }
0x4: {  	_ = 	snop  }
0x5: {  	_ = 	snop  }
0x6: {  	_ = 	snop  }
0x7: {  	_ = 	snop  }
__scs_overlays_trampoline_lowered:
0x8: {  	[smem:$0x3FAE] =	sst s0  }
0x9: {  	[smem:$0x3FAF] =	sst s1  }
0xa: {  	[smem:$0x3FB0] =	sst s2  }
0xb: {  	[smem:$0x3FB1] =	sst s3  }
0xc: {  	[smem:$0x3FB2] =	sst s4  }
0xd: {  	[smem:$0x3FB3] =	sst s5  }
0xe: {  	[smem:$0x3FB4] =	sst s6  }
0xf: {  	[smem:$0x3FB5] =	sst s7  }
0x10: {  	[smem:$0x3FB6] =	sst s8  }
0x11: {  	[smem:$0x3FB7] =	sst s9;
	s0 =	simm.s32 @!p0 $0x0  }
0x12: {  	s1 =	sld [smem:$0x3F9D];
	s0 =	simm.s32 @p0 $0x1  }
0x13: {  	[smem:$0x3FB8] =	sst s0;
	s0 =	simm.s32 @!p1 $0x0  }
0x14: {  	s2 =	sld [smem:$0x3F9C];
	s0 =	simm.s32 @p1 $0x1  }
0x15: {  	[smem:$0x3FB9] =	sst s0;
	s0 =	simm.s32 @!p2 $0x0  }
0x16: {  	s3 =	sld [smem:$0x3FDB];
	s0 =	simm.s32 @p2 $0x1  }
0x17: {  	s4 =	simm.s32 $0x1BF5;
	[smem:$0x3FBB] =	sst s0  }
0x18: {  	s0 =	sld [smem:$0x3F9E];
	_ =	swait.ge [sflag:s4], $0x0  }
0x19: {  	s7 =	sld [smem:$0x3F9F]  }
0x1a: {  	s8 =	sadd.s32 $0xFFFFE003, lr  }
0x1b: {  	s9 =	sadd.s32 $0xFFFFFEF7, lr;
	s5 =	simm.s32 $0xFFFFFFFF;
	p2 =	slt.u32 s8, $0xFFFFF086  }
0x1c: {  	p1 =	slt.u32 s9, $0xF7A;
	s5 =	simm.s32 @!p2 $0x0  }
0x1d: {  	s5 =	simm.s32 @p1 $0x1;
	p0 =	seq.s32 s7, s2  }
0x1e: {  	s7 =	smul.u32 @!p0 $0xF7A, s2;
	p2 =	seq.s32 @!p0 s5, $0x0  }
0x1f: {  	s9 =	smul.u32 $0xF7A, s1;
	s8 =	simm.s32 @!p0 $0x1BF5;
	p2 =	por !p2, p0  }
0x20: {  	[sflag:s8] =	ssyncset.s32 @!p0 $0xFFFFF086;
	s6 =	sadd.s32 @!p0 s3, s7;
	s7 =	simm.s32 @!p0 $0x108  }
0x21: {  	s3 =	sadd.s32 s3, s9;
	s6 =	sadd.s32 @!p0 $0x88, s6;
	s7 =	simm.s32 @p2 $0x1082  }
0x22: {  	[simem:s7], [sflag:s8] =	dma.local @!p0 [hbm:s6], $0xF7A  }
0x23: {  	s9 =	sor.u32 $0xD0000000, s2;
	s6 =	simm.s32 $0x108;
	_ =	swait.ge @!p0 [sflag:s8], $0x0  }
0x24: {  	s3 =	sadd.s32 $0x88, s3;
	s6 =	simm.s32 @!p1 $0x1082;
	[sflag:s4] =	ssyncset.s32 $0xFFFFF086  }
0x25: {  	[simem:s6], [sflag:s4] =	dma.local [hbm:s3], $0xF7A  }
0x26: {  	[smem:$0x3F9F] =	sst s1;
	(tag) =	ssettag s2;
	_ =	strace s9  }
0x27: {  	s1 =	sld [smem:$0x3FAF]  }
0x28: {  	s2 =	sld [smem:$0x3FB0]  }
0x29: {  	s4 =	sld [smem:$0x3FB2]  }
0x2a: {  	p0 =	seq.s32 s5, $0x0;
	s5 =	sld [smem:$0x3FB3]  }
0x2b: {  	s6 =	sld [smem:$0x3FB4]  }
0x2c: {  	s7 =	sld [smem:$0x3FB5]  }
0x2d: {  	s3 =	simm.s32 $0x108;
	s8 =	sld [smem:$0x3FB6]  }
0x2e: {  	s3 =	simm.s32 @!p0 $0x1082;
	s9 =	sld [smem:$0x3FB7]  }
0x2f: {  	lr =	sadd.s32 s0, s3;
	s0 =	sld [smem:$0x3FAE]  }
0x30: {  	s3 =	sld [smem:$0x3FB1]  }
0x31: {  	[smem:$0x3FBA] =	sst s10  }
0x32: {  	s10 =	sld [smem:$0x3FB8];
	_ =	sdelay $0x3  }
0x33: {  	p0 =	seq.s32 s10, $0x1;
	s10 =	sld [smem:$0x3FBA];
	_ =	sdelay $0x3  }
0x34: {  	[smem:$0x3FBA] =	sst s10  }
0x35: {  	s10 =	sld [smem:$0x3FB9];
	_ =	sdelay $0x3  }
0x36: {  	p1 =	seq.s32 s10, $0x1;
	s10 =	sld [smem:$0x3FBA];
	_ =	sdelay $0x3  }
0x37: {  	[smem:$0x3FBA] =	sst s10  }
0x38: {  	s10 =	sld [smem:$0x3FBB]  }
0x39: {  	_ = 	snop;
	(pc) =	sbr.ind lr, $3  }
0x3a: {  	_ = 	snop  }
0x3b: {  	_ = 	snop  }
0x3c: {  	p2 =	seq.s32 s10, $0x1;
	s10 =	sld [smem:$0x3FBA]  }
0x3d: {  	_ =	shalt  }
0x3e: {  	_ =	shalt  }
0x3f: {  	_ =	shalt  }
0x40: {  	_ =	shalt  }
0x41: {  	_ =	shalt  }
0x42: {  	_ =	shalt  }
0x43: {  	_ =	shalt  }
0x44: {  	_ =	shalt  }
0x45: {  	_ =	shalt  }
0x46: {  	_ =	shalt  }
0x47: {  	_ =	shalt  }
0x48: {  	_ =	shalt  }
0x49: {  	_ =	shalt  }
0x4a: {  	_ =	shalt  }
0x4b: {  	_ =	shalt  }
0x4c: {  	_ =	shalt  }
0x4d: {  	_ =	shalt  }
0x4e: {  	_ =	shalt  }
0x4f: {  	_ =	shalt  }
0x50: {  	_ =	shalt  }
0x51: {  	_ =	shalt  }
0x52: {  	_ =	shalt  }
0x53: {  	_ =	shalt  }
0x54: {  	_ =	shalt  }
0x55: {  	_ =	shalt  }
0x56: {  	_ =	shalt  }
0x57: {  	_ =	shalt  }
0x58: {  	_ =	shalt  }
0x59: {  	_ =	shalt  }
0x5a: {  	_ =	shalt  }
0x5b: {  	_ =	shalt  }
0x5c: {  	_ =	shalt  }
0x5d: {  	_ =	shalt  }
0x5e: {  	_ =	shalt  }
0x5f: {  	_ =	shalt  }
0x60: {  	_ =	shalt  }
0x61: {  	_ =	shalt  }
0x62: {  	_ =	shalt  }
0x63: {  	_ =	shalt  }
0x64: {  	_ =	shalt  }
0x65: {  	_ =	shalt  }
0x66: {  	_ =	shalt  }
0x67: {  	_ =	shalt  }
0x68: {  	_ =	shalt  }
0x69: {  	_ =	shalt  }
0x6a: {  	_ =	shalt  }
0x6b: {  	_ =	shalt  }
0x6c: {  	_ =	shalt  }
0x6d: {  	_ =	shalt  }
0x6e: {  	_ =	shalt  }
0x6f: {  	_ =	shalt  }
0x70: {  	_ =	shalt  }
0x71: {  	_ =	shalt  }
0x72: {  	_ =	shalt  }
0x73: {  	_ =	shalt  }
0x74: {  	_ =	shalt  }
0x75: {  	_ =	shalt  }
0x76: {  	_ =	shalt  }
0x77: {  	_ =	shalt  }
0x78: {  	_ =	shalt  }
0x79: {  	_ =	shalt  }
0x7a: {  	_ =	shalt  }
0x7b: {  	_ =	shalt  }
0x7c: {  	_ =	shalt  }
0x7d: {  	_ =	shalt  }
0x7e: {  	_ =	shalt  }
0x7f: {  	_ =	shalt  }
0x80: {  	_ =	shalt  }
0x81: {  	_ =	shalt  }
0x82: {  	_ =	shalt  }
0x83: {  	_ =	shalt  }
0x84: {  	_ =	shalt  }
0x85: {  	_ =	shalt  }
0x86: {  	_ =	shalt  }
0x87: {  	_ =	shalt  }
.Lfunc_end0:
.L_simem_size_0:
called_computation_lowered:
.L_overlay_start_0:
0x88: {  	s2 =	sld [smem:$0x3FD9]  }
0x89: {  	s3 =	sld [smem:$0x3FFE];
	_ =	sdelay $0x1  }
0x8a: {  	s1 =	srdreg.scid  }
0x8b: {  	s0 =	sand.u32 $0x1, s1  }
0x8c: {  	s17 =	sshll.u32 s0, $0xA;
	s2 =	sadd.s32 s3, s2  }
0x8d: {  	s2 =	sadd.s32 s2, s17  }
0x8e: {  	[smem:$0x3FC6] =	sst s2  }
0x8f: {  	_ = 	snop  }
0x90: {  	s2 =	sld [smem:$0x3FD0];
	(tm) =	ssettm $0x1  }
0x91: {  	s18 =	sld [smem:$0x3FFB];
	_ =	sdelay $0x3  }
0x92: {  	_ =	strace s18  }
0x93: {  	s3 =	sld [smem:$0x3FFC];
	_ =	sdelay $0x3  }
0x94: {  	_ =	strace s3  }
0x95: {  	s3 =	sld [smem:$0x3FFD];
	_ =	sdelay $0x3  }
0x96: {  	_ =	strace s3  }
0x97: {  	_ =	strace $0x8FFFFFFF  }
0x98: {  	s19 =	sld [smem:$0x3FDB];
	_ =	sdelay $0x1  }
0x99: {  	s4 =	simm.s32 $_scs_section_size  }
0x9a: {  	s5 =	simm.s32 $_size__tile_overlayer_lowered;
	s6 =	simm.s32 $_tile_overlayer_lowered  }
0x9b: {  	s22 =	simm.s32 $0x1BFF;
	s21 =	sshll.u32 s6, $0x1;
	s3 =	sadd.s32 s4, s19  }
0x9c: {  	s7 =	simm.s32 $0x0;
	s20 =	sshll.u32 s5, $0x1;
	s5 =	sadd.s32 s21, s3  }
0x9d: {  	[timem:s7], [sflag:s22] =	dma.local [hbm:s5], s20  }
0x9e: {  	_ =	swait.ge [sflag:s22], s20  }
0x9f: {  	s4 =	ssub.s32 $0x0, s20;
	[sflag:s22] =	ssyncset.done $0x0  }
0xa0: {  	[sflag:s22] =	ssyncadd.s32 s4;
	_ =	sdelay $0x1  }
0xa1: {  	s23 =	simm.s32 $0x1B8B  }
0xa2: {  	_ =	swait.ge [sflag:s23], $0x1  }
0xa3: {  	[sflag:s23] =	ssyncset.done $0x0  }
0xa4: {  	s25 =	simm.s32 $0x1B8E;
	s24 =	sld [smem:$0x3FFE];
	[sflag:s23] =	ssyncadd.s32 $0xFFFFFFFF  }
0xa5: {  	s26 =	simm.s32 $execute0_lowered;
	[smem:$0x3FD2] =	sst s25  }
0xa6: {  	s5 =	sshll.u32 s26, $0x1;
	_ =	strace $0x80000046;
	[dreg:$0x1] =	wrdreg $0xFFFFFFFF  }
0xa7: {  	s28 =	simm.s32 $_size_execute0_lowered;
	s3 =	sadd.s32 s3, s5;
	[dreg:$0x0] =	wrdreg $0x0  }
0xa8: {  	s5 =	sshll.u32 s28, $0x1;
	[dreg:$0x2] =	wrdreg s3  }
0xa9: {  	[dreg:$0x3] =	wrdreg s5  }
0xaa: {  	[dreg:$0x4] =	wrdreg $0xC0  }
0xab: {  	_ =	task [dreg:s7], $0x5FFFF  }
0xac: {  	[dreg:$0x1] =	wrdreg $0xFFFFFFFF  }
0xad: {  	[dreg:$0x0] =	wrdreg $0x60  }
0xae: {  	[dreg:$0x2] =	wrdreg s24  }
0xaf: {  	[dreg:$0x3] =	wrdreg s2  }
0xb0: {  	[dreg:$0x4] =	wrdreg $0x9  }
0xb1: {  	_ =	task.clear_ibuf [dreg:s7], $0x5FFFF;
	_ =	strace $0x90000046  }
0xb2: {  	s29 =	simm.s32 $0x9;
	_ =	strace $0x80000048  }
0xb3: {  	_ =	swait.ge [sflag:s29], $0x1  }
0xb4: {  	[sflag:s29] =	ssyncadd.s32 $0xFFFFFFFF  }
0xb5: {  	_ =	strace $0x90000048  }
0xb6: {  	_ =	sfence  }
0xb7: {  	s30 =	sld [smem:$0x0];
	_ =	sdelay $0x2  }
0xb8: {  	s31 =	sshll.u32 s1, $0xD;
	s1 =	sshrl.u32 s1, $0x2  }
0xb9: {  	s3 =	sand.u32 $0x4000, s31;
	s1 =	sadd.s32 s1, s30  }
0xba: {  	s0 =	sor.u32 s3, s0;
	s1 =	sshll.u32 s1, $0x11  }
0xbb: {  	s0 =	sor.u32 s1, s0  }
0xbc: {  	s0 =	sadd.s32 $0x8F2B, s0  }
0xbd: {  	[sflag:s0] =	ssyncadd.remote.s32 $0x1  }
0xbe: {  	_ =	sfence.sel $0xFFFF  }
0xbf: {  	[dreg:$0x0] =	wrdreg $0xFFFFFFFF;
	(pc) =	sbr.abs _section_cstart, $3  }
0xc0: {  	[dreg:$0x1] =	wrdreg $0xFFFFFFFF  }
0xc1: {  	_ =	task.clear_ibuf [dreg:s7], $0x2FFFF;
	_ =	strace $0x9FFFFFFF  }
0xc2: {  	(tm) =	ssettm $0x7FFFFFFF  }
0xc3: {  	_ =	shalt  }
tec
execute0_lowered:
.L_overlay_start_1:
0x0: {  	(tag) =	ssettag $0x1  }
0x1: {  	s0 =	rddreg [dreg:$0x0]  }
0x2: {  	s1 =	rddreg [dreg:$0x1];
	s2 =	simm.s32 $0x0;
	s3 =	srdreg.scid  }
0x3: {  	s10 =	stileid.u32;
	s28 =	simm.s32 $0xC400;
	s29 =	simm.s32 $0x1  }
0x4: {  	s30 =	simm.s32 $0x2;
	[smem:$0x7FF] =	sst s2;
	s7 =	sand.u32 $0x1, s3  }
0x5: {  	s4 =	sshll.u32 s10, $0x1;
	s3 =	sadd.s32 $0x600, s0;
	s5 =	ssub.s32 $0x2, s7  }
0x6: {  	_ =	strace $0x80000047;
	s8 =	sor.u32 s7, s4;
	s6 =	sshrl.u32 s5, $0x1  }
0x7: {  	s15 =	sshll.u32 s8, $0xC;
	s9 =	sshll.u32 s8, $0x13;
	s13 =	smul.u32 $0x3E8, s8  }
0x8: {  	s14 =	ssub.s32 s5, s6;
	s5 =	sshll.u32 s8, $0x8;
	s6 =	sadd.s32 s3, s15  }
0x9: {  	s8 =	sadd.s32 s1, s9;
	s16 =	sadd.s32 $0x40, s6;
	[dreg:$0x6] =	wrdreg s6  }
0xa: {  	s31 =	simm.s32 $0x3;
	s9 =	sadd.s32 $0x800, s8;
	[dreg:$0x7] =	wrdreg s16  }
0xb: {  	s11 =	simm.s32 $0x7;
	s17 =	sadd.s32 $0x1000, s8;
	[dreg:$0x8] =	wrdreg s9  }
0xc: {  	s12 =	simm.s32 $0x300;
	s18 =	sadd.s32 $0x1800, s8;
	[dreg:$0x9] =	wrdreg s17  }
0xd: {  	s20 =	sshll.u32 s10, $0x14;
	s19 =	sadd.s32 $0x80, s6;
	[dreg:$0xa] =	wrdreg s18  }
0xe: {  	s10 =	simm.s32 $0x280;
	s21 =	sadd.s32 $0x2000, s8;
	[dreg:$0xb] =	wrdreg s19  }
0xf: {  	s4 =	sadd.s32 $0x20600, s0;
	s22 =	sadd.s32 $0x2800, s8;
	[dreg:$0xc] =	wrdreg s21  }
0x10: {  	s7 =	sshll.u32 s7, $0x13;
	s23 =	sadd.s32 $0x3000, s8;
	[dreg:$0xd] =	wrdreg s22  }
0x11: {  	s7 =	sor.u32 s7, s20;
	s25 =	sadd.s32 $0x3800, s8;
	[dreg:$0xe] =	wrdreg s23  }
0x12: {  	s20 =	simm.s32 $0x9;
	s24 =	sor.u32 $0xC, s5;
	[dreg:$0xf] =	wrdreg s25  }
0x13: {  	s1 =	sadd.s32 s7, s1;
	s6 =	sadd.s32 $0xC0, s6;
	[dreg:$0x3] =	wrdreg s24  }
0x14: {  	s7 =	simm.s32 $0x5;
	s26 =	sadd.s32 $0x4000, s1;
	[dreg:$0x10] =	wrdreg s6  }
0x15: {  	s15 =	simm.s32 $0x0;
	s0 =	smax.u32 s14, $0x1;
	[dreg:$0x4] =	wrdreg s26  }
0x16: {  	s1 =	sadd.s32 $0x6000, s1;
	v0 =	vmov s13;
	s13 =	simm.s32 $0x380;
	[dreg:$0x11] =	wrdreg s0  }
0x17: {  	s14 =	simm.s32 $0x8;
	[dreg:$0x5] =	wrdreg s1;
	s19 =	simm.s32 $0x200  }
0x18: {  	s21 =	simm.s32 $0x80;
	s22 =	simm.s32 $0x400;
	s23 =	simm.s32 $0x4400  }
0x19: {  	s24 =	simm.s32 $0x100;
	s25 =	simm.s32 $0x8400;
	s26 =	simm.s32 $0x180  }
0x1a: {  	s0 =	simm.s32 $0x4;
	s1 =	simm.s32 $0xA;
	s9 =	simm.s32 $0x6  }
.LBB2_1:
0x1b: {  	s6 =	rddreg [dreg:$0x6]  }
0x1c: {  	[tilespmem:s2], [sflag:$0x9] =	stream.linear.gather [hbm4b:s6+s2], $0x200, $0x38;
	[tilespmem:$0x10400] =	vst v63  }
0x1d: {  	s18 =	rddreg [dreg:$0x7]  }
0x1e: {  	[tilespmem:s19], [sflag:$0xA] =	stream.linear.gather [hbm4b:s18+s2], $0x200, $0x38;
	[tilespmem:$0x10400] =	vst v63  }
0x1f: {  	_ =	swait.ge [sflag:s20], $0x200  }
0x20: {  	[sflag:s20] =	ssyncset.done $0x0  }
0x21: {  	[sflag:s20] =	ssyncadd.s32 $0xFFFFFE00  }
0x22: {  	v1 =	vld [tilespmem:$0x0]  }
0x23: {  	v2 =	vld [tilespmem:$0x10]  }
0x24: {  	v3 =	vld [tilespmem:$0x20]  }
0x25: {  	v4 =	vld [tilespmem:$0x30]  }
0x26: {  	v5 =	vld [tilespmem:$0x40]  }
0x27: {  	v6 =	vld [tilespmem:$0x50];
	v1 =	vadd.s32 v0, v1  }
0x28: {  	[tilespmem:$0x0] =	vst v1;
	v1 =	vadd.s32 v0, v2;
	v2 =	vld [tilespmem:$0x60]  }
0x29: {  	[tilespmem:$0x10] =	vst v1;
	v1 =	vadd.s32 v0, v3;
	v3 =	vld [tilespmem:$0x70]  }
0x2a: {  	v31 =	vld [tilespmem:$0x80];
	[tilespmem:$0x20] =	vst v1;
	v1 =	vadd.s32 v0, v4  }
0x2b: {  	v32 =	vld [tilespmem:$0x90];
	[tilespmem:$0x30] =	vst v1;
	v1 =	vadd.s32 v0, v5  }
0x2c: {  	v33 =	vld [tilespmem:$0xA0];
	[tilespmem:$0x40] =	vst v1;
	v1 =	vadd.s32 v0, v6  }
0x2d: {  	[tilespmem:$0x50] =	vst v1;
	v1 =	vadd.s32 v0, v2;
	v2 =	vld [tilespmem:$0xB0]  }
0x2e: {  	[tilespmem:$0x60] =	vst v1;
	v1 =	vadd.s32 v0, v3;
	v3 =	vld [tilespmem:$0xC0]  }
0x2f: {  	v34 =	vld [tilespmem:$0xD0];
	[tilespmem:$0x70] =	vst v1;
	v1 =	vadd.s32 v0, v31  }
0x30: {  	v35 =	vld [tilespmem:$0xE0];
	[tilespmem:$0x80] =	vst v1;
	v1 =	vadd.s32 v0, v32  }
0x31: {  	v36 =	vld [tilespmem:$0xF0];
	[tilespmem:$0x90] =	vst v1;
	v1 =	vadd.s32 v0, v33  }
0x32: {  	[tilespmem:$0xA0] =	vst v1;
	v1 =	vadd.s32 v0, v2;
	v2 =	vld [tilespmem:$0x100]  }
0x33: {  	[tilespmem:$0xB0] =	vst v1;
	v1 =	vadd.s32 v0, v3;
	v3 =	vld [tilespmem:$0x110]  }
0x34: {  	v37 =	vld [tilespmem:$0x120];
	[tilespmem:$0xC0] =	vst v1;
	v1 =	vadd.s32 v0, v34  }
0x35: {  	v38 =	vld [tilespmem:$0x130];
	[tilespmem:$0xD0] =	vst v1;
	v1 =	vadd.s32 v0, v35  }
0x36: {  	v39 =	vld [tilespmem:$0x140];
	[tilespmem:$0xE0] =	vst v1;
	v1 =	vadd.s32 v0, v36  }
0x37: {  	[tilespmem:$0xF0] =	vst v1;
	v1 =	vadd.s32 v0, v2;
	v2 =	vld [tilespmem:$0x150]  }
0x38: {  	[tilespmem:$0x100] =	vst v1;
	v1 =	vadd.s32 v0, v3;
	v3 =	vld [tilespmem:$0x160]  }
0x39: {  	v40 =	vld [tilespmem:$0x170];
	[tilespmem:$0x110] =	vst v1;
	v1 =	vadd.s32 v0, v37  }
0x3a: {  	v41 =	vld [tilespmem:$0x180];
	[tilespmem:$0x120] =	vst v1;
	v1 =	vadd.s32 v0, v38  }
0x3b: {  	v42 =	vld [tilespmem:$0x190];
	[tilespmem:$0x130] =	vst v1;
	v1 =	vadd.s32 v0, v39  }
0x3c: {  	[tilespmem:$0x140] =	vst v1;
	v1 =	vadd.s32 v0, v2;
	v2 =	vld [tilespmem:$0x1A0]  }
0x3d: {  	[tilespmem:$0x150] =	vst v1;
	v1 =	vadd.s32 v0, v3;
	v3 =	vld [tilespmem:$0x1B0]  }
0x3e: {  	v43 =	vld [tilespmem:$0x1C0];
	[tilespmem:$0x160] =	vst v1;
	v1 =	vadd.s32 v0, v40  }
0x3f: {  	v44 =	vld [tilespmem:$0x1D0];
	[tilespmem:$0x170] =	vst v1;
	v1 =	vadd.s32 v0, v41  }
0x40: {  	v45 =	vld [tilespmem:$0x1E0];
	[tilespmem:$0x180] =	vst v1;
	v1 =	vadd.s32 v0, v42  }
0x41: {  	[tilespmem:$0x190] =	vst v1;
	v1 =	vadd.s32 v0, v2;
	v2 =	vld [tilespmem:$0x1F0]  }
0x42: {  	[tilespmem:$0x1A0] =	vst v1;
	v1 =	vadd.s32 v0, v3  }
0x43: {  	[tilespmem:$0x1B0] =	vst v1;
	v1 =	vadd.s32 v0, v43  }
0x44: {  	[tilespmem:$0x1C0] =	vst v1;
	v1 =	vadd.s32 v0, v44  }
0x45: {  	[tilespmem:$0x1D0] =	vst v1;
	v1 =	vadd.s32 v0, v45  }
0x46: {  	[tilespmem:$0x1E0] =	vst v1;
	v1 =	vadd.s32 v0, v2  }
0x47: {  	[tilespmem:$0x1F0] =	vst v1  }
0x48: {  	[tilespmem:s22], [sflag:$0x1] =	stream.indirect.gather [hbm4b:s4+s21], $0x80, s2, s21, $0xb8;
	[tilespmem:$0x10400] =	vst v63  }
0x49: {  	_ = 	snop  }
0x4a: {  	[tilespmem:s23], [sflag:$0x2] =	stream.indirect.gather [hbm4b:s4+s21], $0x80, s21, s21, $0xb8;
	[tilespmem:$0x10400] =	vst v63  }
0x4b: {  	_ = 	snop  }
0x4c: {  	[tilespmem:s25], [sflag:$0x3] =	stream.indirect.gather [hbm4b:s4+s21], $0x80, s24, s21, $0xb8;
	[tilespmem:$0x10400] =	vst v63  }
0x4d: {  	_ = 	snop  }
0x4e: {  	[tilespmem:s28], [sflag:$0x4] =	stream.indirect.gather [hbm4b:s4+s21], $0x80, s26, s21, $0xb8;
	[tilespmem:$0x10400] =	vst v63  }
0x4f: {  	_ =	swait.ge [sflag:s29], $0x4000  }
0x50: {  	[sflag:s29] =	ssyncset.done $0x0  }
0x51: {  	[sflag:s29] =	ssyncadd.s32 $0xFFFFC000  }
0x52: {  	[hbm4b:s8+s2] =	stream.linear.scatter [tilespmem:s22], [sflag:$0x5], $0x4000, $0x38;
	[tilespmem:$0x10400] =	vst v63  }
0x53: {  	_ =	swait.ge [sflag:s30], $0x4000  }
0x54: {  	[sflag:s30] =	ssyncset.done $0x0  }
0x55: {  	s16 =	rddreg [dreg:$0x8];
	[sflag:s30] =	ssyncadd.s32 $0xFFFFC000  }
0x56: {  	[hbm4b:s16+s2] =	stream.linear.scatter [tilespmem:s23], [sflag:$0x6], $0x4000, $0x38;
	[tilespmem:$0x10400] =	vst v63  }
0x57: {  	_ =	swait.ge [sflag:s31], $0x4000  }
0x58: {  	[sflag:s31] =	ssyncset.done $0x0  }
0x59: {  	s17 =	rddreg [dreg:$0x9];
	[sflag:s31] =	ssyncadd.s32 $0xFFFFC000  }
0x5a: {  	[hbm4b:s17+s2] =	stream.linear.scatter [tilespmem:s25], [sflag:$0x7], $0x4000, $0x38;
	[tilespmem:$0x10400] =	vst v63  }
0x5b: {  	_ =	swait.ge [sflag:s0], $0x4000  }
0x5c: {  	[sflag:s0] =	ssyncset.done $0x0  }
0x5d: {  	s18 =	rddreg [dreg:$0xa];
	[sflag:s0] =	ssyncadd.s32 $0xFFFFC000  }
0x5e: {  	[hbm4b:s18+s2] =	stream.linear.scatter [tilespmem:s28], [sflag:$0x8], $0x4000, $0x38;
	[tilespmem:$0x10400] =	vst v63  }
0x5f: {  	s16 =	rddreg [dreg:$0xb]  }
0x60: {  	[tilespmem:s2], [sflag:$0x9] =	stream.linear.gather [hbm4b:s16+s2], $0x200, $0x38;
	[tilespmem:$0x10400] =	vst v63  }
0x61: {  	_ =	swait.ge [sflag:s1], $0x200  }
0x62: {  	[sflag:s1] =	ssyncset.done $0x0  }
0x63: {  	[sflag:s1] =	ssyncadd.s32 $0xFFFFFE00  }
0x64: {  	v1 =	vld [tilespmem:$0x200]  }
0x65: {  	v2 =	vld [tilespmem:$0x210]  }
0x66: {  	v3 =	vld [tilespmem:$0x220]  }
0x67: {  	v46 =	vld [tilespmem:$0x230]  }
0x68: {  	v47 =	vld [tilespmem:$0x240]  }
0x69: {  	v48 =	vld [tilespmem:$0x250];
	v1 =	vadd.s32 v0, v1  }
0x6a: {  	[tilespmem:$0x200] =	vst v1;
	v1 =	vadd.s32 v0, v2;
	v2 =	vld [tilespmem:$0x260]  }
0x6b: {  	[tilespmem:$0x210] =	vst v1;
	v1 =	vadd.s32 v0, v3;
	v3 =	vld [tilespmem:$0x270]  }
0x6c: {  	v49 =	vld [tilespmem:$0x280];
	[tilespmem:$0x220] =	vst v1;
	v1 =	vadd.s32 v0, v46  }
0x6d: {  	v50 =	vld [tilespmem:$0x290];
	[tilespmem:$0x230] =	vst v1;
	v1 =	vadd.s32 v0, v47  }
0x6e: {  	v51 =	vld [tilespmem:$0x2A0];
	[tilespmem:$0x240] =	vst v1;
	v1 =	vadd.s32 v0, v48  }
0x6f: {  	[tilespmem:$0x250] =	vst v1;
	v1 =	vadd.s32 v0, v2;
	v2 =	vld [tilespmem:$0x2B0]  }
0x70: {  	[tilespmem:$0x260] =	vst v1;
	v1 =	vadd.s32 v0, v3;
	v3 =	vld [tilespmem:$0x2C0]  }
0x71: {  	v52 =	vld [tilespmem:$0x2D0];
	[tilespmem:$0x270] =	vst v1;
	v1 =	vadd.s32 v0, v49  }
0x72: {  	v53 =	vld [tilespmem:$0x2E0];
	[tilespmem:$0x280] =	vst v1;
	v1 =	vadd.s32 v0, v50  }
0x73: {  	v54 =	vld [tilespmem:$0x2F0];
	[tilespmem:$0x290] =	vst v1;
	v1 =	vadd.s32 v0, v51  }
0x74: {  	[tilespmem:$0x2A0] =	vst v1;
	v1 =	vadd.s32 v0, v2;
	v2 =	vld [tilespmem:$0x300]  }
0x75: {  	[tilespmem:$0x2B0] =	vst v1;
	v1 =	vadd.s32 v0, v3;
	v3 =	vld [tilespmem:$0x310]  }
0x76: {  	v55 =	vld [tilespmem:$0x320];
	[tilespmem:$0x2C0] =	vst v1;
	v1 =	vadd.s32 v0, v52  }
0x77: {  	v56 =	vld [tilespmem:$0x330];
	[tilespmem:$0x2D0] =	vst v1;
	v1 =	vadd.s32 v0, v53  }
0x78: {  	v57 =	vld [tilespmem:$0x340];
	[tilespmem:$0x2E0] =	vst v1;
	v1 =	vadd.s32 v0, v54  }
0x79: {  	[tilespmem:$0x2F0] =	vst v1;
	v1 =	vadd.s32 v0, v2;
	v2 =	vld [tilespmem:$0x350]  }
0x7a: {  	[tilespmem:$0x300] =	vst v1;
	v1 =	vadd.s32 v0, v3;
	v3 =	vld [tilespmem:$0x360]  }
0x7b: {  	v58 =	vld [tilespmem:$0x370];
	[tilespmem:$0x310] =	vst v1;
	v1 =	vadd.s32 v0, v55  }
0x7c: {  	v59 =	vld [tilespmem:$0x380];
	[tilespmem:$0x320] =	vst v1;
	v1 =	vadd.s32 v0, v56  }
0x7d: {  	v60 =	vld [tilespmem:$0x390];
	[tilespmem:$0x330] =	vst v1;
	v1 =	vadd.s32 v0, v57  }
0x7e: {  	[tilespmem:$0x340] =	vst v1;
	v1 =	vadd.s32 v0, v2;
	v2 =	vld [tilespmem:$0x3A0]  }
0x7f: {  	[tilespmem:$0x350] =	vst v1;
	v1 =	vadd.s32 v0, v3;
	v3 =	vld [tilespmem:$0x3B0]  }
0x80: {  	v61 =	vld [tilespmem:$0x3C0];
	[tilespmem:$0x360] =	vst v1;
	v1 =	vadd.s32 v0, v58  }
0x81: {  	v62 =	vld [tilespmem:$0x3D0];
	[tilespmem:$0x370] =	vst v1;
	v1 =	vadd.s32 v0, v59  }
0x82: {  	v63 =	vld [tilespmem:$0x3E0];
	[tilespmem:$0x380] =	vst v1;
	v1 =	vadd.s32 v0, v60  }
0x83: {  	[tilespmem:$0x390] =	vst v1;
	v1 =	vadd.s32 v0, v2;
	v2 =	vld [tilespmem:$0x3F0]  }
0x84: {  	[tilespmem:$0x3A0] =	vst v1;
	v1 =	vadd.s32 v0, v3  }
0x85: {  	[tilespmem:$0x3B0] =	vst v1;
	v1 =	vadd.s32 v0, v61  }
0x86: {  	[tilespmem:$0x3C0] =	vst v1;
	v1 =	vadd.s32 v0, v62  }
0x87: {  	[tilespmem:$0x3D0] =	vst v1;
	v1 =	vadd.s32 v0, v63  }
0x88: {  	[tilespmem:$0x3E0] =	vst v1;
	v1 =	vadd.s32 v0, v2  }
0x89: {  	[tilespmem:$0x3F0] =	vst v1  }
0x8a: {  	_ =	swait.ge [sflag:s7], $0x4000  }
0x8b: {  	[sflag:s7] =	ssyncset.done $0x0  }
0x8c: {  	[sflag:s7] =	ssyncadd.s32 $0xFFFFC000  }
0x8d: {  	[tilespmem:s22], [sflag:$0x1] =	stream.indirect.gather [hbm4b:s4+s21], $0x80, s19, s21, $0xb8;
	[tilespmem:$0x10400] =	vst v63  }
0x8e: {  	_ =	swait.ge [sflag:s9], $0x4000  }
0x8f: {  	[sflag:s9] =	ssyncset.done $0x0  }
0x90: {  	[sflag:s9] =	ssyncadd.s32 $0xFFFFC000  }
0x91: {  	[tilespmem:s23], [sflag:$0x2] =	stream.indirect.gather [hbm4b:s4+s21], $0x80, s10, s21, $0xb8;
	[tilespmem:$0x10400] =	vst v63  }
0x92: {  	_ =	swait.ge [sflag:s11], $0x4000  }
0x93: {  	[sflag:s11] =	ssyncset.done $0x0  }
0x94: {  	[sflag:s11] =	ssyncadd.s32 $0xFFFFC000  }
0x95: {  	[tilespmem:s25], [sflag:$0x3] =	stream.indirect.gather [hbm4b:s4+s21], $0x80, s12, s21, $0xb8;
	[tilespmem:$0x10400] =	vst v63  }
0x96: {  	_ =	swait.ge [sflag:s14], $0x4000  }
0x97: {  	[sflag:s14] =	ssyncset.done $0x0  }
0x98: {  	[sflag:s14] =	ssyncadd.s32 $0xFFFFC000  }
0x99: {  	[tilespmem:s28], [sflag:$0x4] =	stream.indirect.gather [hbm4b:s4+s21], $0x80, s13, s21, $0xb8;
	[tilespmem:$0x10400] =	vst v63  }
0x9a: {  	_ =	swait.ge [sflag:s29], $0x4000  }
0x9b: {  	[sflag:s29] =	ssyncset.done $0x0  }
0x9c: {  	s17 =	rddreg [dreg:$0xc];
	[sflag:s29] =	ssyncadd.s32 $0xFFFFC000  }
0x9d: {  	[hbm4b:s17+s2] =	stream.linear.scatter [tilespmem:s22], [sflag:$0x5], $0x4000, $0x38;
	[tilespmem:$0x10400] =	vst v63  }
0x9e: {  	_ =	swait.ge [sflag:s30], $0x4000  }
0x9f: {  	[sflag:s30] =	ssyncset.done $0x0  }
0xa0: {  	s18 =	rddreg [dreg:$0xd];
	[sflag:s30] =	ssyncadd.s32 $0xFFFFC000  }
0xa1: {  	[hbm4b:s18+s2] =	stream.linear.scatter [tilespmem:s23], [sflag:$0x6], $0x4000, $0x38;
	[tilespmem:$0x10400] =	vst v63  }
0xa2: {  	_ =	swait.ge [sflag:s31], $0x4000  }
0xa3: {  	[sflag:s31] =	ssyncset.done $0x0  }
0xa4: {  	s16 =	rddreg [dreg:$0xe];
	[sflag:s31] =	ssyncadd.s32 $0xFFFFC000  }
0xa5: {  	[hbm4b:s16+s2] =	stream.linear.scatter [tilespmem:s25], [sflag:$0x7], $0x4000, $0x38;
	[tilespmem:$0x10400] =	vst v63  }
0xa6: {  	_ =	swait.ge [sflag:s0], $0x4000  }
0xa7: {  	[sflag:s0] =	ssyncset.done $0x0  }
0xa8: {  	s17 =	rddreg [dreg:$0xf];
	[sflag:s0] =	ssyncadd.s32 $0xFFFFC000  }
0xa9: {  	[hbm4b:s17+s2] =	stream.linear.scatter [tilespmem:s28], [sflag:$0x8], $0x4000, $0x38;
	[tilespmem:$0x10400] =	vst v63  }
0xaa: {  	s16 =	simm.s32 $0x8;
	s18 =	rddreg [dreg:$0x10];
	s17 =	simm.s32 $0x0  }
0xab: {  	[tilespmem:s19], [sflag:$0xA] =	stream.linear.gather [hbm4b:s18+s2], $0x200, $0x38;
	[tilespmem:$0x10400] =	vst v63  }
.LBB2_2:
0xac: {  	_ =	swait.ge [sflag:s20], $0x200  }
0xad: {  	[sflag:s20] =	ssyncset.done $0x0  }
0xae: {  	[sflag:s20] =	ssyncadd.s32 $0xFFFFFE00  }
0xaf: {  	v1 =	vld [tilespmem:$0x0]  }
0xb0: {  	v2 =	vld [tilespmem:$0x10]  }
0xb1: {  	v3 =	vld [tilespmem:$0x20]  }
0xb2: {  	v4 =	vld [tilespmem:$0x30]  }
0xb3: {  	v5 =	vld [tilespmem:$0x40]  }
0xb4: {  	v6 =	vld [tilespmem:$0x50];
	v1 =	vadd.s32 v0, v1  }
0xb5: {  	[tilespmem:$0x0] =	vst v1;
	v1 =	vadd.s32 v0, v2;
	v2 =	vld [tilespmem:$0x60]  }
0xb6: {  	[tilespmem:$0x10] =	vst v1;
	v1 =	vadd.s32 v0, v3;
	v3 =	vld [tilespmem:$0x70]  }
0xb7: {  	v31 =	vld [tilespmem:$0x80];
	[tilespmem:$0x20] =	vst v1;
	v1 =	vadd.s32 v0, v4  }
0xb8: {  	v32 =	vld [tilespmem:$0x90];
	[tilespmem:$0x30] =	vst v1;
	v1 =	vadd.s32 v0, v5  }
0xb9: {  	v33 =	vld [tilespmem:$0xA0];
	[tilespmem:$0x40] =	vst v1;
	v1 =	vadd.s32 v0, v6  }
0xba: {  	[tilespmem:$0x50] =	vst v1;
	v1 =	vadd.s32 v0, v2;
	v2 =	vld [tilespmem:$0xB0]  }
0xbb: {  	[tilespmem:$0x60] =	vst v1;
	v1 =	vadd.s32 v0, v3;
	v3 =	vld [tilespmem:$0xC0]  }
0xbc: {  	v34 =	vld [tilespmem:$0xD0];
	[tilespmem:$0x70] =	vst v1;
	v1 =	vadd.s32 v0, v31  }
0xbd: {  	v35 =	vld [tilespmem:$0xE0];
	[tilespmem:$0x80] =	vst v1;
	v1 =	vadd.s32 v0, v32  }
0xbe: {  	v36 =	vld [tilespmem:$0xF0];
	[tilespmem:$0x90] =	vst v1;
	v1 =	vadd.s32 v0, v33  }
0xbf: {  	[tilespmem:$0xA0] =	vst v1;
	v1 =	vadd.s32 v0, v2;
	v2 =	vld [tilespmem:$0x100]  }
0xc0: {  	[tilespmem:$0xB0] =	vst v1;
	v1 =	vadd.s32 v0, v3;
	v3 =	vld [tilespmem:$0x110]  }
0xc1: {  	v37 =	vld [tilespmem:$0x120];
	[tilespmem:$0xC0] =	vst v1;
	v1 =	vadd.s32 v0, v34  }
0xc2: {  	v38 =	vld [tilespmem:$0x130];
	[tilespmem:$0xD0] =	vst v1;
	v1 =	vadd.s32 v0, v35  }
0xc3: {  	v39 =	vld [tilespmem:$0x140];
	[tilespmem:$0xE0] =	vst v1;
	v1 =	vadd.s32 v0, v36  }
0xc4: {  	[tilespmem:$0xF0] =	vst v1;
	v1 =	vadd.s32 v0, v2;
	v2 =	vld [tilespmem:$0x150]  }
0xc5: {  	[tilespmem:$0x100] =	vst v1;
	v1 =	vadd.s32 v0, v3;
	v3 =	vld [tilespmem:$0x160]  }
0xc6: {  	v40 =	vld [tilespmem:$0x170];
	[tilespmem:$0x110] =	vst v1;
	v1 =	vadd.s32 v0, v37  }
0xc7: {  	v41 =	vld [tilespmem:$0x180];
	[tilespmem:$0x120] =	vst v1;
	v1 =	vadd.s32 v0, v38  }
0xc8: {  	v42 =	vld [tilespmem:$0x190];
	[tilespmem:$0x130] =	vst v1;
	v1 =	vadd.s32 v0, v39  }
0xc9: {  	[tilespmem:$0x140] =	vst v1;
	v1 =	vadd.s32 v0, v2;
	v2 =	vld [tilespmem:$0x1A0]  }
0xca: {  	[tilespmem:$0x150] =	vst v1;
	v1 =	vadd.s32 v0, v3;
	v3 =	vld [tilespmem:$0x1B0]  }
0xcb: {  	v43 =	vld [tilespmem:$0x1C0];
	[tilespmem:$0x160] =	vst v1;
	v1 =	vadd.s32 v0, v40  }
0xcc: {  	v44 =	vld [tilespmem:$0x1D0];
	[tilespmem:$0x170] =	vst v1;
	v1 =	vadd.s32 v0, v41  }
0xcd: {  	v45 =	vld [tilespmem:$0x1E0];
	[tilespmem:$0x180] =	vst v1;
	v1 =	vadd.s32 v0, v42  }
0xce: {  	[tilespmem:$0x190] =	vst v1;
	v1 =	vadd.s32 v0, v2;
	v2 =	vld [tilespmem:$0x1F0]  }
0xcf: {  	[tilespmem:$0x1A0] =	vst v1;
	v1 =	vadd.s32 v0, v3  }
0xd0: {  	[tilespmem:$0x1B0] =	vst v1;
	v1 =	vadd.s32 v0, v43  }
0xd1: {  	[tilespmem:$0x1C0] =	vst v1;
	v1 =	vadd.s32 v0, v44  }
0xd2: {  	[tilespmem:$0x1D0] =	vst v1;
	v1 =	vadd.s32 v0, v45  }
0xd3: {  	[tilespmem:$0x1E0] =	vst v1;
	v1 =	vadd.s32 v0, v2  }
0xd4: {  	[tilespmem:$0x1F0] =	vst v1  }
0xd5: {  	_ =	swait.ge [sflag:s7], $0x4000  }
0xd6: {  	[sflag:s7] =	ssyncset.done $0x0  }
0xd7: {  	[sflag:s7] =	ssyncadd.s32 $0xFFFFC000  }
0xd8: {  	[tilespmem:s22], [sflag:$0x1] =	stream.indirect.gather [hbm4b:s4+s21], $0x80, s2, s21, $0xb8;
	[tilespmem:$0x10400] =	vst v63  }
0xd9: {  	_ =	swait.ge [sflag:s9], $0x4000  }
0xda: {  	[sflag:s9] =	ssyncset.done $0x0  }
0xdb: {  	[sflag:s9] =	ssyncadd.s32 $0xFFFFC000  }
0xdc: {  	[tilespmem:s23], [sflag:$0x2] =	stream.indirect.gather [hbm4b:s4+s21], $0x80, s21, s21, $0xb8;
	[tilespmem:$0x10400] =	vst v63  }
0xdd: {  	_ =	swait.ge [sflag:s11], $0x4000  }
0xde: {  	[sflag:s11] =	ssyncset.done $0x0  }
0xdf: {  	[sflag:s11] =	ssyncadd.s32 $0xFFFFC000  }
0xe0: {  	[tilespmem:s25], [sflag:$0x3] =	stream.indirect.gather [hbm4b:s4+s21], $0x80, s24, s21, $0xb8;
	[tilespmem:$0x10400] =	vst v63  }
0xe1: {  	_ =	swait.ge [sflag:s14], $0x4000  }
0xe2: {  	[sflag:s14] =	ssyncset.done $0x0  }
0xe3: {  	[sflag:s14] =	ssyncadd.s32 $0xFFFFC000  }
0xe4: {  	[tilespmem:s28], [sflag:$0x4] =	stream.indirect.gather [hbm4b:s4+s21], $0x80, s26, s21, $0xb8;
	[tilespmem:$0x10400] =	vst v63  }
0xe5: {  	_ =	swait.ge [sflag:s29], $0x4000  }
0xe6: {  	s18 =	rddreg [dreg:$0x4];
	[sflag:s29] =	ssyncset.done $0x0  }
0xe7: {  	[sflag:s29] =	ssyncadd.s32 $0xFFFFC000;
	s18 =	sadd.s32 s17, s18  }
0xe8: {  	[hbm4b:s18+s2] =	stream.linear.scatter [tilespmem:s22], [sflag:$0x5], $0x4000, $0x38;
	[tilespmem:$0x10400] =	vst v63  }
0xe9: {  	_ =	swait.ge [sflag:s30], $0x4000  }
0xea: {  	[sflag:s30] =	ssyncset.done $0x0  }
0xeb: {  	s6 =	sadd.s32 $0x800, s18;
	[sflag:s30] =	ssyncadd.s32 $0xFFFFC000  }
0xec: {  	[hbm4b:s6+s2] =	stream.linear.scatter [tilespmem:s23], [sflag:$0x6], $0x4000, $0x38;
	[tilespmem:$0x10400] =	vst v63  }
0xed: {  	_ =	swait.ge [sflag:s31], $0x4000  }
0xee: {  	[sflag:s31] =	ssyncset.done $0x0  }
0xef: {  	s6 =	sadd.s32 $0x1000, s18;
	[sflag:s31] =	ssyncadd.s32 $0xFFFFC000  }
0xf0: {  	[hbm4b:s6+s2] =	stream.linear.scatter [tilespmem:s25], [sflag:$0x7], $0x4000, $0x38;
	[tilespmem:$0x10400] =	vst v63  }
0xf1: {  	_ =	swait.ge [sflag:s0], $0x4000  }
0xf2: {  	[sflag:s0] =	ssyncset.done $0x0  }
0xf3: {  	s18 =	sadd.s32 $0x1800, s18;
	[sflag:s0] =	ssyncadd.s32 $0xFFFFC000  }
0xf4: {  	[hbm4b:s18+s2] =	stream.linear.scatter [tilespmem:s28], [sflag:$0x8], $0x4000, $0x38;
	[tilespmem:$0x10400] =	vst v63  }
0xf5: {  	s18 =	smin.u32 s16, $0xF4  }
0xf6: {  	s6 =	sadd.s32 $0x8, s18  }
0xf7: {  	s18 =	sadd.s32 s5, s6;
	s6 =	sshll.u32 s6, $0x4  }
0xf8: {  	s18 =	sshll.u32 s18, $0x4;
	s6 =	sand.u32 $0x40, s6  }
0xf9: {  	s18 =	sand.u32 $0x3FF80, s18;
	s6 =	sadd.s32 s3, s6  }
0xfa: {  	s6 =	sadd.s32 s18, s6  }
0xfb: {  	[tilespmem:s2], [sflag:$0x9] =	stream.linear.gather [hbm4b:s6+s2], $0x200, $0x38;
	[tilespmem:$0x10400] =	vst v63  }
0xfc: {  	_ =	swait.ge [sflag:s1], $0x200  }
0xfd: {  	[sflag:s1] =	ssyncset.done $0x0  }
0xfe: {  	[sflag:s1] =	ssyncadd.s32 $0xFFFFFE00  }
0xff: {  	v1 =	vld [tilespmem:$0x200]  }
0x100: {  	v2 =	vld [tilespmem:$0x210]  }
0x101: {  	v3 =	vld [tilespmem:$0x220]  }
0x102: {  	v46 =	vld [tilespmem:$0x230]  }
0x103: {  	v47 =	vld [tilespmem:$0x240]  }
0x104: {  	v48 =	vld [tilespmem:$0x250];
	v1 =	vadd.s32 v0, v1  }
0x105: {  	[tilespmem:$0x200] =	vst v1;
	v1 =	vadd.s32 v0, v2;
	v2 =	vld [tilespmem:$0x260]  }
0x106: {  	[tilespmem:$0x210] =	vst v1;
	v1 =	vadd.s32 v0, v3;
	v3 =	vld [tilespmem:$0x270]  }
0x107: {  	v49 =	vld [tilespmem:$0x280];
	[tilespmem:$0x220] =	vst v1;
	v1 =	vadd.s32 v0, v46  }
0x108: {  	v50 =	vld [tilespmem:$0x290];
	[tilespmem:$0x230] =	vst v1;
	v1 =	vadd.s32 v0, v47  }
0x109: {  	v51 =	vld [tilespmem:$0x2A0];
	[tilespmem:$0x240] =	vst v1;
	v1 =	vadd.s32 v0, v48  }
0x10a: {  	[tilespmem:$0x250] =	vst v1;
	v1 =	vadd.s32 v0, v2;
	v2 =	vld [tilespmem:$0x2B0]  }
0x10b: {  	[tilespmem:$0x260] =	vst v1;
	v1 =	vadd.s32 v0, v3;
	v3 =	vld [tilespmem:$0x2C0]  }
0x10c: {  	v52 =	vld [tilespmem:$0x2D0];
	[tilespmem:$0x270] =	vst v1;
	v1 =	vadd.s32 v0, v49  }
0x10d: {  	v53 =	vld [tilespmem:$0x2E0];
	[tilespmem:$0x280] =	vst v1;
	v1 =	vadd.s32 v0, v50  }
0x10e: {  	v54 =	vld [tilespmem:$0x2F0];
	[tilespmem:$0x290] =	vst v1;
	v1 =	vadd.s32 v0, v51  }
0x10f: {  	[tilespmem:$0x2A0] =	vst v1;
	v1 =	vadd.s32 v0, v2;
	v2 =	vld [tilespmem:$0x300]  }
0x110: {  	[tilespmem:$0x2B0] =	vst v1;
	v1 =	vadd.s32 v0, v3;
	v3 =	vld [tilespmem:$0x310]  }
0x111: {  	v55 =	vld [tilespmem:$0x320];
	[tilespmem:$0x2C0] =	vst v1;
	v1 =	vadd.s32 v0, v52  }
0x112: {  	v56 =	vld [tilespmem:$0x330];
	[tilespmem:$0x2D0] =	vst v1;
	v1 =	vadd.s32 v0, v53  }
0x113: {  	v57 =	vld [tilespmem:$0x340];
	[tilespmem:$0x2E0] =	vst v1;
	v1 =	vadd.s32 v0, v54  }
0x114: {  	[tilespmem:$0x2F0] =	vst v1;
	v1 =	vadd.s32 v0, v2;
	v2 =	vld [tilespmem:$0x350]  }
0x115: {  	[tilespmem:$0x300] =	vst v1;
	v1 =	vadd.s32 v0, v3;
	v3 =	vld [tilespmem:$0x360]  }
0x116: {  	v58 =	vld [tilespmem:$0x370];
	[tilespmem:$0x310] =	vst v1;
	v1 =	vadd.s32 v0, v55  }
0x117: {  	v59 =	vld [tilespmem:$0x380];
	[tilespmem:$0x320] =	vst v1;
	v1 =	vadd.s32 v0, v56  }
0x118: {  	v60 =	vld [tilespmem:$0x390];
	[tilespmem:$0x330] =	vst v1;
	v1 =	vadd.s32 v0, v57  }
0x119: {  	[tilespmem:$0x340] =	vst v1;
	v1 =	vadd.s32 v0, v2;
	v2 =	vld [tilespmem:$0x3A0]  }
0x11a: {  	[tilespmem:$0x350] =	vst v1;
	v1 =	vadd.s32 v0, v3;
	v3 =	vld [tilespmem:$0x3B0]  }
0x11b: {  	v61 =	vld [tilespmem:$0x3C0];
	[tilespmem:$0x360] =	vst v1;
	v1 =	vadd.s32 v0, v58  }
0x11c: {  	v62 =	vld [tilespmem:$0x3D0];
	[tilespmem:$0x370] =	vst v1;
	v1 =	vadd.s32 v0, v59  }
0x11d: {  	v63 =	vld [tilespmem:$0x3E0];
	[tilespmem:$0x380] =	vst v1;
	v1 =	vadd.s32 v0, v60  }
0x11e: {  	[tilespmem:$0x390] =	vst v1;
	v1 =	vadd.s32 v0, v2;
	v2 =	vld [tilespmem:$0x3F0]  }
0x11f: {  	[tilespmem:$0x3A0] =	vst v1;
	v1 =	vadd.s32 v0, v3  }
0x120: {  	[tilespmem:$0x3B0] =	vst v1;
	v1 =	vadd.s32 v0, v61  }
0x121: {  	[tilespmem:$0x3C0] =	vst v1;
	v1 =	vadd.s32 v0, v62  }
0x122: {  	[tilespmem:$0x3D0] =	vst v1;
	v1 =	vadd.s32 v0, v63  }
0x123: {  	[tilespmem:$0x3E0] =	vst v1;
	v1 =	vadd.s32 v0, v2  }
0x124: {  	[tilespmem:$0x3F0] =	vst v1  }
0x125: {  	_ =	swait.ge [sflag:s7], $0x4000  }
0x126: {  	[sflag:s7] =	ssyncset.done $0x0  }
0x127: {  	[sflag:s7] =	ssyncadd.s32 $0xFFFFC000  }
0x128: {  	[tilespmem:s22], [sflag:$0x1] =	stream.indirect.gather [hbm4b:s4+s21], $0x80, s19, s21, $0xb8;
	[tilespmem:$0x10400] =	vst v63  }
0x129: {  	_ =	swait.ge [sflag:s9], $0x4000  }
0x12a: {  	[sflag:s9] =	ssyncset.done $0x0  }
0x12b: {  	[sflag:s9] =	ssyncadd.s32 $0xFFFFC000  }
0x12c: {  	[tilespmem:s23], [sflag:$0x2] =	stream.indirect.gather [hbm4b:s4+s21], $0x80, s10, s21, $0xb8;
	[tilespmem:$0x10400] =	vst v63  }
0x12d: {  	_ =	swait.ge [sflag:s11], $0x4000  }
0x12e: {  	[sflag:s11] =	ssyncset.done $0x0  }
0x12f: {  	[sflag:s11] =	ssyncadd.s32 $0xFFFFC000  }
0x130: {  	[tilespmem:s25], [sflag:$0x3] =	stream.indirect.gather [hbm4b:s4+s21], $0x80, s12, s21, $0xb8;
	[tilespmem:$0x10400] =	vst v63  }
0x131: {  	_ =	swait.ge [sflag:s14], $0x4000  }
0x132: {  	[sflag:s14] =	ssyncset.done $0x0  }
0x133: {  	[sflag:s14] =	ssyncadd.s32 $0xFFFFC000  }
0x134: {  	[tilespmem:s28], [sflag:$0x4] =	stream.indirect.gather [hbm4b:s4+s21], $0x80, s13, s21, $0xb8;
	[tilespmem:$0x10400] =	vst v63  }
0x135: {  	_ =	swait.ge [sflag:s29], $0x4000  }
0x136: {  	s18 =	rddreg [dreg:$0x5];
	[sflag:s29] =	ssyncset.done $0x0  }
0x137: {  	[sflag:s29] =	ssyncadd.s32 $0xFFFFC000;
	s6 =	sadd.s32 s17, s18  }
0x138: {  	[hbm4b:s6+s2] =	stream.linear.scatter [tilespmem:s22], [sflag:$0x5], $0x4000, $0x38;
	[tilespmem:$0x10400] =	vst v63  }
0x139: {  	_ =	swait.ge [sflag:s30], $0x4000  }
0x13a: {  	[sflag:s30] =	ssyncset.done $0x0  }
0x13b: {  	s18 =	sadd.s32 $0x800, s6;
	[sflag:s30] =	ssyncadd.s32 $0xFFFFC000  }
0x13c: {  	[hbm4b:s18+s2] =	stream.linear.scatter [tilespmem:s23], [sflag:$0x6], $0x4000, $0x38;
	[tilespmem:$0x10400] =	vst v63  }
0x13d: {  	_ =	swait.ge [sflag:s31], $0x4000  }
0x13e: {  	[sflag:s31] =	ssyncset.done $0x0  }
0x13f: {  	s18 =	sadd.s32 $0x1000, s6;
	[sflag:s31] =	ssyncadd.s32 $0xFFFFC000  }
0x140: {  	[hbm4b:s18+s2] =	stream.linear.scatter [tilespmem:s25], [sflag:$0x7], $0x4000, $0x38;
	[tilespmem:$0x10400] =	vst v63  }
0x141: {  	_ =	swait.ge [sflag:s0], $0x4000  }
0x142: {  	[sflag:s0] =	ssyncset.done $0x0  }
0x143: {  	s6 =	sadd.s32 $0x1800, s6;
	[sflag:s0] =	ssyncadd.s32 $0xFFFFC000  }
0x144: {  	[hbm4b:s6+s2] =	stream.linear.scatter [tilespmem:s28], [sflag:$0x8], $0x4000, $0x38;
	[tilespmem:$0x10400] =	vst v63  }
0x145: {  	p0 =	sne.s32 s17, $0x78000;
	s18 =	rddreg [dreg:$0x3];
	s6 =	smin.u32 s16, $0xF0  }
.Ltmp0:
0x146: {  	s6 =	sadd.s32 s6, s18;
	(pc) =	sbr.rel @p0 .LBB2_2-.Ltmp0, $4  }
0x147: {  	s6 =	sshll.u32 s6, $0x4  }
0x148: {  	s6 =	sand.u32 $0x3FFC0, s6  }
0x149: {  	s17 =	sadd.s32 $0x4000, s17;
	s16 =	sadd.s32 $0x8, s16;
	s6 =	sadd.s32 s3, s6  }
0x14a: {  	[tilespmem:s19], [sflag:$0xA] =	stream.linear.gather [hbm4b:s6+s2], $0x200, $0x38;
	[tilespmem:$0x10400] =	vst v63  }
0x14b: {  	_ =	swait.ge [sflag:s7], $0x4000  }
0x14c: {  	[sflag:s7] =	ssyncset.done $0x0  }
0x14d: {  	[sflag:s7] =	ssyncadd.s32 $0xFFFFC000  }
0x14e: {  	_ =	swait.ge [sflag:s9], $0x4000  }
0x14f: {  	[sflag:s9] =	ssyncset.done $0x0  }
0x150: {  	[sflag:s9] =	ssyncadd.s32 $0xFFFFC000  }
0x151: {  	_ =	swait.ge [sflag:s11], $0x4000  }
0x152: {  	[sflag:s11] =	ssyncset.done $0x0  }
0x153: {  	[sflag:s11] =	ssyncadd.s32 $0xFFFFC000  }
0x154: {  	_ =	swait.ge [sflag:s14], $0x4000  }
0x155: {  	[sflag:s14] =	ssyncset.done $0x0  }
0x156: {  	[sflag:s14] =	ssyncadd.s32 $0xFFFFC000  }
0x157: {  	_ =	swait.ge [sflag:s20], $0x200  }
0x158: {  	[sflag:s20] =	ssyncset.done $0x0  }
0x159: {  	[sflag:s20] =	ssyncadd.s32 $0xFFFFFE00  }
0x15a: {  	_ =	swait.ge [sflag:s1], $0x200  }
0x15b: {  	s15 =	sadd.s32 $0x1, s15;
	s6 =	rddreg [dreg:$0x11]  }
0x15c: {  	p0 =	sne.s32 s15, s6  }
.Ltmp1:
0x15d: {  	_ = 	snop;
	(pc) =	sbr.rel @p0 .LBB2_1-.Ltmp1, $3  }
0x15e: {  	_ =	sdelay $0x1  }
0x15f: {  	[sflag:s1] =	ssyncset.done $0x0  }
0x160: {  	[sflag:s1] =	ssyncadd.s32 $0xFFFFFE00  }
0x161: {  	_ =	sfence.sel $0x180000  }
0x162: {  	[bflag:$0x0] =	sbarrier.arrive $0xFFFF  }
0x163: {  	_ =	strace $0x90000047  }
0x164: {  	s0 =	stileid.u32;
	[bflag:$0x2] =	sbarrier.arrive $0xFFFF  }
0x165: {  	p0 =	sne.s32 s0, $0x0;
	s0 =	rddreg [dreg:$0x2]  }
0x166: {  	s0 =	sadd.s32 @!p0 $0x100000, s0  }
0x167: {  	[sflag:s0] =	ssyncadd.tile.s32 @!p0 $0x1;
	_ =	shalt  }
.Lfunc_end2:
_tile_overlayer_lowered:
.L_overlay_start_2:
0x168: {  	(tag) =	ssettag $0x2  }
0x169: {  	s0 =	rddreg [dreg:$0x0];
	s2 =	stileid.u32  }
0x16a: {  	s1 =	rddreg [dreg:$0x1];
	p0 =	sne.s32 s2, $0x0  }
0x16b: {  	s3 =	rddreg [dreg:$0x2];
	[bflag:$0x3] =	sbarrier.arrive $0xFFFF;
	s2 =	simm.s32 @!p0 $0x1C0B  }
0x16c: {  	[timem:s3], [sflag:s2] =	dma.local @!p0 [hbm:s0], s1  }
0x16d: {  	s0 =	simm.s32 @!p0 $0xB  }
0x16e: {  	_ =	swait.ge @!p0 [sflag:s0], s1  }
0x16f: {  	s1 =	ssub.s32 @!p0 $0x0, s1;
	[sflag:s0] =	ssyncset.done @!p0 $0x0  }
0x170: {  	[sflag:s0] =	ssyncadd.s32 @!p0 s1  }
0x171: {  	[bflag:$0x3] =	sbarrier.arrive $0xFFFF  }
0x172: {  	_ =	shalt  }

</sc_bundles>
